<compile_context>
chip_gen: v7x
topology: tpu7x:2x2x1
jax: 0.10.2.dev20260603
libtpu: 0.0.44.dev20260713+nightly
codegen_flags: <defaults>
</compile_context>

<pallas_src>
import functools

import jax
import jax.numpy as jnp
from jax import lax
from jax.experimental import pallas as pl
from jax.experimental.pallas import tpu as pltpu
from jax.experimental.pallas import tpu_sc as plsc

N = 10000
E = 320000
IN_DIM = 128
HID = 64
HEADS = 4

NP = 10240
DUMMY = N
B = 128
EP = 323584
TILE_E1 = EP // 16
NB1 = TILE_E1 // B
TILE_E2 = EP // 32
NB2 = TILE_E2 // B
RPT = NP // 16
BLK = 512
NBLK = NP // BLK
HROW = 5120
ACCR = HROW + 8
RPH = HROW // 16

_mesh = plsc.VectorSubcoreMesh(
    core_axis_name="c", subcore_axis_name="s", num_cores=2, num_subcores=16)


def _phase_a_body(x_ref, wl_ref, wr_ref, att_ref, wsk_ref, bsk_ref,
                  xl_out, xr_out, m_out, xsk_out):
    xb = x_ref[...]
    xl = jnp.dot(xb, wl_ref[...], preferred_element_type=jnp.float32)
    xr = jnp.dot(xb, wr_ref[...], preferred_element_type=jnp.float32)
    z = xl + xr
    e = jnp.maximum(z, 0.2 * z)
    ea = e * att_ref[...].reshape(1, 2 * HID)
    col = lax.broadcasted_iota(jnp.int32, (1, 2 * HID), 1)
    m0 = jnp.sum(jnp.where(col < HID, ea, 0.0), axis=1)
    m1 = jnp.sum(jnp.where(col >= HID, ea, 0.0), axis=1)
    lane = lax.broadcasted_iota(jnp.int32, (1, 16), 1)
    tail = (m0[:, None] * (lane == 0).astype(jnp.float32)
            + m1[:, None] * (lane == 1).astype(jnp.float32))
    xl_out[...] = xl[None]
    xr_out[...] = xr[None]
    m_out[...] = tail[None]
    xsk_out[...] = jnp.dot(xb, wsk_ref[...],
                           preferred_element_type=jnp.float32) + bsk_ref[...]


def _phase_a(x_p, Wl1, Wr1, att1r, Wskip, bskip):
    return pl.pallas_call(
        _phase_a_body,
        grid=(2, NBLK),
        in_specs=[
            pl.BlockSpec((BLK, IN_DIM), lambda s, i: (i, 0)),
            pl.BlockSpec((IN_DIM, 2 * HID), lambda s, i: (0, s)),
            pl.BlockSpec((IN_DIM, 2 * HID), lambda s, i: (0, s)),
            pl.BlockSpec((1, 1, 2 * HID), lambda s, i: (s, 0, 0)),
            pl.BlockSpec((IN_DIM, HID), lambda s, i: (0, 0)),
            pl.BlockSpec((1, HID), lambda s, i: (0, 0)),
        ],
        out_specs=[
            pl.BlockSpec((1, BLK, 2 * HID), lambda s, i: (s, i, 0)),
            pl.BlockSpec((1, BLK, 2 * HID), lambda s, i: (s, i, 0)),
            pl.BlockSpec((1, BLK, 16), lambda s, i: (s, i, 0)),
            pl.BlockSpec((BLK, HID), lambda s, i: (i, 0)),
        ],
        out_shape=[
            jax.ShapeDtypeStruct((2, NP, 2 * HID), jnp.float32),
            jax.ShapeDtypeStruct((2, NP, 2 * HID), jnp.float32),
            jax.ShapeDtypeStruct((2, NP, 16), jnp.float32),
            jax.ShapeDtypeStruct((NP, HID), jnp.float32),
        ],
    )(x_p, Wl1, Wr1, att1r, Wskip, bskip)


def _l1_body(xl_hbm, xr_hbm, att_hbm, srcp_hbm, dstp_hbm, dst_hbm,
             dl0_hbm, dl1_hbm, out_hbm, outden_hbm, srcv, dstva, dstvp,
             dstvl, xlbuf, xrbuf, comb, attv, den, acc, sem1, sem2):
    cid = lax.axis_index("c")
    sid = lax.axis_index("s")
    zv = jnp.zeros((16,), jnp.float32)
    lane = lax.iota(jnp.int32, 16)

    def zero_comb(b, c):
        for k in range(8):
            comb[b, pl.ds(16 * k, 16)] = zv
        return c
    lax.fori_loop(0, B, zero_comb, 0)

    def zero_den(j, c):
        den[pl.ds(16 * j, 16)] = zv
        return c
    lax.fori_loop(0, 2 * NP // 16, zero_den, 0)

    r0 = sid * RPH
    pltpu.sync_copy(att_hbm.at[cid], attv)
    atts = [attv[pl.ds(16 * k, 16)] for k in range(8)]

    ebase = cid * EP + sid * TILE_E1
    pbase = sid * TILE_E1

    for p in range(2):
        for j in range(2):
            pltpu.sync_copy(comb, acc.at[pl.ds(r0 + j * B, B)])
        pltpu.sync_copy(comb.at[pl.ds(0, 64)], acc.at[pl.ds(r0 + 2 * B, 64)])
        plsc.subcore_barrier()

        dl_hbm = dl0_hbm if p == 0 else dl1_hbm

        def batch_body(g, c):
            off = ebase + g * B
            poff = pbase + g * B
            pltpu.sync_copy(srcp_hbm.at[pl.ds(off, B)], srcv)
            pltpu.sync_copy(dstp_hbm.at[pl.ds(off, B)], dstva)
            pltpu.sync_copy(dst_hbm.at[pl.ds(poff, B)], dstvp)
            pltpu.sync_copy(dl_hbm.at[pl.ds(poff, B)], dstvl)
            cp1 = pltpu.async_copy(xl_hbm.at[srcv], xlbuf, sem1)
            cp2 = pltpu.async_copy(xr_hbm.at[dstva], xrbuf, sem2)
            cp1.wait()
            cp2.wait()

            def edge(b, cc):
                svs = [xlbuf[b, pl.ds(16 * k, 16)] for k in range(8)]
                rvs = [xrbuf[b, pl.ds(16 * k, 16)] for k in range(8)]
                ts = []
                for k in range(8):
                    zz = svs[k] + rvs[k]
                    ts.append(jnp.maximum(zz, 0.2 * zz) * atts[k])
                u0 = (ts[0] + ts[1]) + (ts[2] + ts[3])
                u1 = (ts[4] + ts[5]) + (ts[6] + ts[7])
                l0 = jnp.sum(u0)
                l1 = jnp.sum(u1)
                w0 = jnp.exp(jnp.full((16,), l0, jnp.float32))
                w1 = jnp.exp(jnp.full((16,), l1, jnp.float32))
                for k in range(4):
                    comb[b, pl.ds(16 * k, 16)] = svs[k] * w0
                for k in range(4, 8):
                    comb[b, pl.ds(16 * k, 16)] = svs[k] * w1
                if p == 0:
                    bbase = (b >> 4) << 4
                    lm = lane == (b & 15)
                    dv = dstvp[pl.ds(bbase, 16)]
                    plsc.addupdate_scatter(den, [dv], w0, mask=lm)
                    plsc.addupdate_scatter(den, [dv + NP], w1, mask=lm)
                return cc
            lax.fori_loop(0, B, edge, 0)
            pltpu.sync_copy(comb, acc.at[dstvl], add=True)
            return c
        lax.fori_loop(0, NB1, batch_body, 0)
        plsc.subcore_barrier()

        outoff = cid * NP + p * HROW + r0
        for j in range(2):
            pltpu.sync_copy(acc.at[pl.ds(r0 + j * B, B)],
                            out_hbm.at[pl.ds(outoff + j * B, B)])
        pltpu.sync_copy(acc.at[pl.ds(r0 + 2 * B, 64)],
                        out_hbm.at[pl.ds(outoff + 2 * B, 64)])
        if p == 0:
            lax.fori_loop(0, B, zero_comb, 0)
    pltpu.sync_copy(den, outden_hbm.at[cid * 16 + sid])


_l1_edges = functools.partial(
    pl.kernel, _l1_body,
    out_type=[
        jax.ShapeDtypeStruct((2 * NP, 2 * HID), jnp.float32),
        jax.ShapeDtypeStruct((32, 2 * NP), jnp.float32),
    ],
    mesh=_mesh,
    compiler_params=pltpu.CompilerParams(needs_layout_passes=False),
    scratch_types=[
        pltpu.VMEM((B,), jnp.int32),
        pltpu.VMEM((B,), jnp.int32),
        pltpu.VMEM((B,), jnp.int32),
        pltpu.VMEM((B,), jnp.int32),
        pltpu.VMEM((B, 2 * HID), jnp.float32),
        pltpu.VMEM((B, 2 * HID), jnp.float32),
        pltpu.VMEM((B, 2 * HID), jnp.float32),
        pltpu.VMEM((2 * HID,), jnp.float32),
        pltpu.VMEM((2 * NP,), jnp.float32),
        pltpu.VMEM_SHARED((ACCR, 2 * HID), jnp.float32),
        pltpu.SemaphoreType.DMA,
        pltpu.SemaphoreType.DMA,
    ])()


def _phase_c1_body(xl_ref, acc_ref, den_ref, m_ref, b1_ref, h_out, sums_out):
    i = pl.program_id(0)
    accv = acc_ref[...]
    denv = den_ref[...]
    mv = m_ref[...]
    colh = lax.broadcasted_iota(jnp.int32, (1, 2 * HID), 1)
    lane = lax.broadcasted_iota(jnp.int32, (1, 16), 1)
    blks = []
    for s in range(2):
        dsc = jnp.sum(lax.slice(denv, (16 * s, 0, 0), (16 * s + 16, 2, BLK)),
                      axis=0)
        em0 = jnp.exp(jnp.sum(jnp.where(lane == 0, mv[s], 0.0), axis=1))
        em1 = jnp.exp(jnp.sum(jnp.where(lane == 1, mv[s], 0.0), axis=1))
        denb = jnp.where(colh < HID, dsc[0][:, None], dsc[1][:, None])
        emb = jnp.where(colh < HID, em0[:, None], em1[:, None])
        blks.append((xl_ref[s] * emb + accv[s]) / (emb + denb)
                    + b1_ref[s][None])
    h = jnp.stack(blks, axis=0)
    h_out[...] = h
    row = lax.broadcasted_iota(jnp.int32, (BLK, 1), 0) + i * BLK
    hm = jnp.where((row < N)[None], h, 0.0)
    part = jnp.stack([jnp.sum(hm, axis=1), jnp.sum(hm * hm, axis=1)], axis=0)

    @pl.when(i == 0)
    def _():
        sums_out[...] = part

    @pl.when(i > 0)
    def _():
        sums_out[...] += part


def _phase_c1(XL1, ACC1, DEN1, M1, bias1):
    return pl.pallas_call(
        _phase_c1_body,
        grid=(NBLK,),
        in_specs=[
            pl.BlockSpec((2, BLK, 2 * HID), lambda i: (0, i, 0)),
            pl.BlockSpec((2, BLK, 2 * HID), lambda i: (0, i, 0)),
            pl.BlockSpec((32, 2, BLK), lambda i: (0, 0, i)),
            pl.BlockSpec((2, BLK, 16), lambda i: (0, i, 0)),
            pl.BlockSpec((2, 2 * HID), lambda i: (0, 0)),
        ],
        out_specs=[
            pl.BlockSpec((2, BLK, 2 * HID), lambda i: (0, i, 0)),
            pl.BlockSpec((2, 2, 2 * HID), lambda i: (0, 0, 0)),
        ],
        out_shape=[
            jax.ShapeDtypeStruct((2, NP, 2 * HID), jnp.float32),
            jax.ShapeDtypeStruct((2, 2, 2 * HID), jnp.float32),
        ],
    )(XL1, ACC1, DEN1, M1, bias1)


def _phase_c2_body(h_ref, sums_ref, g_ref, be_ref, wl_ref, wr_ref, wlr_ref,
                   att_ref, xlr_out, m_out):
    sums = sums_ref[...]
    mu = sums[0] / N
    var = sums[1] / N - mu * mu
    A = g_ref[...] * lax.rsqrt(var + 1e-5)
    Bc = be_ref[...] - mu * A
    h = h_ref[...]
    hn = jnp.maximum(h * A[:, None, :] + Bc[:, None, :], 0.0)
    xl2 = (jnp.dot(hn[0], wl_ref[0], preferred_element_type=jnp.float32)
           + jnp.dot(hn[1], wl_ref[1], preferred_element_type=jnp.float32))
    xr2 = (jnp.dot(hn[0], wr_ref[0], preferred_element_type=jnp.float32)
           + jnp.dot(hn[1], wr_ref[1], preferred_element_type=jnp.float32))
    xlr_out[...] = (jnp.dot(hn[0], wlr_ref[0], preferred_element_type=jnp.float32)
                    + jnp.dot(hn[1], wlr_ref[1], preferred_element_type=jnp.float32))
    z = xl2 + xr2
    e = jnp.maximum(z, 0.2 * z)
    m2 = jnp.sum(e * att_ref[...], axis=1)
    lane = lax.broadcasted_iota(jnp.int32, (1, 16), 1)
    m_out[...] = m2[:, None] * (lane == 0).astype(jnp.float32)


def _phase_c2(H1, sums1, g1, be1, Wl2, Wr2, Wlr2, att2):
    return pl.pallas_call(
        _phase_c2_body,
        grid=(NBLK,),
        in_specs=[
            pl.BlockSpec((2, BLK, 2 * HID), lambda i: (0, i, 0)),
            pl.BlockSpec((2, 2, 2 * HID), lambda i: (0, 0, 0)),
            pl.BlockSpec((2, 2 * HID), lambda i: (0, 0)),
            pl.BlockSpec((2, 2 * HID), lambda i: (0, 0)),
            pl.BlockSpec((2, 2 * HID, HID), lambda i: (0, 0, 0)),
            pl.BlockSpec((2, 2 * HID, HID), lambda i: (0, 0, 0)),
            pl.BlockSpec((2, 2 * HID, 2 * HID), lambda i: (0, 0, 0)),
            pl.BlockSpec((1, HID), lambda i: (0, 0)),
        ],
        out_specs=[
            pl.BlockSpec((BLK, 2 * HID), lambda i: (i, 0)),
            pl.BlockSpec((BLK, 16), lambda i: (i, 0)),
        ],
        out_shape=[
            jax.ShapeDtypeStruct((NP, 2 * HID), jnp.float32),
            jax.ShapeDtypeStruct((NP, 16), jnp.float32),
        ],
    )(H1, sums1, g1, be1, Wl2, Wr2, Wlr2, att2)


def _l2_body(xlr_hbm, att_hbm, src_hbm, dst_hbm, dl0_hbm, dl1_hbm,
             out_hbm, srcv, dstv, dstvl, xlbuf, xrbuf, comb, attv, acc,
             sem1, sem2):
    cid = lax.axis_index("c")
    sid = lax.axis_index("s")
    zv = jnp.zeros((16,), jnp.float32)
    lane = lax.iota(jnp.int32, 16)

    def zero_comb(b, c):
        for k in range(8):
            comb[b, pl.ds(16 * k, 16)] = zv
        return c
    lax.fori_loop(0, B, zero_comb, 0)

    r0 = sid * RPH
    pltpu.sync_copy(att_hbm, attv)
    atts = [attv[pl.ds(16 * k, 16)] for k in range(4)]

    ebase = (sid * 2 + cid) * TILE_E2

    for p in range(2):
        for j in range(2):
            pltpu.sync_copy(comb, acc.at[pl.ds(r0 + j * B, B)])
        pltpu.sync_copy(comb.at[pl.ds(0, 64)], acc.at[pl.ds(r0 + 2 * B, 64)])
        plsc.subcore_barrier()

        dl_hbm = dl0_hbm if p == 0 else dl1_hbm

        def batch_body(g, c):
            off = ebase + g * B
            pltpu.sync_copy(src_hbm.at[pl.ds(off, B)], srcv)
            pltpu.sync_copy(dst_hbm.at[pl.ds(off, B)], dstv)
            pltpu.sync_copy(dl_hbm.at[pl.ds(off, B)], dstvl)
            cp1 = pltpu.async_copy(xlr_hbm.at[srcv], xlbuf, sem1)
            cp2 = pltpu.async_copy(xlr_hbm.at[dstv], xrbuf, sem2)
            cp1.wait()
            cp2.wait()

            def edge(b, cc):
                svs = [xlbuf[b, pl.ds(16 * k, 16)] for k in range(4)]
                rvs = [xrbuf[b, pl.ds(16 * k + 64, 16)] for k in range(4)]
                ts = []
                for k in range(4):
                    zz = svs[k] + rvs[k]
                    ts.append(jnp.maximum(zz, 0.2 * zz) * atts[k])
                u = (ts[0] + ts[1]) + (ts[2] + ts[3])
                l = jnp.sum(u)
                w = jnp.exp(jnp.full((16,), l, jnp.float32))
                for k in range(4):
                    comb[b, pl.ds(16 * k, 16)] = svs[k] * w
                comb[b, pl.ds(64, 16)] = jnp.where(lane == 0, w, 0.0)
                return cc
            lax.fori_loop(0, B, edge, 0)
            pltpu.sync_copy(comb, acc.at[dstvl], add=True)
            return c
        lax.fori_loop(0, NB2, batch_body, 0)
        plsc.subcore_barrier()

        outoff = cid * NP + p * HROW + r0
        for j in range(2):
            pltpu.sync_copy(acc.at[pl.ds(r0 + j * B, B)],
                            out_hbm.at[pl.ds(outoff + j * B, B)])
        pltpu.sync_copy(acc.at[pl.ds(r0 + 2 * B, 64)],
                        out_hbm.at[pl.ds(outoff + 2 * B, 64)])
        if p == 0:
            lax.fori_loop(0, B, zero_comb, 0)


_l2_edges = functools.partial(
    pl.kernel, _l2_body,
    out_type=jax.ShapeDtypeStruct((2 * NP, 2 * HID), jnp.float32),
    mesh=_mesh,
    compiler_params=pltpu.CompilerParams(needs_layout_passes=False),
    scratch_types=[
        pltpu.VMEM((B,), jnp.int32),
        pltpu.VMEM((B,), jnp.int32),
        pltpu.VMEM((B,), jnp.int32),
        pltpu.VMEM((B, 2 * HID), jnp.float32),
        pltpu.VMEM((B, 2 * HID), jnp.float32),
        pltpu.VMEM((B, 2 * HID), jnp.float32),
        pltpu.VMEM((HID,), jnp.float32),
        pltpu.VMEM_SHARED((ACCR, 2 * HID), jnp.float32),
        pltpu.SemaphoreType.DMA,
        pltpu.SemaphoreType.DMA,
    ])()


def _phase_e1_body(xlr_ref, acc_ref, m_ref, b2_ref, h_out, sums_out):
    i = pl.program_id(0)
    accv = acc_ref[...]
    lane = lax.broadcasted_iota(jnp.int32, (1, 16), 1)
    col = lax.broadcasted_iota(jnp.int32, (1, 2 * HID), 1)
    feat = (lax.slice(accv[0], (0, 0), (BLK, HID))
            + lax.slice(accv[1], (0, 0), (BLK, HID)))
    den = (jnp.sum(jnp.where(col == HID, accv[0], 0.0), axis=1)
           + jnp.sum(jnp.where(col == HID, accv[1], 0.0), axis=1))
    em = jnp.exp(jnp.sum(jnp.where(lane == 0, m_ref[...], 0.0), axis=1))
    xl2 = lax.slice(xlr_ref[...], (0, 0), (BLK, HID))
    h = ((xl2 * em[:, None] + feat) / (em + den)[:, None] + b2_ref[...])
    h_out[...] = h
    row = lax.broadcasted_iota(jnp.int32, (BLK, 1), 0) + i * BLK
    hm = jnp.where(row < N, h, 0.0)
    part = jnp.stack([jnp.sum(hm, axis=0), jnp.sum(hm * hm, axis=0)], axis=0)

    @pl.when(i == 0)
    def _():
        sums_out[...] = part

    @pl.when(i > 0)
    def _():
        sums_out[...] += part


def _phase_e1(XLR2, ACC2, M2, bias2):
    return pl.pallas_call(
        _phase_e1_body,
        grid=(NBLK,),
        in_specs=[
            pl.BlockSpec((BLK, 2 * HID), lambda i: (i, 0)),
            pl.BlockSpec((2, BLK, 2 * HID), lambda i: (0, i, 0)),
            pl.BlockSpec((BLK, 16), lambda i: (i, 0)),
            pl.BlockSpec((1, HID), lambda i: (0, 0)),
        ],
        out_specs=[
            pl.BlockSpec((BLK, HID), lambda i: (i, 0)),
            pl.BlockSpec((2, HID), lambda i: (0, 0)),
        ],
        out_shape=[
            jax.ShapeDtypeStruct((NP, HID), jnp.float32),
            jax.ShapeDtypeStruct((2, HID), jnp.float32),
        ],
    )(XLR2, ACC2, M2, bias2)


def _phase_e2_body(h_ref, sums_ref, g_ref, be_ref, xsk_ref, wlin_ref,
                   blin_ref, y_out):
    sums = sums_ref[...]
    mu = sums[0] / N
    var = sums[1] / N - mu * mu
    A = g_ref[...][0] * lax.rsqrt(var + 1e-5)
    Bc = be_ref[...][0] - mu * A
    hn = jnp.maximum(h_ref[...] * A[None] + Bc[None], 0.0)
    y_out[...] = jnp.dot(hn + xsk_ref[...], wlin_ref[...],
                         preferred_element_type=jnp.float32) + blin_ref[0, 0]


def _phase_e2(H2, sums2, g2, be2, XSK, Wlin_pad, blin):
    return pl.pallas_call(
        _phase_e2_body,
        grid=(NBLK,),
        in_specs=[
            pl.BlockSpec((BLK, HID), lambda i: (i, 0)),
            pl.BlockSpec((2, HID), lambda i: (0, 0)),
            pl.BlockSpec((1, HID), lambda i: (0, 0)),
            pl.BlockSpec((1, HID), lambda i: (0, 0)),
            pl.BlockSpec((BLK, HID), lambda i: (i, 0)),
            pl.BlockSpec((HID, 128), lambda i: (0, 0)),
            pl.BlockSpec((1, 1), lambda i: (0, 0)),
        ],
        out_specs=pl.BlockSpec((BLK, 128), lambda i: (i, 0)),
        out_shape=jax.ShapeDtypeStruct((NP, 128), jnp.float32),
    )(H2, sums2, g2, be2, XSK, Wlin_pad, blin)


def kernel(x, edge_index, Wskip, bskip, Wl1, Wr1, att1, bias1, g1, be1,
           Wl2, Wr2, att2, bias2, g2, be2, Wlin, blin):
    src = edge_index[0].astype(jnp.int32)
    dst = edge_index[1].astype(jnp.int32)
    padv = jnp.full((EP - E,), DUMMY, jnp.int32)
    src_p = jnp.concatenate([src, padv])
    dst_p = jnp.concatenate([dst, padv])
    src_pair = jnp.concatenate([src_p, src_p + NP])
    dst_pair = jnp.concatenate([dst_p, dst_p + NP])
    dl0 = jnp.where(dst_p < HROW, dst_p, HROW)
    d1 = dst_p - HROW
    dl1 = jnp.where(d1 >= 0, d1, HROW)
    x_p = jnp.zeros((NP, IN_DIM), jnp.float32).at[:N].set(x)

    att_sc = att1.reshape(2, 2 * HID)
    XL1, XR1, M1, XSK = _phase_a(x_p, Wl1, Wr1, att1.reshape(2, 1, 2 * HID),
                                 Wskip, bskip.reshape(1, HID))

    ACC1, DEN1 = _l1_edges(XL1.reshape(2 * NP, 2 * HID),
                           XR1.reshape(2 * NP, 2 * HID),
                           att_sc, src_pair, dst_pair, dst_p, dl0, dl1)

    H1, sums1 = _phase_c1(XL1, ACC1.reshape(2, NP, 2 * HID),
                          DEN1.reshape(32, 2, NP), M1,
                          bias1.reshape(2, 2 * HID))
    Wlr2 = jnp.concatenate([Wl2, Wr2], axis=1).reshape(2, 2 * HID, 2 * HID)
    XLR2, M2 = _phase_c2(H1, sums1, g1.reshape(2, 2 * HID),
                         be1.reshape(2, 2 * HID),
                         Wl2.reshape(2, 2 * HID, HID),
                         Wr2.reshape(2, 2 * HID, HID), Wlr2, att2)

    ACC2 = _l2_edges(XLR2, att2.reshape(HID), src_p, dst_p, dl0, dl1)

    H2, sums2 = _phase_e1(XLR2, ACC2.reshape(2, NP, 2 * HID), M2,
                          bias2.reshape(1, HID))
    Wlin_pad = jnp.zeros((HID, 128), jnp.float32).at[:, :1].set(Wlin)
    Y = _phase_e2(H2, sums2, g2.reshape(1, HID), be2.reshape(1, HID), XSK,
                  Wlin_pad, blin.reshape(1, 1))
    return Y[:N, 0]

# --- scband reference (transcript-rebuilt; emitter-appended) ---
"""Pipeline reference for scband-gatmodel-9483287789909 (READ-ONLY COPY).

The authoritative reference and input builder live on the scoring server;
editing this copy changes nothing except your own understanding.
"""

import jax, jax.numpy as jnp
import numpy as np

N = 10000
E = 320000
IN_DIM = 128
HID = 64
HEADS = 4


def _gatv2(x, ei, Wl, Wr, att, bias, heads, out_ch, concat):
    n = x.shape[0]
    sl = jnp.arange(n, dtype=ei.dtype)
    src = jnp.concatenate([ei[0], sl])
    dst = jnp.concatenate([ei[1], sl])
    xl = (x @ Wl).reshape(n, heads, out_ch)
    xr = (x @ Wr).reshape(n, heads, out_ch)
    e = jax.nn.leaky_relu(xl[src] + xr[dst], 0.2)
    logit = jnp.sum(e * att[None], axis=-1)  # [E+, H]
    amax = jax.lax.stop_gradient(jax.ops.segment_max(logit, dst, num_segments=n))
    ealpha = jnp.exp(logit - amax[dst])
    denom = jax.ops.segment_sum(ealpha, dst, num_segments=n)
    alpha = ealpha / (denom[dst] + 1e-16)
    out = jax.ops.segment_sum(xl[src] * alpha[..., None], dst, num_segments=n)
    if concat:
        out = out.reshape(n, heads * out_ch)
    else:
        out = jnp.mean(out, axis=1)
    return out + bias


def _bn(h, gamma, beta):
    mu = jnp.mean(h, axis=0)
    var = jnp.var(h, axis=0)
    return gamma * (h - mu) / jnp.sqrt(var + 1e-5) + beta


def setup_inputs(seed: int = 0) -> dict:
    key = jax.random.key(seed)
    ks = [jax.random.fold_in(key, i) for i in range(20)]
    s = 0.05
    return {
        "x": jax.random.normal(ks[0], (N, IN_DIM), dtype=jnp.float32),
        "edge_index": jax.random.randint(ks[1], (2, E), 0, N, dtype=jnp.int64),
        "Wskip": jax.random.normal(ks[2], (IN_DIM, HID), dtype=jnp.float32) * s,
        "bskip": jnp.zeros((HID,), dtype=jnp.float32),
        "Wl1": jax.random.normal(ks[3], (IN_DIM, HEADS * HID), dtype=jnp.float32) * s,
        "Wr1": jax.random.normal(ks[4], (IN_DIM, HEADS * HID), dtype=jnp.float32) * s,
        "att1": jax.random.normal(ks[5], (HEADS, HID), dtype=jnp.float32) * s,
        "bias1": jnp.zeros((HEADS * HID,), dtype=jnp.float32),
        "g1": jnp.ones((HEADS * HID,), dtype=jnp.float32),
        "be1": jnp.zeros((HEADS * HID,), dtype=jnp.float32),
        "Wl2": jax.random.normal(ks[6], (HEADS * HID, HID), dtype=jnp.float32) * s,
        "Wr2": jax.random.normal(ks[7], (HEADS * HID, HID), dtype=jnp.float32) * s,
        "att2": jax.random.normal(ks[8], (1, HID), dtype=jnp.float32) * s,
        "bias2": jnp.zeros((HID,), dtype=jnp.float32),
        "g2": jnp.ones((HID,), dtype=jnp.float32),
        "be2": jnp.zeros((HID,), dtype=jnp.float32),
        "Wlin": jax.random.normal(ks[9], (HID, 1), dtype=jnp.float32) * s,
        "blin": jnp.zeros((1,), dtype=jnp.float32),
    }


def reference(x, edge_index, Wskip, bskip, Wl1, Wr1, att1, bias1, g1, be1, Wl2, Wr2, att2, bias2, g2, be2, Wlin, blin):
    x_skip = x @ Wskip + bskip
    h = _gatv2(x, edge_index, Wl1, Wr1, att1, bias1, HEADS, HID, True)
    h = jax.nn.relu(_bn(h, g1, be1))
    h = _gatv2(h, edge_index, Wl2, Wr2, att2, bias2, 1, HID, False)
    h = jax.nn.relu(_bn(h, g2, be2))
    h = h + x_skip
    return (h @ Wlin + blin)[:, 0]

if __name__ == "__main__":
    import jax
    _d = setup_inputs()
    print(jax.jit(kernel)(*tuple(_d.values())))

</pallas_src>

<mosaic_0001>
#map = affine_map<(d0, d1) -> (0, 0)>
#map1 = affine_map<(d0, d1) -> (0)>
module attributes {stable_mosaic.version = 14 : i64} {
  func.func @_l2_body(%arg0: i32, %arg1: i32, %arg2: memref<10240x128xf32, #tpu.memory_space<hbm>>, %arg3: memref<64xf32, #tpu.memory_space<hbm>>, %arg4: memref<323584xi32, #tpu.memory_space<hbm>>, %arg5: memref<323584xi32, #tpu.memory_space<hbm>>, %arg6: memref<323584xi32, #tpu.memory_space<hbm>>, %arg7: memref<323584xi32, #tpu.memory_space<hbm>>, %arg8: memref<20480x128xf32, #tpu.memory_space<hbm>>, %arg9: memref<128xi32, #tpu.memory_space<vmem>>, %arg10: memref<128xi32, #tpu.memory_space<vmem>>, %arg11: memref<128xi32, #tpu.memory_space<vmem>>, %arg12: memref<128x128xf32, #tpu.memory_space<vmem>>, %arg13: memref<128x128xf32, #tpu.memory_space<vmem>>, %arg14: memref<128x128xf32, #tpu.memory_space<vmem>>, %arg15: memref<64xf32, #tpu.memory_space<vmem>>, %arg16: memref<5128x128xf32, #tpu.memory_space<vmem_shared>>, %arg17: memref<!tpu.dma_semaphore, #tpu.memory_space<semaphore_mem>>, %arg18: memref<!tpu.dma_semaphore, #tpu.memory_space<semaphore_mem>>) attributes {dimension_semantics = [#tpu.dimension_semantics<core_parallel>, #tpu.dimension_semantics<subcore_parallel>], iteration_bounds = array<i64: 2, 16>, scalar_prefetch = 0 : i64, scratch_operands = 10 : i64, tpu.core_type = #tpu.core_type<sc_vector_subcore>, window_params = [{transform_indices = #map}, {transform_indices = #map1}, {transform_indices = #map1}, {transform_indices = #map1}, {transform_indices = #map1}, {transform_indices = #map1}, {transform_indices = #map}]} {
    %broadcast_in_dim3A = arith.constant 0.000000e+00 : f32
    %broadcast_in_dim3A_0 = vector.broadcast %broadcast_in_dim3A : f32 to vector<16xf32>
    %iota3A = tpu.iota {dimensions = array<i32: 0>} : vector<16xi32>
    %scan3A = arith.constant 0 : i32
    %scan3A_1 = arith.constant 0 : i32
    %scan3A_2 = arith.constant 128 : i32
    %scan3A_3 = arith.addi %scan3A_1, %scan3A_2 : i32
    %scan3A_4 = arith.constant 1 : i32
    scf.for %scan3A_85 = %scan3A_1 to %scan3A_3 step %scan3A_4  : i32 {
      %swap3A = arith.index_cast %scan3A_85 : i32 to index
      %swap3A_86 = arith.constant 0 : index
      %swap3A_87 = tpu.vector_load %arg14[%swap3A, %swap3A_86] {strides = array<i32>} : memref<128x128xf32, #tpu.memory_space<vmem>>, vector<16xf32>,
      tpu.vector_store %arg14[%swap3A, %swap3A_86], %broadcast_in_dim3A_0 {strides = array<i32>} : memref<128x128xf32, #tpu.memory_space<vmem>>, vector<16xf32>,
      %swap3A_88 = arith.index_cast %scan3A_85 : i32 to index
      %swap3A_89 = arith.constant 16 : index
      %swap3A_90 = tpu.vector_load %arg14[%swap3A_88, %swap3A_89] {strides = array<i32>} : memref<128x128xf32, #tpu.memory_space<vmem>>, vector<16xf32>,
      tpu.vector_store %arg14[%swap3A_88, %swap3A_89], %broadcast_in_dim3A_0 {strides = array<i32>} : memref<128x128xf32, #tpu.memory_space<vmem>>, vector<16xf32>,
      %swap3A_91 = arith.index_cast %scan3A_85 : i32 to index
      %swap3A_92 = arith.constant 32 : index
      %swap3A_93 = tpu.vector_load %arg14[%swap3A_91, %swap3A_92] {strides = array<i32>} : memref<128x128xf32, #tpu.memory_space<vmem>>, vector<16xf32>,
      tpu.vector_store %arg14[%swap3A_91, %swap3A_92], %broadcast_in_dim3A_0 {strides = array<i32>} : memref<128x128xf32, #tpu.memory_space<vmem>>, vector<16xf32>,
      %swap3A_94 = arith.index_cast %scan3A_85 : i32 to index
      %swap3A_95 = arith.constant 48 : index
      %swap3A_96 = tpu.vector_load %arg14[%swap3A_94, %swap3A_95] {strides = array<i32>} : memref<128x128xf32, #tpu.memory_space<vmem>>, vector<16xf32>,
      tpu.vector_store %arg14[%swap3A_94, %swap3A_95], %broadcast_in_dim3A_0 {strides = array<i32>} : memref<128x128xf32, #tpu.memory_space<vmem>>, vector<16xf32>,
      %swap3A_97 = arith.index_cast %scan3A_85 : i32 to index
      %swap3A_98 = arith.constant 64 : index
      %swap3A_99 = tpu.vector_load %arg14[%swap3A_97, %swap3A_98] {strides = array<i32>} : memref<128x128xf32, #tpu.memory_space<vmem>>, vector<16xf32>,
      tpu.vector_store %arg14[%swap3A_97, %swap3A_98], %broadcast_in_dim3A_0 {strides = array<i32>} : memref<128x128xf32, #tpu.memory_space<vmem>>, vector<16xf32>,
      %swap3A_100 = arith.index_cast %scan3A_85 : i32 to index
      %swap3A_101 = arith.constant 80 : index
      %swap3A_102 = tpu.vector_load %arg14[%swap3A_100, %swap3A_101] {strides = array<i32>} : memref<128x128xf32, #tpu.memory_space<vmem>>, vector<16xf32>,
      tpu.vector_store %arg14[%swap3A_100, %swap3A_101], %broadcast_in_dim3A_0 {strides = array<i32>} : memref<128x128xf32, #tpu.memory_space<vmem>>, vector<16xf32>,
      %swap3A_103 = arith.index_cast %scan3A_85 : i32 to index
      %swap3A_104 = arith.constant 96 : index
      %swap3A_105 = tpu.vector_load %arg14[%swap3A_103, %swap3A_104] {strides = array<i32>} : memref<128x128xf32, #tpu.memory_space<vmem>>, vector<16xf32>,
      tpu.vector_store %arg14[%swap3A_103, %swap3A_104], %broadcast_in_dim3A_0 {strides = array<i32>} : memref<128x128xf32, #tpu.memory_space<vmem>>, vector<16xf32>,
      %swap3A_106 = arith.index_cast %scan3A_85 : i32 to index
      %swap3A_107 = arith.constant 112 : index
      %swap3A_108 = tpu.vector_load %arg14[%swap3A_106, %swap3A_107] {strides = array<i32>} : memref<128x128xf32, #tpu.memory_space<vmem>>, vector<16xf32>,
      tpu.vector_store %arg14[%swap3A_106, %swap3A_107], %broadcast_in_dim3A_0 {strides = array<i32>} : memref<128x128xf32, #tpu.memory_space<vmem>>, vector<16xf32>,
    }
    %scan3A_5 = arith.constant 128 : i32
    %mul3A = arith.constant 320 : i32
    %mul3A_6 = arith.muli %arg1, %mul3A : i32
    "tpu.region"() ({
      %run_scoped3A = tpu.sem_alloc : memref<!tpu.dma_semaphore, #tpu.memory_space<semaphore_mem>>
      tpu.enqueue_dma source(%arg3 : memref<64xf32, #tpu.memory_space<hbm>>) target(%arg15 : memref<64xf32, #tpu.memory_space<vmem>>) target_semaphore(%run_scoped3A : memref<!tpu.dma_semaphore, #tpu.memory_space<semaphore_mem>>)
      tpu.wait_dma2 semaphore(%run_scoped3A : memref<!tpu.dma_semaphore, #tpu.memory_space<semaphore_mem>>) src(%arg3 : memref<64xf32, #tpu.memory_space<hbm>>) dst(%arg15 : memref<64xf32, #tpu.memory_space<vmem>>)
      tpu.yield
    }) : () -> ()
    %get3A = arith.constant 0 : index
    %get3A_7 = tpu.vector_load %arg15[%get3A] {strides = array<i32>} : memref<64xf32, #tpu.memory_space<vmem>>, vector<16xf32>,
    %get3A_8 = arith.constant 16 : index
    %get3A_9 = tpu.vector_load %arg15[%get3A_8] {strides = array<i32>} : memref<64xf32, #tpu.memory_space<vmem>>, vector<16xf32>,
    %get3A_10 = arith.constant 32 : index
    %get3A_11 = tpu.vector_load %arg15[%get3A_10] {strides = array<i32>} : memref<64xf32, #tpu.memory_space<vmem>>, vector<16xf32>,
    %get3A_12 = arith.constant 48 : index
    %get3A_13 = tpu.vector_load %arg15[%get3A_12] {strides = array<i32>} : memref<64xf32, #tpu.memory_space<vmem>>, vector<16xf32>,
    %mul3A_14 = arith.constant 2 : i32
    %mul3A_15 = arith.muli %arg1, %mul3A_14 : i32
    %add3A = arith.addi %mul3A_15, %arg0 : i32
    %mul3A_16 = arith.constant 10112 : i32
    %mul3A_17 = arith.muli %add3A, %mul3A_16 : i32
    %add3A_18 = arith.constant 0 : i32
    %add3A_19 = arith.addi %mul3A_6, %add3A_18 : i32
    "tpu.region"() ({
      %run_scoped3A = tpu.sem_alloc : memref<!tpu.dma_semaphore, #tpu.memory_space<semaphore_mem>>
      %dma_start3A = arith.constant 0 : i32
      %dma_start3A_85 = tpu.memref_slice %arg16[%add3A_19, %dma_start3A] : memref<5128x128xf32, #tpu.memory_space<vmem_shared>> -> memref<128x128xf32, #tpu.memory_space<vmem_shared>>
      %dma_start3A_86 = arith.constant 0 : i32
      %dma_start3A_87 = tpu.memref_slice %arg16[%add3A_19, %dma_start3A_86] : memref<5128x128xf32, #tpu.memory_space<vmem_shared>> -> memref<128x128xf32, #tpu.memory_space<vmem_shared>>
      tpu.enqueue_dma source(%arg14 : memref<128x128xf32, #tpu.memory_space<vmem>>) target(%dma_start3A_87 : memref<128x128xf32, #tpu.memory_space<vmem_shared>>) target_semaphore(%run_scoped3A : memref<!tpu.dma_semaphore, #tpu.memory_space<semaphore_mem>>)
      %dma_wait3A = arith.constant 0 : i32
      %dma_wait3A_88 = tpu.memref_slice %arg16[%add3A_19, %dma_wait3A] : memref<5128x128xf32, #tpu.memory_space<vmem_shared>> -> memref<128x128xf32, #tpu.memory_space<vmem_shared>>
      %dma_wait3A_89 = arith.constant 0 : i32
      %dma_wait3A_90 = tpu.memref_slice %arg16[%add3A_19, %dma_wait3A_89] : memref<5128x128xf32, #tpu.memory_space<vmem_shared>> -> memref<128x128xf32, #tpu.memory_space<vmem_shared>>
      tpu.wait_dma2 semaphore(%run_scoped3A : memref<!tpu.dma_semaphore, #tpu.memory_space<semaphore_mem>>) src(%arg14 : memref<128x128xf32, #tpu.memory_space<vmem>>) dst(%dma_wait3A_90 : memref<128x128xf32, #tpu.memory_space<vmem_shared>>)
      tpu.yield
    }) : () -> ()
    %add3A_20 = arith.constant 128 : i32
    %add3A_21 = arith.addi %mul3A_6, %add3A_20 : i32
    "tpu.region"() ({
      %run_scoped3A = tpu.sem_alloc : memref<!tpu.dma_semaphore, #tpu.memory_space<semaphore_mem>>
      %dma_start3A = arith.constant 0 : i32
      %dma_start3A_85 = tpu.memref_slice %arg16[%add3A_21, %dma_start3A] : memref<5128x128xf32, #tpu.memory_space<vmem_shared>> -> memref<128x128xf32, #tpu.memory_space<vmem_shared>>
      %dma_start3A_86 = arith.constant 0 : i32
      %dma_start3A_87 = tpu.memref_slice %arg16[%add3A_21, %dma_start3A_86] : memref<5128x128xf32, #tpu.memory_space<vmem_shared>> -> memref<128x128xf32, #tpu.memory_space<vmem_shared>>
      tpu.enqueue_dma source(%arg14 : memref<128x128xf32, #tpu.memory_space<vmem>>) target(%dma_start3A_87 : memref<128x128xf32, #tpu.memory_space<vmem_shared>>) target_semaphore(%run_scoped3A : memref<!tpu.dma_semaphore, #tpu.memory_space<semaphore_mem>>)
      %dma_wait3A = arith.constant 0 : i32
      %dma_wait3A_88 = tpu.memref_slice %arg16[%add3A_21, %dma_wait3A] : memref<5128x128xf32, #tpu.memory_space<vmem_shared>> -> memref<128x128xf32, #tpu.memory_space<vmem_shared>>
      %dma_wait3A_89 = arith.constant 0 : i32
      %dma_wait3A_90 = tpu.memref_slice %arg16[%add3A_21, %dma_wait3A_89] : memref<5128x128xf32, #tpu.memory_space<vmem_shared>> -> memref<128x128xf32, #tpu.memory_space<vmem_shared>>
      tpu.wait_dma2 semaphore(%run_scoped3A : memref<!tpu.dma_semaphore, #tpu.memory_space<semaphore_mem>>) src(%arg14 : memref<128x128xf32, #tpu.memory_space<vmem>>) dst(%dma_wait3A_90 : memref<128x128xf32, #tpu.memory_space<vmem_shared>>)
      tpu.yield
    }) : () -> ()
    %add3A_22 = arith.constant 256 : i32
    %add3A_23 = arith.addi %mul3A_6, %add3A_22 : i32
    "tpu.region"() ({
      %run_scoped3A = tpu.sem_alloc : memref<!tpu.dma_semaphore, #tpu.memory_space<semaphore_mem>>
      %dma_start3A = arith.constant 0 : i32
      %dma_start3A_85 = arith.constant 0 : i32
      %dma_start3A_86 = tpu.memref_slice %arg14[%dma_start3A, %dma_start3A_85] : memref<128x128xf32, #tpu.memory_space<vmem>> -> memref<64x128xf32, #tpu.memory_space<vmem>>
      %dma_start3A_87 = arith.constant 0 : i32
      %dma_start3A_88 = tpu.memref_slice %arg16[%add3A_23, %dma_start3A_87] : memref<5128x128xf32, #tpu.memory_space<vmem_shared>> -> memref<64x128xf32, #tpu.memory_space<vmem_shared>>
      %dma_start3A_89 = arith.constant 0 : i32
      %dma_start3A_90 = tpu.memref_slice %arg16[%add3A_23, %dma_start3A_89] : memref<5128x128xf32, #tpu.memory_space<vmem_shared>> -> memref<64x128xf32, #tpu.memory_space<vmem_shared>>
      %dma_start3A_91 = arith.constant 0 : i32
      %dma_start3A_92 = arith.constant 0 : i32
      %dma_start3A_93 = tpu.memref_slice %arg14[%dma_start3A_91, %dma_start3A_92] : memref<128x128xf32, #tpu.memory_space<vmem>> -> memref<64x128xf32, #tpu.memory_space<vmem>>
      tpu.enqueue_dma source(%dma_start3A_93 : memref<64x128xf32, #tpu.memory_space<vmem>>) target(%dma_start3A_90 : memref<64x128xf32, #tpu.memory_space<vmem_shared>>) target_semaphore(%run_scoped3A : memref<!tpu.dma_semaphore, #tpu.memory_space<semaphore_mem>>)
      %dma_wait3A = arith.constant 0 : i32
      %dma_wait3A_94 = arith.constant 0 : i32
      %dma_wait3A_95 = tpu.memref_slice %arg14[%dma_wait3A, %dma_wait3A_94] : memref<128x128xf32, #tpu.memory_space<vmem>> -> memref<64x128xf32, #tpu.memory_space<vmem>>
      %dma_wait3A_96 = arith.constant 0 : i32
      %dma_wait3A_97 = tpu.memref_slice %arg16[%add3A_23, %dma_wait3A_96] : memref<5128x128xf32, #tpu.memory_space<vmem_shared>> -> memref<64x128xf32, #tpu.memory_space<vmem_shared>>
      %dma_wait3A_98 = arith.constant 0 : i32
      %dma_wait3A_99 = tpu.memref_slice %arg16[%add3A_23, %dma_wait3A_98] : memref<5128x128xf32, #tpu.memory_space<vmem_shared>> -> memref<64x128xf32, #tpu.memory_space<vmem_shared>>
      %dma_wait3A_100 = arith.constant 0 : i32
      %dma_wait3A_101 = arith.constant 0 : i32
      %dma_wait3A_102 = tpu.memref_slice %arg14[%dma_wait3A_100, %dma_wait3A_101] : memref<128x128xf32, #tpu.memory_space<vmem>> -> memref<64x128xf32, #tpu.memory_space<vmem>>
      tpu.wait_dma2 semaphore(%run_scoped3A : memref<!tpu.dma_semaphore, #tpu.memory_space<semaphore_mem>>) src(%dma_wait3A_102 : memref<64x128xf32, #tpu.memory_space<vmem>>) dst(%dma_wait3A_99 : memref<64x128xf32, #tpu.memory_space<vmem_shared>>)
      tpu.yield
    }) : () -> ()
    %barrier3A = arith.constant 0 : index
    tpu.barrier barrier_id(%barrier3A)
    %scan3A_24 = arith.constant 0 : i32
    %scan3A_25 = arith.constant 0 : i32
    %scan3A_26 = arith.constant 79 : i32
    %scan3A_27 = arith.addi %scan3A_25, %scan3A_26 : i32
    %scan3A_28 = arith.constant 1 : i32
    scf.for %scan3A_85 = %scan3A_25 to %scan3A_27 step %scan3A_28  : i32 {
      %mul3A_86 = arith.constant 128 : i32
      %mul3A_87 = arith.muli %scan3A_85, %mul3A_86 : i32
      %add3A_88 = arith.addi %mul3A_17, %mul3A_87 : i32
      "tpu.region"() ({
        %run_scoped3A = tpu.sem_alloc : memref<!tpu.dma_semaphore, #tpu.memory_space<semaphore_mem>>
        %dma_start3A_105 = tpu.memref_slice %arg4[%add3A_88] : memref<323584xi32, #tpu.memory_space<hbm>> -> memref<128xi32, #tpu.memory_space<hbm>>
        %dma_start3A_106 = tpu.memref_slice %arg4[%add3A_88] : memref<323584xi32, #tpu.memory_space<hbm>> -> memref<128xi32, #tpu.memory_space<hbm>>
        tpu.enqueue_dma source(%dma_start3A_106 : memref<128xi32, #tpu.memory_space<hbm>>) target(%arg9 : memref<128xi32, #tpu.memory_space<vmem>>) target_semaphore(%run_scoped3A : memref<!tpu.dma_semaphore, #tpu.memory_space<semaphore_mem>>)
        %dma_wait3A_107 = tpu.memref_slice %arg4[%add3A_88] : memref<323584xi32, #tpu.memory_space<hbm>> -> memref<128xi32, #tpu.memory_space<hbm>>
        %dma_wait3A_108 = tpu.memref_slice %arg4[%add3A_88] : memref<323584xi32, #tpu.memory_space<hbm>> -> memref<128xi32, #tpu.memory_space<hbm>>
        tpu.wait_dma2 semaphore(%run_scoped3A : memref<!tpu.dma_semaphore, #tpu.memory_space<semaphore_mem>>) src(%dma_wait3A_108 : memref<128xi32, #tpu.memory_space<hbm>>) dst(%arg9 : memref<128xi32, #tpu.memory_space<vmem>>)
        tpu.yield
      }) : () -> ()
      "tpu.region"() ({
        %run_scoped3A = tpu.sem_alloc : memref<!tpu.dma_semaphore, #tpu.memory_space<semaphore_mem>>
        %dma_start3A_105 = tpu.memref_slice %arg5[%add3A_88] : memref<323584xi32, #tpu.memory_space<hbm>> -> memref<128xi32, #tpu.memory_space<hbm>>
        %dma_start3A_106 = tpu.memref_slice %arg5[%add3A_88] : memref<323584xi32, #tpu.memory_space<hbm>> -> memref<128xi32, #tpu.memory_space<hbm>>
        tpu.enqueue_dma source(%dma_start3A_106 : memref<128xi32, #tpu.memory_space<hbm>>) target(%arg10 : memref<128xi32, #tpu.memory_space<vmem>>) target_semaphore(%run_scoped3A : memref<!tpu.dma_semaphore, #tpu.memory_space<semaphore_mem>>)
        %dma_wait3A_107 = tpu.memref_slice %arg5[%add3A_88] : memref<323584xi32, #tpu.memory_space<hbm>> -> memref<128xi32, #tpu.memory_space<hbm>>
        %dma_wait3A_108 = tpu.memref_slice %arg5[%add3A_88] : memref<323584xi32, #tpu.memory_space<hbm>> -> memref<128xi32, #tpu.memory_space<hbm>>
        tpu.wait_dma2 semaphore(%run_scoped3A : memref<!tpu.dma_semaphore, #tpu.memory_space<semaphore_mem>>) src(%dma_wait3A_108 : memref<128xi32, #tpu.memory_space<hbm>>) dst(%arg10 : memref<128xi32, #tpu.memory_space<vmem>>)
        tpu.yield
      }) : () -> ()
      "tpu.region"() ({
        %run_scoped3A = tpu.sem_alloc : memref<!tpu.dma_semaphore, #tpu.memory_space<semaphore_mem>>
        %dma_start3A_105 = tpu.memref_slice %arg6[%add3A_88] : memref<323584xi32, #tpu.memory_space<hbm>> -> memref<128xi32, #tpu.memory_space<hbm>>
        %dma_start3A_106 = tpu.memref_slice %arg6[%add3A_88] : memref<323584xi32, #tpu.memory_space<hbm>> -> memref<128xi32, #tpu.memory_space<hbm>>
        tpu.enqueue_dma source(%dma_start3A_106 : memref<128xi32, #tpu.memory_space<hbm>>) target(%arg11 : memref<128xi32, #tpu.memory_space<vmem>>) target_semaphore(%run_scoped3A : memref<!tpu.dma_semaphore, #tpu.memory_space<semaphore_mem>>)
        %dma_wait3A_107 = tpu.memref_slice %arg6[%add3A_88] : memref<323584xi32, #tpu.memory_space<hbm>> -> memref<128xi32, #tpu.memory_space<hbm>>
        %dma_wait3A_108 = tpu.memref_slice %arg6[%add3A_88] : memref<323584xi32, #tpu.memory_space<hbm>> -> memref<128xi32, #tpu.memory_space<hbm>>
        tpu.wait_dma2 semaphore(%run_scoped3A : memref<!tpu.dma_semaphore, #tpu.memory_space<semaphore_mem>>) src(%dma_wait3A_108 : memref<128xi32, #tpu.memory_space<hbm>>) dst(%arg11 : memref<128xi32, #tpu.memory_space<vmem>>)
        tpu.yield
      }) : () -> ()
      %dma_start3A = arith.constant 0 : i32
      %dma_start3A_89 = arith.constant 0 : i32
      %dma_start3A_90 = tpu.memref_slice %arg2[%dma_start3A, %dma_start3A_89] : memref<10240x128xf32, #tpu.memory_space<hbm>> -> memref<10240x128xf32, #tpu.memory_space<hbm>>
      tpu.enqueue_indirect_dma source(%dma_start3A_90 : memref<10240x128xf32, #tpu.memory_space<hbm>>) target(%arg12 : memref<128x128xf32, #tpu.memory_space<vmem>>) offsets(%arg9 : memref<128xi32, #tpu.memory_space<vmem>>) semaphore(%arg17 : memref<!tpu.dma_semaphore, #tpu.memory_space<semaphore_mem>>)
      %dma_start3A_91 = arith.constant 0 : i32
      %dma_start3A_92 = arith.constant 0 : i32
      %dma_start3A_93 = tpu.memref_slice %arg2[%dma_start3A_91, %dma_start3A_92] : memref<10240x128xf32, #tpu.memory_space<hbm>> -> memref<10240x128xf32, #tpu.memory_space<hbm>>
      tpu.enqueue_indirect_dma source(%dma_start3A_93 : memref<10240x128xf32, #tpu.memory_space<hbm>>) target(%arg13 : memref<128x128xf32, #tpu.memory_space<vmem>>) offsets(%arg10 : memref<128xi32, #tpu.memory_space<vmem>>) semaphore(%arg18 : memref<!tpu.dma_semaphore, #tpu.memory_space<semaphore_mem>>)
      %dma_wait3A = arith.constant 0 : i32
      %dma_wait3A_94 = arith.constant 0 : i32
      %dma_wait3A_95 = tpu.memref_slice %arg2[%dma_wait3A, %dma_wait3A_94] : memref<10240x128xf32, #tpu.memory_space<hbm>> -> memref<10240x128xf32, #tpu.memory_space<hbm>>
      tpu.wait_indirect_dma semaphore(%arg17 : memref<!tpu.dma_semaphore, #tpu.memory_space<semaphore_mem>>) src(%dma_wait3A_95 : memref<10240x128xf32, #tpu.memory_space<hbm>>) dst(%arg12 : memref<128x128xf32, #tpu.memory_space<vmem>>)
      %dma_wait3A_96 = arith.constant 0 : i32
      %dma_wait3A_97 = arith.constant 0 : i32
      %dma_wait3A_98 = tpu.memref_slice %arg2[%dma_wait3A_96, %dma_wait3A_97] : memref<10240x128xf32, #tpu.memory_space<hbm>> -> memref<10240x128xf32, #tpu.memory_space<hbm>>
      tpu.wait_indirect_dma semaphore(%arg18 : memref<!tpu.dma_semaphore, #tpu.memory_space<semaphore_mem>>) src(%dma_wait3A_98 : memref<10240x128xf32, #tpu.memory_space<hbm>>) dst(%arg13 : memref<128x128xf32, #tpu.memory_space<vmem>>)
      %scan3A_99 = arith.constant 0 : i32
      %scan3A_100 = arith.constant 0 : i32
      %scan3A_101 = arith.constant 128 : i32
      %scan3A_102 = arith.addi %scan3A_100, %scan3A_101 : i32
      %scan3A_103 = arith.constant 1 : i32
      scf.for %scan3A_105 = %scan3A_100 to %scan3A_102 step %scan3A_103  : i32 {
        %get3A_106 = arith.index_cast %scan3A_105 : i32 to index
        %get3A_107 = arith.constant 0 : index
        %get3A_108 = tpu.vector_load %arg12[%get3A_106, %get3A_107] {strides = array<i32>} : memref<128x128xf32, #tpu.memory_space<vmem>>, vector<16xf32>,
        %get3A_109 = arith.index_cast %scan3A_105 : i32 to index
        %get3A_110 = arith.constant 16 : index
        %get3A_111 = tpu.vector_load %arg12[%get3A_109, %get3A_110] {strides = array<i32>} : memref<128x128xf32, #tpu.memory_space<vmem>>, vector<16xf32>,
        %get3A_112 = arith.index_cast %scan3A_105 : i32 to index
        %get3A_113 = arith.constant 32 : index
        %get3A_114 = tpu.vector_load %arg12[%get3A_112, %get3A_113] {strides = array<i32>} : memref<128x128xf32, #tpu.memory_space<vmem>>, vector<16xf32>,
        %get3A_115 = arith.index_cast %scan3A_105 : i32 to index
        %get3A_116 = arith.constant 48 : index
        %get3A_117 = tpu.vector_load %arg12[%get3A_115, %get3A_116] {strides = array<i32>} : memref<128x128xf32, #tpu.memory_space<vmem>>, vector<16xf32>,
        %get3A_118 = arith.index_cast %scan3A_105 : i32 to index
        %get3A_119 = arith.constant 64 : index
        %get3A_120 = tpu.vector_load %arg13[%get3A_118, %get3A_119] {strides = array<i32>} : memref<128x128xf32, #tpu.memory_space<vmem>>, vector<16xf32>,
        %get3A_121 = arith.index_cast %scan3A_105 : i32 to index
        %get3A_122 = arith.constant 80 : index
        %get3A_123 = tpu.vector_load %arg13[%get3A_121, %get3A_122] {strides = array<i32>} : memref<128x128xf32, #tpu.memory_space<vmem>>, vector<16xf32>,
        %get3A_124 = arith.index_cast %scan3A_105 : i32 to index
        %get3A_125 = arith.constant 96 : index
        %get3A_126 = tpu.vector_load %arg13[%get3A_124, %get3A_125] {strides = array<i32>} : memref<128x128xf32, #tpu.memory_space<vmem>>, vector<16xf32>,
        %get3A_127 = arith.index_cast %scan3A_105 : i32 to index
        %get3A_128 = arith.constant 112 : index
        %get3A_129 = tpu.vector_load %arg13[%get3A_127, %get3A_128] {strides = array<i32>} : memref<128x128xf32, #tpu.memory_space<vmem>>, vector<16xf32>,
        %add3A_130 = arith.addf %get3A_108, %get3A_120 : vector<16xf32>
        %mul3A_131 = arith.constant 2.000000e-01 : f32
        %mul3A_132 = vector.broadcast %mul3A_131 : f32 to vector<16xf32>
        %mul3A_133 = arith.mulf %mul3A_132, %add3A_130 : vector<16xf32>
        %max3A = arith.maximumf %add3A_130, %mul3A_133 : vector<16xf32>
        %mul3A_134 = arith.mulf %max3A, %get3A_7 : vector<16xf32>
        %add3A_135 = arith.addf %get3A_111, %get3A_123 : vector<16xf32>
        %mul3A_136 = arith.constant 2.000000e-01 : f32
        %mul3A_137 = vector.broadcast %mul3A_136 : f32 to vector<16xf32>
        %mul3A_138 = arith.mulf %mul3A_137, %add3A_135 : vector<16xf32>
        %max3A_139 = arith.maximumf %add3A_135, %mul3A_138 : vector<16xf32>
        %mul3A_140 = arith.mulf %max3A_139, %get3A_9 : vector<16xf32>
        %add3A_141 = arith.addf %get3A_114, %get3A_126 : vector<16xf32>
        %mul3A_142 = arith.constant 2.000000e-01 : f32
        %mul3A_143 = vector.broadcast %mul3A_142 : f32 to vector<16xf32>
        %mul3A_144 = arith.mulf %mul3A_143, %add3A_141 : vector<16xf32>
        %max3A_145 = arith.maximumf %add3A_141, %mul3A_144 : vector<16xf32>
        %mul3A_146 = arith.mulf %max3A_145, %get3A_11 : vector<16xf32>
        %add3A_147 = arith.addf %get3A_117, %get3A_129 : vector<16xf32>
        %mul3A_148 = arith.constant 2.000000e-01 : f32
        %mul3A_149 = vector.broadcast %mul3A_148 : f32 to vector<16xf32>
        %mul3A_150 = arith.mulf %mul3A_149, %add3A_147 : vector<16xf32>
        %max3A_151 = arith.maximumf %add3A_147, %mul3A_150 : vector<16xf32>
        %mul3A_152 = arith.mulf %max3A_151, %get3A_13 : vector<16xf32>
        %add3A_153 = arith.addf %mul3A_134, %mul3A_140 : vector<16xf32>
        %add3A_154 = arith.addf %mul3A_146, %mul3A_152 : vector<16xf32>
        %add3A_155 = arith.addf %add3A_153, %add3A_154 : vector<16xf32>
        %reduce_sum3A = arith.constant true
        %reduce_sum3A_156 = vector.broadcast %reduce_sum3A : i1 to vector<16xi1>
        %reduce_sum3A_157 = tpu.scan <sum>, %add3A_155 masked %reduce_sum3A_156 : vector<16xf32>, vector<16xi1> -> vector<16xf32>
        %reduce_sum3A_158 = vector.extract %reduce_sum3A_157[15] : f32 from vector<16xf32>
        %broadcast_in_dim3A_159 = vector.broadcast %reduce_sum3A_158 : f32 to vector<16xf32>
        %exp3A = math.exp %broadcast_in_dim3A_159 : vector<16xf32>
        %mul3A_160 = arith.mulf %get3A_108, %exp3A : vector<16xf32>
        %swap3A = arith.index_cast %scan3A_105 : i32 to index
        %swap3A_161 = arith.constant 0 : index
        %swap3A_162 = tpu.vector_load %arg14[%swap3A, %swap3A_161] {strides = array<i32>} : memref<128x128xf32, #tpu.memory_space<vmem>>, vector<16xf32>,
        tpu.vector_store %arg14[%swap3A, %swap3A_161], %mul3A_160 {strides = array<i32>} : memref<128x128xf32, #tpu.memory_space<vmem>>, vector<16xf32>,
        %mul3A_163 = arith.mulf %get3A_111, %exp3A : vector<16xf32>
        %swap3A_164 = arith.index_cast %scan3A_105 : i32 to index
        %swap3A_165 = arith.constant 16 : index
        %swap3A_166 = tpu.vector_load %arg14[%swap3A_164, %swap3A_165] {strides = array<i32>} : memref<128x128xf32, #tpu.memory_space<vmem>>, vector<16xf32>,
        tpu.vector_store %arg14[%swap3A_164, %swap3A_165], %mul3A_163 {strides = array<i32>} : memref<128x128xf32, #tpu.memory_space<vmem>>, vector<16xf32>,
        %mul3A_167 = arith.mulf %get3A_114, %exp3A : vector<16xf32>
        %swap3A_168 = arith.index_cast %scan3A_105 : i32 to index
        %swap3A_169 = arith.constant 32 : index
        %swap3A_170 = tpu.vector_load %arg14[%swap3A_168, %swap3A_169] {strides = array<i32>} : memref<128x128xf32, #tpu.memory_space<vmem>>, vector<16xf32>,
        tpu.vector_store %arg14[%swap3A_168, %swap3A_169], %mul3A_167 {strides = array<i32>} : memref<128x128xf32, #tpu.memory_space<vmem>>, vector<16xf32>,
        %mul3A_171 = arith.mulf %get3A_117, %exp3A : vector<16xf32>
        %swap3A_172 = arith.index_cast %scan3A_105 : i32 to index
        %swap3A_173 = arith.constant 48 : index
        %swap3A_174 = tpu.vector_load %arg14[%swap3A_172, %swap3A_173] {strides = array<i32>} : memref<128x128xf32, #tpu.memory_space<vmem>>, vector<16xf32>,
        tpu.vector_store %arg14[%swap3A_172, %swap3A_173], %mul3A_171 {strides = array<i32>} : memref<128x128xf32, #tpu.memory_space<vmem>>, vector<16xf32>,
        %eq3A = arith.constant 0 : i32
        %eq3A_175 = vector.broadcast %eq3A : i32 to vector<16xi32>
        %eq3A_176 = arith.cmpi eq, %iota3A, %eq3A_175 : vector<16xi32>
        %jit3A = arith.constant 0.000000e+00 : f32
        %broadcast_in_dim3A_177 = vector.broadcast %jit3A : f32 to vector<16xf32>
        %select_n3A = arith.select %eq3A_176, %exp3A, %broadcast_in_dim3A_177 : vector<16xi1>, vector<16xf32>
        %swap3A_178 = arith.index_cast %scan3A_105 : i32 to index
        %swap3A_179 = arith.constant 64 : index
        %swap3A_180 = tpu.vector_load %arg14[%swap3A_178, %swap3A_179] {strides = array<i32>} : memref<128x128xf32, #tpu.memory_space<vmem>>, vector<16xf32>,
        tpu.vector_store %arg14[%swap3A_178, %swap3A_179], %select_n3A {strides = array<i32>} : memref<128x128xf32, #tpu.memory_space<vmem>>, vector<16xf32>,
      }
      %scan3A_104 = arith.constant 128 : i32
      "tpu.region"() ({
        %run_scoped3A = tpu.sem_alloc : memref<!tpu.dma_semaphore, #tpu.memory_space<semaphore_mem>>
        %dma_start3A_105 = arith.constant 0 : i32
        %dma_start3A_106 = arith.constant 0 : i32
        %dma_start3A_107 = tpu.memref_slice %arg16[%dma_start3A_105, %dma_start3A_106] : memref<5128x128xf32, #tpu.memory_space<vmem_shared>> -> memref<5128x128xf32, #tpu.memory_space<vmem_shared>>
        tpu.enqueue_indirect_dma source(%arg14 : memref<128x128xf32, #tpu.memory_space<vmem>>) target(%dma_start3A_107 : memref<5128x128xf32, #tpu.memory_space<vmem_shared>>) offsets(%arg11 : memref<128xi32, #tpu.memory_space<vmem>>) semaphore(%run_scoped3A : memref<!tpu.dma_semaphore, #tpu.memory_space<semaphore_mem>>) {add = true}
        %dma_wait3A_108 = arith.constant 0 : i32
        %dma_wait3A_109 = arith.constant 0 : i32
        %dma_wait3A_110 = tpu.memref_slice %arg16[%dma_wait3A_108, %dma_wait3A_109] : memref<5128x128xf32, #tpu.memory_space<vmem_shared>> -> memref<5128x128xf32, #tpu.memory_space<vmem_shared>>
        tpu.wait_indirect_dma semaphore(%run_scoped3A : memref<!tpu.dma_semaphore, #tpu.memory_space<semaphore_mem>>) src(%arg14 : memref<128x128xf32, #tpu.memory_space<vmem>>) dst(%dma_wait3A_110 : memref<5128x128xf32, #tpu.memory_space<vmem_shared>>)
        tpu.yield
      }) : () -> ()
    }
    %scan3A_29 = arith.constant 79 : i32
    %barrier3A_30 = arith.constant 0 : index
    tpu.barrier barrier_id(%barrier3A_30)
    %mul3A_31 = arith.constant 10240 : i32
    %mul3A_32 = arith.muli %arg0, %mul3A_31 : i32
    %add3A_33 = arith.constant 0 : i32
    %add3A_34 = arith.addi %mul3A_32, %add3A_33 : i32
    %add3A_35 = arith.addi %add3A_34, %mul3A_6 : i32
    %add3A_36 = arith.constant 0 : i32
    %add3A_37 = arith.addi %mul3A_6, %add3A_36 : i32
    %add3A_38 = arith.constant 0 : i32
    %add3A_39 = arith.addi %add3A_35, %add3A_38 : i32
    "tpu.region"() ({
      %run_scoped3A = tpu.sem_alloc : memref<!tpu.dma_semaphore, #tpu.memory_space<semaphore_mem>>
      %dma_start3A = arith.constant 0 : i32
      %dma_start3A_85 = tpu.memref_slice %arg8[%add3A_39, %dma_start3A] : memref<20480x128xf32, #tpu.memory_space<hbm>> -> memref<128x128xf32, #tpu.memory_space<hbm>>
      %dma_start3A_86 = arith.constant 0 : i32
      %dma_start3A_87 = tpu.memref_slice %arg16[%add3A_37, %dma_start3A_86] : memref<5128x128xf32, #tpu.memory_space<vmem_shared>> -> memref<128x128xf32, #tpu.memory_space<vmem_shared>>
      tpu.enqueue_dma source(%dma_start3A_87 : memref<128x128xf32, #tpu.memory_space<vmem_shared>>) target(%dma_start3A_85 : memref<128x128xf32, #tpu.memory_space<hbm>>) target_semaphore(%run_scoped3A : memref<!tpu.dma_semaphore, #tpu.memory_space<semaphore_mem>>)
      %dma_wait3A = arith.constant 0 : i32
      %dma_wait3A_88 = tpu.memref_slice %arg8[%add3A_39, %dma_wait3A] : memref<20480x128xf32, #tpu.memory_space<hbm>> -> memref<128x128xf32, #tpu.memory_space<hbm>>
      %dma_wait3A_89 = arith.constant 0 : i32
      %dma_wait3A_90 = tpu.memref_slice %arg16[%add3A_37, %dma_wait3A_89] : memref<5128x128xf32, #tpu.memory_space<vmem_shared>> -> memref<128x128xf32, #tpu.memory_space<vmem_shared>>
      tpu.wait_dma2 semaphore(%run_scoped3A : memref<!tpu.dma_semaphore, #tpu.memory_space<semaphore_mem>>) src(%dma_wait3A_90 : memref<128x128xf32, #tpu.memory_space<vmem_shared>>) dst(%dma_wait3A_88 : memref<128x128xf32, #tpu.memory_space<hbm>>)
      tpu.yield
    }) : () -> ()
    %add3A_40 = arith.constant 128 : i32
    %add3A_41 = arith.addi %mul3A_6, %add3A_40 : i32
    %add3A_42 = arith.constant 128 : i32
    %add3A_43 = arith.addi %add3A_35, %add3A_42 : i32
    "tpu.region"() ({
      %run_scoped3A = tpu.sem_alloc : memref<!tpu.dma_semaphore, #tpu.memory_space<semaphore_mem>>
      %dma_start3A = arith.constant 0 : i32
      %dma_start3A_85 = tpu.memref_slice %arg8[%add3A_43, %dma_start3A] : memref<20480x128xf32, #tpu.memory_space<hbm>> -> memref<128x128xf32, #tpu.memory_space<hbm>>
      %dma_start3A_86 = arith.constant 0 : i32
      %dma_start3A_87 = tpu.memref_slice %arg16[%add3A_41, %dma_start3A_86] : memref<5128x128xf32, #tpu.memory_space<vmem_shared>> -> memref<128x128xf32, #tpu.memory_space<vmem_shared>>
      tpu.enqueue_dma source(%dma_start3A_87 : memref<128x128xf32, #tpu.memory_space<vmem_shared>>) target(%dma_start3A_85 : memref<128x128xf32, #tpu.memory_space<hbm>>) target_semaphore(%run_scoped3A : memref<!tpu.dma_semaphore, #tpu.memory_space<semaphore_mem>>)
      %dma_wait3A = arith.constant 0 : i32
      %dma_wait3A_88 = tpu.memref_slice %arg8[%add3A_43, %dma_wait3A] : memref<20480x128xf32, #tpu.memory_space<hbm>> -> memref<128x128xf32, #tpu.memory_space<hbm>>
      %dma_wait3A_89 = arith.constant 0 : i32
      %dma_wait3A_90 = tpu.memref_slice %arg16[%add3A_41, %dma_wait3A_89] : memref<5128x128xf32, #tpu.memory_space<vmem_shared>> -> memref<128x128xf32, #tpu.memory_space<vmem_shared>>
      tpu.wait_dma2 semaphore(%run_scoped3A : memref<!tpu.dma_semaphore, #tpu.memory_space<semaphore_mem>>) src(%dma_wait3A_90 : memref<128x128xf32, #tpu.memory_space<vmem_shared>>) dst(%dma_wait3A_88 : memref<128x128xf32, #tpu.memory_space<hbm>>)
      tpu.yield
    }) : () -> ()
    %add3A_44 = arith.constant 256 : i32
    %add3A_45 = arith.addi %mul3A_6, %add3A_44 : i32
    %add3A_46 = arith.constant 256 : i32
    %add3A_47 = arith.addi %add3A_35, %add3A_46 : i32
    "tpu.region"() ({
      %run_scoped3A = tpu.sem_alloc : memref<!tpu.dma_semaphore, #tpu.memory_space<semaphore_mem>>
      %dma_start3A = arith.constant 0 : i32
      %dma_start3A_85 = tpu.memref_slice %arg8[%add3A_47, %dma_start3A] : memref<20480x128xf32, #tpu.memory_space<hbm>> -> memref<64x128xf32, #tpu.memory_space<hbm>>
      %dma_start3A_86 = arith.constant 0 : i32
      %dma_start3A_87 = tpu.memref_slice %arg16[%add3A_45, %dma_start3A_86] : memref<5128x128xf32, #tpu.memory_space<vmem_shared>> -> memref<64x128xf32, #tpu.memory_space<vmem_shared>>
      tpu.enqueue_dma source(%dma_start3A_87 : memref<64x128xf32, #tpu.memory_space<vmem_shared>>) target(%dma_start3A_85 : memref<64x128xf32, #tpu.memory_space<hbm>>) target_semaphore(%run_scoped3A : memref<!tpu.dma_semaphore, #tpu.memory_space<semaphore_mem>>)
      %dma_wait3A = arith.constant 0 : i32
      %dma_wait3A_88 = tpu.memref_slice %arg8[%add3A_47, %dma_wait3A] : memref<20480x128xf32, #tpu.memory_space<hbm>> -> memref<64x128xf32, #tpu.memory_space<hbm>>
      %dma_wait3A_89 = arith.constant 0 : i32
      %dma_wait3A_90 = tpu.memref_slice %arg16[%add3A_45, %dma_wait3A_89] : memref<5128x128xf32, #tpu.memory_space<vmem_shared>> -> memref<64x128xf32, #tpu.memory_space<vmem_shared>>
      tpu.wait_dma2 semaphore(%run_scoped3A : memref<!tpu.dma_semaphore, #tpu.memory_space<semaphore_mem>>) src(%dma_wait3A_90 : memref<64x128xf32, #tpu.memory_space<vmem_shared>>) dst(%dma_wait3A_88 : memref<64x128xf32, #tpu.memory_space<hbm>>)
      tpu.yield
    }) : () -> ()
    %scan3A_48 = arith.constant 0 : i32
    %scan3A_49 = arith.constant 0 : i32
    %scan3A_50 = arith.constant 128 : i32
    %scan3A_51 = arith.addi %scan3A_49, %scan3A_50 : i32
    %scan3A_52 = arith.constant 1 : i32
    scf.for %scan3A_85 = %scan3A_49 to %scan3A_51 step %scan3A_52  : i32 {
      %swap3A = arith.index_cast %scan3A_85 : i32 to index
      %swap3A_86 = arith.constant 0 : index
      %swap3A_87 = tpu.vector_load %arg14[%swap3A, %swap3A_86] {strides = array<i32>} : memref<128x128xf32, #tpu.memory_space<vmem>>, vector<16xf32>,
      tpu.vector_store %arg14[%swap3A, %swap3A_86], %broadcast_in_dim3A_0 {strides = array<i32>} : memref<128x128xf32, #tpu.memory_space<vmem>>, vector<16xf32>,
      %swap3A_88 = arith.index_cast %scan3A_85 : i32 to index
      %swap3A_89 = arith.constant 16 : index
      %swap3A_90 = tpu.vector_load %arg14[%swap3A_88, %swap3A_89] {strides = array<i32>} : memref<128x128xf32, #tpu.memory_space<vmem>>, vector<16xf32>,
      tpu.vector_store %arg14[%swap3A_88, %swap3A_89], %broadcast_in_dim3A_0 {strides = array<i32>} : memref<128x128xf32, #tpu.memory_space<vmem>>, vector<16xf32>,
      %swap3A_91 = arith.index_cast %scan3A_85 : i32 to index
      %swap3A_92 = arith.constant 32 : index
      %swap3A_93 = tpu.vector_load %arg14[%swap3A_91, %swap3A_92] {strides = array<i32>} : memref<128x128xf32, #tpu.memory_space<vmem>>, vector<16xf32>,
      tpu.vector_store %arg14[%swap3A_91, %swap3A_92], %broadcast_in_dim3A_0 {strides = array<i32>} : memref<128x128xf32, #tpu.memory_space<vmem>>, vector<16xf32>,
      %swap3A_94 = arith.index_cast %scan3A_85 : i32 to index
      %swap3A_95 = arith.constant 48 : index
      %swap3A_96 = tpu.vector_load %arg14[%swap3A_94, %swap3A_95] {strides = array<i32>} : memref<128x128xf32, #tpu.memory_space<vmem>>, vector<16xf32>,
      tpu.vector_store %arg14[%swap3A_94, %swap3A_95], %broadcast_in_dim3A_0 {strides = array<i32>} : memref<128x128xf32, #tpu.memory_space<vmem>>, vector<16xf32>,
      %swap3A_97 = arith.index_cast %scan3A_85 : i32 to index
      %swap3A_98 = arith.constant 64 : index
      %swap3A_99 = tpu.vector_load %arg14[%swap3A_97, %swap3A_98] {strides = array<i32>} : memref<128x128xf32, #tpu.memory_space<vmem>>, vector<16xf32>,
      tpu.vector_store %arg14[%swap3A_97, %swap3A_98], %broadcast_in_dim3A_0 {strides = array<i32>} : memref<128x128xf32, #tpu.memory_space<vmem>>, vector<16xf32>,
      %swap3A_100 = arith.index_cast %scan3A_85 : i32 to index
      %swap3A_101 = arith.constant 80 : index
      %swap3A_102 = tpu.vector_load %arg14[%swap3A_100, %swap3A_101] {strides = array<i32>} : memref<128x128xf32, #tpu.memory_space<vmem>>, vector<16xf32>,
      tpu.vector_store %arg14[%swap3A_100, %swap3A_101], %broadcast_in_dim3A_0 {strides = array<i32>} : memref<128x128xf32, #tpu.memory_space<vmem>>, vector<16xf32>,
      %swap3A_103 = arith.index_cast %scan3A_85 : i32 to index
      %swap3A_104 = arith.constant 96 : index
      %swap3A_105 = tpu.vector_load %arg14[%swap3A_103, %swap3A_104] {strides = array<i32>} : memref<128x128xf32, #tpu.memory_space<vmem>>, vector<16xf32>,
      tpu.vector_store %arg14[%swap3A_103, %swap3A_104], %broadcast_in_dim3A_0 {strides = array<i32>} : memref<128x128xf32, #tpu.memory_space<vmem>>, vector<16xf32>,
      %swap3A_106 = arith.index_cast %scan3A_85 : i32 to index
      %swap3A_107 = arith.constant 112 : index
      %swap3A_108 = tpu.vector_load %arg14[%swap3A_106, %swap3A_107] {strides = array<i32>} : memref<128x128xf32, #tpu.memory_space<vmem>>, vector<16xf32>,
      tpu.vector_store %arg14[%swap3A_106, %swap3A_107], %broadcast_in_dim3A_0 {strides = array<i32>} : memref<128x128xf32, #tpu.memory_space<vmem>>, vector<16xf32>,
    }
    %scan3A_53 = arith.constant 128 : i32
    %add3A_54 = arith.constant 0 : i32
    %add3A_55 = arith.addi %mul3A_6, %add3A_54 : i32
    "tpu.region"() ({
      %run_scoped3A = tpu.sem_alloc : memref<!tpu.dma_semaphore, #tpu.memory_space<semaphore_mem>>
      %dma_start3A = arith.constant 0 : i32
      %dma_start3A_85 = tpu.memref_slice %arg16[%add3A_55, %dma_start3A] : memref<5128x128xf32, #tpu.memory_space<vmem_shared>> -> memref<128x128xf32, #tpu.memory_space<vmem_shared>>
      %dma_start3A_86 = arith.constant 0 : i32
      %dma_start3A_87 = tpu.memref_slice %arg16[%add3A_55, %dma_start3A_86] : memref<5128x128xf32, #tpu.memory_space<vmem_shared>> -> memref<128x128xf32, #tpu.memory_space<vmem_shared>>
      tpu.enqueue_dma source(%arg14 : memref<128x128xf32, #tpu.memory_space<vmem>>) target(%dma_start3A_87 : memref<128x128xf32, #tpu.memory_space<vmem_shared>>) target_semaphore(%run_scoped3A : memref<!tpu.dma_semaphore, #tpu.memory_space<semaphore_mem>>)
      %dma_wait3A = arith.constant 0 : i32
      %dma_wait3A_88 = tpu.memref_slice %arg16[%add3A_55, %dma_wait3A] : memref<5128x128xf32, #tpu.memory_space<vmem_shared>> -> memref<128x128xf32, #tpu.memory_space<vmem_shared>>
      %dma_wait3A_89 = arith.constant 0 : i32
      %dma_wait3A_90 = tpu.memref_slice %arg16[%add3A_55, %dma_wait3A_89] : memref<5128x128xf32, #tpu.memory_space<vmem_shared>> -> memref<128x128xf32, #tpu.memory_space<vmem_shared>>
      tpu.wait_dma2 semaphore(%run_scoped3A : memref<!tpu.dma_semaphore, #tpu.memory_space<semaphore_mem>>) src(%arg14 : memref<128x128xf32, #tpu.memory_space<vmem>>) dst(%dma_wait3A_90 : memref<128x128xf32, #tpu.memory_space<vmem_shared>>)
      tpu.yield
    }) : () -> ()
    %add3A_56 = arith.constant 128 : i32
    %add3A_57 = arith.addi %mul3A_6, %add3A_56 : i32
    "tpu.region"() ({
      %run_scoped3A = tpu.sem_alloc : memref<!tpu.dma_semaphore, #tpu.memory_space<semaphore_mem>>
      %dma_start3A = arith.constant 0 : i32
      %dma_start3A_85 = tpu.memref_slice %arg16[%add3A_57, %dma_start3A] : memref<5128x128xf32, #tpu.memory_space<vmem_shared>> -> memref<128x128xf32, #tpu.memory_space<vmem_shared>>
      %dma_start3A_86 = arith.constant 0 : i32
      %dma_start3A_87 = tpu.memref_slice %arg16[%add3A_57, %dma_start3A_86] : memref<5128x128xf32, #tpu.memory_space<vmem_shared>> -> memref<128x128xf32, #tpu.memory_space<vmem_shared>>
      tpu.enqueue_dma source(%arg14 : memref<128x128xf32, #tpu.memory_space<vmem>>) target(%dma_start3A_87 : memref<128x128xf32, #tpu.memory_space<vmem_shared>>) target_semaphore(%run_scoped3A : memref<!tpu.dma_semaphore, #tpu.memory_space<semaphore_mem>>)
      %dma_wait3A = arith.constant 0 : i32
      %dma_wait3A_88 = tpu.memref_slice %arg16[%add3A_57, %dma_wait3A] : memref<5128x128xf32, #tpu.memory_space<vmem_shared>> -> memref<128x128xf32, #tpu.memory_space<vmem_shared>>
      %dma_wait3A_89 = arith.constant 0 : i32
      %dma_wait3A_90 = tpu.memref_slice %arg16[%add3A_57, %dma_wait3A_89] : memref<5128x128xf32, #tpu.memory_space<vmem_shared>> -> memref<128x128xf32, #tpu.memory_space<vmem_shared>>
      tpu.wait_dma2 semaphore(%run_scoped3A : memref<!tpu.dma_semaphore, #tpu.memory_space<semaphore_mem>>) src(%arg14 : memref<128x128xf32, #tpu.memory_space<vmem>>) dst(%dma_wait3A_90 : memref<128x128xf32, #tpu.memory_space<vmem_shared>>)
      tpu.yield
    }) : () -> ()
    %add3A_58 = arith.constant 256 : i32
    %add3A_59 = arith.addi %mul3A_6, %add3A_58 : i32
    "tpu.region"() ({
      %run_scoped3A = tpu.sem_alloc : memref<!tpu.dma_semaphore, #tpu.memory_space<semaphore_mem>>
      %dma_start3A = arith.constant 0 : i32
      %dma_start3A_85 = arith.constant 0 : i32
      %dma_start3A_86 = tpu.memref_slice %arg14[%dma_start3A, %dma_start3A_85] : memref<128x128xf32, #tpu.memory_space<vmem>> -> memref<64x128xf32, #tpu.memory_space<vmem>>
      %dma_start3A_87 = arith.constant 0 : i32
      %dma_start3A_88 = tpu.memref_slice %arg16[%add3A_59, %dma_start3A_87] : memref<5128x128xf32, #tpu.memory_space<vmem_shared>> -> memref<64x128xf32, #tpu.memory_space<vmem_shared>>
      %dma_start3A_89 = arith.constant 0 : i32
      %dma_start3A_90 = tpu.memref_slice %arg16[%add3A_59, %dma_start3A_89] : memref<5128x128xf32, #tpu.memory_space<vmem_shared>> -> memref<64x128xf32, #tpu.memory_space<vmem_shared>>
      %dma_start3A_91 = arith.constant 0 : i32
      %dma_start3A_92 = arith.constant 0 : i32
      %dma_start3A_93 = tpu.memref_slice %arg14[%dma_start3A_91, %dma_start3A_92] : memref<128x128xf32, #tpu.memory_space<vmem>> -> memref<64x128xf32, #tpu.memory_space<vmem>>
      tpu.enqueue_dma source(%dma_start3A_93 : memref<64x128xf32, #tpu.memory_space<vmem>>) target(%dma_start3A_90 : memref<64x128xf32, #tpu.memory_space<vmem_shared>>) target_semaphore(%run_scoped3A : memref<!tpu.dma_semaphore, #tpu.memory_space<semaphore_mem>>)
      %dma_wait3A = arith.constant 0 : i32
      %dma_wait3A_94 = arith.constant 0 : i32
      %dma_wait3A_95 = tpu.memref_slice %arg14[%dma_wait3A, %dma_wait3A_94] : memref<128x128xf32, #tpu.memory_space<vmem>> -> memref<64x128xf32, #tpu.memory_space<vmem>>
      %dma_wait3A_96 = arith.constant 0 : i32
      %dma_wait3A_97 = tpu.memref_slice %arg16[%add3A_59, %dma_wait3A_96] : memref<5128x128xf32, #tpu.memory_space<vmem_shared>> -> memref<64x128xf32, #tpu.memory_space<vmem_shared>>
      %dma_wait3A_98 = arith.constant 0 : i32
      %dma_wait3A_99 = tpu.memref_slice %arg16[%add3A_59, %dma_wait3A_98] : memref<5128x128xf32, #tpu.memory_space<vmem_shared>> -> memref<64x128xf32, #tpu.memory_space<vmem_shared>>
      %dma_wait3A_100 = arith.constant 0 : i32
      %dma_wait3A_101 = arith.constant 0 : i32
      %dma_wait3A_102 = tpu.memref_slice %arg14[%dma_wait3A_100, %dma_wait3A_101] : memref<128x128xf32, #tpu.memory_space<vmem>> -> memref<64x128xf32, #tpu.memory_space<vmem>>
      tpu.wait_dma2 semaphore(%run_scoped3A : memref<!tpu.dma_semaphore, #tpu.memory_space<semaphore_mem>>) src(%dma_wait3A_102 : memref<64x128xf32, #tpu.memory_space<vmem>>) dst(%dma_wait3A_99 : memref<64x128xf32, #tpu.memory_space<vmem_shared>>)
      tpu.yield
    }) : () -> ()
    %barrier3A_60 = arith.constant 0 : index
    tpu.barrier barrier_id(%barrier3A_60)
    %scan3A_61 = arith.constant 0 : i32
    %scan3A_62 = arith.constant 0 : i32
    %scan3A_63 = arith.constant 79 : i32
    %scan3A_64 = arith.addi %scan3A_62, %scan3A_63 : i32
    %scan3A_65 = arith.constant 1 : i32
    scf.for %scan3A_85 = %scan3A_62 to %scan3A_64 step %scan3A_65  : i32 {
      %mul3A_86 = arith.constant 128 : i32
      %mul3A_87 = arith.muli %scan3A_85, %mul3A_86 : i32
      %add3A_88 = arith.addi %mul3A_17, %mul3A_87 : i32
      "tpu.region"() ({
        %run_scoped3A = tpu.sem_alloc : memref<!tpu.dma_semaphore, #tpu.memory_space<semaphore_mem>>
        %dma_start3A_105 = tpu.memref_slice %arg4[%add3A_88] : memref<323584xi32, #tpu.memory_space<hbm>> -> memref<128xi32, #tpu.memory_space<hbm>>
        %dma_start3A_106 = tpu.memref_slice %arg4[%add3A_88] : memref<323584xi32, #tpu.memory_space<hbm>> -> memref<128xi32, #tpu.memory_space<hbm>>
        tpu.enqueue_dma source(%dma_start3A_106 : memref<128xi32, #tpu.memory_space<hbm>>) target(%arg9 : memref<128xi32, #tpu.memory_space<vmem>>) target_semaphore(%run_scoped3A : memref<!tpu.dma_semaphore, #tpu.memory_space<semaphore_mem>>)
        %dma_wait3A_107 = tpu.memref_slice %arg4[%add3A_88] : memref<323584xi32, #tpu.memory_space<hbm>> -> memref<128xi32, #tpu.memory_space<hbm>>
        %dma_wait3A_108 = tpu.memref_slice %arg4[%add3A_88] : memref<323584xi32, #tpu.memory_space<hbm>> -> memref<128xi32, #tpu.memory_space<hbm>>
        tpu.wait_dma2 semaphore(%run_scoped3A : memref<!tpu.dma_semaphore, #tpu.memory_space<semaphore_mem>>) src(%dma_wait3A_108 : memref<128xi32, #tpu.memory_space<hbm>>) dst(%arg9 : memref<128xi32, #tpu.memory_space<vmem>>)
        tpu.yield
      }) : () -> ()
      "tpu.region"() ({
        %run_scoped3A = tpu.sem_alloc : memref<!tpu.dma_semaphore, #tpu.memory_space<semaphore_mem>>
        %dma_start3A_105 = tpu.memref_slice %arg5[%add3A_88] : memref<323584xi32, #tpu.memory_space<hbm>> -> memref<128xi32, #tpu.memory_space<hbm>>
        %dma_start3A_106 = tpu.memref_slice %arg5[%add3A_88] : memref<323584xi32, #tpu.memory_space<hbm>> -> memref<128xi32, #tpu.memory_space<hbm>>
        tpu.enqueue_dma source(%dma_start3A_106 : memref<128xi32, #tpu.memory_space<hbm>>) target(%arg10 : memref<128xi32, #tpu.memory_space<vmem>>) target_semaphore(%run_scoped3A : memref<!tpu.dma_semaphore, #tpu.memory_space<semaphore_mem>>)
        %dma_wait3A_107 = tpu.memref_slice %arg5[%add3A_88] : memref<323584xi32, #tpu.memory_space<hbm>> -> memref<128xi32, #tpu.memory_space<hbm>>
        %dma_wait3A_108 = tpu.memref_slice %arg5[%add3A_88] : memref<323584xi32, #tpu.memory_space<hbm>> -> memref<128xi32, #tpu.memory_space<hbm>>
        tpu.wait_dma2 semaphore(%run_scoped3A : memref<!tpu.dma_semaphore, #tpu.memory_space<semaphore_mem>>) src(%dma_wait3A_108 : memref<128xi32, #tpu.memory_space<hbm>>) dst(%arg10 : memref<128xi32, #tpu.memory_space<vmem>>)
        tpu.yield
      }) : () -> ()
      "tpu.region"() ({
        %run_scoped3A = tpu.sem_alloc : memref<!tpu.dma_semaphore, #tpu.memory_space<semaphore_mem>>
        %dma_start3A_105 = tpu.memref_slice %arg7[%add3A_88] : memref<323584xi32, #tpu.memory_space<hbm>> -> memref<128xi32, #tpu.memory_space<hbm>>
        %dma_start3A_106 = tpu.memref_slice %arg7[%add3A_88] : memref<323584xi32, #tpu.memory_space<hbm>> -> memref<128xi32, #tpu.memory_space<hbm>>
        tpu.enqueue_dma source(%dma_start3A_106 : memref<128xi32, #tpu.memory_space<hbm>>) target(%arg11 : memref<128xi32, #tpu.memory_space<vmem>>) target_semaphore(%run_scoped3A : memref<!tpu.dma_semaphore, #tpu.memory_space<semaphore_mem>>)
        %dma_wait3A_107 = tpu.memref_slice %arg7[%add3A_88] : memref<323584xi32, #tpu.memory_space<hbm>> -> memref<128xi32, #tpu.memory_space<hbm>>
        %dma_wait3A_108 = tpu.memref_slice %arg7[%add3A_88] : memref<323584xi32, #tpu.memory_space<hbm>> -> memref<128xi32, #tpu.memory_space<hbm>>
        tpu.wait_dma2 semaphore(%run_scoped3A : memref<!tpu.dma_semaphore, #tpu.memory_space<semaphore_mem>>) src(%dma_wait3A_108 : memref<128xi32, #tpu.memory_space<hbm>>) dst(%arg11 : memref<128xi32, #tpu.memory_space<vmem>>)
        tpu.yield
      }) : () -> ()
      %dma_start3A = arith.constant 0 : i32
      %dma_start3A_89 = arith.constant 0 : i32
      %dma_start3A_90 = tpu.memref_slice %arg2[%dma_start3A, %dma_start3A_89] : memref<10240x128xf32, #tpu.memory_space<hbm>> -> memref<10240x128xf32, #tpu.memory_space<hbm>>
      tpu.enqueue_indirect_dma source(%dma_start3A_90 : memref<10240x128xf32, #tpu.memory_space<hbm>>) target(%arg12 : memref<128x128xf32, #tpu.memory_space<vmem>>) offsets(%arg9 : memref<128xi32, #tpu.memory_space<vmem>>) semaphore(%arg17 : memref<!tpu.dma_semaphore, #tpu.memory_space<semaphore_mem>>)
      %dma_start3A_91 = arith.constant 0 : i32
      %dma_start3A_92 = arith.constant 0 : i32
      %dma_start3A_93 = tpu.memref_slice %arg2[%dma_start3A_91, %dma_start3A_92] : memref<10240x128xf32, #tpu.memory_space<hbm>> -> memref<10240x128xf32, #tpu.memory_space<hbm>>
      tpu.enqueue_indirect_dma source(%dma_start3A_93 : memref<10240x128xf32, #tpu.memory_space<hbm>>) target(%arg13 : memref<128x128xf32, #tpu.memory_space<vmem>>) offsets(%arg10 : memref<128xi32, #tpu.memory_space<vmem>>) semaphore(%arg18 : memref<!tpu.dma_semaphore, #tpu.memory_space<semaphore_mem>>)
      %dma_wait3A = arith.constant 0 : i32
      %dma_wait3A_94 = arith.constant 0 : i32
      %dma_wait3A_95 = tpu.memref_slice %arg2[%dma_wait3A, %dma_wait3A_94] : memref<10240x128xf32, #tpu.memory_space<hbm>> -> memref<10240x128xf32, #tpu.memory_space<hbm>>
      tpu.wait_indirect_dma semaphore(%arg17 : memref<!tpu.dma_semaphore, #tpu.memory_space<semaphore_mem>>) src(%dma_wait3A_95 : memref<10240x128xf32, #tpu.memory_space<hbm>>) dst(%arg12 : memref<128x128xf32, #tpu.memory_space<vmem>>)
      %dma_wait3A_96 = arith.constant 0 : i32
      %dma_wait3A_97 = arith.constant 0 : i32
      %dma_wait3A_98 = tpu.memref_slice %arg2[%dma_wait3A_96, %dma_wait3A_97] : memref<10240x128xf32, #tpu.memory_space<hbm>> -> memref<10240x128xf32, #tpu.memory_space<hbm>>
      tpu.wait_indirect_dma semaphore(%arg18 : memref<!tpu.dma_semaphore, #tpu.memory_space<semaphore_mem>>) src(%dma_wait3A_98 : memref<10240x128xf32, #tpu.memory_space<hbm>>) dst(%arg13 : memref<128x128xf32, #tpu.memory_space<vmem>>)
      %scan3A_99 = arith.constant 0 : i32
      %scan3A_100 = arith.constant 0 : i32
      %scan3A_101 = arith.constant 128 : i32
      %scan3A_102 = arith.addi %scan3A_100, %scan3A_101 : i32
      %scan3A_103 = arith.constant 1 : i32
      scf.for %scan3A_105 = %scan3A_100 to %scan3A_102 step %scan3A_103  : i32 {
        %get3A_106 = arith.index_cast %scan3A_105 : i32 to index
        %get3A_107 = arith.constant 0 : index
        %get3A_108 = tpu.vector_load %arg12[%get3A_106, %get3A_107] {strides = array<i32>} : memref<128x128xf32, #tpu.memory_space<vmem>>, vector<16xf32>,
        %get3A_109 = arith.index_cast %scan3A_105 : i32 to index
        %get3A_110 = arith.constant 16 : index
        %get3A_111 = tpu.vector_load %arg12[%get3A_109, %get3A_110] {strides = array<i32>} : memref<128x128xf32, #tpu.memory_space<vmem>>, vector<16xf32>,
        %get3A_112 = arith.index_cast %scan3A_105 : i32 to index
        %get3A_113 = arith.constant 32 : index
        %get3A_114 = tpu.vector_load %arg12[%get3A_112, %get3A_113] {strides = array<i32>} : memref<128x128xf32, #tpu.memory_space<vmem>>, vector<16xf32>,
        %get3A_115 = arith.index_cast %scan3A_105 : i32 to index
        %get3A_116 = arith.constant 48 : index
        %get3A_117 = tpu.vector_load %arg12[%get3A_115, %get3A_116] {strides = array<i32>} : memref<128x128xf32, #tpu.memory_space<vmem>>, vector<16xf32>,
        %get3A_118 = arith.index_cast %scan3A_105 : i32 to index
        %get3A_119 = arith.constant 64 : index
        %get3A_120 = tpu.vector_load %arg13[%get3A_118, %get3A_119] {strides = array<i32>} : memref<128x128xf32, #tpu.memory_space<vmem>>, vector<16xf32>,
        %get3A_121 = arith.index_cast %scan3A_105 : i32 to index
        %get3A_122 = arith.constant 80 : index
        %get3A_123 = tpu.vector_load %arg13[%get3A_121, %get3A_122] {strides = array<i32>} : memref<128x128xf32, #tpu.memory_space<vmem>>, vector<16xf32>,
        %get3A_124 = arith.index_cast %scan3A_105 : i32 to index
        %get3A_125 = arith.constant 96 : index
        %get3A_126 = tpu.vector_load %arg13[%get3A_124, %get3A_125] {strides = array<i32>} : memref<128x128xf32, #tpu.memory_space<vmem>>, vector<16xf32>,
        %get3A_127 = arith.index_cast %scan3A_105 : i32 to index
        %get3A_128 = arith.constant 112 : index
        %get3A_129 = tpu.vector_load %arg13[%get3A_127, %get3A_128] {strides = array<i32>} : memref<128x128xf32, #tpu.memory_space<vmem>>, vector<16xf32>,
        %add3A_130 = arith.addf %get3A_108, %get3A_120 : vector<16xf32>
        %mul3A_131 = arith.constant 2.000000e-01 : f32
        %mul3A_132 = vector.broadcast %mul3A_131 : f32 to vector<16xf32>
        %mul3A_133 = arith.mulf %mul3A_132, %add3A_130 : vector<16xf32>
        %max3A = arith.maximumf %add3A_130, %mul3A_133 : vector<16xf32>
        %mul3A_134 = arith.mulf %max3A, %get3A_7 : vector<16xf32>
        %add3A_135 = arith.addf %get3A_111, %get3A_123 : vector<16xf32>
        %mul3A_136 = arith.constant 2.000000e-01 : f32
        %mul3A_137 = vector.broadcast %mul3A_136 : f32 to vector<16xf32>
        %mul3A_138 = arith.mulf %mul3A_137, %add3A_135 : vector<16xf32>
        %max3A_139 = arith.maximumf %add3A_135, %mul3A_138 : vector<16xf32>
        %mul3A_140 = arith.mulf %max3A_139, %get3A_9 : vector<16xf32>
        %add3A_141 = arith.addf %get3A_114, %get3A_126 : vector<16xf32>
        %mul3A_142 = arith.constant 2.000000e-01 : f32
        %mul3A_143 = vector.broadcast %mul3A_142 : f32 to vector<16xf32>
        %mul3A_144 = arith.mulf %mul3A_143, %add3A_141 : vector<16xf32>
        %max3A_145 = arith.maximumf %add3A_141, %mul3A_144 : vector<16xf32>
        %mul3A_146 = arith.mulf %max3A_145, %get3A_11 : vector<16xf32>
        %add3A_147 = arith.addf %get3A_117, %get3A_129 : vector<16xf32>
        %mul3A_148 = arith.constant 2.000000e-01 : f32
        %mul3A_149 = vector.broadcast %mul3A_148 : f32 to vector<16xf32>
        %mul3A_150 = arith.mulf %mul3A_149, %add3A_147 : vector<16xf32>
        %max3A_151 = arith.maximumf %add3A_147, %mul3A_150 : vector<16xf32>
        %mul3A_152 = arith.mulf %max3A_151, %get3A_13 : vector<16xf32>
        %add3A_153 = arith.addf %mul3A_134, %mul3A_140 : vector<16xf32>
        %add3A_154 = arith.addf %mul3A_146, %mul3A_152 : vector<16xf32>
        %add3A_155 = arith.addf %add3A_153, %add3A_154 : vector<16xf32>
        %reduce_sum3A = arith.constant true
        %reduce_sum3A_156 = vector.broadcast %reduce_sum3A : i1 to vector<16xi1>
        %reduce_sum3A_157 = tpu.scan <sum>, %add3A_155 masked %reduce_sum3A_156 : vector<16xf32>, vector<16xi1> -> vector<16xf32>
        %reduce_sum3A_158 = vector.extract %reduce_sum3A_157[15] : f32 from vector<16xf32>
        %broadcast_in_dim3A_159 = vector.broadcast %reduce_sum3A_158 : f32 to vector<16xf32>
        %exp3A = math.exp %broadcast_in_dim3A_159 : vector<16xf32>
        %mul3A_160 = arith.mulf %get3A_108, %exp3A : vector<16xf32>
        %swap3A = arith.index_cast %scan3A_105 : i32 to index
        %swap3A_161 = arith.constant 0 : index
        %swap3A_162 = tpu.vector_load %arg14[%swap3A, %swap3A_161] {strides = array<i32>} : memref<128x128xf32, #tpu.memory_space<vmem>>, vector<16xf32>,
        tpu.vector_store %arg14[%swap3A, %swap3A_161], %mul3A_160 {strides = array<i32>} : memref<128x128xf32, #tpu.memory_space<vmem>>, vector<16xf32>,
        %mul3A_163 = arith.mulf %get3A_111, %exp3A : vector<16xf32>
        %swap3A_164 = arith.index_cast %scan3A_105 : i32 to index
        %swap3A_165 = arith.constant 16 : index
        %swap3A_166 = tpu.vector_load %arg14[%swap3A_164, %swap3A_165] {strides = array<i32>} : memref<128x128xf32, #tpu.memory_space<vmem>>, vector<16xf32>,
        tpu.vector_store %arg14[%swap3A_164, %swap3A_165], %mul3A_163 {strides = array<i32>} : memref<128x128xf32, #tpu.memory_space<vmem>>, vector<16xf32>,
        %mul3A_167 = arith.mulf %get3A_114, %exp3A : vector<16xf32>
        %swap3A_168 = arith.index_cast %scan3A_105 : i32 to index
        %swap3A_169 = arith.constant 32 : index
        %swap3A_170 = tpu.vector_load %arg14[%swap3A_168, %swap3A_169] {strides = array<i32>} : memref<128x128xf32, #tpu.memory_space<vmem>>, vector<16xf32>,
        tpu.vector_store %arg14[%swap3A_168, %swap3A_169], %mul3A_167 {strides = array<i32>} : memref<128x128xf32, #tpu.memory_space<vmem>>, vector<16xf32>,
        %mul3A_171 = arith.mulf %get3A_117, %exp3A : vector<16xf32>
        %swap3A_172 = arith.index_cast %scan3A_105 : i32 to index
        %swap3A_173 = arith.constant 48 : index
        %swap3A_174 = tpu.vector_load %arg14[%swap3A_172, %swap3A_173] {strides = array<i32>} : memref<128x128xf32, #tpu.memory_space<vmem>>, vector<16xf32>,
        tpu.vector_store %arg14[%swap3A_172, %swap3A_173], %mul3A_171 {strides = array<i32>} : memref<128x128xf32, #tpu.memory_space<vmem>>, vector<16xf32>,
        %eq3A = arith.constant 0 : i32
        %eq3A_175 = vector.broadcast %eq3A : i32 to vector<16xi32>
        %eq3A_176 = arith.cmpi eq, %iota3A, %eq3A_175 : vector<16xi32>
        %jit3A = arith.constant 0.000000e+00 : f32
        %broadcast_in_dim3A_177 = vector.broadcast %jit3A : f32 to vector<16xf32>
        %select_n3A = arith.select %eq3A_176, %exp3A, %broadcast_in_dim3A_177 : vector<16xi1>, vector<16xf32>
        %swap3A_178 = arith.index_cast %scan3A_105 : i32 to index
        %swap3A_179 = arith.constant 64 : index
        %swap3A_180 = tpu.vector_load %arg14[%swap3A_178, %swap3A_179] {strides = array<i32>} : memref<128x128xf32, #tpu.memory_space<vmem>>, vector<16xf32>,
        tpu.vector_store %arg14[%swap3A_178, %swap3A_179], %select_n3A {strides = array<i32>} : memref<128x128xf32, #tpu.memory_space<vmem>>, vector<16xf32>,
      }
      %scan3A_104 = arith.constant 128 : i32
      "tpu.region"() ({
        %run_scoped3A = tpu.sem_alloc : memref<!tpu.dma_semaphore, #tpu.memory_space<semaphore_mem>>
        %dma_start3A_105 = arith.constant 0 : i32
        %dma_start3A_106 = arith.constant 0 : i32
        %dma_start3A_107 = tpu.memref_slice %arg16[%dma_start3A_105, %dma_start3A_106] : memref<5128x128xf32, #tpu.memory_space<vmem_shared>> -> memref<5128x128xf32, #tpu.memory_space<vmem_shared>>
        tpu.enqueue_indirect_dma source(%arg14 : memref<128x128xf32, #tpu.memory_space<vmem>>) target(%dma_start3A_107 : memref<5128x128xf32, #tpu.memory_space<vmem_shared>>) offsets(%arg11 : memref<128xi32, #tpu.memory_space<vmem>>) semaphore(%run_scoped3A : memref<!tpu.dma_semaphore, #tpu.memory_space<semaphore_mem>>) {add = true}
        %dma_wait3A_108 = arith.constant 0 : i32
        %dma_wait3A_109 = arith.constant 0 : i32
        %dma_wait3A_110 = tpu.memref_slice %arg16[%dma_wait3A_108, %dma_wait3A_109] : memref<5128x128xf32, #tpu.memory_space<vmem_shared>> -> memref<5128x128xf32, #tpu.memory_space<vmem_shared>>
        tpu.wait_indirect_dma semaphore(%run_scoped3A : memref<!tpu.dma_semaphore, #tpu.memory_space<semaphore_mem>>) src(%arg14 : memref<128x128xf32, #tpu.memory_space<vmem>>) dst(%dma_wait3A_110 : memref<5128x128xf32, #tpu.memory_space<vmem_shared>>)
        tpu.yield
      }) : () -> ()
    }
    %scan3A_66 = arith.constant 79 : i32
    %barrier3A_67 = arith.constant 0 : index
    tpu.barrier barrier_id(%barrier3A_67)
    %mul3A_68 = arith.constant 10240 : i32
    %mul3A_69 = arith.muli %arg0, %mul3A_68 : i32
    %add3A_70 = arith.constant 5120 : i32
    %add3A_71 = arith.addi %mul3A_69, %add3A_70 : i32
    %add3A_72 = arith.addi %add3A_71, %mul3A_6 : i32
    %add3A_73 = arith.constant 0 : i32
    %add3A_74 = arith.addi %mul3A_6, %add3A_73 : i32
    %add3A_75 = arith.constant 0 : i32
    %add3A_76 = arith.addi %add3A_72, %add3A_75 : i32
    "tpu.region"() ({
      %run_scoped3A = tpu.sem_alloc : memref<!tpu.dma_semaphore, #tpu.memory_space<semaphore_mem>>
      %dma_start3A = arith.constant 0 : i32
      %dma_start3A_85 = tpu.memref_slice %arg8[%add3A_76, %dma_start3A] : memref<20480x128xf32, #tpu.memory_space<hbm>> -> memref<128x128xf32, #tpu.memory_space<hbm>>
      %dma_start3A_86 = arith.constant 0 : i32
      %dma_start3A_87 = tpu.memref_slice %arg16[%add3A_74, %dma_start3A_86] : memref<5128x128xf32, #tpu.memory_space<vmem_shared>> -> memref<128x128xf32, #tpu.memory_space<vmem_shared>>
      tpu.enqueue_dma source(%dma_start3A_87 : memref<128x128xf32, #tpu.memory_space<vmem_shared>>) target(%dma_start3A_85 : memref<128x128xf32, #tpu.memory_space<hbm>>) target_semaphore(%run_scoped3A : memref<!tpu.dma_semaphore, #tpu.memory_space<semaphore_mem>>)
      %dma_wait3A = arith.constant 0 : i32
      %dma_wait3A_88 = tpu.memref_slice %arg8[%add3A_76, %dma_wait3A] : memref<20480x128xf32, #tpu.memory_space<hbm>> -> memref<128x128xf32, #tpu.memory_space<hbm>>
      %dma_wait3A_89 = arith.constant 0 : i32
      %dma_wait3A_90 = tpu.memref_slice %arg16[%add3A_74, %dma_wait3A_89] : memref<5128x128xf32, #tpu.memory_space<vmem_shared>> -> memref<128x128xf32, #tpu.memory_space<vmem_shared>>
      tpu.wait_dma2 semaphore(%run_scoped3A : memref<!tpu.dma_semaphore, #tpu.memory_space<semaphore_mem>>) src(%dma_wait3A_90 : memref<128x128xf32, #tpu.memory_space<vmem_shared>>) dst(%dma_wait3A_88 : memref<128x128xf32, #tpu.memory_space<hbm>>)
      tpu.yield
    }) : () -> ()
    %add3A_77 = arith.constant 128 : i32
    %add3A_78 = arith.addi %mul3A_6, %add3A_77 : i32
    %add3A_79 = arith.constant 128 : i32
    %add3A_80 = arith.addi %add3A_72, %add3A_79 : i32
    "tpu.region"() ({
      %run_scoped3A = tpu.sem_alloc : memref<!tpu.dma_semaphore, #tpu.memory_space<semaphore_mem>>
      %dma_start3A = arith.constant 0 : i32
      %dma_start3A_85 = tpu.memref_slice %arg8[%add3A_80, %dma_start3A] : memref<20480x128xf32, #tpu.memory_space<hbm>> -> memref<128x128xf32, #tpu.memory_space<hbm>>
      %dma_start3A_86 = arith.constant 0 : i32
      %dma_start3A_87 = tpu.memref_slice %arg16[%add3A_78, %dma_start3A_86] : memref<5128x128xf32, #tpu.memory_space<vmem_shared>> -> memref<128x128xf32, #tpu.memory_space<vmem_shared>>
      tpu.enqueue_dma source(%dma_start3A_87 : memref<128x128xf32, #tpu.memory_space<vmem_shared>>) target(%dma_start3A_85 : memref<128x128xf32, #tpu.memory_space<hbm>>) target_semaphore(%run_scoped3A : memref<!tpu.dma_semaphore, #tpu.memory_space<semaphore_mem>>)
      %dma_wait3A = arith.constant 0 : i32
      %dma_wait3A_88 = tpu.memref_slice %arg8[%add3A_80, %dma_wait3A] : memref<20480x128xf32, #tpu.memory_space<hbm>> -> memref<128x128xf32, #tpu.memory_space<hbm>>
      %dma_wait3A_89 = arith.constant 0 : i32
      %dma_wait3A_90 = tpu.memref_slice %arg16[%add3A_78, %dma_wait3A_89] : memref<5128x128xf32, #tpu.memory_space<vmem_shared>> -> memref<128x128xf32, #tpu.memory_space<vmem_shared>>
      tpu.wait_dma2 semaphore(%run_scoped3A : memref<!tpu.dma_semaphore, #tpu.memory_space<semaphore_mem>>) src(%dma_wait3A_90 : memref<128x128xf32, #tpu.memory_space<vmem_shared>>) dst(%dma_wait3A_88 : memref<128x128xf32, #tpu.memory_space<hbm>>)
      tpu.yield
    }) : () -> ()
    %add3A_81 = arith.constant 256 : i32
    %add3A_82 = arith.addi %mul3A_6, %add3A_81 : i32
    %add3A_83 = arith.constant 256 : i32
    %add3A_84 = arith.addi %add3A_72, %add3A_83 : i32
    "tpu.region"() ({
      %run_scoped3A = tpu.sem_alloc : memref<!tpu.dma_semaphore, #tpu.memory_space<semaphore_mem>>
      %dma_start3A = arith.constant 0 : i32
      %dma_start3A_85 = tpu.memref_slice %arg8[%add3A_84, %dma_start3A] : memref<20480x128xf32, #tpu.memory_space<hbm>> -> memref<64x128xf32, #tpu.memory_space<hbm>>
      %dma_start3A_86 = arith.constant 0 : i32
      %dma_start3A_87 = tpu.memref_slice %arg16[%add3A_82, %dma_start3A_86] : memref<5128x128xf32, #tpu.memory_space<vmem_shared>> -> memref<64x128xf32, #tpu.memory_space<vmem_shared>>
      tpu.enqueue_dma source(%dma_start3A_87 : memref<64x128xf32, #tpu.memory_space<vmem_shared>>) target(%dma_start3A_85 : memref<64x128xf32, #tpu.memory_space<hbm>>) target_semaphore(%run_scoped3A : memref<!tpu.dma_semaphore, #tpu.memory_space<semaphore_mem>>)
      %dma_wait3A = arith.constant 0 : i32
      %dma_wait3A_88 = tpu.memref_slice %arg8[%add3A_84, %dma_wait3A] : memref<20480x128xf32, #tpu.memory_space<hbm>> -> memref<64x128xf32, #tpu.memory_space<hbm>>
      %dma_wait3A_89 = arith.constant 0 : i32
      %dma_wait3A_90 = tpu.memref_slice %arg16[%add3A_82, %dma_wait3A_89] : memref<5128x128xf32, #tpu.memory_space<vmem_shared>> -> memref<64x128xf32, #tpu.memory_space<vmem_shared>>
      tpu.wait_dma2 semaphore(%run_scoped3A : memref<!tpu.dma_semaphore, #tpu.memory_space<semaphore_mem>>) src(%dma_wait3A_90 : memref<64x128xf32, #tpu.memory_space<vmem_shared>>) dst(%dma_wait3A_88 : memref<64x128xf32, #tpu.memory_space<hbm>>)
      tpu.yield
    }) : () -> ()
    return
  }
}

#map = affine_map<(d0, d1) -> (0, 0)>
#map1 = affine_map<(d0, d1) -> (0)>
module attributes {stable_mosaic.version = 14 : i64} {
  func.func @_l1_body(%arg0: i32, %arg1: i32, %arg2: memref<20480x128xf32, #tpu.memory_space<hbm>>, %arg3: memref<20480x128xf32, #tpu.memory_space<hbm>>, %arg4: memref<2x128xf32, #tpu.memory_space<hbm>>, %arg5: memref<647168xi32, #tpu.memory_space<hbm>>, %arg6: memref<647168xi32, #tpu.memory_space<hbm>>, %arg7: memref<323584xi32, #tpu.memory_space<hbm>>, %arg8: memref<323584xi32, #tpu.memory_space<hbm>>, %arg9: memref<323584xi32, #tpu.memory_space<hbm>>, %arg10: memref<20480x128xf32, #tpu.memory_space<hbm>>, %arg11: memref<32x20480xf32, #tpu.memory_space<hbm>>, %arg12: memref<128xi32, #tpu.memory_space<vmem>>, %arg13: memref<128xi32, #tpu.memory_space<vmem>>, %arg14: memref<128xi32, #tpu.memory_space<vmem>>, %arg15: memref<128xi32, #tpu.memory_space<vmem>>, %arg16: memref<128x128xf32, #tpu.memory_space<vmem>>, %arg17: memref<128x128xf32, #tpu.memory_space<vmem>>, %arg18: memref<128x128xf32, #tpu.memory_space<vmem>>, %arg19: memref<128xf32, #tpu.memory_space<vmem>>, %arg20: memref<20480xf32, #tpu.memory_space<vmem>>, %arg21: memref<5128x128xf32, #tpu.memory_space<vmem_shared>>, %arg22: memref<!tpu.dma_semaphore, #tpu.memory_space<semaphore_mem>>, %arg23: memref<!tpu.dma_semaphore, #tpu.memory_space<semaphore_mem>>) attributes {dimension_semantics = [#tpu.dimension_semantics<core_parallel>, #tpu.dimension_semantics<subcore_parallel>], iteration_bounds = array<i64: 2, 16>, scalar_prefetch = 0 : i64, scratch_operands = 12 : i64, tpu.core_type = #tpu.core_type<sc_vector_subcore>, window_params = [{transform_indices = #map}, {transform_indices = #map}, {transform_indices = #map}, {transform_indices = #map1}, {transform_indices = #map1}, {transform_indices = #map1}, {transform_indices = #map1}, {transform_indices = #map1}, {transform_indices = #map}, {transform_indices = #map}]} {
    %broadcast_in_dim3A = arith.constant 0.000000e+00 : f32
    %broadcast_in_dim3A_0 = vector.broadcast %broadcast_in_dim3A : f32 to vector<16xf32>
    %iota3A = tpu.iota {dimensions = array<i32: 0>} : vector<16xi32>
    %scan3A = arith.constant 0 : i32
    %scan3A_1 = arith.constant 0 : i32
    %scan3A_2 = arith.constant 128 : i32
    %scan3A_3 = arith.addi %scan3A_1, %scan3A_2 : i32
    %scan3A_4 = arith.constant 1 : i32
    scf.for %scan3A_104 = %scan3A_1 to %scan3A_3 step %scan3A_4  : i32 {
      %swap3A = arith.index_cast %scan3A_104 : i32 to index
      %swap3A_105 = arith.constant 0 : index
      %swap3A_106 = tpu.vector_load %arg18[%swap3A, %swap3A_105] {strides = array<i32>} : memref<128x128xf32, #tpu.memory_space<vmem>>, vector<16xf32>,
      tpu.vector_store %arg18[%swap3A, %swap3A_105], %broadcast_in_dim3A_0 {strides = array<i32>} : memref<128x128xf32, #tpu.memory_space<vmem>>, vector<16xf32>,
      %swap3A_107 = arith.index_cast %scan3A_104 : i32 to index
      %swap3A_108 = arith.constant 16 : index
      %swap3A_109 = tpu.vector_load %arg18[%swap3A_107, %swap3A_108] {strides = array<i32>} : memref<128x128xf32, #tpu.memory_space<vmem>>, vector<16xf32>,
      tpu.vector_store %arg18[%swap3A_107, %swap3A_108], %broadcast_in_dim3A_0 {strides = array<i32>} : memref<128x128xf32, #tpu.memory_space<vmem>>, vector<16xf32>,
      %swap3A_110 = arith.index_cast %scan3A_104 : i32 to index
      %swap3A_111 = arith.constant 32 : index
      %swap3A_112 = tpu.vector_load %arg18[%swap3A_110, %swap3A_111] {strides = array<i32>} : memref<128x128xf32, #tpu.memory_space<vmem>>, vector<16xf32>,
      tpu.vector_store %arg18[%swap3A_110, %swap3A_111], %broadcast_in_dim3A_0 {strides = array<i32>} : memref<128x128xf32, #tpu.memory_space<vmem>>, vector<16xf32>,
      %swap3A_113 = arith.index_cast %scan3A_104 : i32 to index
      %swap3A_114 = arith.constant 48 : index
      %swap3A_115 = tpu.vector_load %arg18[%swap3A_113, %swap3A_114] {strides = array<i32>} : memref<128x128xf32, #tpu.memory_space<vmem>>, vector<16xf32>,
      tpu.vector_store %arg18[%swap3A_113, %swap3A_114], %broadcast_in_dim3A_0 {strides = array<i32>} : memref<128x128xf32, #tpu.memory_space<vmem>>, vector<16xf32>,
      %swap3A_116 = arith.index_cast %scan3A_104 : i32 to index
      %swap3A_117 = arith.constant 64 : index
      %swap3A_118 = tpu.vector_load %arg18[%swap3A_116, %swap3A_117] {strides = array<i32>} : memref<128x128xf32, #tpu.memory_space<vmem>>, vector<16xf32>,
      tpu.vector_store %arg18[%swap3A_116, %swap3A_117], %broadcast_in_dim3A_0 {strides = array<i32>} : memref<128x128xf32, #tpu.memory_space<vmem>>, vector<16xf32>,
      %swap3A_119 = arith.index_cast %scan3A_104 : i32 to index
      %swap3A_120 = arith.constant 80 : index
      %swap3A_121 = tpu.vector_load %arg18[%swap3A_119, %swap3A_120] {strides = array<i32>} : memref<128x128xf32, #tpu.memory_space<vmem>>, vector<16xf32>,
      tpu.vector_store %arg18[%swap3A_119, %swap3A_120], %broadcast_in_dim3A_0 {strides = array<i32>} : memref<128x128xf32, #tpu.memory_space<vmem>>, vector<16xf32>,
      %swap3A_122 = arith.index_cast %scan3A_104 : i32 to index
      %swap3A_123 = arith.constant 96 : index
      %swap3A_124 = tpu.vector_load %arg18[%swap3A_122, %swap3A_123] {strides = array<i32>} : memref<128x128xf32, #tpu.memory_space<vmem>>, vector<16xf32>,
      tpu.vector_store %arg18[%swap3A_122, %swap3A_123], %broadcast_in_dim3A_0 {strides = array<i32>} : memref<128x128xf32, #tpu.memory_space<vmem>>, vector<16xf32>,
      %swap3A_125 = arith.index_cast %scan3A_104 : i32 to index
      %swap3A_126 = arith.constant 112 : index
      %swap3A_127 = tpu.vector_load %arg18[%swap3A_125, %swap3A_126] {strides = array<i32>} : memref<128x128xf32, #tpu.memory_space<vmem>>, vector<16xf32>,
      tpu.vector_store %arg18[%swap3A_125, %swap3A_126], %broadcast_in_dim3A_0 {strides = array<i32>} : memref<128x128xf32, #tpu.memory_space<vmem>>, vector<16xf32>,
    }
    %scan3A_5 = arith.constant 128 : i32
    %scan3A_6 = arith.constant 0 : i32
    %scan3A_7 = arith.constant 0 : i32
    %scan3A_8 = arith.constant 1280 : i32
    %scan3A_9 = arith.addi %scan3A_7, %scan3A_8 : i32
    %scan3A_10 = arith.constant 1 : i32
    scf.for %scan3A_104 = %scan3A_7 to %scan3A_9 step %scan3A_10  : i32 {
      %mul3A_105 = arith.constant 16 : i32
      %mul3A_106 = arith.muli %mul3A_105, %scan3A_104 : i32
      %swap3A = arith.index_cast %mul3A_106 : i32 to index
      %swap3A_107 = tpu.vector_load %arg20[%swap3A] {strides = array<i32>} : memref<20480xf32, #tpu.memory_space<vmem>>, vector<16xf32>,
      tpu.vector_store %arg20[%swap3A], %broadcast_in_dim3A_0 {strides = array<i32>} : memref<20480xf32, #tpu.memory_space<vmem>>, vector<16xf32>,
    }
    %scan3A_11 = arith.constant 1280 : i32
    %mul3A = arith.constant 320 : i32
    %mul3A_12 = arith.muli %arg1, %mul3A : i32
    "tpu.region"() ({
      %run_scoped3A = tpu.sem_alloc : memref<!tpu.dma_semaphore, #tpu.memory_space<semaphore_mem>>
      %dma_start3A = arith.constant 0 : i32
      %dma_start3A_104 = tpu.memref_slice %arg4[%arg0, %dma_start3A] : memref<2x128xf32, #tpu.memory_space<hbm>> -> memref<1x128xf32, #tpu.memory_space<hbm>>
      %dma_start3A_105 = tpu.memref_squeeze %dma_start3A_104 : memref<1x128xf32, #tpu.memory_space<hbm>> -> memref<128xf32, #tpu.memory_space<hbm>>
      %dma_start3A_106 = arith.constant 0 : i32
      %dma_start3A_107 = tpu.memref_slice %arg4[%arg0, %dma_start3A_106] : memref<2x128xf32, #tpu.memory_space<hbm>> -> memref<1x128xf32, #tpu.memory_space<hbm>>
      %dma_start3A_108 = tpu.memref_squeeze %dma_start3A_107 : memref<1x128xf32, #tpu.memory_space<hbm>> -> memref<128xf32, #tpu.memory_space<hbm>>
      tpu.enqueue_dma source(%dma_start3A_108 : memref<128xf32, #tpu.memory_space<hbm>>) target(%arg19 : memref<128xf32, #tpu.memory_space<vmem>>) target_semaphore(%run_scoped3A : memref<!tpu.dma_semaphore, #tpu.memory_space<semaphore_mem>>)
      %dma_wait3A = arith.constant 0 : i32
      %dma_wait3A_109 = tpu.memref_slice %arg4[%arg0, %dma_wait3A] : memref<2x128xf32, #tpu.memory_space<hbm>> -> memref<1x128xf32, #tpu.memory_space<hbm>>
      %dma_wait3A_110 = tpu.memref_squeeze %dma_wait3A_109 : memref<1x128xf32, #tpu.memory_space<hbm>> -> memref<128xf32, #tpu.memory_space<hbm>>
      %dma_wait3A_111 = arith.constant 0 : i32
      %dma_wait3A_112 = tpu.memref_slice %arg4[%arg0, %dma_wait3A_111] : memref<2x128xf32, #tpu.memory_space<hbm>> -> memref<1x128xf32, #tpu.memory_space<hbm>>
      %dma_wait3A_113 = tpu.memref_squeeze %dma_wait3A_112 : memref<1x128xf32, #tpu.memory_space<hbm>> -> memref<128xf32, #tpu.memory_space<hbm>>
      tpu.wait_dma2 semaphore(%run_scoped3A : memref<!tpu.dma_semaphore, #tpu.memory_space<semaphore_mem>>) src(%dma_wait3A_113 : memref<128xf32, #tpu.memory_space<hbm>>) dst(%arg19 : memref<128xf32, #tpu.memory_space<vmem>>)
      tpu.yield
    }) : () -> ()
    %get3A = arith.constant 0 : index
    %get3A_13 = tpu.vector_load %arg19[%get3A] {strides = array<i32>} : memref<128xf32, #tpu.memory_space<vmem>>, vector<16xf32>,
    %get3A_14 = arith.constant 16 : index
    %get3A_15 = tpu.vector_load %arg19[%get3A_14] {strides = array<i32>} : memref<128xf32, #tpu.memory_space<vmem>>, vector<16xf32>,
    %get3A_16 = arith.constant 32 : index
    %get3A_17 = tpu.vector_load %arg19[%get3A_16] {strides = array<i32>} : memref<128xf32, #tpu.memory_space<vmem>>, vector<16xf32>,
    %get3A_18 = arith.constant 48 : index
    %get3A_19 = tpu.vector_load %arg19[%get3A_18] {strides = array<i32>} : memref<128xf32, #tpu.memory_space<vmem>>, vector<16xf32>,
    %get3A_20 = arith.constant 64 : index
    %get3A_21 = tpu.vector_load %arg19[%get3A_20] {strides = array<i32>} : memref<128xf32, #tpu.memory_space<vmem>>, vector<16xf32>,
    %get3A_22 = arith.constant 80 : index
    %get3A_23 = tpu.vector_load %arg19[%get3A_22] {strides = array<i32>} : memref<128xf32, #tpu.memory_space<vmem>>, vector<16xf32>,
    %get3A_24 = arith.constant 96 : index
    %get3A_25 = tpu.vector_load %arg19[%get3A_24] {strides = array<i32>} : memref<128xf32, #tpu.memory_space<vmem>>, vector<16xf32>,
    %get3A_26 = arith.constant 112 : index
    %get3A_27 = tpu.vector_load %arg19[%get3A_26] {strides = array<i32>} : memref<128xf32, #tpu.memory_space<vmem>>, vector<16xf32>,
    %mul3A_28 = arith.constant 323584 : i32
    %mul3A_29 = arith.muli %arg0, %mul3A_28 : i32
    %mul3A_30 = arith.constant 20224 : i32
    %mul3A_31 = arith.muli %arg1, %mul3A_30 : i32
    %add3A = arith.addi %mul3A_29, %mul3A_31 : i32
    %mul3A_32 = arith.constant 20224 : i32
    %mul3A_33 = arith.muli %arg1, %mul3A_32 : i32
    %add3A_34 = arith.constant 0 : i32
    %add3A_35 = arith.addi %mul3A_12, %add3A_34 : i32
    "tpu.region"() ({
      %run_scoped3A = tpu.sem_alloc : memref<!tpu.dma_semaphore, #tpu.memory_space<semaphore_mem>>
      %dma_start3A = arith.constant 0 : i32
      %dma_start3A_104 = tpu.memref_slice %arg21[%add3A_35, %dma_start3A] : memref<5128x128xf32, #tpu.memory_space<vmem_shared>> -> memref<128x128xf32, #tpu.memory_space<vmem_shared>>
      %dma_start3A_105 = arith.constant 0 : i32
      %dma_start3A_106 = tpu.memref_slice %arg21[%add3A_35, %dma_start3A_105] : memref<5128x128xf32, #tpu.memory_space<vmem_shared>> -> memref<128x128xf32, #tpu.memory_space<vmem_shared>>
      tpu.enqueue_dma source(%arg18 : memref<128x128xf32, #tpu.memory_space<vmem>>) target(%dma_start3A_106 : memref<128x128xf32, #tpu.memory_space<vmem_shared>>) target_semaphore(%run_scoped3A : memref<!tpu.dma_semaphore, #tpu.memory_space<semaphore_mem>>)
      %dma_wait3A = arith.constant 0 : i32
      %dma_wait3A_107 = tpu.memref_slice %arg21[%add3A_35, %dma_wait3A] : memref<5128x128xf32, #tpu.memory_space<vmem_shared>> -> memref<128x128xf32, #tpu.memory_space<vmem_shared>>
      %dma_wait3A_108 = arith.constant 0 : i32
      %dma_wait3A_109 = tpu.memref_slice %arg21[%add3A_35, %dma_wait3A_108] : memref<5128x128xf32, #tpu.memory_space<vmem_shared>> -> memref<128x128xf32, #tpu.memory_space<vmem_shared>>
      tpu.wait_dma2 semaphore(%run_scoped3A : memref<!tpu.dma_semaphore, #tpu.memory_space<semaphore_mem>>) src(%arg18 : memref<128x128xf32, #tpu.memory_space<vmem>>) dst(%dma_wait3A_109 : memref<128x128xf32, #tpu.memory_space<vmem_shared>>)
      tpu.yield
    }) : () -> ()
    %add3A_36 = arith.constant 128 : i32
    %add3A_37 = arith.addi %mul3A_12, %add3A_36 : i32
    "tpu.region"() ({
      %run_scoped3A = tpu.sem_alloc : memref<!tpu.dma_semaphore, #tpu.memory_space<semaphore_mem>>
      %dma_start3A = arith.constant 0 : i32
      %dma_start3A_104 = tpu.memref_slice %arg21[%add3A_37, %dma_start3A] : memref<5128x128xf32, #tpu.memory_space<vmem_shared>> -> memref<128x128xf32, #tpu.memory_space<vmem_shared>>
      %dma_start3A_105 = arith.constant 0 : i32
      %dma_start3A_106 = tpu.memref_slice %arg21[%add3A_37, %dma_start3A_105] : memref<5128x128xf32, #tpu.memory_space<vmem_shared>> -> memref<128x128xf32, #tpu.memory_space<vmem_shared>>
      tpu.enqueue_dma source(%arg18 : memref<128x128xf32, #tpu.memory_space<vmem>>) target(%dma_start3A_106 : memref<128x128xf32, #tpu.memory_space<vmem_shared>>) target_semaphore(%run_scoped3A : memref<!tpu.dma_semaphore, #tpu.memory_space<semaphore_mem>>)
      %dma_wait3A = arith.constant 0 : i32
      %dma_wait3A_107 = tpu.memref_slice %arg21[%add3A_37, %dma_wait3A] : memref<5128x128xf32, #tpu.memory_space<vmem_shared>> -> memref<128x128xf32, #tpu.memory_space<vmem_shared>>
      %dma_wait3A_108 = arith.constant 0 : i32
      %dma_wait3A_109 = tpu.memref_slice %arg21[%add3A_37, %dma_wait3A_108] : memref<5128x128xf32, #tpu.memory_space<vmem_shared>> -> memref<128x128xf32, #tpu.memory_space<vmem_shared>>
      tpu.wait_dma2 semaphore(%run_scoped3A : memref<!tpu.dma_semaphore, #tpu.memory_space<semaphore_mem>>) src(%arg18 : memref<128x128xf32, #tpu.memory_space<vmem>>) dst(%dma_wait3A_109 : memref<128x128xf32, #tpu.memory_space<vmem_shared>>)
      tpu.yield
    }) : () -> ()
    %add3A_38 = arith.constant 256 : i32
    %add3A_39 = arith.addi %mul3A_12, %add3A_38 : i32
    "tpu.region"() ({
      %run_scoped3A = tpu.sem_alloc : memref<!tpu.dma_semaphore, #tpu.memory_space<semaphore_mem>>
      %dma_start3A = arith.constant 0 : i32
      %dma_start3A_104 = arith.constant 0 : i32
      %dma_start3A_105 = tpu.memref_slice %arg18[%dma_start3A, %dma_start3A_104] : memref<128x128xf32, #tpu.memory_space<vmem>> -> memref<64x128xf32, #tpu.memory_space<vmem>>
      %dma_start3A_106 = arith.constant 0 : i32
      %dma_start3A_107 = tpu.memref_slice %arg21[%add3A_39, %dma_start3A_106] : memref<5128x128xf32, #tpu.memory_space<vmem_shared>> -> memref<64x128xf32, #tpu.memory_space<vmem_shared>>
      %dma_start3A_108 = arith.constant 0 : i32
      %dma_start3A_109 = tpu.memref_slice %arg21[%add3A_39, %dma_start3A_108] : memref<5128x128xf32, #tpu.memory_space<vmem_shared>> -> memref<64x128xf32, #tpu.memory_space<vmem_shared>>
      %dma_start3A_110 = arith.constant 0 : i32
      %dma_start3A_111 = arith.constant 0 : i32
      %dma_start3A_112 = tpu.memref_slice %arg18[%dma_start3A_110, %dma_start3A_111] : memref<128x128xf32, #tpu.memory_space<vmem>> -> memref<64x128xf32, #tpu.memory_space<vmem>>
      tpu.enqueue_dma source(%dma_start3A_112 : memref<64x128xf32, #tpu.memory_space<vmem>>) target(%dma_start3A_109 : memref<64x128xf32, #tpu.memory_space<vmem_shared>>) target_semaphore(%run_scoped3A : memref<!tpu.dma_semaphore, #tpu.memory_space<semaphore_mem>>)
      %dma_wait3A = arith.constant 0 : i32
      %dma_wait3A_113 = arith.constant 0 : i32
      %dma_wait3A_114 = tpu.memref_slice %arg18[%dma_wait3A, %dma_wait3A_113] : memref<128x128xf32, #tpu.memory_space<vmem>> -> memref<64x128xf32, #tpu.memory_space<vmem>>
      %dma_wait3A_115 = arith.constant 0 : i32
      %dma_wait3A_116 = tpu.memref_slice %arg21[%add3A_39, %dma_wait3A_115] : memref<5128x128xf32, #tpu.memory_space<vmem_shared>> -> memref<64x128xf32, #tpu.memory_space<vmem_shared>>
      %dma_wait3A_117 = arith.constant 0 : i32
      %dma_wait3A_118 = tpu.memref_slice %arg21[%add3A_39, %dma_wait3A_117] : memref<5128x128xf32, #tpu.memory_space<vmem_shared>> -> memref<64x128xf32, #tpu.memory_space<vmem_shared>>
      %dma_wait3A_119 = arith.constant 0 : i32
      %dma_wait3A_120 = arith.constant 0 : i32
      %dma_wait3A_121 = tpu.memref_slice %arg18[%dma_wait3A_119, %dma_wait3A_120] : memref<128x128xf32, #tpu.memory_space<vmem>> -> memref<64x128xf32, #tpu.memory_space<vmem>>
      tpu.wait_dma2 semaphore(%run_scoped3A : memref<!tpu.dma_semaphore, #tpu.memory_space<semaphore_mem>>) src(%dma_wait3A_121 : memref<64x128xf32, #tpu.memory_space<vmem>>) dst(%dma_wait3A_118 : memref<64x128xf32, #tpu.memory_space<vmem_shared>>)
      tpu.yield
    }) : () -> ()
    %barrier3A = arith.constant 0 : index
    tpu.barrier barrier_id(%barrier3A)
    %scan3A_40 = arith.constant 0 : i32
    %scan3A_41 = arith.constant 0 : i32
    %scan3A_42 = arith.constant 158 : i32
    %scan3A_43 = arith.addi %scan3A_41, %scan3A_42 : i32
    %scan3A_44 = arith.constant 1 : i32
    scf.for %scan3A_104 = %scan3A_41 to %scan3A_43 step %scan3A_44  : i32 {
      %mul3A_105 = arith.constant 128 : i32
      %mul3A_106 = arith.muli %scan3A_104, %mul3A_105 : i32
      %add3A_107 = arith.addi %add3A, %mul3A_106 : i32
      %mul3A_108 = arith.constant 128 : i32
      %mul3A_109 = arith.muli %scan3A_104, %mul3A_108 : i32
      %add3A_110 = arith.addi %mul3A_33, %mul3A_109 : i32
      "tpu.region"() ({
        %run_scoped3A = tpu.sem_alloc : memref<!tpu.dma_semaphore, #tpu.memory_space<semaphore_mem>>
        %dma_start3A_127 = tpu.memref_slice %arg5[%add3A_107] : memref<647168xi32, #tpu.memory_space<hbm>> -> memref<128xi32, #tpu.memory_space<hbm>>
        %dma_start3A_128 = tpu.memref_slice %arg5[%add3A_107] : memref<647168xi32, #tpu.memory_space<hbm>> -> memref<128xi32, #tpu.memory_space<hbm>>
        tpu.enqueue_dma source(%dma_start3A_128 : memref<128xi32, #tpu.memory_space<hbm>>) target(%arg12 : memref<128xi32, #tpu.memory_space<vmem>>) target_semaphore(%run_scoped3A : memref<!tpu.dma_semaphore, #tpu.memory_space<semaphore_mem>>)
        %dma_wait3A_129 = tpu.memref_slice %arg5[%add3A_107] : memref<647168xi32, #tpu.memory_space<hbm>> -> memref<128xi32, #tpu.memory_space<hbm>>
        %dma_wait3A_130 = tpu.memref_slice %arg5[%add3A_107] : memref<647168xi32, #tpu.memory_space<hbm>> -> memref<128xi32, #tpu.memory_space<hbm>>
        tpu.wait_dma2 semaphore(%run_scoped3A : memref<!tpu.dma_semaphore, #tpu.memory_space<semaphore_mem>>) src(%dma_wait3A_130 : memref<128xi32, #tpu.memory_space<hbm>>) dst(%arg12 : memref<128xi32, #tpu.memory_space<vmem>>)
        tpu.yield
      }) : () -> ()
      "tpu.region"() ({
        %run_scoped3A = tpu.sem_alloc : memref<!tpu.dma_semaphore, #tpu.memory_space<semaphore_mem>>
        %dma_start3A_127 = tpu.memref_slice %arg6[%add3A_107] : memref<647168xi32, #tpu.memory_space<hbm>> -> memref<128xi32, #tpu.memory_space<hbm>>
        %dma_start3A_128 = tpu.memref_slice %arg6[%add3A_107] : memref<647168xi32, #tpu.memory_space<hbm>> -> memref<128xi32, #tpu.memory_space<hbm>>
        tpu.enqueue_dma source(%dma_start3A_128 : memref<128xi32, #tpu.memory_space<hbm>>) target(%arg13 : memref<128xi32, #tpu.memory_space<vmem>>) target_semaphore(%run_scoped3A : memref<!tpu.dma_semaphore, #tpu.memory_space<semaphore_mem>>)
        %dma_wait3A_129 = tpu.memref_slice %arg6[%add3A_107] : memref<647168xi32, #tpu.memory_space<hbm>> -> memref<128xi32, #tpu.memory_space<hbm>>
        %dma_wait3A_130 = tpu.memref_slice %arg6[%add3A_107] : memref<647168xi32, #tpu.memory_space<hbm>> -> memref<128xi32, #tpu.memory_space<hbm>>
        tpu.wait_dma2 semaphore(%run_scoped3A : memref<!tpu.dma_semaphore, #tpu.memory_space<semaphore_mem>>) src(%dma_wait3A_130 : memref<128xi32, #tpu.memory_space<hbm>>) dst(%arg13 : memref<128xi32, #tpu.memory_space<vmem>>)
        tpu.yield
      }) : () -> ()
      "tpu.region"() ({
        %run_scoped3A = tpu.sem_alloc : memref<!tpu.dma_semaphore, #tpu.memory_space<semaphore_mem>>
        %dma_start3A_127 = tpu.memref_slice %arg7[%add3A_110] : memref<323584xi32, #tpu.memory_space<hbm>> -> memref<128xi32, #tpu.memory_space<hbm>>
        %dma_start3A_128 = tpu.memref_slice %arg7[%add3A_110] : memref<323584xi32, #tpu.memory_space<hbm>> -> memref<128xi32, #tpu.memory_space<hbm>>
        tpu.enqueue_dma source(%dma_start3A_128 : memref<128xi32, #tpu.memory_space<hbm>>) target(%arg14 : memref<128xi32, #tpu.memory_space<vmem>>) target_semaphore(%run_scoped3A : memref<!tpu.dma_semaphore, #tpu.memory_space<semaphore_mem>>)
        %dma_wait3A_129 = tpu.memref_slice %arg7[%add3A_110] : memref<323584xi32, #tpu.memory_space<hbm>> -> memref<128xi32, #tpu.memory_space<hbm>>
        %dma_wait3A_130 = tpu.memref_slice %arg7[%add3A_110] : memref<323584xi32, #tpu.memory_space<hbm>> -> memref<128xi32, #tpu.memory_space<hbm>>
        tpu.wait_dma2 semaphore(%run_scoped3A : memref<!tpu.dma_semaphore, #tpu.memory_space<semaphore_mem>>) src(%dma_wait3A_130 : memref<128xi32, #tpu.memory_space<hbm>>) dst(%arg14 : memref<128xi32, #tpu.memory_space<vmem>>)
        tpu.yield
      }) : () -> ()
      "tpu.region"() ({
        %run_scoped3A = tpu.sem_alloc : memref<!tpu.dma_semaphore, #tpu.memory_space<semaphore_mem>>
        %dma_start3A_127 = tpu.memref_slice %arg8[%add3A_110] : memref<323584xi32, #tpu.memory_space<hbm>> -> memref<128xi32, #tpu.memory_space<hbm>>
        %dma_start3A_128 = tpu.memref_slice %arg8[%add3A_110] : memref<323584xi32, #tpu.memory_space<hbm>> -> memref<128xi32, #tpu.memory_space<hbm>>
        tpu.enqueue_dma source(%dma_start3A_128 : memref<128xi32, #tpu.memory_space<hbm>>) target(%arg15 : memref<128xi32, #tpu.memory_space<vmem>>) target_semaphore(%run_scoped3A : memref<!tpu.dma_semaphore, #tpu.memory_space<semaphore_mem>>)
        %dma_wait3A_129 = tpu.memref_slice %arg8[%add3A_110] : memref<323584xi32, #tpu.memory_space<hbm>> -> memref<128xi32, #tpu.memory_space<hbm>>
        %dma_wait3A_130 = tpu.memref_slice %arg8[%add3A_110] : memref<323584xi32, #tpu.memory_space<hbm>> -> memref<128xi32, #tpu.memory_space<hbm>>
        tpu.wait_dma2 semaphore(%run_scoped3A : memref<!tpu.dma_semaphore, #tpu.memory_space<semaphore_mem>>) src(%dma_wait3A_130 : memref<128xi32, #tpu.memory_space<hbm>>) dst(%arg15 : memref<128xi32, #tpu.memory_space<vmem>>)
        tpu.yield
      }) : () -> ()
      %dma_start3A = arith.constant 0 : i32
      %dma_start3A_111 = arith.constant 0 : i32
      %dma_start3A_112 = tpu.memref_slice %arg2[%dma_start3A, %dma_start3A_111] : memref<20480x128xf32, #tpu.memory_space<hbm>> -> memref<20480x128xf32, #tpu.memory_space<hbm>>
      tpu.enqueue_indirect_dma source(%dma_start3A_112 : memref<20480x128xf32, #tpu.memory_space<hbm>>) target(%arg16 : memref<128x128xf32, #tpu.memory_space<vmem>>) offsets(%arg12 : memref<128xi32, #tpu.memory_space<vmem>>) semaphore(%arg22 : memref<!tpu.dma_semaphore, #tpu.memory_space<semaphore_mem>>)
      %dma_start3A_113 = arith.constant 0 : i32
      %dma_start3A_114 = arith.constant 0 : i32
      %dma_start3A_115 = tpu.memref_slice %arg3[%dma_start3A_113, %dma_start3A_114] : memref<20480x128xf32, #tpu.memory_space<hbm>> -> memref<20480x128xf32, #tpu.memory_space<hbm>>
      tpu.enqueue_indirect_dma source(%dma_start3A_115 : memref<20480x128xf32, #tpu.memory_space<hbm>>) target(%arg17 : memref<128x128xf32, #tpu.memory_space<vmem>>) offsets(%arg13 : memref<128xi32, #tpu.memory_space<vmem>>) semaphore(%arg23 : memref<!tpu.dma_semaphore, #tpu.memory_space<semaphore_mem>>)
      %dma_wait3A = arith.constant 0 : i32
      %dma_wait3A_116 = arith.constant 0 : i32
      %dma_wait3A_117 = tpu.memref_slice %arg2[%dma_wait3A, %dma_wait3A_116] : memref<20480x128xf32, #tpu.memory_space<hbm>> -> memref<20480x128xf32, #tpu.memory_space<hbm>>
      tpu.wait_indirect_dma semaphore(%arg22 : memref<!tpu.dma_semaphore, #tpu.memory_space<semaphore_mem>>) src(%dma_wait3A_117 : memref<20480x128xf32, #tpu.memory_space<hbm>>) dst(%arg16 : memref<128x128xf32, #tpu.memory_space<vmem>>)
      %dma_wait3A_118 = arith.constant 0 : i32
      %dma_wait3A_119 = arith.constant 0 : i32
      %dma_wait3A_120 = tpu.memref_slice %arg3[%dma_wait3A_118, %dma_wait3A_119] : memref<20480x128xf32, #tpu.memory_space<hbm>> -> memref<20480x128xf32, #tpu.memory_space<hbm>>
      tpu.wait_indirect_dma semaphore(%arg23 : memref<!tpu.dma_semaphore, #tpu.memory_space<semaphore_mem>>) src(%dma_wait3A_120 : memref<20480x128xf32, #tpu.memory_space<hbm>>) dst(%arg17 : memref<128x128xf32, #tpu.memory_space<vmem>>)
      %scan3A_121 = arith.constant 0 : i32
      %scan3A_122 = arith.constant 0 : i32
      %scan3A_123 = arith.constant 128 : i32
      %scan3A_124 = arith.addi %scan3A_122, %scan3A_123 : i32
      %scan3A_125 = arith.constant 1 : i32
      scf.for %scan3A_127 = %scan3A_122 to %scan3A_124 step %scan3A_125  : i32 {
        %get3A_128 = arith.index_cast %scan3A_127 : i32 to index
        %get3A_129 = arith.constant 0 : index
        %get3A_130 = tpu.vector_load %arg16[%get3A_128, %get3A_129] {strides = array<i32>} : memref<128x128xf32, #tpu.memory_space<vmem>>, vector<16xf32>,
        %get3A_131 = arith.index_cast %scan3A_127 : i32 to index
        %get3A_132 = arith.constant 16 : index
        %get3A_133 = tpu.vector_load %arg16[%get3A_131, %get3A_132] {strides = array<i32>} : memref<128x128xf32, #tpu.memory_space<vmem>>, vector<16xf32>,
        %get3A_134 = arith.index_cast %scan3A_127 : i32 to index
        %get3A_135 = arith.constant 32 : index
        %get3A_136 = tpu.vector_load %arg16[%get3A_134, %get3A_135] {strides = array<i32>} : memref<128x128xf32, #tpu.memory_space<vmem>>, vector<16xf32>,
        %get3A_137 = arith.index_cast %scan3A_127 : i32 to index
        %get3A_138 = arith.constant 48 : index
        %get3A_139 = tpu.vector_load %arg16[%get3A_137, %get3A_138] {strides = array<i32>} : memref<128x128xf32, #tpu.memory_space<vmem>>, vector<16xf32>,
        %get3A_140 = arith.index_cast %scan3A_127 : i32 to index
        %get3A_141 = arith.constant 64 : index
        %get3A_142 = tpu.vector_load %arg16[%get3A_140, %get3A_141] {strides = array<i32>} : memref<128x128xf32, #tpu.memory_space<vmem>>, vector<16xf32>,
        %get3A_143 = arith.index_cast %scan3A_127 : i32 to index
        %get3A_144 = arith.constant 80 : index
        %get3A_145 = tpu.vector_load %arg16[%get3A_143, %get3A_144] {strides = array<i32>} : memref<128x128xf32, #tpu.memory_space<vmem>>, vector<16xf32>,
        %get3A_146 = arith.index_cast %scan3A_127 : i32 to index
        %get3A_147 = arith.constant 96 : index
        %get3A_148 = tpu.vector_load %arg16[%get3A_146, %get3A_147] {strides = array<i32>} : memref<128x128xf32, #tpu.memory_space<vmem>>, vector<16xf32>,
        %get3A_149 = arith.index_cast %scan3A_127 : i32 to index
        %get3A_150 = arith.constant 112 : index
        %get3A_151 = tpu.vector_load %arg16[%get3A_149, %get3A_150] {strides = array<i32>} : memref<128x128xf32, #tpu.memory_space<vmem>>, vector<16xf32>,
        %get3A_152 = arith.index_cast %scan3A_127 : i32 to index
        %get3A_153 = arith.constant 0 : index
        %get3A_154 = tpu.vector_load %arg17[%get3A_152, %get3A_153] {strides = array<i32>} : memref<128x128xf32, #tpu.memory_space<vmem>>, vector<16xf32>,
        %get3A_155 = arith.index_cast %scan3A_127 : i32 to index
        %get3A_156 = arith.constant 16 : index
        %get3A_157 = tpu.vector_load %arg17[%get3A_155, %get3A_156] {strides = array<i32>} : memref<128x128xf32, #tpu.memory_space<vmem>>, vector<16xf32>,
        %get3A_158 = arith.index_cast %scan3A_127 : i32 to index
        %get3A_159 = arith.constant 32 : index
        %get3A_160 = tpu.vector_load %arg17[%get3A_158, %get3A_159] {strides = array<i32>} : memref<128x128xf32, #tpu.memory_space<vmem>>, vector<16xf32>,
        %get3A_161 = arith.index_cast %scan3A_127 : i32 to index
        %get3A_162 = arith.constant 48 : index
        %get3A_163 = tpu.vector_load %arg17[%get3A_161, %get3A_162] {strides = array<i32>} : memref<128x128xf32, #tpu.memory_space<vmem>>, vector<16xf32>,
        %get3A_164 = arith.index_cast %scan3A_127 : i32 to index
        %get3A_165 = arith.constant 64 : index
        %get3A_166 = tpu.vector_load %arg17[%get3A_164, %get3A_165] {strides = array<i32>} : memref<128x128xf32, #tpu.memory_space<vmem>>, vector<16xf32>,
        %get3A_167 = arith.index_cast %scan3A_127 : i32 to index
        %get3A_168 = arith.constant 80 : index
        %get3A_169 = tpu.vector_load %arg17[%get3A_167, %get3A_168] {strides = array<i32>} : memref<128x128xf32, #tpu.memory_space<vmem>>, vector<16xf32>,
        %get3A_170 = arith.index_cast %scan3A_127 : i32 to index
        %get3A_171 = arith.constant 96 : index
        %get3A_172 = tpu.vector_load %arg17[%get3A_170, %get3A_171] {strides = array<i32>} : memref<128x128xf32, #tpu.memory_space<vmem>>, vector<16xf32>,
        %get3A_173 = arith.index_cast %scan3A_127 : i32 to index
        %get3A_174 = arith.constant 112 : index
        %get3A_175 = tpu.vector_load %arg17[%get3A_173, %get3A_174] {strides = array<i32>} : memref<128x128xf32, #tpu.memory_space<vmem>>, vector<16xf32>,
        %add3A_176 = arith.addf %get3A_130, %get3A_154 : vector<16xf32>
        %mul3A_177 = arith.constant 2.000000e-01 : f32
        %mul3A_178 = vector.broadcast %mul3A_177 : f32 to vector<16xf32>
        %mul3A_179 = arith.mulf %mul3A_178, %add3A_176 : vector<16xf32>
        %max3A = arith.maximumf %add3A_176, %mul3A_179 : vector<16xf32>
        %mul3A_180 = arith.mulf %max3A, %get3A_13 : vector<16xf32>
        %add3A_181 = arith.addf %get3A_133, %get3A_157 : vector<16xf32>
        %mul3A_182 = arith.constant 2.000000e-01 : f32
        %mul3A_183 = vector.broadcast %mul3A_182 : f32 to vector<16xf32>
        %mul3A_184 = arith.mulf %mul3A_183, %add3A_181 : vector<16xf32>
        %max3A_185 = arith.maximumf %add3A_181, %mul3A_184 : vector<16xf32>
        %mul3A_186 = arith.mulf %max3A_185, %get3A_15 : vector<16xf32>
        %add3A_187 = arith.addf %get3A_136, %get3A_160 : vector<16xf32>
        %mul3A_188 = arith.constant 2.000000e-01 : f32
        %mul3A_189 = vector.broadcast %mul3A_188 : f32 to vector<16xf32>
        %mul3A_190 = arith.mulf %mul3A_189, %add3A_187 : vector<16xf32>
        %max3A_191 = arith.maximumf %add3A_187, %mul3A_190 : vector<16xf32>
        %mul3A_192 = arith.mulf %max3A_191, %get3A_17 : vector<16xf32>
        %add3A_193 = arith.addf %get3A_139, %get3A_163 : vector<16xf32>
        %mul3A_194 = arith.constant 2.000000e-01 : f32
        %mul3A_195 = vector.broadcast %mul3A_194 : f32 to vector<16xf32>
        %mul3A_196 = arith.mulf %mul3A_195, %add3A_193 : vector<16xf32>
        %max3A_197 = arith.maximumf %add3A_193, %mul3A_196 : vector<16xf32>
        %mul3A_198 = arith.mulf %max3A_197, %get3A_19 : vector<16xf32>
        %add3A_199 = arith.addf %get3A_142, %get3A_166 : vector<16xf32>
        %mul3A_200 = arith.constant 2.000000e-01 : f32
        %mul3A_201 = vector.broadcast %mul3A_200 : f32 to vector<16xf32>
        %mul3A_202 = arith.mulf %mul3A_201, %add3A_199 : vector<16xf32>
        %max3A_203 = arith.maximumf %add3A_199, %mul3A_202 : vector<16xf32>
        %mul3A_204 = arith.mulf %max3A_203, %get3A_21 : vector<16xf32>
        %add3A_205 = arith.addf %get3A_145, %get3A_169 : vector<16xf32>
        %mul3A_206 = arith.constant 2.000000e-01 : f32
        %mul3A_207 = vector.broadcast %mul3A_206 : f32 to vector<16xf32>
        %mul3A_208 = arith.mulf %mul3A_207, %add3A_205 : vector<16xf32>
        %max3A_209 = arith.maximumf %add3A_205, %mul3A_208 : vector<16xf32>
        %mul3A_210 = arith.mulf %max3A_209, %get3A_23 : vector<16xf32>
        %add3A_211 = arith.addf %get3A_148, %get3A_172 : vector<16xf32>
        %mul3A_212 = arith.constant 2.000000e-01 : f32
        %mul3A_213 = vector.broadcast %mul3A_212 : f32 to vector<16xf32>
        %mul3A_214 = arith.mulf %mul3A_213, %add3A_211 : vector<16xf32>
        %max3A_215 = arith.maximumf %add3A_211, %mul3A_214 : vector<16xf32>
        %mul3A_216 = arith.mulf %max3A_215, %get3A_25 : vector<16xf32>
        %add3A_217 = arith.addf %get3A_151, %get3A_175 : vector<16xf32>
        %mul3A_218 = arith.constant 2.000000e-01 : f32
        %mul3A_219 = vector.broadcast %mul3A_218 : f32 to vector<16xf32>
        %mul3A_220 = arith.mulf %mul3A_219, %add3A_217 : vector<16xf32>
        %max3A_221 = arith.maximumf %add3A_217, %mul3A_220 : vector<16xf32>
        %mul3A_222 = arith.mulf %max3A_221, %get3A_27 : vector<16xf32>
        %add3A_223 = arith.addf %mul3A_180, %mul3A_186 : vector<16xf32>
        %add3A_224 = arith.addf %mul3A_192, %mul3A_198 : vector<16xf32>
        %add3A_225 = arith.addf %add3A_223, %add3A_224 : vector<16xf32>
        %add3A_226 = arith.addf %mul3A_204, %mul3A_210 : vector<16xf32>
        %add3A_227 = arith.addf %mul3A_216, %mul3A_222 : vector<16xf32>
        %add3A_228 = arith.addf %add3A_226, %add3A_227 : vector<16xf32>
        %reduce_sum3A = arith.constant true
        %reduce_sum3A_229 = vector.broadcast %reduce_sum3A : i1 to vector<16xi1>
        %reduce_sum3A_230 = tpu.scan <sum>, %add3A_225 masked %reduce_sum3A_229 : vector<16xf32>, vector<16xi1> -> vector<16xf32>
        %reduce_sum3A_231 = vector.extract %reduce_sum3A_230[15] : f32 from vector<16xf32>
        %reduce_sum3A_232 = arith.constant true
        %reduce_sum3A_233 = vector.broadcast %reduce_sum3A_232 : i1 to vector<16xi1>
        %reduce_sum3A_234 = tpu.scan <sum>, %add3A_228 masked %reduce_sum3A_233 : vector<16xf32>, vector<16xi1> -> vector<16xf32>
        %reduce_sum3A_235 = vector.extract %reduce_sum3A_234[15] : f32 from vector<16xf32>
        %broadcast_in_dim3A_236 = vector.broadcast %reduce_sum3A_231 : f32 to vector<16xf32>
        %exp3A = math.exp %broadcast_in_dim3A_236 : vector<16xf32>
        %broadcast_in_dim3A_237 = vector.broadcast %reduce_sum3A_235 : f32 to vector<16xf32>
        %exp3A_238 = math.exp %broadcast_in_dim3A_237 : vector<16xf32>
        %mul3A_239 = arith.mulf %get3A_130, %exp3A : vector<16xf32>
        %swap3A = arith.index_cast %scan3A_127 : i32 to index
        %swap3A_240 = arith.constant 0 : index
        %swap3A_241 = tpu.vector_load %arg18[%swap3A, %swap3A_240] {strides = array<i32>} : memref<128x128xf32, #tpu.memory_space<vmem>>, vector<16xf32>,
        tpu.vector_store %arg18[%swap3A, %swap3A_240], %mul3A_239 {strides = array<i32>} : memref<128x128xf32, #tpu.memory_space<vmem>>, vector<16xf32>,
        %mul3A_242 = arith.mulf %get3A_133, %exp3A : vector<16xf32>
        %swap3A_243 = arith.index_cast %scan3A_127 : i32 to index
        %swap3A_244 = arith.constant 16 : index
        %swap3A_245 = tpu.vector_load %arg18[%swap3A_243, %swap3A_244] {strides = array<i32>} : memref<128x128xf32, #tpu.memory_space<vmem>>, vector<16xf32>,
        tpu.vector_store %arg18[%swap3A_243, %swap3A_244], %mul3A_242 {strides = array<i32>} : memref<128x128xf32, #tpu.memory_space<vmem>>, vector<16xf32>,
        %mul3A_246 = arith.mulf %get3A_136, %exp3A : vector<16xf32>
        %swap3A_247 = arith.index_cast %scan3A_127 : i32 to index
        %swap3A_248 = arith.constant 32 : index
        %swap3A_249 = tpu.vector_load %arg18[%swap3A_247, %swap3A_248] {strides = array<i32>} : memref<128x128xf32, #tpu.memory_space<vmem>>, vector<16xf32>,
        tpu.vector_store %arg18[%swap3A_247, %swap3A_248], %mul3A_246 {strides = array<i32>} : memref<128x128xf32, #tpu.memory_space<vmem>>, vector<16xf32>,
        %mul3A_250 = arith.mulf %get3A_139, %exp3A : vector<16xf32>
        %swap3A_251 = arith.index_cast %scan3A_127 : i32 to index
        %swap3A_252 = arith.constant 48 : index
        %swap3A_253 = tpu.vector_load %arg18[%swap3A_251, %swap3A_252] {strides = array<i32>} : memref<128x128xf32, #tpu.memory_space<vmem>>, vector<16xf32>,
        tpu.vector_store %arg18[%swap3A_251, %swap3A_252], %mul3A_250 {strides = array<i32>} : memref<128x128xf32, #tpu.memory_space<vmem>>, vector<16xf32>,
        %mul3A_254 = arith.mulf %get3A_142, %exp3A_238 : vector<16xf32>
        %swap3A_255 = arith.index_cast %scan3A_127 : i32 to index
        %swap3A_256 = arith.constant 64 : index
        %swap3A_257 = tpu.vector_load %arg18[%swap3A_255, %swap3A_256] {strides = array<i32>} : memref<128x128xf32, #tpu.memory_space<vmem>>, vector<16xf32>,
        tpu.vector_store %arg18[%swap3A_255, %swap3A_256], %mul3A_254 {strides = array<i32>} : memref<128x128xf32, #tpu.memory_space<vmem>>, vector<16xf32>,
        %mul3A_258 = arith.mulf %get3A_145, %exp3A_238 : vector<16xf32>
        %swap3A_259 = arith.index_cast %scan3A_127 : i32 to index
        %swap3A_260 = arith.constant 80 : index
        %swap3A_261 = tpu.vector_load %arg18[%swap3A_259, %swap3A_260] {strides = array<i32>} : memref<128x128xf32, #tpu.memory_space<vmem>>, vector<16xf32>,
        tpu.vector_store %arg18[%swap3A_259, %swap3A_260], %mul3A_258 {strides = array<i32>} : memref<128x128xf32, #tpu.memory_space<vmem>>, vector<16xf32>,
        %mul3A_262 = arith.mulf %get3A_148, %exp3A_238 : vector<16xf32>
        %swap3A_263 = arith.index_cast %scan3A_127 : i32 to index
        %swap3A_264 = arith.constant 96 : index
        %swap3A_265 = tpu.vector_load %arg18[%swap3A_263, %swap3A_264] {strides = array<i32>} : memref<128x128xf32, #tpu.memory_space<vmem>>, vector<16xf32>,
        tpu.vector_store %arg18[%swap3A_263, %swap3A_264], %mul3A_262 {strides = array<i32>} : memref<128x128xf32, #tpu.memory_space<vmem>>, vector<16xf32>,
        %mul3A_266 = arith.mulf %get3A_151, %exp3A_238 : vector<16xf32>
        %swap3A_267 = arith.index_cast %scan3A_127 : i32 to index
        %swap3A_268 = arith.constant 112 : index
        %swap3A_269 = tpu.vector_load %arg18[%swap3A_267, %swap3A_268] {strides = array<i32>} : memref<128x128xf32, #tpu.memory_space<vmem>>, vector<16xf32>,
        tpu.vector_store %arg18[%swap3A_267, %swap3A_268], %mul3A_266 {strides = array<i32>} : memref<128x128xf32, #tpu.memory_space<vmem>>, vector<16xf32>,
        %shift_right_arithmetic3A = arith.constant 4 : i32
        %shift_right_arithmetic3A_270 = arith.shrsi %scan3A_127, %shift_right_arithmetic3A : i32
        %shift_left3A = arith.constant 4 : i32
        %shift_left3A_271 = arith.shli %shift_right_arithmetic3A_270, %shift_left3A : i32
        %and3A = arith.constant 15 : i32
        %and3A_272 = arith.andi %scan3A_127, %and3A : i32
        %eq3A = vector.broadcast %and3A_272 : i32 to vector<16xi32>
        %eq3A_273 = arith.cmpi eq, %iota3A, %eq3A : vector<16xi32>
        %get3A_274 = arith.index_cast %shift_left3A_271 : i32 to index
        %get3A_275 = tpu.vector_load %arg14[%get3A_274] {strides = array<i32>} : memref<128xi32, #tpu.memory_space<vmem>>, vector<16xi32>,
        tpu.vector_store_idx %arg20[%get3A_275], %exp3A masked %eq3A_273 {add = true} : memref<20480xf32, #tpu.memory_space<vmem>>[vector<16xi32>], vector<16xf32>, vector<16xi1>
        %add3A_276 = arith.constant 10240 : i32
        %add3A_277 = vector.broadcast %add3A_276 : i32 to vector<16xi32>
        %add3A_278 = arith.addi %get3A_275, %add3A_277 : vector<16xi32>
        tpu.vector_store_idx %arg20[%add3A_278], %exp3A_238 masked %eq3A_273 {add = true} : memref<20480xf32, #tpu.memory_space<vmem>>[vector<16xi32>], vector<16xf32>, vector<16xi1>
      }
      %scan3A_126 = arith.constant 128 : i32
      "tpu.region"() ({
        %run_scoped3A = tpu.sem_alloc : memref<!tpu.dma_semaphore, #tpu.memory_space<semaphore_mem>>
        %dma_start3A_127 = arith.constant 0 : i32
        %dma_start3A_128 = arith.constant 0 : i32
        %dma_start3A_129 = tpu.memref_slice %arg21[%dma_start3A_127, %dma_start3A_128] : memref<5128x128xf32, #tpu.memory_space<vmem_shared>> -> memref<5128x128xf32, #tpu.memory_space<vmem_shared>>
        tpu.enqueue_indirect_dma source(%arg18 : memref<128x128xf32, #tpu.memory_space<vmem>>) target(%dma_start3A_129 : memref<5128x128xf32, #tpu.memory_space<vmem_shared>>) offsets(%arg15 : memref<128xi32, #tpu.memory_space<vmem>>) semaphore(%run_scoped3A : memref<!tpu.dma_semaphore, #tpu.memory_space<semaphore_mem>>) {add = true}
        %dma_wait3A_130 = arith.constant 0 : i32
        %dma_wait3A_131 = arith.constant 0 : i32
        %dma_wait3A_132 = tpu.memref_slice %arg21[%dma_wait3A_130, %dma_wait3A_131] : memref<5128x128xf32, #tpu.memory_space<vmem_shared>> -> memref<5128x128xf32, #tpu.memory_space<vmem_shared>>
        tpu.wait_indirect_dma semaphore(%run_scoped3A : memref<!tpu.dma_semaphore, #tpu.memory_space<semaphore_mem>>) src(%arg18 : memref<128x128xf32, #tpu.memory_space<vmem>>) dst(%dma_wait3A_132 : memref<5128x128xf32, #tpu.memory_space<vmem_shared>>)
        tpu.yield
      }) : () -> ()
    }
    %scan3A_45 = arith.constant 158 : i32
    %barrier3A_46 = arith.constant 0 : index
    tpu.barrier barrier_id(%barrier3A_46)
    %mul3A_47 = arith.constant 10240 : i32
    %mul3A_48 = arith.muli %arg0, %mul3A_47 : i32
    %add3A_49 = arith.constant 0 : i32
    %add3A_50 = arith.addi %mul3A_48, %add3A_49 : i32
    %add3A_51 = arith.addi %add3A_50, %mul3A_12 : i32
    %add3A_52 = arith.constant 0 : i32
    %add3A_53 = arith.addi %mul3A_12, %add3A_52 : i32
    %add3A_54 = arith.constant 0 : i32
    %add3A_55 = arith.addi %add3A_51, %add3A_54 : i32
    "tpu.region"() ({
      %run_scoped3A = tpu.sem_alloc : memref<!tpu.dma_semaphore, #tpu.memory_space<semaphore_mem>>
      %dma_start3A = arith.constant 0 : i32
      %dma_start3A_104 = tpu.memref_slice %arg10[%add3A_55, %dma_start3A] : memref<20480x128xf32, #tpu.memory_space<hbm>> -> memref<128x128xf32, #tpu.memory_space<hbm>>
      %dma_start3A_105 = arith.constant 0 : i32
      %dma_start3A_106 = tpu.memref_slice %arg21[%add3A_53, %dma_start3A_105] : memref<5128x128xf32, #tpu.memory_space<vmem_shared>> -> memref<128x128xf32, #tpu.memory_space<vmem_shared>>
      tpu.enqueue_dma source(%dma_start3A_106 : memref<128x128xf32, #tpu.memory_space<vmem_shared>>) target(%dma_start3A_104 : memref<128x128xf32, #tpu.memory_space<hbm>>) target_semaphore(%run_scoped3A : memref<!tpu.dma_semaphore, #tpu.memory_space<semaphore_mem>>)
      %dma_wait3A = arith.constant 0 : i32
      %dma_wait3A_107 = tpu.memref_slice %arg10[%add3A_55, %dma_wait3A] : memref<20480x128xf32, #tpu.memory_space<hbm>> -> memref<128x128xf32, #tpu.memory_space<hbm>>
      %dma_wait3A_108 = arith.constant 0 : i32
      %dma_wait3A_109 = tpu.memref_slice %arg21[%add3A_53, %dma_wait3A_108] : memref<5128x128xf32, #tpu.memory_space<vmem_shared>> -> memref<128x128xf32, #tpu.memory_space<vmem_shared>>
      tpu.wait_dma2 semaphore(%run_scoped3A : memref<!tpu.dma_semaphore, #tpu.memory_space<semaphore_mem>>) src(%dma_wait3A_109 : memref<128x128xf32, #tpu.memory_space<vmem_shared>>) dst(%dma_wait3A_107 : memref<128x128xf32, #tpu.memory_space<hbm>>)
      tpu.yield
    }) : () -> ()
    %add3A_56 = arith.constant 128 : i32
    %add3A_57 = arith.addi %mul3A_12, %add3A_56 : i32
    %add3A_58 = arith.constant 128 : i32
    %add3A_59 = arith.addi %add3A_51, %add3A_58 : i32
    "tpu.region"() ({
      %run_scoped3A = tpu.sem_alloc : memref<!tpu.dma_semaphore, #tpu.memory_space<semaphore_mem>>
      %dma_start3A = arith.constant 0 : i32
      %dma_start3A_104 = tpu.memref_slice %arg10[%add3A_59, %dma_start3A] : memref<20480x128xf32, #tpu.memory_space<hbm>> -> memref<128x128xf32, #tpu.memory_space<hbm>>
      %dma_start3A_105 = arith.constant 0 : i32
      %dma_start3A_106 = tpu.memref_slice %arg21[%add3A_57, %dma_start3A_105] : memref<5128x128xf32, #tpu.memory_space<vmem_shared>> -> memref<128x128xf32, #tpu.memory_space<vmem_shared>>
      tpu.enqueue_dma source(%dma_start3A_106 : memref<128x128xf32, #tpu.memory_space<vmem_shared>>) target(%dma_start3A_104 : memref<128x128xf32, #tpu.memory_space<hbm>>) target_semaphore(%run_scoped3A : memref<!tpu.dma_semaphore, #tpu.memory_space<semaphore_mem>>)
      %dma_wait3A = arith.constant 0 : i32
      %dma_wait3A_107 = tpu.memref_slice %arg10[%add3A_59, %dma_wait3A] : memref<20480x128xf32, #tpu.memory_space<hbm>> -> memref<128x128xf32, #tpu.memory_space<hbm>>
      %dma_wait3A_108 = arith.constant 0 : i32
      %dma_wait3A_109 = tpu.memref_slice %arg21[%add3A_57, %dma_wait3A_108] : memref<5128x128xf32, #tpu.memory_space<vmem_shared>> -> memref<128x128xf32, #tpu.memory_space<vmem_shared>>
      tpu.wait_dma2 semaphore(%run_scoped3A : memref<!tpu.dma_semaphore, #tpu.memory_space<semaphore_mem>>) src(%dma_wait3A_109 : memref<128x128xf32, #tpu.memory_space<vmem_shared>>) dst(%dma_wait3A_107 : memref<128x128xf32, #tpu.memory_space<hbm>>)
      tpu.yield
    }) : () -> ()
    %add3A_60 = arith.constant 256 : i32
    %add3A_61 = arith.addi %mul3A_12, %add3A_60 : i32
    %add3A_62 = arith.constant 256 : i32
    %add3A_63 = arith.addi %add3A_51, %add3A_62 : i32
    "tpu.region"() ({
      %run_scoped3A = tpu.sem_alloc : memref<!tpu.dma_semaphore, #tpu.memory_space<semaphore_mem>>
      %dma_start3A = arith.constant 0 : i32
      %dma_start3A_104 = tpu.memref_slice %arg10[%add3A_63, %dma_start3A] : memref<20480x128xf32, #tpu.memory_space<hbm>> -> memref<64x128xf32, #tpu.memory_space<hbm>>
      %dma_start3A_105 = arith.constant 0 : i32
      %dma_start3A_106 = tpu.memref_slice %arg21[%add3A_61, %dma_start3A_105] : memref<5128x128xf32, #tpu.memory_space<vmem_shared>> -> memref<64x128xf32, #tpu.memory_space<vmem_shared>>
      tpu.enqueue_dma source(%dma_start3A_106 : memref<64x128xf32, #tpu.memory_space<vmem_shared>>) target(%dma_start3A_104 : memref<64x128xf32, #tpu.memory_space<hbm>>) target_semaphore(%run_scoped3A : memref<!tpu.dma_semaphore, #tpu.memory_space<semaphore_mem>>)
      %dma_wait3A = arith.constant 0 : i32
      %dma_wait3A_107 = tpu.memref_slice %arg10[%add3A_63, %dma_wait3A] : memref<20480x128xf32, #tpu.memory_space<hbm>> -> memref<64x128xf32, #tpu.memory_space<hbm>>
      %dma_wait3A_108 = arith.constant 0 : i32
      %dma_wait3A_109 = tpu.memref_slice %arg21[%add3A_61, %dma_wait3A_108] : memref<5128x128xf32, #tpu.memory_space<vmem_shared>> -> memref<64x128xf32, #tpu.memory_space<vmem_shared>>
      tpu.wait_dma2 semaphore(%run_scoped3A : memref<!tpu.dma_semaphore, #tpu.memory_space<semaphore_mem>>) src(%dma_wait3A_109 : memref<64x128xf32, #tpu.memory_space<vmem_shared>>) dst(%dma_wait3A_107 : memref<64x128xf32, #tpu.memory_space<hbm>>)
      tpu.yield
    }) : () -> ()
    %scan3A_64 = arith.constant 0 : i32
    %scan3A_65 = arith.constant 0 : i32
    %scan3A_66 = arith.constant 128 : i32
    %scan3A_67 = arith.addi %scan3A_65, %scan3A_66 : i32
    %scan3A_68 = arith.constant 1 : i32
    scf.for %scan3A_104 = %scan3A_65 to %scan3A_67 step %scan3A_68  : i32 {
      %swap3A = arith.index_cast %scan3A_104 : i32 to index
      %swap3A_105 = arith.constant 0 : index
      %swap3A_106 = tpu.vector_load %arg18[%swap3A, %swap3A_105] {strides = array<i32>} : memref<128x128xf32, #tpu.memory_space<vmem>>, vector<16xf32>,
      tpu.vector_store %arg18[%swap3A, %swap3A_105], %broadcast_in_dim3A_0 {strides = array<i32>} : memref<128x128xf32, #tpu.memory_space<vmem>>, vector<16xf32>,
      %swap3A_107 = arith.index_cast %scan3A_104 : i32 to index
      %swap3A_108 = arith.constant 16 : index
      %swap3A_109 = tpu.vector_load %arg18[%swap3A_107, %swap3A_108] {strides = array<i32>} : memref<128x128xf32, #tpu.memory_space<vmem>>, vector<16xf32>,
      tpu.vector_store %arg18[%swap3A_107, %swap3A_108], %broadcast_in_dim3A_0 {strides = array<i32>} : memref<128x128xf32, #tpu.memory_space<vmem>>, vector<16xf32>,
      %swap3A_110 = arith.index_cast %scan3A_104 : i32 to index
      %swap3A_111 = arith.constant 32 : index
      %swap3A_112 = tpu.vector_load %arg18[%swap3A_110, %swap3A_111] {strides = array<i32>} : memref<128x128xf32, #tpu.memory_space<vmem>>, vector<16xf32>,
      tpu.vector_store %arg18[%swap3A_110, %swap3A_111], %broadcast_in_dim3A_0 {strides = array<i32>} : memref<128x128xf32, #tpu.memory_space<vmem>>, vector<16xf32>,
      %swap3A_113 = arith.index_cast %scan3A_104 : i32 to index
      %swap3A_114 = arith.constant 48 : index
      %swap3A_115 = tpu.vector_load %arg18[%swap3A_113, %swap3A_114] {strides = array<i32>} : memref<128x128xf32, #tpu.memory_space<vmem>>, vector<16xf32>,
      tpu.vector_store %arg18[%swap3A_113, %swap3A_114], %broadcast_in_dim3A_0 {strides = array<i32>} : memref<128x128xf32, #tpu.memory_space<vmem>>, vector<16xf32>,
      %swap3A_116 = arith.index_cast %scan3A_104 : i32 to index
      %swap3A_117 = arith.constant 64 : index
      %swap3A_118 = tpu.vector_load %arg18[%swap3A_116, %swap3A_117] {strides = array<i32>} : memref<128x128xf32, #tpu.memory_space<vmem>>, vector<16xf32>,
      tpu.vector_store %arg18[%swap3A_116, %swap3A_117], %broadcast_in_dim3A_0 {strides = array<i32>} : memref<128x128xf32, #tpu.memory_space<vmem>>, vector<16xf32>,
      %swap3A_119 = arith.index_cast %scan3A_104 : i32 to index
      %swap3A_120 = arith.constant 80 : index
      %swap3A_121 = tpu.vector_load %arg18[%swap3A_119, %swap3A_120] {strides = array<i32>} : memref<128x128xf32, #tpu.memory_space<vmem>>, vector<16xf32>,
      tpu.vector_store %arg18[%swap3A_119, %swap3A_120], %broadcast_in_dim3A_0 {strides = array<i32>} : memref<128x128xf32, #tpu.memory_space<vmem>>, vector<16xf32>,
      %swap3A_122 = arith.index_cast %scan3A_104 : i32 to index
      %swap3A_123 = arith.constant 96 : index
      %swap3A_124 = tpu.vector_load %arg18[%swap3A_122, %swap3A_123] {strides = array<i32>} : memref<128x128xf32, #tpu.memory_space<vmem>>, vector<16xf32>,
      tpu.vector_store %arg18[%swap3A_122, %swap3A_123], %broadcast_in_dim3A_0 {strides = array<i32>} : memref<128x128xf32, #tpu.memory_space<vmem>>, vector<16xf32>,
      %swap3A_125 = arith.index_cast %scan3A_104 : i32 to index
      %swap3A_126 = arith.constant 112 : index
      %swap3A_127 = tpu.vector_load %arg18[%swap3A_125, %swap3A_126] {strides = array<i32>} : memref<128x128xf32, #tpu.memory_space<vmem>>, vector<16xf32>,
      tpu.vector_store %arg18[%swap3A_125, %swap3A_126], %broadcast_in_dim3A_0 {strides = array<i32>} : memref<128x128xf32, #tpu.memory_space<vmem>>, vector<16xf32>,
    }
    %scan3A_69 = arith.constant 128 : i32
    %add3A_70 = arith.constant 0 : i32
    %add3A_71 = arith.addi %mul3A_12, %add3A_70 : i32
    "tpu.region"() ({
      %run_scoped3A = tpu.sem_alloc : memref<!tpu.dma_semaphore, #tpu.memory_space<semaphore_mem>>
      %dma_start3A = arith.constant 0 : i32
      %dma_start3A_104 = tpu.memref_slice %arg21[%add3A_71, %dma_start3A] : memref<5128x128xf32, #tpu.memory_space<vmem_shared>> -> memref<128x128xf32, #tpu.memory_space<vmem_shared>>
      %dma_start3A_105 = arith.constant 0 : i32
      %dma_start3A_106 = tpu.memref_slice %arg21[%add3A_71, %dma_start3A_105] : memref<5128x128xf32, #tpu.memory_space<vmem_shared>> -> memref<128x128xf32, #tpu.memory_space<vmem_shared>>
      tpu.enqueue_dma source(%arg18 : memref<128x128xf32, #tpu.memory_space<vmem>>) target(%dma_start3A_106 : memref<128x128xf32, #tpu.memory_space<vmem_shared>>) target_semaphore(%run_scoped3A : memref<!tpu.dma_semaphore, #tpu.memory_space<semaphore_mem>>)
      %dma_wait3A = arith.constant 0 : i32
      %dma_wait3A_107 = tpu.memref_slice %arg21[%add3A_71, %dma_wait3A] : memref<5128x128xf32, #tpu.memory_space<vmem_shared>> -> memref<128x128xf32, #tpu.memory_space<vmem_shared>>
      %dma_wait3A_108 = arith.constant 0 : i32
      %dma_wait3A_109 = tpu.memref_slice %arg21[%add3A_71, %dma_wait3A_108] : memref<5128x128xf32, #tpu.memory_space<vmem_shared>> -> memref<128x128xf32, #tpu.memory_space<vmem_shared>>
      tpu.wait_dma2 semaphore(%run_scoped3A : memref<!tpu.dma_semaphore, #tpu.memory_space<semaphore_mem>>) src(%arg18 : memref<128x128xf32, #tpu.memory_space<vmem>>) dst(%dma_wait3A_109 : memref<128x128xf32, #tpu.memory_space<vmem_shared>>)
      tpu.yield
    }) : () -> ()
    %add3A_72 = arith.constant 128 : i32
    %add3A_73 = arith.addi %mul3A_12, %add3A_72 : i32
    "tpu.region"() ({
      %run_scoped3A = tpu.sem_alloc : memref<!tpu.dma_semaphore, #tpu.memory_space<semaphore_mem>>
      %dma_start3A = arith.constant 0 : i32
      %dma_start3A_104 = tpu.memref_slice %arg21[%add3A_73, %dma_start3A] : memref<5128x128xf32, #tpu.memory_space<vmem_shared>> -> memref<128x128xf32, #tpu.memory_space<vmem_shared>>
      %dma_start3A_105 = arith.constant 0 : i32
      %dma_start3A_106 = tpu.memref_slice %arg21[%add3A_73, %dma_start3A_105] : memref<5128x128xf32, #tpu.memory_space<vmem_shared>> -> memref<128x128xf32, #tpu.memory_space<vmem_shared>>
      tpu.enqueue_dma source(%arg18 : memref<128x128xf32, #tpu.memory_space<vmem>>) target(%dma_start3A_106 : memref<128x128xf32, #tpu.memory_space<vmem_shared>>) target_semaphore(%run_scoped3A : memref<!tpu.dma_semaphore, #tpu.memory_space<semaphore_mem>>)
      %dma_wait3A = arith.constant 0 : i32
      %dma_wait3A_107 = tpu.memref_slice %arg21[%add3A_73, %dma_wait3A] : memref<5128x128xf32, #tpu.memory_space<vmem_shared>> -> memref<128x128xf32, #tpu.memory_space<vmem_shared>>
      %dma_wait3A_108 = arith.constant 0 : i32
      %dma_wait3A_109 = tpu.memref_slice %arg21[%add3A_73, %dma_wait3A_108] : memref<5128x128xf32, #tpu.memory_space<vmem_shared>> -> memref<128x128xf32, #tpu.memory_space<vmem_shared>>
      tpu.wait_dma2 semaphore(%run_scoped3A : memref<!tpu.dma_semaphore, #tpu.memory_space<semaphore_mem>>) src(%arg18 : memref<128x128xf32, #tpu.memory_space<vmem>>) dst(%dma_wait3A_109 : memref<128x128xf32, #tpu.memory_space<vmem_shared>>)
      tpu.yield
    }) : () -> ()
    %add3A_74 = arith.constant 256 : i32
    %add3A_75 = arith.addi %mul3A_12, %add3A_74 : i32
    "tpu.region"() ({
      %run_scoped3A = tpu.sem_alloc : memref<!tpu.dma_semaphore, #tpu.memory_space<semaphore_mem>>
      %dma_start3A = arith.constant 0 : i32
      %dma_start3A_104 = arith.constant 0 : i32
      %dma_start3A_105 = tpu.memref_slice %arg18[%dma_start3A, %dma_start3A_104] : memref<128x128xf32, #tpu.memory_space<vmem>> -> memref<64x128xf32, #tpu.memory_space<vmem>>
      %dma_start3A_106 = arith.constant 0 : i32
      %dma_start3A_107 = tpu.memref_slice %arg21[%add3A_75, %dma_start3A_106] : memref<5128x128xf32, #tpu.memory_space<vmem_shared>> -> memref<64x128xf32, #tpu.memory_space<vmem_shared>>
      %dma_start3A_108 = arith.constant 0 : i32
      %dma_start3A_109 = tpu.memref_slice %arg21[%add3A_75, %dma_start3A_108] : memref<5128x128xf32, #tpu.memory_space<vmem_shared>> -> memref<64x128xf32, #tpu.memory_space<vmem_shared>>
      %dma_start3A_110 = arith.constant 0 : i32
      %dma_start3A_111 = arith.constant 0 : i32
      %dma_start3A_112 = tpu.memref_slice %arg18[%dma_start3A_110, %dma_start3A_111] : memref<128x128xf32, #tpu.memory_space<vmem>> -> memref<64x128xf32, #tpu.memory_space<vmem>>
      tpu.enqueue_dma source(%dma_start3A_112 : memref<64x128xf32, #tpu.memory_space<vmem>>) target(%dma_start3A_109 : memref<64x128xf32, #tpu.memory_space<vmem_shared>>) target_semaphore(%run_scoped3A : memref<!tpu.dma_semaphore, #tpu.memory_space<semaphore_mem>>)
      %dma_wait3A = arith.constant 0 : i32
      %dma_wait3A_113 = arith.constant 0 : i32
      %dma_wait3A_114 = tpu.memref_slice %arg18[%dma_wait3A, %dma_wait3A_113] : memref<128x128xf32, #tpu.memory_space<vmem>> -> memref<64x128xf32, #tpu.memory_space<vmem>>
      %dma_wait3A_115 = arith.constant 0 : i32
      %dma_wait3A_116 = tpu.memref_slice %arg21[%add3A_75, %dma_wait3A_115] : memref<5128x128xf32, #tpu.memory_space<vmem_shared>> -> memref<64x128xf32, #tpu.memory_space<vmem_shared>>
      %dma_wait3A_117 = arith.constant 0 : i32
      %dma_wait3A_118 = tpu.memref_slice %arg21[%add3A_75, %dma_wait3A_117] : memref<5128x128xf32, #tpu.memory_space<vmem_shared>> -> memref<64x128xf32, #tpu.memory_space<vmem_shared>>
      %dma_wait3A_119 = arith.constant 0 : i32
      %dma_wait3A_120 = arith.constant 0 : i32
      %dma_wait3A_121 = tpu.memref_slice %arg18[%dma_wait3A_119, %dma_wait3A_120] : memref<128x128xf32, #tpu.memory_space<vmem>> -> memref<64x128xf32, #tpu.memory_space<vmem>>
      tpu.wait_dma2 semaphore(%run_scoped3A : memref<!tpu.dma_semaphore, #tpu.memory_space<semaphore_mem>>) src(%dma_wait3A_121 : memref<64x128xf32, #tpu.memory_space<vmem>>) dst(%dma_wait3A_118 : memref<64x128xf32, #tpu.memory_space<vmem_shared>>)
      tpu.yield
    }) : () -> ()
    %barrier3A_76 = arith.constant 0 : index
    tpu.barrier barrier_id(%barrier3A_76)
    %scan3A_77 = arith.constant 0 : i32
    %scan3A_78 = arith.constant 0 : i32
    %scan3A_79 = arith.constant 158 : i32
    %scan3A_80 = arith.addi %scan3A_78, %scan3A_79 : i32
    %scan3A_81 = arith.constant 1 : i32
    scf.for %scan3A_104 = %scan3A_78 to %scan3A_80 step %scan3A_81  : i32 {
      %mul3A_105 = arith.constant 128 : i32
      %mul3A_106 = arith.muli %scan3A_104, %mul3A_105 : i32
      %add3A_107 = arith.addi %add3A, %mul3A_106 : i32
      %mul3A_108 = arith.constant 128 : i32
      %mul3A_109 = arith.muli %scan3A_104, %mul3A_108 : i32
      %add3A_110 = arith.addi %mul3A_33, %mul3A_109 : i32
      "tpu.region"() ({
        %run_scoped3A = tpu.sem_alloc : memref<!tpu.dma_semaphore, #tpu.memory_space<semaphore_mem>>
        %dma_start3A_127 = tpu.memref_slice %arg5[%add3A_107] : memref<647168xi32, #tpu.memory_space<hbm>> -> memref<128xi32, #tpu.memory_space<hbm>>
        %dma_start3A_128 = tpu.memref_slice %arg5[%add3A_107] : memref<647168xi32, #tpu.memory_space<hbm>> -> memref<128xi32, #tpu.memory_space<hbm>>
        tpu.enqueue_dma source(%dma_start3A_128 : memref<128xi32, #tpu.memory_space<hbm>>) target(%arg12 : memref<128xi32, #tpu.memory_space<vmem>>) target_semaphore(%run_scoped3A : memref<!tpu.dma_semaphore, #tpu.memory_space<semaphore_mem>>)
        %dma_wait3A_129 = tpu.memref_slice %arg5[%add3A_107] : memref<647168xi32, #tpu.memory_space<hbm>> -> memref<128xi32, #tpu.memory_space<hbm>>
        %dma_wait3A_130 = tpu.memref_slice %arg5[%add3A_107] : memref<647168xi32, #tpu.memory_space<hbm>> -> memref<128xi32, #tpu.memory_space<hbm>>
        tpu.wait_dma2 semaphore(%run_scoped3A : memref<!tpu.dma_semaphore, #tpu.memory_space<semaphore_mem>>) src(%dma_wait3A_130 : memref<128xi32, #tpu.memory_space<hbm>>) dst(%arg12 : memref<128xi32, #tpu.memory_space<vmem>>)
        tpu.yield
      }) : () -> ()
      "tpu.region"() ({
        %run_scoped3A = tpu.sem_alloc : memref<!tpu.dma_semaphore, #tpu.memory_space<semaphore_mem>>
        %dma_start3A_127 = tpu.memref_slice %arg6[%add3A_107] : memref<647168xi32, #tpu.memory_space<hbm>> -> memref<128xi32, #tpu.memory_space<hbm>>
        %dma_start3A_128 = tpu.memref_slice %arg6[%add3A_107] : memref<647168xi32, #tpu.memory_space<hbm>> -> memref<128xi32, #tpu.memory_space<hbm>>
        tpu.enqueue_dma source(%dma_start3A_128 : memref<128xi32, #tpu.memory_space<hbm>>) target(%arg13 : memref<128xi32, #tpu.memory_space<vmem>>) target_semaphore(%run_scoped3A : memref<!tpu.dma_semaphore, #tpu.memory_space<semaphore_mem>>)
        %dma_wait3A_129 = tpu.memref_slice %arg6[%add3A_107] : memref<647168xi32, #tpu.memory_space<hbm>> -> memref<128xi32, #tpu.memory_space<hbm>>
        %dma_wait3A_130 = tpu.memref_slice %arg6[%add3A_107] : memref<647168xi32, #tpu.memory_space<hbm>> -> memref<128xi32, #tpu.memory_space<hbm>>
        tpu.wait_dma2 semaphore(%run_scoped3A : memref<!tpu.dma_semaphore, #tpu.memory_space<semaphore_mem>>) src(%dma_wait3A_130 : memref<128xi32, #tpu.memory_space<hbm>>) dst(%arg13 : memref<128xi32, #tpu.memory_space<vmem>>)
        tpu.yield
      }) : () -> ()
      "tpu.region"() ({
        %run_scoped3A = tpu.sem_alloc : memref<!tpu.dma_semaphore, #tpu.memory_space<semaphore_mem>>
        %dma_start3A_127 = tpu.memref_slice %arg7[%add3A_110] : memref<323584xi32, #tpu.memory_space<hbm>> -> memref<128xi32, #tpu.memory_space<hbm>>
        %dma_start3A_128 = tpu.memref_slice %arg7[%add3A_110] : memref<323584xi32, #tpu.memory_space<hbm>> -> memref<128xi32, #tpu.memory_space<hbm>>
        tpu.enqueue_dma source(%dma_start3A_128 : memref<128xi32, #tpu.memory_space<hbm>>) target(%arg14 : memref<128xi32, #tpu.memory_space<vmem>>) target_semaphore(%run_scoped3A : memref<!tpu.dma_semaphore, #tpu.memory_space<semaphore_mem>>)
        %dma_wait3A_129 = tpu.memref_slice %arg7[%add3A_110] : memref<323584xi32, #tpu.memory_space<hbm>> -> memref<128xi32, #tpu.memory_space<hbm>>
        %dma_wait3A_130 = tpu.memref_slice %arg7[%add3A_110] : memref<323584xi32, #tpu.memory_space<hbm>> -> memref<128xi32, #tpu.memory_space<hbm>>
        tpu.wait_dma2 semaphore(%run_scoped3A : memref<!tpu.dma_semaphore, #tpu.memory_space<semaphore_mem>>) src(%dma_wait3A_130 : memref<128xi32, #tpu.memory_space<hbm>>) dst(%arg14 : memref<128xi32, #tpu.memory_space<vmem>>)
        tpu.yield
      }) : () -> ()
      "tpu.region"() ({
        %run_scoped3A = tpu.sem_alloc : memref<!tpu.dma_semaphore, #tpu.memory_space<semaphore_mem>>
        %dma_start3A_127 = tpu.memref_slice %arg9[%add3A_110] : memref<323584xi32, #tpu.memory_space<hbm>> -> memref<128xi32, #tpu.memory_space<hbm>>
        %dma_start3A_128 = tpu.memref_slice %arg9[%add3A_110] : memref<323584xi32, #tpu.memory_space<hbm>> -> memref<128xi32, #tpu.memory_space<hbm>>
        tpu.enqueue_dma source(%dma_start3A_128 : memref<128xi32, #tpu.memory_space<hbm>>) target(%arg15 : memref<128xi32, #tpu.memory_space<vmem>>) target_semaphore(%run_scoped3A : memref<!tpu.dma_semaphore, #tpu.memory_space<semaphore_mem>>)
        %dma_wait3A_129 = tpu.memref_slice %arg9[%add3A_110] : memref<323584xi32, #tpu.memory_space<hbm>> -> memref<128xi32, #tpu.memory_space<hbm>>
        %dma_wait3A_130 = tpu.memref_slice %arg9[%add3A_110] : memref<323584xi32, #tpu.memory_space<hbm>> -> memref<128xi32, #tpu.memory_space<hbm>>
        tpu.wait_dma2 semaphore(%run_scoped3A : memref<!tpu.dma_semaphore, #tpu.memory_space<semaphore_mem>>) src(%dma_wait3A_130 : memref<128xi32, #tpu.memory_space<hbm>>) dst(%arg15 : memref<128xi32, #tpu.memory_space<vmem>>)
        tpu.yield
      }) : () -> ()
      %dma_start3A = arith.constant 0 : i32
      %dma_start3A_111 = arith.constant 0 : i32
      %dma_start3A_112 = tpu.memref_slice %arg2[%dma_start3A, %dma_start3A_111] : memref<20480x128xf32, #tpu.memory_space<hbm>> -> memref<20480x128xf32, #tpu.memory_space<hbm>>
      tpu.enqueue_indirect_dma source(%dma_start3A_112 : memref<20480x128xf32, #tpu.memory_space<hbm>>) target(%arg16 : memref<128x128xf32, #tpu.memory_space<vmem>>) offsets(%arg12 : memref<128xi32, #tpu.memory_space<vmem>>) semaphore(%arg22 : memref<!tpu.dma_semaphore, #tpu.memory_space<semaphore_mem>>)
      %dma_start3A_113 = arith.constant 0 : i32
      %dma_start3A_114 = arith.constant 0 : i32
      %dma_start3A_115 = tpu.memref_slice %arg3[%dma_start3A_113, %dma_start3A_114] : memref<20480x128xf32, #tpu.memory_space<hbm>> -> memref<20480x128xf32, #tpu.memory_space<hbm>>
      tpu.enqueue_indirect_dma source(%dma_start3A_115 : memref<20480x128xf32, #tpu.memory_space<hbm>>) target(%arg17 : memref<128x128xf32, #tpu.memory_space<vmem>>) offsets(%arg13 : memref<128xi32, #tpu.memory_space<vmem>>) semaphore(%arg23 : memref<!tpu.dma_semaphore, #tpu.memory_space<semaphore_mem>>)
      %dma_wait3A = arith.constant 0 : i32
      %dma_wait3A_116 = arith.constant 0 : i32
      %dma_wait3A_117 = tpu.memref_slice %arg2[%dma_wait3A, %dma_wait3A_116] : memref<20480x128xf32, #tpu.memory_space<hbm>> -> memref<20480x128xf32, #tpu.memory_space<hbm>>
      tpu.wait_indirect_dma semaphore(%arg22 : memref<!tpu.dma_semaphore, #tpu.memory_space<semaphore_mem>>) src(%dma_wait3A_117 : memref<20480x128xf32, #tpu.memory_space<hbm>>) dst(%arg16 : memref<128x128xf32, #tpu.memory_space<vmem>>)
      %dma_wait3A_118 = arith.constant 0 : i32
      %dma_wait3A_119 = arith.constant 0 : i32
      %dma_wait3A_120 = tpu.memref_slice %arg3[%dma_wait3A_118, %dma_wait3A_119] : memref<20480x128xf32, #tpu.memory_space<hbm>> -> memref<20480x128xf32, #tpu.memory_space<hbm>>
      tpu.wait_indirect_dma semaphore(%arg23 : memref<!tpu.dma_semaphore, #tpu.memory_space<semaphore_mem>>) src(%dma_wait3A_120 : memref<20480x128xf32, #tpu.memory_space<hbm>>) dst(%arg17 : memref<128x128xf32, #tpu.memory_space<vmem>>)
      %scan3A_121 = arith.constant 0 : i32
      %scan3A_122 = arith.constant 0 : i32
      %scan3A_123 = arith.constant 128 : i32
      %scan3A_124 = arith.addi %scan3A_122, %scan3A_123 : i32
      %scan3A_125 = arith.constant 1 : i32
      scf.for %scan3A_127 = %scan3A_122 to %scan3A_124 step %scan3A_125  : i32 {
        %get3A_128 = arith.index_cast %scan3A_127 : i32 to index
        %get3A_129 = arith.constant 0 : index
        %get3A_130 = tpu.vector_load %arg16[%get3A_128, %get3A_129] {strides = array<i32>} : memref<128x128xf32, #tpu.memory_space<vmem>>, vector<16xf32>,
        %get3A_131 = arith.index_cast %scan3A_127 : i32 to index
        %get3A_132 = arith.constant 16 : index
        %get3A_133 = tpu.vector_load %arg16[%get3A_131, %get3A_132] {strides = array<i32>} : memref<128x128xf32, #tpu.memory_space<vmem>>, vector<16xf32>,
        %get3A_134 = arith.index_cast %scan3A_127 : i32 to index
        %get3A_135 = arith.constant 32 : index
        %get3A_136 = tpu.vector_load %arg16[%get3A_134, %get3A_135] {strides = array<i32>} : memref<128x128xf32, #tpu.memory_space<vmem>>, vector<16xf32>,
        %get3A_137 = arith.index_cast %scan3A_127 : i32 to index
        %get3A_138 = arith.constant 48 : index
        %get3A_139 = tpu.vector_load %arg16[%get3A_137, %get3A_138] {strides = array<i32>} : memref<128x128xf32, #tpu.memory_space<vmem>>, vector<16xf32>,
        %get3A_140 = arith.index_cast %scan3A_127 : i32 to index
        %get3A_141 = arith.constant 64 : index
        %get3A_142 = tpu.vector_load %arg16[%get3A_140, %get3A_141] {strides = array<i32>} : memref<128x128xf32, #tpu.memory_space<vmem>>, vector<16xf32>,
        %get3A_143 = arith.index_cast %scan3A_127 : i32 to index
        %get3A_144 = arith.constant 80 : index
        %get3A_145 = tpu.vector_load %arg16[%get3A_143, %get3A_144] {strides = array<i32>} : memref<128x128xf32, #tpu.memory_space<vmem>>, vector<16xf32>,
        %get3A_146 = arith.index_cast %scan3A_127 : i32 to index
        %get3A_147 = arith.constant 96 : index
        %get3A_148 = tpu.vector_load %arg16[%get3A_146, %get3A_147] {strides = array<i32>} : memref<128x128xf32, #tpu.memory_space<vmem>>, vector<16xf32>,
        %get3A_149 = arith.index_cast %scan3A_127 : i32 to index
        %get3A_150 = arith.constant 112 : index
        %get3A_151 = tpu.vector_load %arg16[%get3A_149, %get3A_150] {strides = array<i32>} : memref<128x128xf32, #tpu.memory_space<vmem>>, vector<16xf32>,
        %get3A_152 = arith.index_cast %scan3A_127 : i32 to index
        %get3A_153 = arith.constant 0 : index
        %get3A_154 = tpu.vector_load %arg17[%get3A_152, %get3A_153] {strides = array<i32>} : memref<128x128xf32, #tpu.memory_space<vmem>>, vector<16xf32>,
        %get3A_155 = arith.index_cast %scan3A_127 : i32 to index
        %get3A_156 = arith.constant 16 : index
        %get3A_157 = tpu.vector_load %arg17[%get3A_155, %get3A_156] {strides = array<i32>} : memref<128x128xf32, #tpu.memory_space<vmem>>, vector<16xf32>,
        %get3A_158 = arith.index_cast %scan3A_127 : i32 to index
        %get3A_159 = arith.constant 32 : index
        %get3A_160 = tpu.vector_load %arg17[%get3A_158, %get3A_159] {strides = array<i32>} : memref<128x128xf32, #tpu.memory_space<vmem>>, vector<16xf32>,
        %get3A_161 = arith.index_cast %scan3A_127 : i32 to index
        %get3A_162 = arith.constant 48 : index
        %get3A_163 = tpu.vector_load %arg17[%get3A_161, %get3A_162] {strides = array<i32>} : memref<128x128xf32, #tpu.memory_space<vmem>>, vector<16xf32>,
        %get3A_164 = arith.index_cast %scan3A_127 : i32 to index
        %get3A_165 = arith.constant 64 : index
        %get3A_166 = tpu.vector_load %arg17[%get3A_164, %get3A_165] {strides = array<i32>} : memref<128x128xf32, #tpu.memory_space<vmem>>, vector<16xf32>,
        %get3A_167 = arith.index_cast %scan3A_127 : i32 to index
        %get3A_168 = arith.constant 80 : index
        %get3A_169 = tpu.vector_load %arg17[%get3A_167, %get3A_168] {strides = array<i32>} : memref<128x128xf32, #tpu.memory_space<vmem>>, vector<16xf32>,
        %get3A_170 = arith.index_cast %scan3A_127 : i32 to index
        %get3A_171 = arith.constant 96 : index
        %get3A_172 = tpu.vector_load %arg17[%get3A_170, %get3A_171] {strides = array<i32>} : memref<128x128xf32, #tpu.memory_space<vmem>>, vector<16xf32>,
        %get3A_173 = arith.index_cast %scan3A_127 : i32 to index
        %get3A_174 = arith.constant 112 : index
        %get3A_175 = tpu.vector_load %arg17[%get3A_173, %get3A_174] {strides = array<i32>} : memref<128x128xf32, #tpu.memory_space<vmem>>, vector<16xf32>,
        %add3A_176 = arith.addf %get3A_130, %get3A_154 : vector<16xf32>
        %mul3A_177 = arith.constant 2.000000e-01 : f32
        %mul3A_178 = vector.broadcast %mul3A_177 : f32 to vector<16xf32>
        %mul3A_179 = arith.mulf %mul3A_178, %add3A_176 : vector<16xf32>
        %max3A = arith.maximumf %add3A_176, %mul3A_179 : vector<16xf32>
        %mul3A_180 = arith.mulf %max3A, %get3A_13 : vector<16xf32>
        %add3A_181 = arith.addf %get3A_133, %get3A_157 : vector<16xf32>
        %mul3A_182 = arith.constant 2.000000e-01 : f32
        %mul3A_183 = vector.broadcast %mul3A_182 : f32 to vector<16xf32>
        %mul3A_184 = arith.mulf %mul3A_183, %add3A_181 : vector<16xf32>
        %max3A_185 = arith.maximumf %add3A_181, %mul3A_184 : vector<16xf32>
        %mul3A_186 = arith.mulf %max3A_185, %get3A_15 : vector<16xf32>
        %add3A_187 = arith.addf %get3A_136, %get3A_160 : vector<16xf32>
        %mul3A_188 = arith.constant 2.000000e-01 : f32
        %mul3A_189 = vector.broadcast %mul3A_188 : f32 to vector<16xf32>
        %mul3A_190 = arith.mulf %mul3A_189, %add3A_187 : vector<16xf32>
        %max3A_191 = arith.maximumf %add3A_187, %mul3A_190 : vector<16xf32>
        %mul3A_192 = arith.mulf %max3A_191, %get3A_17 : vector<16xf32>
        %add3A_193 = arith.addf %get3A_139, %get3A_163 : vector<16xf32>
        %mul3A_194 = arith.constant 2.000000e-01 : f32
        %mul3A_195 = vector.broadcast %mul3A_194 : f32 to vector<16xf32>
        %mul3A_196 = arith.mulf %mul3A_195, %add3A_193 : vector<16xf32>
        %max3A_197 = arith.maximumf %add3A_193, %mul3A_196 : vector<16xf32>
        %mul3A_198 = arith.mulf %max3A_197, %get3A_19 : vector<16xf32>
        %add3A_199 = arith.addf %get3A_142, %get3A_166 : vector<16xf32>
        %mul3A_200 = arith.constant 2.000000e-01 : f32
        %mul3A_201 = vector.broadcast %mul3A_200 : f32 to vector<16xf32>
        %mul3A_202 = arith.mulf %mul3A_201, %add3A_199 : vector<16xf32>
        %max3A_203 = arith.maximumf %add3A_199, %mul3A_202 : vector<16xf32>
        %mul3A_204 = arith.mulf %max3A_203, %get3A_21 : vector<16xf32>
        %add3A_205 = arith.addf %get3A_145, %get3A_169 : vector<16xf32>
        %mul3A_206 = arith.constant 2.000000e-01 : f32
        %mul3A_207 = vector.broadcast %mul3A_206 : f32 to vector<16xf32>
        %mul3A_208 = arith.mulf %mul3A_207, %add3A_205 : vector<16xf32>
        %max3A_209 = arith.maximumf %add3A_205, %mul3A_208 : vector<16xf32>
        %mul3A_210 = arith.mulf %max3A_209, %get3A_23 : vector<16xf32>
        %add3A_211 = arith.addf %get3A_148, %get3A_172 : vector<16xf32>
        %mul3A_212 = arith.constant 2.000000e-01 : f32
        %mul3A_213 = vector.broadcast %mul3A_212 : f32 to vector<16xf32>
        %mul3A_214 = arith.mulf %mul3A_213, %add3A_211 : vector<16xf32>
        %max3A_215 = arith.maximumf %add3A_211, %mul3A_214 : vector<16xf32>
        %mul3A_216 = arith.mulf %max3A_215, %get3A_25 : vector<16xf32>
        %add3A_217 = arith.addf %get3A_151, %get3A_175 : vector<16xf32>
        %mul3A_218 = arith.constant 2.000000e-01 : f32
        %mul3A_219 = vector.broadcast %mul3A_218 : f32 to vector<16xf32>
        %mul3A_220 = arith.mulf %mul3A_219, %add3A_217 : vector<16xf32>
        %max3A_221 = arith.maximumf %add3A_217, %mul3A_220 : vector<16xf32>
        %mul3A_222 = arith.mulf %max3A_221, %get3A_27 : vector<16xf32>
        %add3A_223 = arith.addf %mul3A_180, %mul3A_186 : vector<16xf32>
        %add3A_224 = arith.addf %mul3A_192, %mul3A_198 : vector<16xf32>
        %add3A_225 = arith.addf %add3A_223, %add3A_224 : vector<16xf32>
        %add3A_226 = arith.addf %mul3A_204, %mul3A_210 : vector<16xf32>
        %add3A_227 = arith.addf %mul3A_216, %mul3A_222 : vector<16xf32>
        %add3A_228 = arith.addf %add3A_226, %add3A_227 : vector<16xf32>
        %reduce_sum3A = arith.constant true
        %reduce_sum3A_229 = vector.broadcast %reduce_sum3A : i1 to vector<16xi1>
        %reduce_sum3A_230 = tpu.scan <sum>, %add3A_225 masked %reduce_sum3A_229 : vector<16xf32>, vector<16xi1> -> vector<16xf32>
        %reduce_sum3A_231 = vector.extract %reduce_sum3A_230[15] : f32 from vector<16xf32>
        %reduce_sum3A_232 = arith.constant true
        %reduce_sum3A_233 = vector.broadcast %reduce_sum3A_232 : i1 to vector<16xi1>
        %reduce_sum3A_234 = tpu.scan <sum>, %add3A_228 masked %reduce_sum3A_233 : vector<16xf32>, vector<16xi1> -> vector<16xf32>
        %reduce_sum3A_235 = vector.extract %reduce_sum3A_234[15] : f32 from vector<16xf32>
        %broadcast_in_dim3A_236 = vector.broadcast %reduce_sum3A_231 : f32 to vector<16xf32>
        %exp3A = math.exp %broadcast_in_dim3A_236 : vector<16xf32>
        %broadcast_in_dim3A_237 = vector.broadcast %reduce_sum3A_235 : f32 to vector<16xf32>
        %exp3A_238 = math.exp %broadcast_in_dim3A_237 : vector<16xf32>
        %mul3A_239 = arith.mulf %get3A_130, %exp3A : vector<16xf32>
        %swap3A = arith.index_cast %scan3A_127 : i32 to index
        %swap3A_240 = arith.constant 0 : index
        %swap3A_241 = tpu.vector_load %arg18[%swap3A, %swap3A_240] {strides = array<i32>} : memref<128x128xf32, #tpu.memory_space<vmem>>, vector<16xf32>,
        tpu.vector_store %arg18[%swap3A, %swap3A_240], %mul3A_239 {strides = array<i32>} : memref<128x128xf32, #tpu.memory_space<vmem>>, vector<16xf32>,
        %mul3A_242 = arith.mulf %get3A_133, %exp3A : vector<16xf32>
        %swap3A_243 = arith.index_cast %scan3A_127 : i32 to index
        %swap3A_244 = arith.constant 16 : index
        %swap3A_245 = tpu.vector_load %arg18[%swap3A_243, %swap3A_244] {strides = array<i32>} : memref<128x128xf32, #tpu.memory_space<vmem>>, vector<16xf32>,
        tpu.vector_store %arg18[%swap3A_243, %swap3A_244], %mul3A_242 {strides = array<i32>} : memref<128x128xf32, #tpu.memory_space<vmem>>, vector<16xf32>,
        %mul3A_246 = arith.mulf %get3A_136, %exp3A : vector<16xf32>
        %swap3A_247 = arith.index_cast %scan3A_127 : i32 to index
        %swap3A_248 = arith.constant 32 : index
        %swap3A_249 = tpu.vector_load %arg18[%swap3A_247, %swap3A_248] {strides = array<i32>} : memref<128x128xf32, #tpu.memory_space<vmem>>, vector<16xf32>,
        tpu.vector_store %arg18[%swap3A_247, %swap3A_248], %mul3A_246 {strides = array<i32>} : memref<128x128xf32, #tpu.memory_space<vmem>>, vector<16xf32>,
        %mul3A_250 = arith.mulf %get3A_139, %exp3A : vector<16xf32>
        %swap3A_251 = arith.index_cast %scan3A_127 : i32 to index
        %swap3A_252 = arith.constant 48 : index
        %swap3A_253 = tpu.vector_load %arg18[%swap3A_251, %swap3A_252] {strides = array<i32>} : memref<128x128xf32, #tpu.memory_space<vmem>>, vector<16xf32>,
        tpu.vector_store %arg18[%swap3A_251, %swap3A_252], %mul3A_250 {strides = array<i32>} : memref<128x128xf32, #tpu.memory_space<vmem>>, vector<16xf32>,
        %mul3A_254 = arith.mulf %get3A_142, %exp3A_238 : vector<16xf32>
        %swap3A_255 = arith.index_cast %scan3A_127 : i32 to index
        %swap3A_256 = arith.constant 64 : index
        %swap3A_257 = tpu.vector_load %arg18[%swap3A_255, %swap3A_256] {strides = array<i32>} : memref<128x128xf32, #tpu.memory_space<vmem>>, vector<16xf32>,
        tpu.vector_store %arg18[%swap3A_255, %swap3A_256], %mul3A_254 {strides = array<i32>} : memref<128x128xf32, #tpu.memory_space<vmem>>, vector<16xf32>,
        %mul3A_258 = arith.mulf %get3A_145, %exp3A_238 : vector<16xf32>
        %swap3A_259 = arith.index_cast %scan3A_127 : i32 to index
        %swap3A_260 = arith.constant 80 : index
        %swap3A_261 = tpu.vector_load %arg18[%swap3A_259, %swap3A_260] {strides = array<i32>} : memref<128x128xf32, #tpu.memory_space<vmem>>, vector<16xf32>,
        tpu.vector_store %arg18[%swap3A_259, %swap3A_260], %mul3A_258 {strides = array<i32>} : memref<128x128xf32, #tpu.memory_space<vmem>>, vector<16xf32>,
        %mul3A_262 = arith.mulf %get3A_148, %exp3A_238 : vector<16xf32>
        %swap3A_263 = arith.index_cast %scan3A_127 : i32 to index
        %swap3A_264 = arith.constant 96 : index
        %swap3A_265 = tpu.vector_load %arg18[%swap3A_263, %swap3A_264] {strides = array<i32>} : memref<128x128xf32, #tpu.memory_space<vmem>>, vector<16xf32>,
        tpu.vector_store %arg18[%swap3A_263, %swap3A_264], %mul3A_262 {strides = array<i32>} : memref<128x128xf32, #tpu.memory_space<vmem>>, vector<16xf32>,
        %mul3A_266 = arith.mulf %get3A_151, %exp3A_238 : vector<16xf32>
        %swap3A_267 = arith.index_cast %scan3A_127 : i32 to index
        %swap3A_268 = arith.constant 112 : index
        %swap3A_269 = tpu.vector_load %arg18[%swap3A_267, %swap3A_268] {strides = array<i32>} : memref<128x128xf32, #tpu.memory_space<vmem>>, vector<16xf32>,
        tpu.vector_store %arg18[%swap3A_267, %swap3A_268], %mul3A_266 {strides = array<i32>} : memref<128x128xf32, #tpu.memory_space<vmem>>, vector<16xf32>,
      }
      %scan3A_126 = arith.constant 128 : i32
      "tpu.region"() ({
        %run_scoped3A = tpu.sem_alloc : memref<!tpu.dma_semaphore, #tpu.memory_space<semaphore_mem>>
        %dma_start3A_127 = arith.constant 0 : i32
        %dma_start3A_128 = arith.constant 0 : i32
        %dma_start3A_129 = tpu.memref_slice %arg21[%dma_start3A_127, %dma_start3A_128] : memref<5128x128xf32, #tpu.memory_space<vmem_shared>> -> memref<5128x128xf32, #tpu.memory_space<vmem_shared>>
        tpu.enqueue_indirect_dma source(%arg18 : memref<128x128xf32, #tpu.memory_space<vmem>>) target(%dma_start3A_129 : memref<5128x128xf32, #tpu.memory_space<vmem_shared>>) offsets(%arg15 : memref<128xi32, #tpu.memory_space<vmem>>) semaphore(%run_scoped3A : memref<!tpu.dma_semaphore, #tpu.memory_space<semaphore_mem>>) {add = true}
        %dma_wait3A_130 = arith.constant 0 : i32
        %dma_wait3A_131 = arith.constant 0 : i32
        %dma_wait3A_132 = tpu.memref_slice %arg21[%dma_wait3A_130, %dma_wait3A_131] : memref<5128x128xf32, #tpu.memory_space<vmem_shared>> -> memref<5128x128xf32, #tpu.memory_space<vmem_shared>>
        tpu.wait_indirect_dma semaphore(%run_scoped3A : memref<!tpu.dma_semaphore, #tpu.memory_space<semaphore_mem>>) src(%arg18 : memref<128x128xf32, #tpu.memory_space<vmem>>) dst(%dma_wait3A_132 : memref<5128x128xf32, #tpu.memory_space<vmem_shared>>)
        tpu.yield
      }) : () -> ()
    }
    %scan3A_82 = arith.constant 158 : i32
    %barrier3A_83 = arith.constant 0 : index
    tpu.barrier barrier_id(%barrier3A_83)
    %mul3A_84 = arith.constant 10240 : i32
    %mul3A_85 = arith.muli %arg0, %mul3A_84 : i32
    %add3A_86 = arith.constant 5120 : i32
    %add3A_87 = arith.addi %mul3A_85, %add3A_86 : i32
    %add3A_88 = arith.addi %add3A_87, %mul3A_12 : i32
    %add3A_89 = arith.constant 0 : i32
    %add3A_90 = arith.addi %mul3A_12, %add3A_89 : i32
    %add3A_91 = arith.constant 0 : i32
    %add3A_92 = arith.addi %add3A_88, %add3A_91 : i32
    "tpu.region"() ({
      %run_scoped3A = tpu.sem_alloc : memref<!tpu.dma_semaphore, #tpu.memory_space<semaphore_mem>>
      %dma_start3A = arith.constant 0 : i32
      %dma_start3A_104 = tpu.memref_slice %arg10[%add3A_92, %dma_start3A] : memref<20480x128xf32, #tpu.memory_space<hbm>> -> memref<128x128xf32, #tpu.memory_space<hbm>>
      %dma_start3A_105 = arith.constant 0 : i32
      %dma_start3A_106 = tpu.memref_slice %arg21[%add3A_90, %dma_start3A_105] : memref<5128x128xf32, #tpu.memory_space<vmem_shared>> -> memref<128x128xf32, #tpu.memory_space<vmem_shared>>
      tpu.enqueue_dma source(%dma_start3A_106 : memref<128x128xf32, #tpu.memory_space<vmem_shared>>) target(%dma_start3A_104 : memref<128x128xf32, #tpu.memory_space<hbm>>) target_semaphore(%run_scoped3A : memref<!tpu.dma_semaphore, #tpu.memory_space<semaphore_mem>>)
      %dma_wait3A = arith.constant 0 : i32
      %dma_wait3A_107 = tpu.memref_slice %arg10[%add3A_92, %dma_wait3A] : memref<20480x128xf32, #tpu.memory_space<hbm>> -> memref<128x128xf32, #tpu.memory_space<hbm>>
      %dma_wait3A_108 = arith.constant 0 : i32
      %dma_wait3A_109 = tpu.memref_slice %arg21[%add3A_90, %dma_wait3A_108] : memref<5128x128xf32, #tpu.memory_space<vmem_shared>> -> memref<128x128xf32, #tpu.memory_space<vmem_shared>>
      tpu.wait_dma2 semaphore(%run_scoped3A : memref<!tpu.dma_semaphore, #tpu.memory_space<semaphore_mem>>) src(%dma_wait3A_109 : memref<128x128xf32, #tpu.memory_space<vmem_shared>>) dst(%dma_wait3A_107 : memref<128x128xf32, #tpu.memory_space<hbm>>)
      tpu.yield
    }) : () -> ()
    %add3A_93 = arith.constant 128 : i32
    %add3A_94 = arith.addi %mul3A_12, %add3A_93 : i32
    %add3A_95 = arith.constant 128 : i32
    %add3A_96 = arith.addi %add3A_88, %add3A_95 : i32
    "tpu.region"() ({
      %run_scoped3A = tpu.sem_alloc : memref<!tpu.dma_semaphore, #tpu.memory_space<semaphore_mem>>
      %dma_start3A = arith.constant 0 : i32
      %dma_start3A_104 = tpu.memref_slice %arg10[%add3A_96, %dma_start3A] : memref<20480x128xf32, #tpu.memory_space<hbm>> -> memref<128x128xf32, #tpu.memory_space<hbm>>
      %dma_start3A_105 = arith.constant 0 : i32
      %dma_start3A_106 = tpu.memref_slice %arg21[%add3A_94, %dma_start3A_105] : memref<5128x128xf32, #tpu.memory_space<vmem_shared>> -> memref<128x128xf32, #tpu.memory_space<vmem_shared>>
      tpu.enqueue_dma source(%dma_start3A_106 : memref<128x128xf32, #tpu.memory_space<vmem_shared>>) target(%dma_start3A_104 : memref<128x128xf32, #tpu.memory_space<hbm>>) target_semaphore(%run_scoped3A : memref<!tpu.dma_semaphore, #tpu.memory_space<semaphore_mem>>)
      %dma_wait3A = arith.constant 0 : i32
      %dma_wait3A_107 = tpu.memref_slice %arg10[%add3A_96, %dma_wait3A] : memref<20480x128xf32, #tpu.memory_space<hbm>> -> memref<128x128xf32, #tpu.memory_space<hbm>>
      %dma_wait3A_108 = arith.constant 0 : i32
      %dma_wait3A_109 = tpu.memref_slice %arg21[%add3A_94, %dma_wait3A_108] : memref<5128x128xf32, #tpu.memory_space<vmem_shared>> -> memref<128x128xf32, #tpu.memory_space<vmem_shared>>
      tpu.wait_dma2 semaphore(%run_scoped3A : memref<!tpu.dma_semaphore, #tpu.memory_space<semaphore_mem>>) src(%dma_wait3A_109 : memref<128x128xf32, #tpu.memory_space<vmem_shared>>) dst(%dma_wait3A_107 : memref<128x128xf32, #tpu.memory_space<hbm>>)
      tpu.yield
    }) : () -> ()
    %add3A_97 = arith.constant 256 : i32
    %add3A_98 = arith.addi %mul3A_12, %add3A_97 : i32
    %add3A_99 = arith.constant 256 : i32
    %add3A_100 = arith.addi %add3A_88, %add3A_99 : i32
    "tpu.region"() ({
      %run_scoped3A = tpu.sem_alloc : memref<!tpu.dma_semaphore, #tpu.memory_space<semaphore_mem>>
      %dma_start3A = arith.constant 0 : i32
      %dma_start3A_104 = tpu.memref_slice %arg10[%add3A_100, %dma_start3A] : memref<20480x128xf32, #tpu.memory_space<hbm>> -> memref<64x128xf32, #tpu.memory_space<hbm>>
      %dma_start3A_105 = arith.constant 0 : i32
      %dma_start3A_106 = tpu.memref_slice %arg21[%add3A_98, %dma_start3A_105] : memref<5128x128xf32, #tpu.memory_space<vmem_shared>> -> memref<64x128xf32, #tpu.memory_space<vmem_shared>>
      tpu.enqueue_dma source(%dma_start3A_106 : memref<64x128xf32, #tpu.memory_space<vmem_shared>>) target(%dma_start3A_104 : memref<64x128xf32, #tpu.memory_space<hbm>>) target_semaphore(%run_scoped3A : memref<!tpu.dma_semaphore, #tpu.memory_space<semaphore_mem>>)
      %dma_wait3A = arith.constant 0 : i32
      %dma_wait3A_107 = tpu.memref_slice %arg10[%add3A_100, %dma_wait3A] : memref<20480x128xf32, #tpu.memory_space<hbm>> -> memref<64x128xf32, #tpu.memory_space<hbm>>
      %dma_wait3A_108 = arith.constant 0 : i32
      %dma_wait3A_109 = tpu.memref_slice %arg21[%add3A_98, %dma_wait3A_108] : memref<5128x128xf32, #tpu.memory_space<vmem_shared>> -> memref<64x128xf32, #tpu.memory_space<vmem_shared>>
      tpu.wait_dma2 semaphore(%run_scoped3A : memref<!tpu.dma_semaphore, #tpu.memory_space<semaphore_mem>>) src(%dma_wait3A_109 : memref<64x128xf32, #tpu.memory_space<vmem_shared>>) dst(%dma_wait3A_107 : memref<64x128xf32, #tpu.memory_space<hbm>>)
      tpu.yield
    }) : () -> ()
    %mul3A_101 = arith.constant 16 : i32
    %mul3A_102 = arith.muli %arg0, %mul3A_101 : i32
    %add3A_103 = arith.addi %mul3A_102, %arg1 : i32
    "tpu.region"() ({
      %run_scoped3A = tpu.sem_alloc : memref<!tpu.dma_semaphore, #tpu.memory_space<semaphore_mem>>
      %dma_start3A = arith.constant 0 : i32
      %dma_start3A_104 = tpu.memref_slice %arg11[%add3A_103, %dma_start3A] : memref<32x20480xf32, #tpu.memory_space<hbm>> -> memref<1x20480xf32, #tpu.memory_space<hbm>>
      %dma_start3A_105 = tpu.memref_squeeze %dma_start3A_104 : memref<1x20480xf32, #tpu.memory_space<hbm>> -> memref<20480xf32, #tpu.memory_space<hbm>>
      %dma_start3A_106 = arith.constant 0 : i32
      %dma_start3A_107 = tpu.memref_slice %arg11[%add3A_103, %dma_start3A_106] : memref<32x20480xf32, #tpu.memory_space<hbm>> -> memref<1x20480xf32, #tpu.memory_space<hbm>>
      %dma_start3A_108 = tpu.memref_squeeze %dma_start3A_107 : memref<1x20480xf32, #tpu.memory_space<hbm>> -> memref<20480xf32, #tpu.memory_space<hbm>>
      tpu.enqueue_dma source(%arg20 : memref<20480xf32, #tpu.memory_space<vmem>>) target(%dma_start3A_108 : memref<20480xf32, #tpu.memory_space<hbm>>) target_semaphore(%run_scoped3A : memref<!tpu.dma_semaphore, #tpu.memory_space<semaphore_mem>>)
      %dma_wait3A = arith.constant 0 : i32
      %dma_wait3A_109 = tpu.memref_slice %arg11[%add3A_103, %dma_wait3A] : memref<32x20480xf32, #tpu.memory_space<hbm>> -> memref<1x20480xf32, #tpu.memory_space<hbm>>
      %dma_wait3A_110 = tpu.memref_squeeze %dma_wait3A_109 : memref<1x20480xf32, #tpu.memory_space<hbm>> -> memref<20480xf32, #tpu.memory_space<hbm>>
      %dma_wait3A_111 = arith.constant 0 : i32
      %dma_wait3A_112 = tpu.memref_slice %arg11[%add3A_103, %dma_wait3A_111] : memref<32x20480xf32, #tpu.memory_space<hbm>> -> memref<1x20480xf32, #tpu.memory_space<hbm>>
      %dma_wait3A_113 = tpu.memref_squeeze %dma_wait3A_112 : memref<1x20480xf32, #tpu.memory_space<hbm>> -> memref<20480xf32, #tpu.memory_space<hbm>>
      tpu.wait_dma2 semaphore(%run_scoped3A : memref<!tpu.dma_semaphore, #tpu.memory_space<semaphore_mem>>) src(%arg20 : memref<20480xf32, #tpu.memory_space<vmem>>) dst(%dma_wait3A_113 : memref<20480xf32, #tpu.memory_space<hbm>>)
      tpu.yield
    }) : () -> ()
    return
  }
}

module attributes {stable_mosaic.version = 14 : i64} {
  func.func @_phase_a_body(%arg0: i32, %arg1: i32, %arg2: memref<512x128xf32, #tpu.memory_space<vmem>>, %arg3: memref<128x128xf32, #tpu.memory_space<vmem>>, %arg4: memref<128x128xf32, #tpu.memory_space<vmem>>, %arg5: memref<1x1x128xf32, #tpu.memory_space<vmem>>, %arg6: memref<128x64xf32, #tpu.memory_space<vmem>>, %arg7: memref<1x64xf32, #tpu.memory_space<vmem>>, %arg8: memref<1x512x128xf32, #tpu.memory_space<vmem>>, %arg9: memref<1x512x128xf32, #tpu.memory_space<vmem>>, %arg10: memref<1x512x16xf32, #tpu.memory_space<vmem>>, %arg11: memref<512x64xf32, #tpu.memory_space<vmem>>) attributes {dimension_semantics = [#tpu.dimension_semantics<arbitrary>, #tpu.dimension_semantics<arbitrary>], iteration_bounds = array<i64: 2, 20>, scalar_prefetch = 0 : i64, scratch_operands = 0 : i64, tpu.core_type = #tpu.core_type<tc>, window_params = [{transform_indices = @transform_0, window_bounds = array<i64: 512, 128>}, {transform_indices = @transform_1, window_bounds = array<i64: 128, 128>}, {transform_indices = @transform_2, window_bounds = array<i64: 128, 128>}, {transform_indices = @transform_3, window_bounds = array<i64: 1, 1, 128>}, {pipeline_mode = #tpu.pipeline_mode<synchronous>, transform_indices = @transform_4, window_bounds = array<i64: 128, 64>}, {pipeline_mode = #tpu.pipeline_mode<synchronous>, transform_indices = @transform_5, window_bounds = array<i64: 1, 64>}, {transform_indices = @transform_6, window_bounds = array<i64: 1, 512, 128>}, {transform_indices = @transform_7, window_bounds = array<i64: 1, 512, 128>}, {transform_indices = @transform_8, window_bounds = array<i64: 1, 512, 16>}, {transform_indices = @transform_9, window_bounds = array<i64: 512, 64>}]} {
    %get3A = arith.constant 0 : index
    %get3A_0 = arith.constant 0 : index
    %get3A_1 = vector.load %arg2[%get3A, %get3A_0] : memref<512x128xf32, #tpu.memory_space<vmem>>, vector<512x128xf32>
    %get3A_2 = arith.constant 0 : index
    %get3A_3 = arith.constant 0 : index
    %get3A_4 = vector.load %arg3[%get3A_2, %get3A_3] : memref<128x128xf32, #tpu.memory_space<vmem>>, vector<128x128xf32>
    %dot_general3A = arith.constant dense<0.000000e+00> : vector<512x128xf32>
    %dot_general3A_5 = tpu.matmul %get3A_1, %get3A_4, %dot_general3A {dimension_numbers = #tpu.dot_dimension_numbers<[1], [0], [0], [1], [0, 0, 1, 1], [], []>, transpose_lhs_hint = false} : vector<512x128xf32>, vector<128x128xf32>, vector<512x128xf32> -> vector<512x128xf32>
    %get3A_6 = arith.constant 0 : index
    %get3A_7 = arith.constant 0 : index
    %get3A_8 = vector.load %arg4[%get3A_6, %get3A_7] : memref<128x128xf32, #tpu.memory_space<vmem>>, vector<128x128xf32>
    %dot_general3A_9 = arith.constant dense<0.000000e+00> : vector<512x128xf32>
    %dot_general3A_10 = tpu.matmul %get3A_1, %get3A_8, %dot_general3A_9 {dimension_numbers = #tpu.dot_dimension_numbers<[1], [0], [0], [1], [0, 0, 1, 1], [], []>, transpose_lhs_hint = false} : vector<512x128xf32>, vector<128x128xf32>, vector<512x128xf32> -> vector<512x128xf32>
    %add3A = arith.addf %dot_general3A_5, %dot_general3A_10 : vector<512x128xf32>
    %mul3A = arith.constant 2.000000e-01 : f32
    %mul3A_11 = vector.broadcast %mul3A : f32 to vector<512x128xf32>
    %mul3A_12 = arith.mulf %mul3A_11, %add3A : vector<512x128xf32>
    %max3A = arith.maximumf %add3A, %mul3A_12 : vector<512x128xf32>
    %get3A_13 = arith.constant 0 : index
    %get3A_14 = arith.constant 0 : index
    %get3A_15 = arith.constant 0 : index
    %get3A_16 = vector.load %arg5[%get3A_13, %get3A_14, %get3A_15] : memref<1x1x128xf32, #tpu.memory_space<vmem>>, vector<1x1x128xf32>
    %reshape3A = vector.shape_cast %get3A_16 : vector<1x1x128xf32> to vector<1x128xf32>
    %mul3A_17 = vector.broadcast %reshape3A : vector<1x128xf32> to vector<512x128xf32>
    %mul3A_18 = arith.mulf %max3A, %mul3A_17 : vector<512x128xf32>
    %iota3A = tpu.iota {dimensions = array<i32: 1>} : vector<1x128xi32>
    %lt3A = arith.constant 64 : i32
    %lt3A_19 = vector.broadcast %lt3A : i32 to vector<1x128xi32>
    %lt3A_20 = arith.cmpi slt, %iota3A, %lt3A_19 : vector<1x128xi32>
    %jit3A = arith.constant 0.000000e+00 : f32
    %broadcast_in_dim3A = vector.shape_cast %lt3A_20 : vector<1x128xi1> to vector<1x128xi1>
    %broadcast_in_dim3A_21 = vector.broadcast %broadcast_in_dim3A : vector<1x128xi1> to vector<512x128xi1>
    %broadcast_in_dim3A_22 = vector.broadcast %jit3A : f32 to vector<512x128xf32>
    %select_n3A = arith.select %broadcast_in_dim3A_21, %mul3A_18, %broadcast_in_dim3A_22 : vector<512x128xi1>, vector<512x128xf32>
    %reduce_sum3A = arith.constant dense<0.000000e+00> : vector<512xf32>
    %reduce_sum3A_23 = vector.multi_reduction <add>, %select_n3A, %reduce_sum3A [1] : vector<512x128xf32> to vector<512xf32>
    %ge3A = arith.constant 64 : i32
    %ge3A_24 = vector.broadcast %ge3A : i32 to vector<1x128xi32>
    %ge3A_25 = arith.cmpi sge, %iota3A, %ge3A_24 : vector<1x128xi32>
    %jit3A_26 = arith.constant 0.000000e+00 : f32
    %broadcast_in_dim3A_27 = vector.shape_cast %ge3A_25 : vector<1x128xi1> to vector<1x128xi1>
    %broadcast_in_dim3A_28 = vector.broadcast %broadcast_in_dim3A_27 : vector<1x128xi1> to vector<512x128xi1>
    %broadcast_in_dim3A_29 = vector.broadcast %jit3A_26 : f32 to vector<512x128xf32>
    %select_n3A_30 = arith.select %broadcast_in_dim3A_28, %mul3A_18, %broadcast_in_dim3A_29 : vector<512x128xi1>, vector<512x128xf32>
    %reduce_sum3A_31 = arith.constant dense<0.000000e+00> : vector<512xf32>
    %reduce_sum3A_32 = vector.multi_reduction <add>, %select_n3A_30, %reduce_sum3A_31 [1] : vector<512x128xf32> to vector<512xf32>
    %iota3A_33 = tpu.iota {dimensions = array<i32: 1>} : vector<1x16xi32>
    %broadcast_in_dim3A_34 = vector.shape_cast %reduce_sum3A_23 : vector<512xf32> to vector<512x1xf32>
    %eq3A = arith.constant 0 : i32
    %eq3A_35 = vector.broadcast %eq3A : i32 to vector<1x16xi32>
    %eq3A_36 = arith.cmpi eq, %iota3A_33, %eq3A_35 : vector<1x16xi32>
    %convert_element_type3A = arith.extui %eq3A_36 : vector<1x16xi1> to vector<1x16xi32>
    %convert_element_type3A_37 = arith.sitofp %convert_element_type3A : vector<1x16xi32> to vector<1x16xf32>
    %mul3A_38 = vector.broadcast %broadcast_in_dim3A_34 : vector<512x1xf32> to vector<512x16xf32>
    %mul3A_39 = vector.broadcast %convert_element_type3A_37 : vector<1x16xf32> to vector<512x16xf32>
    %mul3A_40 = arith.mulf %mul3A_38, %mul3A_39 : vector<512x16xf32>
    %broadcast_in_dim3A_41 = vector.shape_cast %reduce_sum3A_32 : vector<512xf32> to vector<512x1xf32>
    %eq3A_42 = arith.constant 1 : i32
    %eq3A_43 = vector.broadcast %eq3A_42 : i32 to vector<1x16xi32>
    %eq3A_44 = arith.cmpi eq, %iota3A_33, %eq3A_43 : vector<1x16xi32>
    %convert_element_type3A_45 = arith.extui %eq3A_44 : vector<1x16xi1> to vector<1x16xi32>
    %convert_element_type3A_46 = arith.sitofp %convert_element_type3A_45 : vector<1x16xi32> to vector<1x16xf32>
    %mul3A_47 = vector.broadcast %broadcast_in_dim3A_41 : vector<512x1xf32> to vector<512x16xf32>
    %mul3A_48 = vector.broadcast %convert_element_type3A_46 : vector<1x16xf32> to vector<512x16xf32>
    %mul3A_49 = arith.mulf %mul3A_47, %mul3A_48 : vector<512x16xf32>
    %add3A_50 = arith.addf %mul3A_40, %mul3A_49 : vector<512x16xf32>
    %broadcast_in_dim3A_51 = vector.shape_cast %dot_general3A_5 : vector<512x128xf32> to vector<1x512x128xf32>
    %swap3A = arith.constant 0 : index
    %swap3A_52 = arith.constant 0 : index
    %swap3A_53 = arith.constant 0 : index
    %swap3A_54 = vector.load %arg8[%swap3A, %swap3A_52, %swap3A_53] : memref<1x512x128xf32, #tpu.memory_space<vmem>>, vector<1x512x128xf32>
    tpu.vector_store %arg8[%swap3A, %swap3A_52, %swap3A_53], %broadcast_in_dim3A_51 {strides = array<i32>} : memref<1x512x128xf32, #tpu.memory_space<vmem>>, vector<1x512x128xf32>,
    %broadcast_in_dim3A_55 = vector.shape_cast %dot_general3A_10 : vector<512x128xf32> to vector<1x512x128xf32>
    %swap3A_56 = arith.constant 0 : index
    %swap3A_57 = arith.constant 0 : index
    %swap3A_58 = arith.constant 0 : index
    %swap3A_59 = vector.load %arg9[%swap3A_56, %swap3A_57, %swap3A_58] : memref<1x512x128xf32, #tpu.memory_space<vmem>>, vector<1x512x128xf32>
    tpu.vector_store %arg9[%swap3A_56, %swap3A_57, %swap3A_58], %broadcast_in_dim3A_55 {strides = array<i32>} : memref<1x512x128xf32, #tpu.memory_space<vmem>>, vector<1x512x128xf32>,
    %broadcast_in_dim3A_60 = vector.shape_cast %add3A_50 : vector<512x16xf32> to vector<1x512x16xf32>
    %swap3A_61 = arith.constant 0 : index
    %swap3A_62 = arith.constant 0 : index
    %swap3A_63 = arith.constant 0 : index
    %swap3A_64 = vector.load %arg10[%swap3A_61, %swap3A_62, %swap3A_63] : memref<1x512x16xf32, #tpu.memory_space<vmem>>, vector<1x512x16xf32>
    tpu.vector_store %arg10[%swap3A_61, %swap3A_62, %swap3A_63], %broadcast_in_dim3A_60 {strides = array<i32>} : memref<1x512x16xf32, #tpu.memory_space<vmem>>, vector<1x512x16xf32>,
    %get3A_65 = arith.constant 0 : index
    %get3A_66 = arith.constant 0 : index
    %get3A_67 = vector.load %arg6[%get3A_65, %get3A_66] : memref<128x64xf32, #tpu.memory_space<vmem>>, vector<128x64xf32>
    %dot_general3A_68 = arith.constant dense<0.000000e+00> : vector<512x64xf32>
    %dot_general3A_69 = tpu.matmul %get3A_1, %get3A_67, %dot_general3A_68 {dimension_numbers = #tpu.dot_dimension_numbers<[1], [0], [0], [1], [0, 0, 1, 1], [], []>, transpose_lhs_hint = false} : vector<512x128xf32>, vector<128x64xf32>, vector<512x64xf32> -> vector<512x64xf32>
    %get3A_70 = arith.constant 0 : index
    %get3A_71 = arith.constant 0 : index
    %get3A_72 = vector.load %arg7[%get3A_70, %get3A_71] : memref<1x64xf32, #tpu.memory_space<vmem>>, vector<1x64xf32>
    %add3A_73 = vector.broadcast %get3A_72 : vector<1x64xf32> to vector<512x64xf32>
    %add3A_74 = arith.addf %dot_general3A_69, %add3A_73 : vector<512x64xf32>
    %swap3A_75 = arith.constant 0 : index
    %swap3A_76 = arith.constant 0 : index
    %swap3A_77 = vector.load %arg11[%swap3A_75, %swap3A_76] : memref<512x64xf32, #tpu.memory_space<vmem>>, vector<512x64xf32>
    tpu.vector_store %arg11[%swap3A_75, %swap3A_76], %add3A_74 {strides = array<i32>} : memref<512x64xf32, #tpu.memory_space<vmem>>, vector<512x64xf32>,
    return
  }
  func.func @transform_0(%arg0: i32, %arg1: i32) -> (i32, i32) {
    %c0_i32 = arith.constant 0 : i32
    %c0_i32_0 = arith.constant 0 : i32
    return %arg1, %c0_i32 : i32, i32
  }
  func.func @transform_1(%arg0: i32, %arg1: i32) -> (i32, i32) {
    %c0_i32 = arith.constant 0 : i32
    %c0_i32_0 = arith.constant 0 : i32
    return %c0_i32, %arg0 : i32, i32
  }
  func.func @transform_2(%arg0: i32, %arg1: i32) -> (i32, i32) {
    %c0_i32 = arith.constant 0 : i32
    %c0_i32_0 = arith.constant 0 : i32
    return %c0_i32, %arg0 : i32, i32
  }
  func.func @transform_3(%arg0: i32, %arg1: i32) -> (i32, i32, i32) {
    %c0_i32 = arith.constant 0 : i32
    %c0_i32_0 = arith.constant 0 : i32
    %c0_i32_1 = arith.constant 0 : i32
    return %arg0, %c0_i32, %c0_i32_0 : i32, i32, i32
  }
  func.func @transform_4(%arg0: i32, %arg1: i32) -> (i32, i32) {
    %c0_i32 = arith.constant 0 : i32
    %c0_i32_0 = arith.constant 0 : i32
    %c0_i32_1 = arith.constant 0 : i32
    return %c0_i32, %c0_i32_0 : i32, i32
  }
  func.func @transform_5(%arg0: i32, %arg1: i32) -> (i32, i32) {
    %c0_i32 = arith.constant 0 : i32
    %c0_i32_0 = arith.constant 0 : i32
    %c0_i32_1 = arith.constant 0 : i32
    return %c0_i32, %c0_i32_0 : i32, i32
  }
  func.func @transform_6(%arg0: i32, %arg1: i32) -> (i32, i32, i32) {
    %c0_i32 = arith.constant 0 : i32
    %c0_i32_0 = arith.constant 0 : i32
    return %arg0, %arg1, %c0_i32 : i32, i32, i32
  }
  func.func @transform_7(%arg0: i32, %arg1: i32) -> (i32, i32, i32) {
    %c0_i32 = arith.constant 0 : i32
    %c0_i32_0 = arith.constant 0 : i32
    return %arg0, %arg1, %c0_i32 : i32, i32, i32
  }
  func.func @transform_8(%arg0: i32, %arg1: i32) -> (i32, i32, i32) {
    %c0_i32 = arith.constant 0 : i32
    %c0_i32_0 = arith.constant 0 : i32
    return %arg0, %arg1, %c0_i32 : i32, i32, i32
  }
  func.func @transform_9(%arg0: i32, %arg1: i32) -> (i32, i32) {
    %c0_i32 = arith.constant 0 : i32
    %c0_i32_0 = arith.constant 0 : i32
    return %arg1, %c0_i32 : i32, i32
  }
}

module attributes {stable_mosaic.version = 14 : i64} {
  func.func @_phase_c1_body(%arg0: i32, %arg1: memref<2x512x128xf32, #tpu.memory_space<vmem>>, %arg2: memref<2x512x128xf32, #tpu.memory_space<vmem>>, %arg3: memref<32x2x512xf32, #tpu.memory_space<vmem>>, %arg4: memref<2x512x16xf32, #tpu.memory_space<vmem>>, %arg5: memref<2x128xf32, #tpu.memory_space<vmem>>, %arg6: memref<2x512x128xf32, #tpu.memory_space<vmem>>, %arg7: memref<2x2x128xf32, #tpu.memory_space<vmem>>) attributes {dimension_semantics = [#tpu.dimension_semantics<arbitrary>], iteration_bounds = array<i64: 20>, scalar_prefetch = 0 : i64, scratch_operands = 0 : i64, tpu.core_type = #tpu.core_type<tc>, window_params = [{transform_indices = @transform_0, window_bounds = array<i64: 2, 512, 128>}, {transform_indices = @transform_1, window_bounds = array<i64: 2, 512, 128>}, {transform_indices = @transform_2, window_bounds = array<i64: 32, 2, 512>}, {transform_indices = @transform_3, window_bounds = array<i64: 2, 512, 16>}, {pipeline_mode = #tpu.pipeline_mode<synchronous>, transform_indices = @transform_4, window_bounds = array<i64: 2, 128>}, {transform_indices = @transform_5, window_bounds = array<i64: 2, 512, 128>}, {pipeline_mode = #tpu.pipeline_mode<synchronous>, transform_indices = @transform_6, window_bounds = array<i64: 2, 2, 128>}]} {
    %get3A = arith.constant 0 : index
    %get3A_0 = arith.constant 0 : index
    %get3A_1 = arith.constant 0 : index
    %get3A_2 = vector.load %arg2[%get3A, %get3A_0, %get3A_1] : memref<2x512x128xf32, #tpu.memory_space<vmem>>, vector<2x512x128xf32>
    %get3A_3 = arith.constant 0 : index
    %get3A_4 = arith.constant 0 : index
    %get3A_5 = arith.constant 0 : index
    %get3A_6 = vector.load %arg3[%get3A_3, %get3A_4, %get3A_5] : memref<32x2x512xf32, #tpu.memory_space<vmem>>, vector<32x2x512xf32>
    %get3A_7 = arith.constant 0 : index
    %get3A_8 = arith.constant 0 : index
    %get3A_9 = arith.constant 0 : index
    %get3A_10 = vector.load %arg4[%get3A_7, %get3A_8, %get3A_9] : memref<2x512x16xf32, #tpu.memory_space<vmem>>, vector<2x512x16xf32>
    %iota3A = tpu.iota {dimensions = array<i32: 1>} : vector<1x128xi32>
    %iota3A_11 = tpu.iota {dimensions = array<i32: 1>} : vector<1x16xi32>
    %slice3A = vector.extract_strided_slice %get3A_6 {offsets = [0, 0, 0], sizes = [16, 2, 512], strides = [1, 1, 1]} : vector<32x2x512xf32> to vector<16x2x512xf32>
    %reduce_sum3A = arith.constant dense<0.000000e+00> : vector<2x512xf32>
    %reduce_sum3A_12 = vector.multi_reduction <add>, %slice3A, %reduce_sum3A [0] : vector<16x2x512xf32> to vector<2x512xf32>
    %eq3A = arith.constant 0 : i32
    %eq3A_13 = vector.broadcast %eq3A : i32 to vector<1x16xi32>
    %eq3A_14 = arith.cmpi eq, %iota3A_11, %eq3A_13 : vector<1x16xi32>
    %slice3A_15 = vector.extract_strided_slice %get3A_10 {offsets = [0, 0, 0], sizes = [1, 512, 16], strides = [1, 1, 1]} : vector<2x512x16xf32> to vector<1x512x16xf32>
    %squeeze3A = vector.shape_cast %slice3A_15 : vector<1x512x16xf32> to vector<512x16xf32>
    %jit3A = arith.constant 0.000000e+00 : f32
    %broadcast_in_dim3A = vector.shape_cast %eq3A_14 : vector<1x16xi1> to vector<1x16xi1>
    %broadcast_in_dim3A_16 = vector.broadcast %broadcast_in_dim3A : vector<1x16xi1> to vector<512x16xi1>
    %broadcast_in_dim3A_17 = vector.broadcast %jit3A : f32 to vector<512x16xf32>
    %select_n3A = arith.select %broadcast_in_dim3A_16, %squeeze3A, %broadcast_in_dim3A_17 : vector<512x16xi1>, vector<512x16xf32>
    %reduce_sum3A_18 = arith.constant dense<0.000000e+00> : vector<512xf32>
    %reduce_sum3A_19 = vector.multi_reduction <add>, %select_n3A, %reduce_sum3A_18 [1] : vector<512x16xf32> to vector<512xf32>
    %exp3A = math.exp %reduce_sum3A_19 : vector<512xf32>
    %eq3A_20 = arith.constant 1 : i32
    %eq3A_21 = vector.broadcast %eq3A_20 : i32 to vector<1x16xi32>
    %eq3A_22 = arith.cmpi eq, %iota3A_11, %eq3A_21 : vector<1x16xi32>
    %slice3A_23 = vector.extract_strided_slice %get3A_10 {offsets = [0, 0, 0], sizes = [1, 512, 16], strides = [1, 1, 1]} : vector<2x512x16xf32> to vector<1x512x16xf32>
    %squeeze3A_24 = vector.shape_cast %slice3A_23 : vector<1x512x16xf32> to vector<512x16xf32>
    %jit3A_25 = arith.constant 0.000000e+00 : f32
    %broadcast_in_dim3A_26 = vector.shape_cast %eq3A_22 : vector<1x16xi1> to vector<1x16xi1>
    %broadcast_in_dim3A_27 = vector.broadcast %broadcast_in_dim3A_26 : vector<1x16xi1> to vector<512x16xi1>
    %broadcast_in_dim3A_28 = vector.broadcast %jit3A_25 : f32 to vector<512x16xf32>
    %select_n3A_29 = arith.select %broadcast_in_dim3A_27, %squeeze3A_24, %broadcast_in_dim3A_28 : vector<512x16xi1>, vector<512x16xf32>
    %reduce_sum3A_30 = arith.constant dense<0.000000e+00> : vector<512xf32>
    %reduce_sum3A_31 = vector.multi_reduction <add>, %select_n3A_29, %reduce_sum3A_30 [1] : vector<512x16xf32> to vector<512xf32>
    %exp3A_32 = math.exp %reduce_sum3A_31 : vector<512xf32>
    %lt3A = arith.constant 64 : i32
    %lt3A_33 = vector.broadcast %lt3A : i32 to vector<1x128xi32>
    %lt3A_34 = arith.cmpi slt, %iota3A, %lt3A_33 : vector<1x128xi32>
    %slice3A_35 = vector.extract_strided_slice %reduce_sum3A_12 {offsets = [0, 0], sizes = [1, 512], strides = [1, 1]} : vector<2x512xf32> to vector<1x512xf32>
    %squeeze3A_36 = vector.shape_cast %slice3A_35 : vector<1x512xf32> to vector<512xf32>
    %broadcast_in_dim3A_37 = vector.shape_cast %squeeze3A_36 : vector<512xf32> to vector<512x1xf32>
    %slice3A_38 = vector.extract_strided_slice %reduce_sum3A_12 {offsets = [1, 0], sizes = [1, 512], strides = [1, 1]} : vector<2x512xf32> to vector<1x512xf32>
    %squeeze3A_39 = vector.shape_cast %slice3A_38 : vector<1x512xf32> to vector<512xf32>
    %broadcast_in_dim3A_40 = vector.shape_cast %squeeze3A_39 : vector<512xf32> to vector<512x1xf32>
    %broadcast_in_dim3A_41 = vector.shape_cast %lt3A_34 : vector<1x128xi1> to vector<1x128xi1>
    %broadcast_in_dim3A_42 = vector.broadcast %broadcast_in_dim3A_41 : vector<1x128xi1> to vector<512x128xi1>
    %broadcast_in_dim3A_43 = vector.shape_cast %broadcast_in_dim3A_37 : vector<512x1xf32> to vector<512x1xf32>
    %broadcast_in_dim3A_44 = vector.broadcast %broadcast_in_dim3A_43 : vector<512x1xf32> to vector<512x128xf32>
    %broadcast_in_dim3A_45 = vector.shape_cast %broadcast_in_dim3A_40 : vector<512x1xf32> to vector<512x1xf32>
    %broadcast_in_dim3A_46 = vector.broadcast %broadcast_in_dim3A_45 : vector<512x1xf32> to vector<512x128xf32>
    %select_n3A_47 = arith.select %broadcast_in_dim3A_42, %broadcast_in_dim3A_44, %broadcast_in_dim3A_46 : vector<512x128xi1>, vector<512x128xf32>
    %lt3A_48 = arith.constant 64 : i32
    %lt3A_49 = vector.broadcast %lt3A_48 : i32 to vector<1x128xi32>
    %lt3A_50 = arith.cmpi slt, %iota3A, %lt3A_49 : vector<1x128xi32>
    %broadcast_in_dim3A_51 = vector.shape_cast %exp3A : vector<512xf32> to vector<512x1xf32>
    %broadcast_in_dim3A_52 = vector.shape_cast %exp3A_32 : vector<512xf32> to vector<512x1xf32>
    %broadcast_in_dim3A_53 = vector.shape_cast %lt3A_50 : vector<1x128xi1> to vector<1x128xi1>
    %broadcast_in_dim3A_54 = vector.broadcast %broadcast_in_dim3A_53 : vector<1x128xi1> to vector<512x128xi1>
    %broadcast_in_dim3A_55 = vector.shape_cast %broadcast_in_dim3A_51 : vector<512x1xf32> to vector<512x1xf32>
    %broadcast_in_dim3A_56 = vector.broadcast %broadcast_in_dim3A_55 : vector<512x1xf32> to vector<512x128xf32>
    %broadcast_in_dim3A_57 = vector.shape_cast %broadcast_in_dim3A_52 : vector<512x1xf32> to vector<512x1xf32>
    %broadcast_in_dim3A_58 = vector.broadcast %broadcast_in_dim3A_57 : vector<512x1xf32> to vector<512x128xf32>
    %select_n3A_59 = arith.select %broadcast_in_dim3A_54, %broadcast_in_dim3A_56, %broadcast_in_dim3A_58 : vector<512x128xi1>, vector<512x128xf32>
    %get3A_60 = arith.constant 0 : index
    %get3A_61 = arith.constant 0 : index
    %get3A_62 = arith.constant 0 : index
    %get3A_63 = vector.load %arg1[%get3A_60, %get3A_61, %get3A_62] : memref<2x512x128xf32, #tpu.memory_space<vmem>>, vector<1x512x128xf32>
    %get3A_64 = vector.shape_cast %get3A_63 : vector<1x512x128xf32> to vector<512x128xf32>
    %mul3A = arith.mulf %get3A_64, %select_n3A_59 : vector<512x128xf32>
    %slice3A_65 = vector.extract_strided_slice %get3A_2 {offsets = [0, 0, 0], sizes = [1, 512, 128], strides = [1, 1, 1]} : vector<2x512x128xf32> to vector<1x512x128xf32>
    %squeeze3A_66 = vector.shape_cast %slice3A_65 : vector<1x512x128xf32> to vector<512x128xf32>
    %add3A = arith.addf %mul3A, %squeeze3A_66 : vector<512x128xf32>
    %add3A_67 = arith.addf %select_n3A_59, %select_n3A_47 : vector<512x128xf32>
    %div3A = arith.divf %add3A, %add3A_67 : vector<512x128xf32>
    %get3A_68 = arith.constant 0 : index
    %get3A_69 = arith.constant 0 : index
    %get3A_70 = vector.load %arg5[%get3A_68, %get3A_69] : memref<2x128xf32, #tpu.memory_space<vmem>>, vector<1x128xf32>
    %get3A_71 = vector.shape_cast %get3A_70 : vector<1x128xf32> to vector<128xf32>
    %broadcast_in_dim3A_72 = vector.shape_cast %get3A_71 : vector<128xf32> to vector<1x128xf32>
    %add3A_73 = vector.broadcast %broadcast_in_dim3A_72 : vector<1x128xf32> to vector<512x128xf32>
    %add3A_74 = arith.addf %div3A, %add3A_73 : vector<512x128xf32>
    %slice3A_75 = vector.extract_strided_slice %get3A_6 {offsets = [16, 0, 0], sizes = [16, 2, 512], strides = [1, 1, 1]} : vector<32x2x512xf32> to vector<16x2x512xf32>
    %reduce_sum3A_76 = arith.constant dense<0.000000e+00> : vector<2x512xf32>
    %reduce_sum3A_77 = vector.multi_reduction <add>, %slice3A_75, %reduce_sum3A_76 [0] : vector<16x2x512xf32> to vector<2x512xf32>
    %eq3A_78 = arith.constant 0 : i32
    %eq3A_79 = vector.broadcast %eq3A_78 : i32 to vector<1x16xi32>
    %eq3A_80 = arith.cmpi eq, %iota3A_11, %eq3A_79 : vector<1x16xi32>
    %slice3A_81 = vector.extract_strided_slice %get3A_10 {offsets = [1, 0, 0], sizes = [1, 512, 16], strides = [1, 1, 1]} : vector<2x512x16xf32> to vector<1x512x16xf32>
    %squeeze3A_82 = vector.shape_cast %slice3A_81 : vector<1x512x16xf32> to vector<512x16xf32>
    %jit3A_83 = arith.constant 0.000000e+00 : f32
    %broadcast_in_dim3A_84 = vector.shape_cast %eq3A_80 : vector<1x16xi1> to vector<1x16xi1>
    %broadcast_in_dim3A_85 = vector.broadcast %broadcast_in_dim3A_84 : vector<1x16xi1> to vector<512x16xi1>
    %broadcast_in_dim3A_86 = vector.broadcast %jit3A_83 : f32 to vector<512x16xf32>
    %select_n3A_87 = arith.select %broadcast_in_dim3A_85, %squeeze3A_82, %broadcast_in_dim3A_86 : vector<512x16xi1>, vector<512x16xf32>
    %reduce_sum3A_88 = arith.constant dense<0.000000e+00> : vector<512xf32>
    %reduce_sum3A_89 = vector.multi_reduction <add>, %select_n3A_87, %reduce_sum3A_88 [1] : vector<512x16xf32> to vector<512xf32>
    %exp3A_90 = math.exp %reduce_sum3A_89 : vector<512xf32>
    %eq3A_91 = arith.constant 1 : i32
    %eq3A_92 = vector.broadcast %eq3A_91 : i32 to vector<1x16xi32>
    %eq3A_93 = arith.cmpi eq, %iota3A_11, %eq3A_92 : vector<1x16xi32>
    %slice3A_94 = vector.extract_strided_slice %get3A_10 {offsets = [1, 0, 0], sizes = [1, 512, 16], strides = [1, 1, 1]} : vector<2x512x16xf32> to vector<1x512x16xf32>
    %squeeze3A_95 = vector.shape_cast %slice3A_94 : vector<1x512x16xf32> to vector<512x16xf32>
    %jit3A_96 = arith.constant 0.000000e+00 : f32
    %broadcast_in_dim3A_97 = vector.shape_cast %eq3A_93 : vector<1x16xi1> to vector<1x16xi1>
    %broadcast_in_dim3A_98 = vector.broadcast %broadcast_in_dim3A_97 : vector<1x16xi1> to vector<512x16xi1>
    %broadcast_in_dim3A_99 = vector.broadcast %jit3A_96 : f32 to vector<512x16xf32>
    %select_n3A_100 = arith.select %broadcast_in_dim3A_98, %squeeze3A_95, %broadcast_in_dim3A_99 : vector<512x16xi1>, vector<512x16xf32>
    %reduce_sum3A_101 = arith.constant dense<0.000000e+00> : vector<512xf32>
    %reduce_sum3A_102 = vector.multi_reduction <add>, %select_n3A_100, %reduce_sum3A_101 [1] : vector<512x16xf32> to vector<512xf32>
    %exp3A_103 = math.exp %reduce_sum3A_102 : vector<512xf32>
    %lt3A_104 = arith.constant 64 : i32
    %lt3A_105 = vector.broadcast %lt3A_104 : i32 to vector<1x128xi32>
    %lt3A_106 = arith.cmpi slt, %iota3A, %lt3A_105 : vector<1x128xi32>
    %slice3A_107 = vector.extract_strided_slice %reduce_sum3A_77 {offsets = [0, 0], sizes = [1, 512], strides = [1, 1]} : vector<2x512xf32> to vector<1x512xf32>
    %squeeze3A_108 = vector.shape_cast %slice3A_107 : vector<1x512xf32> to vector<512xf32>
    %broadcast_in_dim3A_109 = vector.shape_cast %squeeze3A_108 : vector<512xf32> to vector<512x1xf32>
    %slice3A_110 = vector.extract_strided_slice %reduce_sum3A_77 {offsets = [1, 0], sizes = [1, 512], strides = [1, 1]} : vector<2x512xf32> to vector<1x512xf32>
    %squeeze3A_111 = vector.shape_cast %slice3A_110 : vector<1x512xf32> to vector<512xf32>
    %broadcast_in_dim3A_112 = vector.shape_cast %squeeze3A_111 : vector<512xf32> to vector<512x1xf32>
    %broadcast_in_dim3A_113 = vector.shape_cast %lt3A_106 : vector<1x128xi1> to vector<1x128xi1>
    %broadcast_in_dim3A_114 = vector.broadcast %broadcast_in_dim3A_113 : vector<1x128xi1> to vector<512x128xi1>
    %broadcast_in_dim3A_115 = vector.shape_cast %broadcast_in_dim3A_109 : vector<512x1xf32> to vector<512x1xf32>
    %broadcast_in_dim3A_116 = vector.broadcast %broadcast_in_dim3A_115 : vector<512x1xf32> to vector<512x128xf32>
    %broadcast_in_dim3A_117 = vector.shape_cast %broadcast_in_dim3A_112 : vector<512x1xf32> to vector<512x1xf32>
    %broadcast_in_dim3A_118 = vector.broadcast %broadcast_in_dim3A_117 : vector<512x1xf32> to vector<512x128xf32>
    %select_n3A_119 = arith.select %broadcast_in_dim3A_114, %broadcast_in_dim3A_116, %broadcast_in_dim3A_118 : vector<512x128xi1>, vector<512x128xf32>
    %lt3A_120 = arith.constant 64 : i32
    %lt3A_121 = vector.broadcast %lt3A_120 : i32 to vector<1x128xi32>
    %lt3A_122 = arith.cmpi slt, %iota3A, %lt3A_121 : vector<1x128xi32>
    %broadcast_in_dim3A_123 = vector.shape_cast %exp3A_90 : vector<512xf32> to vector<512x1xf32>
    %broadcast_in_dim3A_124 = vector.shape_cast %exp3A_103 : vector<512xf32> to vector<512x1xf32>
    %broadcast_in_dim3A_125 = vector.shape_cast %lt3A_122 : vector<1x128xi1> to vector<1x128xi1>
    %broadcast_in_dim3A_126 = vector.broadcast %broadcast_in_dim3A_125 : vector<1x128xi1> to vector<512x128xi1>
    %broadcast_in_dim3A_127 = vector.shape_cast %broadcast_in_dim3A_123 : vector<512x1xf32> to vector<512x1xf32>
    %broadcast_in_dim3A_128 = vector.broadcast %broadcast_in_dim3A_127 : vector<512x1xf32> to vector<512x128xf32>
    %broadcast_in_dim3A_129 = vector.shape_cast %broadcast_in_dim3A_124 : vector<512x1xf32> to vector<512x1xf32>
    %broadcast_in_dim3A_130 = vector.broadcast %broadcast_in_dim3A_129 : vector<512x1xf32> to vector<512x128xf32>
    %select_n3A_131 = arith.select %broadcast_in_dim3A_126, %broadcast_in_dim3A_128, %broadcast_in_dim3A_130 : vector<512x128xi1>, vector<512x128xf32>
    %get3A_132 = arith.constant 1 : index
    %get3A_133 = arith.constant 0 : index
    %get3A_134 = arith.constant 0 : index
    %get3A_135 = vector.load %arg1[%get3A_132, %get3A_133, %get3A_134] : memref<2x512x128xf32, #tpu.memory_space<vmem>>, vector<1x512x128xf32>
    %get3A_136 = vector.shape_cast %get3A_135 : vector<1x512x128xf32> to vector<512x128xf32>
    %mul3A_137 = arith.mulf %get3A_136, %select_n3A_131 : vector<512x128xf32>
    %slice3A_138 = vector.extract_strided_slice %get3A_2 {offsets = [1, 0, 0], sizes = [1, 512, 128], strides = [1, 1, 1]} : vector<2x512x128xf32> to vector<1x512x128xf32>
    %squeeze3A_139 = vector.shape_cast %slice3A_138 : vector<1x512x128xf32> to vector<512x128xf32>
    %add3A_140 = arith.addf %mul3A_137, %squeeze3A_139 : vector<512x128xf32>
    %add3A_141 = arith.addf %select_n3A_131, %select_n3A_119 : vector<512x128xf32>
    %div3A_142 = arith.divf %add3A_140, %add3A_141 : vector<512x128xf32>
    %get3A_143 = arith.constant 1 : index
    %get3A_144 = arith.constant 0 : index
    %get3A_145 = vector.load %arg5[%get3A_143, %get3A_144] : memref<2x128xf32, #tpu.memory_space<vmem>>, vector<1x128xf32>
    %get3A_146 = vector.shape_cast %get3A_145 : vector<1x128xf32> to vector<128xf32>
    %broadcast_in_dim3A_147 = vector.shape_cast %get3A_146 : vector<128xf32> to vector<1x128xf32>
    %add3A_148 = vector.broadcast %broadcast_in_dim3A_147 : vector<1x128xf32> to vector<512x128xf32>
    %add3A_149 = arith.addf %div3A_142, %add3A_148 : vector<512x128xf32>
    %stack3A = vector.shape_cast %add3A_74 : vector<512x128xf32> to vector<1x512x128xf32>
    %stack3A_150 = vector.shape_cast %add3A_149 : vector<512x128xf32> to vector<1x512x128xf32>
    %stack3A_151 = tpu.concatenate %stack3A, %stack3A_150 in 0 : vector<1x512x128xf32>, vector<1x512x128xf32> -> vector<2x512x128xf32>
    %swap3A = arith.constant 0 : index
    %swap3A_152 = arith.constant 0 : index
    %swap3A_153 = arith.constant 0 : index
    %swap3A_154 = vector.load %arg6[%swap3A, %swap3A_152, %swap3A_153] : memref<2x512x128xf32, #tpu.memory_space<vmem>>, vector<2x512x128xf32>
    tpu.vector_store %arg6[%swap3A, %swap3A_152, %swap3A_153], %stack3A_151 {strides = array<i32>} : memref<2x512x128xf32, #tpu.memory_space<vmem>>, vector<2x512x128xf32>,
    %iota3A_155 = tpu.iota {dimensions = array<i32: 0>} : vector<512x1xi32>
    %mul3A_156 = arith.constant 512 : i32
    %mul3A_157 = arith.muli %arg0, %mul3A_156 : i32
    %add3A_158 = vector.broadcast %mul3A_157 : i32 to vector<512x1xi32>
    %add3A_159 = arith.addi %iota3A_155, %add3A_158 : vector<512x1xi32>
    %lt3A_160 = arith.constant 10000 : i32
    %lt3A_161 = vector.broadcast %lt3A_160 : i32 to vector<512x1xi32>
    %lt3A_162 = arith.cmpi slt, %add3A_159, %lt3A_161 : vector<512x1xi32>
    %broadcast_in_dim3A_163 = vector.shape_cast %lt3A_162 : vector<512x1xi1> to vector<1x512x1xi1>
    %jit3A_164 = arith.constant 0.000000e+00 : f32
    %broadcast_in_dim3A_165 = vector.shape_cast %broadcast_in_dim3A_163 : vector<1x512x1xi1> to vector<1x512x1xi1>
    %broadcast_in_dim3A_166 = vector.broadcast %broadcast_in_dim3A_165 : vector<1x512x1xi1> to vector<2x512x128xi1>
    %broadcast_in_dim3A_167 = vector.broadcast %jit3A_164 : f32 to vector<2x512x128xf32>
    %select_n3A_168 = arith.select %broadcast_in_dim3A_166, %stack3A_151, %broadcast_in_dim3A_167 : vector<2x512x128xi1>, vector<2x512x128xf32>
    %reduce_sum3A_169 = arith.constant dense<0.000000e+00> : vector<2x128xf32>
    %reduce_sum3A_170 = vector.multi_reduction <add>, %select_n3A_168, %reduce_sum3A_169 [1] : vector<2x512x128xf32> to vector<2x128xf32>
    %mul3A_171 = arith.mulf %select_n3A_168, %select_n3A_168 : vector<2x512x128xf32>
    %reduce_sum3A_172 = arith.constant dense<0.000000e+00> : vector<2x128xf32>
    %reduce_sum3A_173 = vector.multi_reduction <add>, %mul3A_171, %reduce_sum3A_172 [1] : vector<2x512x128xf32> to vector<2x128xf32>
    %stack3A_174 = vector.shape_cast %reduce_sum3A_170 : vector<2x128xf32> to vector<1x2x128xf32>
    %stack3A_175 = vector.shape_cast %reduce_sum3A_173 : vector<2x128xf32> to vector<1x2x128xf32>
    %stack3A_176 = tpu.concatenate %stack3A_174, %stack3A_175 in 0 : vector<1x2x128xf32>, vector<1x2x128xf32> -> vector<2x2x128xf32>
    %eq3A_177 = arith.constant 0 : i32
    %eq3A_178 = arith.cmpi eq, %arg0, %eq3A_177 : i32
    %convert_element_type3A = arith.extui %eq3A_178 : i1 to i32
    %cond3A = arith.constant 0 : i32
    %cond3A_179 = arith.cmpi ne, %convert_element_type3A, %cond3A : i32
    scf.if %cond3A_179 {
      %swap3A_184 = arith.constant 0 : index
      %swap3A_185 = arith.constant 0 : index
      %swap3A_186 = arith.constant 0 : index
      %swap3A_187 = vector.load %arg7[%swap3A_184, %swap3A_185, %swap3A_186] : memref<2x2x128xf32, #tpu.memory_space<vmem>>, vector<2x2x128xf32>
      tpu.vector_store %arg7[%swap3A_184, %swap3A_185, %swap3A_186], %stack3A_176 {strides = array<i32>} : memref<2x2x128xf32, #tpu.memory_space<vmem>>, vector<2x2x128xf32>,
    } else {
    }
    %gt3A = arith.constant 0 : i32
    %gt3A_180 = arith.cmpi sgt, %arg0, %gt3A : i32
    %convert_element_type3A_181 = arith.extui %gt3A_180 : i1 to i32
    %cond3A_182 = arith.constant 0 : i32
    %cond3A_183 = arith.cmpi ne, %convert_element_type3A_181, %cond3A_182 : i32
    scf.if %cond3A_183 {
      %get3A_184 = arith.constant 0 : index
      %get3A_185 = arith.constant 0 : index
      %get3A_186 = arith.constant 0 : index
      %get3A_187 = vector.load %arg7[%get3A_184, %get3A_185, %get3A_186] : memref<2x2x128xf32, #tpu.memory_space<vmem>>, vector<2x2x128xf32>
      %add3A_188 = arith.addf %get3A_187, %stack3A_176 : vector<2x2x128xf32>
      %swap3A_189 = arith.constant 0 : index
      %swap3A_190 = arith.constant 0 : index
      %swap3A_191 = arith.constant 0 : index
      %swap3A_192 = vector.load %arg7[%swap3A_189, %swap3A_190, %swap3A_191] : memref<2x2x128xf32, #tpu.memory_space<vmem>>, vector<2x2x128xf32>
      tpu.vector_store %arg7[%swap3A_189, %swap3A_190, %swap3A_191], %add3A_188 {strides = array<i32>} : memref<2x2x128xf32, #tpu.memory_space<vmem>>, vector<2x2x128xf32>,
    } else {
    }
    return
  }
  func.func @transform_0(%arg0: i32) -> (i32, i32, i32) {
    %c0_i32 = arith.constant 0 : i32
    %c0_i32_0 = arith.constant 0 : i32
    %c0_i32_1 = arith.constant 0 : i32
    return %c0_i32, %arg0, %c0_i32_0 : i32, i32, i32
  }
  func.func @transform_1(%arg0: i32) -> (i32, i32, i32) {
    %c0_i32 = arith.constant 0 : i32
    %c0_i32_0 = arith.constant 0 : i32
    %c0_i32_1 = arith.constant 0 : i32
    return %c0_i32, %arg0, %c0_i32_0 : i32, i32, i32
  }
  func.func @transform_2(%arg0: i32) -> (i32, i32, i32) {
    %c0_i32 = arith.constant 0 : i32
    %c0_i32_0 = arith.constant 0 : i32
    %c0_i32_1 = arith.constant 0 : i32
    return %c0_i32, %c0_i32_0, %arg0 : i32, i32, i32
  }
  func.func @transform_3(%arg0: i32) -> (i32, i32, i32) {
    %c0_i32 = arith.constant 0 : i32
    %c0_i32_0 = arith.constant 0 : i32
    %c0_i32_1 = arith.constant 0 : i32
    return %c0_i32, %arg0, %c0_i32_0 : i32, i32, i32
  }
  func.func @transform_4(%arg0: i32) -> (i32, i32) {
    %c0_i32 = arith.constant 0 : i32
    %c0_i32_0 = arith.constant 0 : i32
    %c0_i32_1 = arith.constant 0 : i32
    return %c0_i32, %c0_i32_0 : i32, i32
  }
  func.func @transform_5(%arg0: i32) -> (i32, i32, i32) {
    %c0_i32 = arith.constant 0 : i32
    %c0_i32_0 = arith.constant 0 : i32
    %c0_i32_1 = arith.constant 0 : i32
    return %c0_i32, %arg0, %c0_i32_0 : i32, i32, i32
  }
  func.func @transform_6(%arg0: i32) -> (i32, i32, i32) {
    %c0_i32 = arith.constant 0 : i32
    %c0_i32_0 = arith.constant 0 : i32
    %c0_i32_1 = arith.constant 0 : i32
    %c0_i32_2 = arith.constant 0 : i32
    return %c0_i32, %c0_i32_0, %c0_i32_1 : i32, i32, i32
  }
}

module attributes {stable_mosaic.version = 14 : i64} {
  func.func @_phase_c2_body(%arg0: i32, %arg1: memref<2x512x128xf32, #tpu.memory_space<vmem>>, %arg2: memref<2x2x128xf32, #tpu.memory_space<vmem>>, %arg3: memref<2x128xf32, #tpu.memory_space<vmem>>, %arg4: memref<2x128xf32, #tpu.memory_space<vmem>>, %arg5: memref<2x128x64xf32, #tpu.memory_space<vmem>>, %arg6: memref<2x128x64xf32, #tpu.memory_space<vmem>>, %arg7: memref<2x128x128xf32, #tpu.memory_space<vmem>>, %arg8: memref<1x64xf32, #tpu.memory_space<vmem>>, %arg9: memref<512x128xf32, #tpu.memory_space<vmem>>, %arg10: memref<512x16xf32, #tpu.memory_space<vmem>>) attributes {dimension_semantics = [#tpu.dimension_semantics<arbitrary>], iteration_bounds = array<i64: 20>, scalar_prefetch = 0 : i64, scratch_operands = 0 : i64, tpu.core_type = #tpu.core_type<tc>, window_params = [{transform_indices = @transform_0, window_bounds = array<i64: 2, 512, 128>}, {pipeline_mode = #tpu.pipeline_mode<synchronous>, transform_indices = @transform_1, window_bounds = array<i64: 2, 2, 128>}, {pipeline_mode = #tpu.pipeline_mode<synchronous>, transform_indices = @transform_2, window_bounds = array<i64: 2, 128>}, {pipeline_mode = #tpu.pipeline_mode<synchronous>, transform_indices = @transform_3, window_bounds = array<i64: 2, 128>}, {pipeline_mode = #tpu.pipeline_mode<synchronous>, transform_indices = @transform_4, window_bounds = array<i64: 2, 128, 64>}, {pipeline_mode = #tpu.pipeline_mode<synchronous>, transform_indices = @transform_5, window_bounds = array<i64: 2, 128, 64>}, {pipeline_mode = #tpu.pipeline_mode<synchronous>, transform_indices = @transform_6, window_bounds = array<i64: 2, 128, 128>}, {pipeline_mode = #tpu.pipeline_mode<synchronous>, transform_indices = @transform_7, window_bounds = array<i64: 1, 64>}, {transform_indices = @transform_8, window_bounds = array<i64: 512, 128>}, {transform_indices = @transform_9, window_bounds = array<i64: 512, 16>}]} {
    %get3A = arith.constant 0 : index
    %get3A_0 = arith.constant 0 : index
    %get3A_1 = arith.constant 0 : index
    %get3A_2 = vector.load %arg2[%get3A, %get3A_0, %get3A_1] : memref<2x2x128xf32, #tpu.memory_space<vmem>>, vector<2x2x128xf32>
    %slice3A = vector.extract_strided_slice %get3A_2 {offsets = [0, 0, 0], sizes = [1, 2, 128], strides = [1, 1, 1]} : vector<2x2x128xf32> to vector<1x2x128xf32>
    %squeeze3A = vector.shape_cast %slice3A : vector<1x2x128xf32> to vector<2x128xf32>
    %div3A = arith.constant 1.000000e+04 : f32
    %div3A_3 = vector.broadcast %div3A : f32 to vector<2x128xf32>
    %div3A_4 = arith.divf %squeeze3A, %div3A_3 : vector<2x128xf32>
    %slice3A_5 = vector.extract_strided_slice %get3A_2 {offsets = [1, 0, 0], sizes = [1, 2, 128], strides = [1, 1, 1]} : vector<2x2x128xf32> to vector<1x2x128xf32>
    %squeeze3A_6 = vector.shape_cast %slice3A_5 : vector<1x2x128xf32> to vector<2x128xf32>
    %div3A_7 = arith.constant 1.000000e+04 : f32
    %div3A_8 = vector.broadcast %div3A_7 : f32 to vector<2x128xf32>
    %div3A_9 = arith.divf %squeeze3A_6, %div3A_8 : vector<2x128xf32>
    %mul3A = arith.mulf %div3A_4, %div3A_4 : vector<2x128xf32>
    %sub3A = arith.subf %div3A_9, %mul3A : vector<2x128xf32>
    %get3A_10 = arith.constant 0 : index
    %get3A_11 = arith.constant 0 : index
    %get3A_12 = vector.load %arg3[%get3A_10, %get3A_11] : memref<2x128xf32, #tpu.memory_space<vmem>>, vector<2x128xf32>
    %add3A = arith.constant 9.99999974E-6 : f32
    %add3A_13 = vector.broadcast %add3A : f32 to vector<2x128xf32>
    %add3A_14 = arith.addf %sub3A, %add3A_13 : vector<2x128xf32>
    %rsqrt3A = math.rsqrt %add3A_14 : vector<2x128xf32>
    %mul3A_15 = arith.mulf %get3A_12, %rsqrt3A : vector<2x128xf32>
    %get3A_16 = arith.constant 0 : index
    %get3A_17 = arith.constant 0 : index
    %get3A_18 = vector.load %arg4[%get3A_16, %get3A_17] : memref<2x128xf32, #tpu.memory_space<vmem>>, vector<2x128xf32>
    %mul3A_19 = arith.mulf %div3A_4, %mul3A_15 : vector<2x128xf32>
    %sub3A_20 = arith.subf %get3A_18, %mul3A_19 : vector<2x128xf32>
    %get3A_21 = arith.constant 0 : index
    %get3A_22 = arith.constant 0 : index
    %get3A_23 = arith.constant 0 : index
    %get3A_24 = vector.load %arg1[%get3A_21, %get3A_22, %get3A_23] : memref<2x512x128xf32, #tpu.memory_space<vmem>>, vector<2x512x128xf32>
    %broadcast_in_dim3A = vector.shape_cast %mul3A_15 : vector<2x128xf32> to vector<2x1x128xf32>
    %mul3A_25 = vector.broadcast %broadcast_in_dim3A : vector<2x1x128xf32> to vector<2x512x128xf32>
    %mul3A_26 = arith.mulf %get3A_24, %mul3A_25 : vector<2x512x128xf32>
    %broadcast_in_dim3A_27 = vector.shape_cast %sub3A_20 : vector<2x128xf32> to vector<2x1x128xf32>
    %add3A_28 = vector.broadcast %broadcast_in_dim3A_27 : vector<2x1x128xf32> to vector<2x512x128xf32>
    %add3A_29 = arith.addf %mul3A_26, %add3A_28 : vector<2x512x128xf32>
    %max3A = arith.constant 0.000000e+00 : f32
    %max3A_30 = vector.broadcast %max3A : f32 to vector<2x512x128xf32>
    %max3A_31 = arith.maximumf %add3A_29, %max3A_30 : vector<2x512x128xf32>
    %slice3A_32 = vector.extract_strided_slice %max3A_31 {offsets = [0, 0, 0], sizes = [1, 512, 128], strides = [1, 1, 1]} : vector<2x512x128xf32> to vector<1x512x128xf32>
    %squeeze3A_33 = vector.shape_cast %slice3A_32 : vector<1x512x128xf32> to vector<512x128xf32>
    %get3A_34 = arith.constant 0 : index
    %get3A_35 = arith.constant 0 : index
    %get3A_36 = arith.constant 0 : index
    %get3A_37 = vector.load %arg5[%get3A_34, %get3A_35, %get3A_36] : memref<2x128x64xf32, #tpu.memory_space<vmem>>, vector<1x128x64xf32>
    %get3A_38 = vector.shape_cast %get3A_37 : vector<1x128x64xf32> to vector<128x64xf32>
    %dot_general3A = arith.constant dense<0.000000e+00> : vector<512x64xf32>
    %dot_general3A_39 = tpu.matmul %squeeze3A_33, %get3A_38, %dot_general3A {dimension_numbers = #tpu.dot_dimension_numbers<[1], [0], [0], [1], [0, 0, 1, 1], [], []>, transpose_lhs_hint = false} : vector<512x128xf32>, vector<128x64xf32>, vector<512x64xf32> -> vector<512x64xf32>
    %slice3A_40 = vector.extract_strided_slice %max3A_31 {offsets = [1, 0, 0], sizes = [1, 512, 128], strides = [1, 1, 1]} : vector<2x512x128xf32> to vector<1x512x128xf32>
    %squeeze3A_41 = vector.shape_cast %slice3A_40 : vector<1x512x128xf32> to vector<512x128xf32>
    %get3A_42 = arith.constant 1 : index
    %get3A_43 = arith.constant 0 : index
    %get3A_44 = arith.constant 0 : index
    %get3A_45 = vector.load %arg5[%get3A_42, %get3A_43, %get3A_44] : memref<2x128x64xf32, #tpu.memory_space<vmem>>, vector<1x128x64xf32>
    %get3A_46 = vector.shape_cast %get3A_45 : vector<1x128x64xf32> to vector<128x64xf32>
    %dot_general3A_47 = arith.constant dense<0.000000e+00> : vector<512x64xf32>
    %dot_general3A_48 = tpu.matmul %squeeze3A_41, %get3A_46, %dot_general3A_47 {dimension_numbers = #tpu.dot_dimension_numbers<[1], [0], [0], [1], [0, 0, 1, 1], [], []>, transpose_lhs_hint = false} : vector<512x128xf32>, vector<128x64xf32>, vector<512x64xf32> -> vector<512x64xf32>
    %add3A_49 = arith.addf %dot_general3A_39, %dot_general3A_48 : vector<512x64xf32>
    %slice3A_50 = vector.extract_strided_slice %max3A_31 {offsets = [0, 0, 0], sizes = [1, 512, 128], strides = [1, 1, 1]} : vector<2x512x128xf32> to vector<1x512x128xf32>
    %squeeze3A_51 = vector.shape_cast %slice3A_50 : vector<1x512x128xf32> to vector<512x128xf32>
    %get3A_52 = arith.constant 0 : index
    %get3A_53 = arith.constant 0 : index
    %get3A_54 = arith.constant 0 : index
    %get3A_55 = vector.load %arg6[%get3A_52, %get3A_53, %get3A_54] : memref<2x128x64xf32, #tpu.memory_space<vmem>>, vector<1x128x64xf32>
    %get3A_56 = vector.shape_cast %get3A_55 : vector<1x128x64xf32> to vector<128x64xf32>
    %dot_general3A_57 = arith.constant dense<0.000000e+00> : vector<512x64xf32>
    %dot_general3A_58 = tpu.matmul %squeeze3A_51, %get3A_56, %dot_general3A_57 {dimension_numbers = #tpu.dot_dimension_numbers<[1], [0], [0], [1], [0, 0, 1, 1], [], []>, transpose_lhs_hint = false} : vector<512x128xf32>, vector<128x64xf32>, vector<512x64xf32> -> vector<512x64xf32>
    %slice3A_59 = vector.extract_strided_slice %max3A_31 {offsets = [1, 0, 0], sizes = [1, 512, 128], strides = [1, 1, 1]} : vector<2x512x128xf32> to vector<1x512x128xf32>
    %squeeze3A_60 = vector.shape_cast %slice3A_59 : vector<1x512x128xf32> to vector<512x128xf32>
    %get3A_61 = arith.constant 1 : index
    %get3A_62 = arith.constant 0 : index
    %get3A_63 = arith.constant 0 : index
    %get3A_64 = vector.load %arg6[%get3A_61, %get3A_62, %get3A_63] : memref<2x128x64xf32, #tpu.memory_space<vmem>>, vector<1x128x64xf32>
    %get3A_65 = vector.shape_cast %get3A_64 : vector<1x128x64xf32> to vector<128x64xf32>
    %dot_general3A_66 = arith.constant dense<0.000000e+00> : vector<512x64xf32>
    %dot_general3A_67 = tpu.matmul %squeeze3A_60, %get3A_65, %dot_general3A_66 {dimension_numbers = #tpu.dot_dimension_numbers<[1], [0], [0], [1], [0, 0, 1, 1], [], []>, transpose_lhs_hint = false} : vector<512x128xf32>, vector<128x64xf32>, vector<512x64xf32> -> vector<512x64xf32>
    %add3A_68 = arith.addf %dot_general3A_58, %dot_general3A_67 : vector<512x64xf32>
    %slice3A_69 = vector.extract_strided_slice %max3A_31 {offsets = [0, 0, 0], sizes = [1, 512, 128], strides = [1, 1, 1]} : vector<2x512x128xf32> to vector<1x512x128xf32>
    %squeeze3A_70 = vector.shape_cast %slice3A_69 : vector<1x512x128xf32> to vector<512x128xf32>
    %get3A_71 = arith.constant 0 : index
    %get3A_72 = arith.constant 0 : index
    %get3A_73 = arith.constant 0 : index
    %get3A_74 = vector.load %arg7[%get3A_71, %get3A_72, %get3A_73] : memref<2x128x128xf32, #tpu.memory_space<vmem>>, vector<1x128x128xf32>
    %get3A_75 = vector.shape_cast %get3A_74 : vector<1x128x128xf32> to vector<128x128xf32>
    %dot_general3A_76 = arith.constant dense<0.000000e+00> : vector<512x128xf32>
    %dot_general3A_77 = tpu.matmul %squeeze3A_70, %get3A_75, %dot_general3A_76 {dimension_numbers = #tpu.dot_dimension_numbers<[1], [0], [0], [1], [0, 0, 1, 1], [], []>, transpose_lhs_hint = false} : vector<512x128xf32>, vector<128x128xf32>, vector<512x128xf32> -> vector<512x128xf32>
    %slice3A_78 = vector.extract_strided_slice %max3A_31 {offsets = [1, 0, 0], sizes = [1, 512, 128], strides = [1, 1, 1]} : vector<2x512x128xf32> to vector<1x512x128xf32>
    %squeeze3A_79 = vector.shape_cast %slice3A_78 : vector<1x512x128xf32> to vector<512x128xf32>
    %get3A_80 = arith.constant 1 : index
    %get3A_81 = arith.constant 0 : index
    %get3A_82 = arith.constant 0 : index
    %get3A_83 = vector.load %arg7[%get3A_80, %get3A_81, %get3A_82] : memref<2x128x128xf32, #tpu.memory_space<vmem>>, vector<1x128x128xf32>
    %get3A_84 = vector.shape_cast %get3A_83 : vector<1x128x128xf32> to vector<128x128xf32>
    %dot_general3A_85 = arith.constant dense<0.000000e+00> : vector<512x128xf32>
    %dot_general3A_86 = tpu.matmul %squeeze3A_79, %get3A_84, %dot_general3A_85 {dimension_numbers = #tpu.dot_dimension_numbers<[1], [0], [0], [1], [0, 0, 1, 1], [], []>, transpose_lhs_hint = false} : vector<512x128xf32>, vector<128x128xf32>, vector<512x128xf32> -> vector<512x128xf32>
    %add3A_87 = arith.addf %dot_general3A_77, %dot_general3A_86 : vector<512x128xf32>
    %swap3A = arith.constant 0 : index
    %swap3A_88 = arith.constant 0 : index
    %swap3A_89 = vector.load %arg9[%swap3A, %swap3A_88] : memref<512x128xf32, #tpu.memory_space<vmem>>, vector<512x128xf32>
    tpu.vector_store %arg9[%swap3A, %swap3A_88], %add3A_87 {strides = array<i32>} : memref<512x128xf32, #tpu.memory_space<vmem>>, vector<512x128xf32>,
    %add3A_90 = arith.addf %add3A_49, %add3A_68 : vector<512x64xf32>
    %mul3A_91 = arith.constant 2.000000e-01 : f32
    %mul3A_92 = vector.broadcast %mul3A_91 : f32 to vector<512x64xf32>
    %mul3A_93 = arith.mulf %mul3A_92, %add3A_90 : vector<512x64xf32>
    %max3A_94 = arith.maximumf %add3A_90, %mul3A_93 : vector<512x64xf32>
    %get3A_95 = arith.constant 0 : index
    %get3A_96 = arith.constant 0 : index
    %get3A_97 = vector.load %arg8[%get3A_95, %get3A_96] : memref<1x64xf32, #tpu.memory_space<vmem>>, vector<1x64xf32>
    %mul3A_98 = vector.broadcast %get3A_97 : vector<1x64xf32> to vector<512x64xf32>
    %mul3A_99 = arith.mulf %max3A_94, %mul3A_98 : vector<512x64xf32>
    %reduce_sum3A = arith.constant dense<0.000000e+00> : vector<512xf32>
    %reduce_sum3A_100 = vector.multi_reduction <add>, %mul3A_99, %reduce_sum3A [1] : vector<512x64xf32> to vector<512xf32>
    %iota3A = tpu.iota {dimensions = array<i32: 1>} : vector<1x16xi32>
    %broadcast_in_dim3A_101 = vector.shape_cast %reduce_sum3A_100 : vector<512xf32> to vector<512x1xf32>
    %eq3A = arith.constant 0 : i32
    %eq3A_102 = vector.broadcast %eq3A : i32 to vector<1x16xi32>
    %eq3A_103 = arith.cmpi eq, %iota3A, %eq3A_102 : vector<1x16xi32>
    %convert_element_type3A = arith.extui %eq3A_103 : vector<1x16xi1> to vector<1x16xi32>
    %convert_element_type3A_104 = arith.sitofp %convert_element_type3A : vector<1x16xi32> to vector<1x16xf32>
    %mul3A_105 = vector.broadcast %broadcast_in_dim3A_101 : vector<512x1xf32> to vector<512x16xf32>
    %mul3A_106 = vector.broadcast %convert_element_type3A_104 : vector<1x16xf32> to vector<512x16xf32>
    %mul3A_107 = arith.mulf %mul3A_105, %mul3A_106 : vector<512x16xf32>
    %swap3A_108 = arith.constant 0 : index
    %swap3A_109 = arith.constant 0 : index
    %swap3A_110 = vector.load %arg10[%swap3A_108, %swap3A_109] : memref<512x16xf32, #tpu.memory_space<vmem>>, vector<512x16xf32>
    tpu.vector_store %arg10[%swap3A_108, %swap3A_109], %mul3A_107 {strides = array<i32>} : memref<512x16xf32, #tpu.memory_space<vmem>>, vector<512x16xf32>,
    return
  }
  func.func @transform_0(%arg0: i32) -> (i32, i32, i32) {
    %c0_i32 = arith.constant 0 : i32
    %c0_i32_0 = arith.constant 0 : i32
    %c0_i32_1 = arith.constant 0 : i32
    return %c0_i32, %arg0, %c0_i32_0 : i32, i32, i32
  }
  func.func @transform_1(%arg0: i32) -> (i32, i32, i32) {
    %c0_i32 = arith.constant 0 : i32
    %c0_i32_0 = arith.constant 0 : i32
    %c0_i32_1 = arith.constant 0 : i32
    %c0_i32_2 = arith.constant 0 : i32
    return %c0_i32, %c0_i32_0, %c0_i32_1 : i32, i32, i32
  }
  func.func @transform_2(%arg0: i32) -> (i32, i32) {
    %c0_i32 = arith.constant 0 : i32
    %c0_i32_0 = arith.constant 0 : i32
    %c0_i32_1 = arith.constant 0 : i32
    return %c0_i32, %c0_i32_0 : i32, i32
  }
  func.func @transform_3(%arg0: i32) -> (i32, i32) {
    %c0_i32 = arith.constant 0 : i32
    %c0_i32_0 = arith.constant 0 : i32
    %c0_i32_1 = arith.constant 0 : i32
    return %c0_i32, %c0_i32_0 : i32, i32
  }
  func.func @transform_4(%arg0: i32) -> (i32, i32, i32) {
    %c0_i32 = arith.constant 0 : i32
    %c0_i32_0 = arith.constant 0 : i32
    %c0_i32_1 = arith.constant 0 : i32
    %c0_i32_2 = arith.constant 0 : i32
    return %c0_i32, %c0_i32_0, %c0_i32_1 : i32, i32, i32
  }
  func.func @transform_5(%arg0: i32) -> (i32, i32, i32) {
    %c0_i32 = arith.constant 0 : i32
    %c0_i32_0 = arith.constant 0 : i32
    %c0_i32_1 = arith.constant 0 : i32
    %c0_i32_2 = arith.constant 0 : i32
    return %c0_i32, %c0_i32_0, %c0_i32_1 : i32, i32, i32
  }
  func.func @transform_6(%arg0: i32) -> (i32, i32, i32) {
    %c0_i32 = arith.constant 0 : i32
    %c0_i32_0 = arith.constant 0 : i32
    %c0_i32_1 = arith.constant 0 : i32
    %c0_i32_2 = arith.constant 0 : i32
    return %c0_i32, %c0_i32_0, %c0_i32_1 : i32, i32, i32
  }
  func.func @transform_7(%arg0: i32) -> (i32, i32) {
    %c0_i32 = arith.constant 0 : i32
    %c0_i32_0 = arith.constant 0 : i32
    %c0_i32_1 = arith.constant 0 : i32
    return %c0_i32, %c0_i32_0 : i32, i32
  }
  func.func @transform_8(%arg0: i32) -> (i32, i32) {
    %c0_i32 = arith.constant 0 : i32
    %c0_i32_0 = arith.constant 0 : i32
    return %arg0, %c0_i32 : i32, i32
  }
  func.func @transform_9(%arg0: i32) -> (i32, i32) {
    %c0_i32 = arith.constant 0 : i32
    %c0_i32_0 = arith.constant 0 : i32
    return %arg0, %c0_i32 : i32, i32
  }
}

module attributes {stable_mosaic.version = 14 : i64} {
  func.func @_phase_e1_body(%arg0: i32, %arg1: memref<512x128xf32, #tpu.memory_space<vmem>>, %arg2: memref<2x512x128xf32, #tpu.memory_space<vmem>>, %arg3: memref<512x16xf32, #tpu.memory_space<vmem>>, %arg4: memref<1x64xf32, #tpu.memory_space<vmem>>, %arg5: memref<512x64xf32, #tpu.memory_space<vmem>>, %arg6: memref<2x64xf32, #tpu.memory_space<vmem>>) attributes {dimension_semantics = [#tpu.dimension_semantics<arbitrary>], iteration_bounds = array<i64: 20>, scalar_prefetch = 0 : i64, scratch_operands = 0 : i64, tpu.core_type = #tpu.core_type<tc>, window_params = [{transform_indices = @transform_0, window_bounds = array<i64: 512, 128>}, {transform_indices = @transform_1, window_bounds = array<i64: 2, 512, 128>}, {transform_indices = @transform_2, window_bounds = array<i64: 512, 16>}, {pipeline_mode = #tpu.pipeline_mode<synchronous>, transform_indices = @transform_3, window_bounds = array<i64: 1, 64>}, {transform_indices = @transform_4, window_bounds = array<i64: 512, 64>}, {pipeline_mode = #tpu.pipeline_mode<synchronous>, transform_indices = @transform_5, window_bounds = array<i64: 2, 64>}]} {
    %get3A = arith.constant 0 : index
    %get3A_0 = arith.constant 0 : index
    %get3A_1 = arith.constant 0 : index
    %get3A_2 = vector.load %arg2[%get3A, %get3A_0, %get3A_1] : memref<2x512x128xf32, #tpu.memory_space<vmem>>, vector<2x512x128xf32>
    %iota3A = tpu.iota {dimensions = array<i32: 1>} : vector<1x16xi32>
    %iota3A_3 = tpu.iota {dimensions = array<i32: 1>} : vector<1x128xi32>
    %slice3A = vector.extract_strided_slice %get3A_2 {offsets = [0, 0, 0], sizes = [1, 512, 128], strides = [1, 1, 1]} : vector<2x512x128xf32> to vector<1x512x128xf32>
    %squeeze3A = vector.shape_cast %slice3A : vector<1x512x128xf32> to vector<512x128xf32>
    %slice3A_4 = vector.extract_strided_slice %squeeze3A {offsets = [0, 0], sizes = [512, 64], strides = [1, 1]} : vector<512x128xf32> to vector<512x64xf32>
    %slice3A_5 = vector.extract_strided_slice %get3A_2 {offsets = [1, 0, 0], sizes = [1, 512, 128], strides = [1, 1, 1]} : vector<2x512x128xf32> to vector<1x512x128xf32>
    %squeeze3A_6 = vector.shape_cast %slice3A_5 : vector<1x512x128xf32> to vector<512x128xf32>
    %slice3A_7 = vector.extract_strided_slice %squeeze3A_6 {offsets = [0, 0], sizes = [512, 64], strides = [1, 1]} : vector<512x128xf32> to vector<512x64xf32>
    %add3A = arith.addf %slice3A_4, %slice3A_7 : vector<512x64xf32>
    %eq3A = arith.constant 64 : i32
    %eq3A_8 = vector.broadcast %eq3A : i32 to vector<1x128xi32>
    %eq3A_9 = arith.cmpi eq, %iota3A_3, %eq3A_8 : vector<1x128xi32>
    %slice3A_10 = vector.extract_strided_slice %get3A_2 {offsets = [0, 0, 0], sizes = [1, 512, 128], strides = [1, 1, 1]} : vector<2x512x128xf32> to vector<1x512x128xf32>
    %squeeze3A_11 = vector.shape_cast %slice3A_10 : vector<1x512x128xf32> to vector<512x128xf32>
    %jit3A = arith.constant 0.000000e+00 : f32
    %broadcast_in_dim3A = vector.shape_cast %eq3A_9 : vector<1x128xi1> to vector<1x128xi1>
    %broadcast_in_dim3A_12 = vector.broadcast %broadcast_in_dim3A : vector<1x128xi1> to vector<512x128xi1>
    %broadcast_in_dim3A_13 = vector.broadcast %jit3A : f32 to vector<512x128xf32>
    %select_n3A = arith.select %broadcast_in_dim3A_12, %squeeze3A_11, %broadcast_in_dim3A_13 : vector<512x128xi1>, vector<512x128xf32>
    %reduce_sum3A = arith.constant dense<0.000000e+00> : vector<512xf32>
    %reduce_sum3A_14 = vector.multi_reduction <add>, %select_n3A, %reduce_sum3A [1] : vector<512x128xf32> to vector<512xf32>
    %eq3A_15 = arith.constant 64 : i32
    %eq3A_16 = vector.broadcast %eq3A_15 : i32 to vector<1x128xi32>
    %eq3A_17 = arith.cmpi eq, %iota3A_3, %eq3A_16 : vector<1x128xi32>
    %slice3A_18 = vector.extract_strided_slice %get3A_2 {offsets = [1, 0, 0], sizes = [1, 512, 128], strides = [1, 1, 1]} : vector<2x512x128xf32> to vector<1x512x128xf32>
    %squeeze3A_19 = vector.shape_cast %slice3A_18 : vector<1x512x128xf32> to vector<512x128xf32>
    %jit3A_20 = arith.constant 0.000000e+00 : f32
    %broadcast_in_dim3A_21 = vector.shape_cast %eq3A_17 : vector<1x128xi1> to vector<1x128xi1>
    %broadcast_in_dim3A_22 = vector.broadcast %broadcast_in_dim3A_21 : vector<1x128xi1> to vector<512x128xi1>
    %broadcast_in_dim3A_23 = vector.broadcast %jit3A_20 : f32 to vector<512x128xf32>
    %select_n3A_24 = arith.select %broadcast_in_dim3A_22, %squeeze3A_19, %broadcast_in_dim3A_23 : vector<512x128xi1>, vector<512x128xf32>
    %reduce_sum3A_25 = arith.constant dense<0.000000e+00> : vector<512xf32>
    %reduce_sum3A_26 = vector.multi_reduction <add>, %select_n3A_24, %reduce_sum3A_25 [1] : vector<512x128xf32> to vector<512xf32>
    %add3A_27 = arith.addf %reduce_sum3A_14, %reduce_sum3A_26 : vector<512xf32>
    %eq3A_28 = arith.constant 0 : i32
    %eq3A_29 = vector.broadcast %eq3A_28 : i32 to vector<1x16xi32>
    %eq3A_30 = arith.cmpi eq, %iota3A, %eq3A_29 : vector<1x16xi32>
    %get3A_31 = arith.constant 0 : index
    %get3A_32 = arith.constant 0 : index
    %get3A_33 = vector.load %arg3[%get3A_31, %get3A_32] : memref<512x16xf32, #tpu.memory_space<vmem>>, vector<512x16xf32>
    %jit3A_34 = arith.constant 0.000000e+00 : f32
    %broadcast_in_dim3A_35 = vector.shape_cast %eq3A_30 : vector<1x16xi1> to vector<1x16xi1>
    %broadcast_in_dim3A_36 = vector.broadcast %broadcast_in_dim3A_35 : vector<1x16xi1> to vector<512x16xi1>
    %broadcast_in_dim3A_37 = vector.broadcast %jit3A_34 : f32 to vector<512x16xf32>
    %select_n3A_38 = arith.select %broadcast_in_dim3A_36, %get3A_33, %broadcast_in_dim3A_37 : vector<512x16xi1>, vector<512x16xf32>
    %reduce_sum3A_39 = arith.constant dense<0.000000e+00> : vector<512xf32>
    %reduce_sum3A_40 = vector.multi_reduction <add>, %select_n3A_38, %reduce_sum3A_39 [1] : vector<512x16xf32> to vector<512xf32>
    %exp3A = math.exp %reduce_sum3A_40 : vector<512xf32>
    %get3A_41 = arith.constant 0 : index
    %get3A_42 = arith.constant 0 : index
    %get3A_43 = vector.load %arg1[%get3A_41, %get3A_42] : memref<512x128xf32, #tpu.memory_space<vmem>>, vector<512x128xf32>
    %slice3A_44 = vector.extract_strided_slice %get3A_43 {offsets = [0, 0], sizes = [512, 64], strides = [1, 1]} : vector<512x128xf32> to vector<512x64xf32>
    %broadcast_in_dim3A_45 = vector.shape_cast %exp3A : vector<512xf32> to vector<512x1xf32>
    %mul3A = vector.broadcast %broadcast_in_dim3A_45 : vector<512x1xf32> to vector<512x64xf32>
    %mul3A_46 = arith.mulf %slice3A_44, %mul3A : vector<512x64xf32>
    %add3A_47 = arith.addf %mul3A_46, %add3A : vector<512x64xf32>
    %add3A_48 = arith.addf %exp3A, %add3A_27 : vector<512xf32>
    %broadcast_in_dim3A_49 = vector.shape_cast %add3A_48 : vector<512xf32> to vector<512x1xf32>
    %div3A = vector.broadcast %broadcast_in_dim3A_49 : vector<512x1xf32> to vector<512x64xf32>
    %div3A_50 = arith.divf %add3A_47, %div3A : vector<512x64xf32>
    %get3A_51 = arith.constant 0 : index
    %get3A_52 = arith.constant 0 : index
    %get3A_53 = vector.load %arg4[%get3A_51, %get3A_52] : memref<1x64xf32, #tpu.memory_space<vmem>>, vector<1x64xf32>
    %add3A_54 = vector.broadcast %get3A_53 : vector<1x64xf32> to vector<512x64xf32>
    %add3A_55 = arith.addf %div3A_50, %add3A_54 : vector<512x64xf32>
    %swap3A = arith.constant 0 : index
    %swap3A_56 = arith.constant 0 : index
    %swap3A_57 = vector.load %arg5[%swap3A, %swap3A_56] : memref<512x64xf32, #tpu.memory_space<vmem>>, vector<512x64xf32>
    tpu.vector_store %arg5[%swap3A, %swap3A_56], %add3A_55 {strides = array<i32>} : memref<512x64xf32, #tpu.memory_space<vmem>>, vector<512x64xf32>,
    %iota3A_58 = tpu.iota {dimensions = array<i32: 0>} : vector<512x1xi32>
    %mul3A_59 = arith.constant 512 : i32
    %mul3A_60 = arith.muli %arg0, %mul3A_59 : i32
    %add3A_61 = vector.broadcast %mul3A_60 : i32 to vector<512x1xi32>
    %add3A_62 = arith.addi %iota3A_58, %add3A_61 : vector<512x1xi32>
    %lt3A = arith.constant 10000 : i32
    %lt3A_63 = vector.broadcast %lt3A : i32 to vector<512x1xi32>
    %lt3A_64 = arith.cmpi slt, %add3A_62, %lt3A_63 : vector<512x1xi32>
    %jit3A_65 = arith.constant 0.000000e+00 : f32
    %broadcast_in_dim3A_66 = vector.shape_cast %lt3A_64 : vector<512x1xi1> to vector<512x1xi1>
    %broadcast_in_dim3A_67 = vector.broadcast %broadcast_in_dim3A_66 : vector<512x1xi1> to vector<512x64xi1>
    %broadcast_in_dim3A_68 = vector.broadcast %jit3A_65 : f32 to vector<512x64xf32>
    %select_n3A_69 = arith.select %broadcast_in_dim3A_67, %add3A_55, %broadcast_in_dim3A_68 : vector<512x64xi1>, vector<512x64xf32>
    %reduce_sum3A_70 = arith.constant dense<0.000000e+00> : vector<64xf32>
    %reduce_sum3A_71 = vector.multi_reduction <add>, %select_n3A_69, %reduce_sum3A_70 [0] : vector<512x64xf32> to vector<64xf32>
    %mul3A_72 = arith.mulf %select_n3A_69, %select_n3A_69 : vector<512x64xf32>
    %reduce_sum3A_73 = arith.constant dense<0.000000e+00> : vector<64xf32>
    %reduce_sum3A_74 = vector.multi_reduction <add>, %mul3A_72, %reduce_sum3A_73 [0] : vector<512x64xf32> to vector<64xf32>
    %stack3A = vector.shape_cast %reduce_sum3A_71 : vector<64xf32> to vector<1x64xf32>
    %stack3A_75 = vector.shape_cast %reduce_sum3A_74 : vector<64xf32> to vector<1x64xf32>
    %stack3A_76 = tpu.concatenate %stack3A, %stack3A_75 in 0 : vector<1x64xf32>, vector<1x64xf32> -> vector<2x64xf32>
    %eq3A_77 = arith.constant 0 : i32
    %eq3A_78 = arith.cmpi eq, %arg0, %eq3A_77 : i32
    %convert_element_type3A = arith.extui %eq3A_78 : i1 to i32
    %cond3A = arith.constant 0 : i32
    %cond3A_79 = arith.cmpi ne, %convert_element_type3A, %cond3A : i32
    scf.if %cond3A_79 {
      %swap3A_84 = arith.constant 0 : index
      %swap3A_85 = arith.constant 0 : index
      %swap3A_86 = vector.load %arg6[%swap3A_84, %swap3A_85] : memref<2x64xf32, #tpu.memory_space<vmem>>, vector<2x64xf32>
      tpu.vector_store %arg6[%swap3A_84, %swap3A_85], %stack3A_76 {strides = array<i32>} : memref<2x64xf32, #tpu.memory_space<vmem>>, vector<2x64xf32>,
    } else {
    }
    %gt3A = arith.constant 0 : i32
    %gt3A_80 = arith.cmpi sgt, %arg0, %gt3A : i32
    %convert_element_type3A_81 = arith.extui %gt3A_80 : i1 to i32
    %cond3A_82 = arith.constant 0 : i32
    %cond3A_83 = arith.cmpi ne, %convert_element_type3A_81, %cond3A_82 : i32
    scf.if %cond3A_83 {
      %get3A_84 = arith.constant 0 : index
      %get3A_85 = arith.constant 0 : index
      %get3A_86 = vector.load %arg6[%get3A_84, %get3A_85] : memref<2x64xf32, #tpu.memory_space<vmem>>, vector<2x64xf32>
      %add3A_87 = arith.addf %get3A_86, %stack3A_76 : vector<2x64xf32>
      %swap3A_88 = arith.constant 0 : index
      %swap3A_89 = arith.constant 0 : index
      %swap3A_90 = vector.load %arg6[%swap3A_88, %swap3A_89] : memref<2x64xf32, #tpu.memory_space<vmem>>, vector<2x64xf32>
      tpu.vector_store %arg6[%swap3A_88, %swap3A_89], %add3A_87 {strides = array<i32>} : memref<2x64xf32, #tpu.memory_space<vmem>>, vector<2x64xf32>,
    } else {
    }
    return
  }
  func.func @transform_0(%arg0: i32) -> (i32, i32) {
    %c0_i32 = arith.constant 0 : i32
    %c0_i32_0 = arith.constant 0 : i32
    return %arg0, %c0_i32 : i32, i32
  }
  func.func @transform_1(%arg0: i32) -> (i32, i32, i32) {
    %c0_i32 = arith.constant 0 : i32
    %c0_i32_0 = arith.constant 0 : i32
    %c0_i32_1 = arith.constant 0 : i32
    return %c0_i32, %arg0, %c0_i32_0 : i32, i32, i32
  }
  func.func @transform_2(%arg0: i32) -> (i32, i32) {
    %c0_i32 = arith.constant 0 : i32
    %c0_i32_0 = arith.constant 0 : i32
    return %arg0, %c0_i32 : i32, i32
  }
  func.func @transform_3(%arg0: i32) -> (i32, i32) {
    %c0_i32 = arith.constant 0 : i32
    %c0_i32_0 = arith.constant 0 : i32
    %c0_i32_1 = arith.constant 0 : i32
    return %c0_i32, %c0_i32_0 : i32, i32
  }
  func.func @transform_4(%arg0: i32) -> (i32, i32) {
    %c0_i32 = arith.constant 0 : i32
    %c0_i32_0 = arith.constant 0 : i32
    return %arg0, %c0_i32 : i32, i32
  }
  func.func @transform_5(%arg0: i32) -> (i32, i32) {
    %c0_i32 = arith.constant 0 : i32
    %c0_i32_0 = arith.constant 0 : i32
    %c0_i32_1 = arith.constant 0 : i32
    return %c0_i32, %c0_i32_0 : i32, i32
  }
}

module attributes {stable_mosaic.version = 14 : i64} {
  func.func @_phase_e2_body(%arg0: i32, %arg1: memref<512x64xf32, #tpu.memory_space<vmem>>, %arg2: memref<2x64xf32, #tpu.memory_space<vmem>>, %arg3: memref<1x64xf32, #tpu.memory_space<vmem>>, %arg4: memref<1x64xf32, #tpu.memory_space<vmem>>, %arg5: memref<512x64xf32, #tpu.memory_space<vmem>>, %arg6: memref<64x128xf32, #tpu.memory_space<vmem>>, %arg7: memref<1x1xf32, #tpu.memory_space<vmem>>, %arg8: memref<512x128xf32, #tpu.memory_space<vmem>>) attributes {dimension_semantics = [#tpu.dimension_semantics<arbitrary>], iteration_bounds = array<i64: 20>, scalar_prefetch = 0 : i64, scratch_operands = 0 : i64, tpu.core_type = #tpu.core_type<tc>, window_params = [{transform_indices = @transform_0, window_bounds = array<i64: 512, 64>}, {pipeline_mode = #tpu.pipeline_mode<synchronous>, transform_indices = @transform_1, window_bounds = array<i64: 2, 64>}, {pipeline_mode = #tpu.pipeline_mode<synchronous>, transform_indices = @transform_2, window_bounds = array<i64: 1, 64>}, {pipeline_mode = #tpu.pipeline_mode<synchronous>, transform_indices = @transform_3, window_bounds = array<i64: 1, 64>}, {transform_indices = @transform_4, window_bounds = array<i64: 512, 64>}, {pipeline_mode = #tpu.pipeline_mode<synchronous>, transform_indices = @transform_5, window_bounds = array<i64: 64, 128>}, {pipeline_mode = #tpu.pipeline_mode<synchronous>, transform_indices = @transform_6, window_bounds = array<i64: 1, 1>}, {transform_indices = @transform_7, window_bounds = array<i64: 512, 128>}]} {
    %get3A = arith.constant 0 : index
    %get3A_0 = arith.constant 0 : index
    %get3A_1 = vector.load %arg2[%get3A, %get3A_0] : memref<2x64xf32, #tpu.memory_space<vmem>>, vector<2x64xf32>
    %slice3A = vector.extract_strided_slice %get3A_1 {offsets = [0, 0], sizes = [1, 64], strides = [1, 1]} : vector<2x64xf32> to vector<1x64xf32>
    %squeeze3A = vector.shape_cast %slice3A : vector<1x64xf32> to vector<64xf32>
    %div3A = arith.constant 1.000000e+04 : f32
    %div3A_2 = vector.broadcast %div3A : f32 to vector<64xf32>
    %div3A_3 = arith.divf %squeeze3A, %div3A_2 : vector<64xf32>
    %slice3A_4 = vector.extract_strided_slice %get3A_1 {offsets = [1, 0], sizes = [1, 64], strides = [1, 1]} : vector<2x64xf32> to vector<1x64xf32>
    %squeeze3A_5 = vector.shape_cast %slice3A_4 : vector<1x64xf32> to vector<64xf32>
    %div3A_6 = arith.constant 1.000000e+04 : f32
    %div3A_7 = vector.broadcast %div3A_6 : f32 to vector<64xf32>
    %div3A_8 = arith.divf %squeeze3A_5, %div3A_7 : vector<64xf32>
    %mul3A = arith.mulf %div3A_3, %div3A_3 : vector<64xf32>
    %sub3A = arith.subf %div3A_8, %mul3A : vector<64xf32>
    %get3A_9 = arith.constant 0 : index
    %get3A_10 = arith.constant 0 : index
    %get3A_11 = vector.load %arg3[%get3A_9, %get3A_10] : memref<1x64xf32, #tpu.memory_space<vmem>>, vector<1x64xf32>
    %squeeze3A_12 = vector.shape_cast %get3A_11 : vector<1x64xf32> to vector<64xf32>
    %add3A = arith.constant 9.99999974E-6 : f32
    %add3A_13 = vector.broadcast %add3A : f32 to vector<64xf32>
    %add3A_14 = arith.addf %sub3A, %add3A_13 : vector<64xf32>
    %rsqrt3A = math.rsqrt %add3A_14 : vector<64xf32>
    %mul3A_15 = arith.mulf %squeeze3A_12, %rsqrt3A : vector<64xf32>
    %get3A_16 = arith.constant 0 : index
    %get3A_17 = arith.constant 0 : index
    %get3A_18 = vector.load %arg4[%get3A_16, %get3A_17] : memref<1x64xf32, #tpu.memory_space<vmem>>, vector<1x64xf32>
    %squeeze3A_19 = vector.shape_cast %get3A_18 : vector<1x64xf32> to vector<64xf32>
    %mul3A_20 = arith.mulf %div3A_3, %mul3A_15 : vector<64xf32>
    %sub3A_21 = arith.subf %squeeze3A_19, %mul3A_20 : vector<64xf32>
    %get3A_22 = arith.constant 0 : index
    %get3A_23 = arith.constant 0 : index
    %get3A_24 = vector.load %arg1[%get3A_22, %get3A_23] : memref<512x64xf32, #tpu.memory_space<vmem>>, vector<512x64xf32>
    %broadcast_in_dim3A = vector.shape_cast %mul3A_15 : vector<64xf32> to vector<1x64xf32>
    %mul3A_25 = vector.broadcast %broadcast_in_dim3A : vector<1x64xf32> to vector<512x64xf32>
    %mul3A_26 = arith.mulf %get3A_24, %mul3A_25 : vector<512x64xf32>
    %broadcast_in_dim3A_27 = vector.shape_cast %sub3A_21 : vector<64xf32> to vector<1x64xf32>
    %add3A_28 = vector.broadcast %broadcast_in_dim3A_27 : vector<1x64xf32> to vector<512x64xf32>
    %add3A_29 = arith.addf %mul3A_26, %add3A_28 : vector<512x64xf32>
    %max3A = arith.constant 0.000000e+00 : f32
    %max3A_30 = vector.broadcast %max3A : f32 to vector<512x64xf32>
    %max3A_31 = arith.maximumf %add3A_29, %max3A_30 : vector<512x64xf32>
    %get3A_32 = arith.constant 0 : index
    %get3A_33 = arith.constant 0 : index
    %get3A_34 = vector.load %arg5[%get3A_32, %get3A_33] : memref<512x64xf32, #tpu.memory_space<vmem>>, vector<512x64xf32>
    %add3A_35 = arith.addf %max3A_31, %get3A_34 : vector<512x64xf32>
    %get3A_36 = arith.constant 0 : index
    %get3A_37 = arith.constant 0 : index
    %get3A_38 = vector.load %arg6[%get3A_36, %get3A_37] : memref<64x128xf32, #tpu.memory_space<vmem>>, vector<64x128xf32>
    %dot_general3A = arith.constant dense<0.000000e+00> : vector<512x128xf32>
    %dot_general3A_39 = tpu.matmul %add3A_35, %get3A_38, %dot_general3A {dimension_numbers = #tpu.dot_dimension_numbers<[1], [0], [0], [1], [0, 0, 1, 1], [], []>, transpose_lhs_hint = false} : vector<512x64xf32>, vector<64x128xf32>, vector<512x128xf32> -> vector<512x128xf32>
    %get3A_40 = arith.constant 0 : index
    %get3A_41 = arith.constant 0 : index
    %get3A_42 = vector.load %arg7[%get3A_40, %get3A_41] : memref<1x1xf32, #tpu.memory_space<vmem>>, vector<1x1xf32>
    %get3A_43 = vector.extract %get3A_42[0, 0] : f32 from vector<1x1xf32>
    %add3A_44 = vector.broadcast %get3A_43 : f32 to vector<512x128xf32>
    %add3A_45 = arith.addf %dot_general3A_39, %add3A_44 : vector<512x128xf32>
    %swap3A = arith.constant 0 : index
    %swap3A_46 = arith.constant 0 : index
    %swap3A_47 = vector.load %arg8[%swap3A, %swap3A_46] : memref<512x128xf32, #tpu.memory_space<vmem>>, vector<512x128xf32>
    tpu.vector_store %arg8[%swap3A, %swap3A_46], %add3A_45 {strides = array<i32>} : memref<512x128xf32, #tpu.memory_space<vmem>>, vector<512x128xf32>,
    return
  }
  func.func @transform_0(%arg0: i32) -> (i32, i32) {
    %c0_i32 = arith.constant 0 : i32
    %c0_i32_0 = arith.constant 0 : i32
    return %arg0, %c0_i32 : i32, i32
  }
  func.func @transform_1(%arg0: i32) -> (i32, i32) {
    %c0_i32 = arith.constant 0 : i32
    %c0_i32_0 = arith.constant 0 : i32
    %c0_i32_1 = arith.constant 0 : i32
    return %c0_i32, %c0_i32_0 : i32, i32
  }
  func.func @transform_2(%arg0: i32) -> (i32, i32) {
    %c0_i32 = arith.constant 0 : i32
    %c0_i32_0 = arith.constant 0 : i32
    %c0_i32_1 = arith.constant 0 : i32
    return %c0_i32, %c0_i32_0 : i32, i32
  }
  func.func @transform_3(%arg0: i32) -> (i32, i32) {
    %c0_i32 = arith.constant 0 : i32
    %c0_i32_0 = arith.constant 0 : i32
    %c0_i32_1 = arith.constant 0 : i32
    return %c0_i32, %c0_i32_0 : i32, i32
  }
  func.func @transform_4(%arg0: i32) -> (i32, i32) {
    %c0_i32 = arith.constant 0 : i32
    %c0_i32_0 = arith.constant 0 : i32
    return %arg0, %c0_i32 : i32, i32
  }
  func.func @transform_5(%arg0: i32) -> (i32, i32) {
    %c0_i32 = arith.constant 0 : i32
    %c0_i32_0 = arith.constant 0 : i32
    %c0_i32_1 = arith.constant 0 : i32
    return %c0_i32, %c0_i32_0 : i32, i32
  }
  func.func @transform_6(%arg0: i32) -> (i32, i32) {
    %c0_i32 = arith.constant 0 : i32
    %c0_i32_0 = arith.constant 0 : i32
    %c0_i32_1 = arith.constant 0 : i32
    return %c0_i32, %c0_i32_0 : i32, i32
  }
  func.func @transform_7(%arg0: i32) -> (i32, i32) {
    %c0_i32 = arith.constant 0 : i32
    %c0_i32_0 = arith.constant 0 : i32
    return %arg0, %c0_i32 : i32, i32
  }
}

</mosaic_0001>

<sc_bundles>
// kernel: kernel.12.cloned.1.call-start
scs
__scs_entry_jumppad:
0x0: {  	(pc) =	sbr.rel $0x88, $3  }
0x1: {  	(tag) =	ssettag $0x0;
	lr =	simm.s32 $0x1  }
0x2: {  	[smem:$0x3F8F] =	sst lr;
	_ =	strace $0xD0000000  }
0x3: {  	_ = 	snop  }
0x4: {  	_ = 	snop  }
0x5: {  	_ = 	snop  }
0x6: {  	_ = 	snop  }
0x7: {  	_ = 	snop  }
__scs_overlays_trampoline_lowered:
0x8: {  	[smem:$0x3F9E] =	sst s0  }
0x9: {  	[smem:$0x3F9F] =	sst s1  }
0xa: {  	[smem:$0x3FA0] =	sst s2  }
0xb: {  	[smem:$0x3FA1] =	sst s3  }
0xc: {  	[smem:$0x3FA2] =	sst s4  }
0xd: {  	[smem:$0x3FA3] =	sst s5  }
0xe: {  	[smem:$0x3FA4] =	sst s6  }
0xf: {  	[smem:$0x3FA5] =	sst s7  }
0x10: {  	[smem:$0x3FA6] =	sst s8  }
0x11: {  	[smem:$0x3FA7] =	sst s9;
	s0 =	simm.s32 @!p0 $0x0  }
0x12: {  	s1 =	sld [smem:$0x3F8D];
	s0 =	simm.s32 @p0 $0x1  }
0x13: {  	[smem:$0x3FA8] =	sst s0;
	s0 =	simm.s32 @!p1 $0x0  }
0x14: {  	s2 =	sld [smem:$0x3F8C];
	s0 =	simm.s32 @p1 $0x1  }
0x15: {  	[smem:$0x3FA9] =	sst s0;
	s0 =	simm.s32 @!p2 $0x0  }
0x16: {  	s3 =	sld [smem:$0x3FDB];
	s0 =	simm.s32 @p2 $0x1  }
0x17: {  	s4 =	simm.s32 $0x1BF5;
	[smem:$0x3FAB] =	sst s0  }
0x18: {  	s0 =	sld [smem:$0x3F8E];
	_ =	swait.ge [sflag:s4], $0x0  }
0x19: {  	s7 =	sld [smem:$0x3F8F]  }
0x1a: {  	s8 =	sadd.s32 $0xFFFFE003, lr  }
0x1b: {  	s9 =	sadd.s32 $0xFFFFFEF7, lr;
	s5 =	simm.s32 $0xFFFFFFFF;
	p2 =	slt.u32 s8, $0xFFFFF086  }
0x1c: {  	p1 =	slt.u32 s9, $0xF7A;
	s5 =	simm.s32 @!p2 $0x0  }
0x1d: {  	s5 =	simm.s32 @p1 $0x1;
	p0 =	seq.s32 s7, s2  }
0x1e: {  	s7 =	smul.u32 @!p0 $0xF7A, s2;
	p2 =	seq.s32 @!p0 s5, $0x0  }
0x1f: {  	s9 =	smul.u32 $0xF7A, s1;
	s8 =	simm.s32 @!p0 $0x1BF5;
	p2 =	por !p2, p0  }
0x20: {  	[sflag:s8] =	ssyncset.s32 @!p0 $0xFFFFF086;
	s6 =	sadd.s32 @!p0 s3, s7;
	s7 =	simm.s32 @!p0 $0x108  }
0x21: {  	s3 =	sadd.s32 s3, s9;
	s6 =	sadd.s32 @!p0 $0x88, s6;
	s7 =	simm.s32 @p2 $0x1082  }
0x22: {  	[simem:s7], [sflag:s8] =	dma.local @!p0 [hbm:s6], $0xF7A  }
0x23: {  	s9 =	sor.u32 $0xD0000000, s2;
	s6 =	simm.s32 $0x108;
	_ =	swait.ge @!p0 [sflag:s8], $0x0  }
0x24: {  	s3 =	sadd.s32 $0x88, s3;
	s6 =	simm.s32 @!p1 $0x1082;
	[sflag:s4] =	ssyncset.s32 $0xFFFFF086  }
0x25: {  	[simem:s6], [sflag:s4] =	dma.local [hbm:s3], $0xF7A  }
0x26: {  	[smem:$0x3F8F] =	sst s1;
	(tag) =	ssettag s2;
	_ =	strace s9  }
0x27: {  	s1 =	sld [smem:$0x3F9F]  }
0x28: {  	s2 =	sld [smem:$0x3FA0]  }
0x29: {  	s4 =	sld [smem:$0x3FA2]  }
0x2a: {  	p0 =	seq.s32 s5, $0x0;
	s5 =	sld [smem:$0x3FA3]  }
0x2b: {  	s6 =	sld [smem:$0x3FA4]  }
0x2c: {  	s7 =	sld [smem:$0x3FA5]  }
0x2d: {  	s3 =	simm.s32 $0x108;
	s8 =	sld [smem:$0x3FA6]  }
0x2e: {  	s3 =	simm.s32 @!p0 $0x1082;
	s9 =	sld [smem:$0x3FA7]  }
0x2f: {  	lr =	sadd.s32 s0, s3;
	s0 =	sld [smem:$0x3F9E]  }
0x30: {  	s3 =	sld [smem:$0x3FA1]  }
0x31: {  	[smem:$0x3FAA] =	sst s10  }
0x32: {  	s10 =	sld [smem:$0x3FA8];
	_ =	sdelay $0x3  }
0x33: {  	p0 =	seq.s32 s10, $0x1;
	s10 =	sld [smem:$0x3FAA];
	_ =	sdelay $0x3  }
0x34: {  	[smem:$0x3FAA] =	sst s10  }
0x35: {  	s10 =	sld [smem:$0x3FA9];
	_ =	sdelay $0x3  }
0x36: {  	p1 =	seq.s32 s10, $0x1;
	s10 =	sld [smem:$0x3FAA];
	_ =	sdelay $0x3  }
0x37: {  	[smem:$0x3FAA] =	sst s10  }
0x38: {  	s10 =	sld [smem:$0x3FAB]  }
0x39: {  	_ = 	snop;
	(pc) =	sbr.ind lr, $3  }
0x3a: {  	_ = 	snop  }
0x3b: {  	_ = 	snop  }
0x3c: {  	p2 =	seq.s32 s10, $0x1;
	s10 =	sld [smem:$0x3FAA]  }
0x3d: {  	_ =	shalt  }
0x3e: {  	_ =	shalt  }
0x3f: {  	_ =	shalt  }
0x40: {  	_ =	shalt  }
0x41: {  	_ =	shalt  }
0x42: {  	_ =	shalt  }
0x43: {  	_ =	shalt  }
0x44: {  	_ =	shalt  }
0x45: {  	_ =	shalt  }
0x46: {  	_ =	shalt  }
0x47: {  	_ =	shalt  }
0x48: {  	_ =	shalt  }
0x49: {  	_ =	shalt  }
0x4a: {  	_ =	shalt  }
0x4b: {  	_ =	shalt  }
0x4c: {  	_ =	shalt  }
0x4d: {  	_ =	shalt  }
0x4e: {  	_ =	shalt  }
0x4f: {  	_ =	shalt  }
0x50: {  	_ =	shalt  }
0x51: {  	_ =	shalt  }
0x52: {  	_ =	shalt  }
0x53: {  	_ =	shalt  }
0x54: {  	_ =	shalt  }
0x55: {  	_ =	shalt  }
0x56: {  	_ =	shalt  }
0x57: {  	_ =	shalt  }
0x58: {  	_ =	shalt  }
0x59: {  	_ =	shalt  }
0x5a: {  	_ =	shalt  }
0x5b: {  	_ =	shalt  }
0x5c: {  	_ =	shalt  }
0x5d: {  	_ =	shalt  }
0x5e: {  	_ =	shalt  }
0x5f: {  	_ =	shalt  }
0x60: {  	_ =	shalt  }
0x61: {  	_ =	shalt  }
0x62: {  	_ =	shalt  }
0x63: {  	_ =	shalt  }
0x64: {  	_ =	shalt  }
0x65: {  	_ =	shalt  }
0x66: {  	_ =	shalt  }
0x67: {  	_ =	shalt  }
0x68: {  	_ =	shalt  }
0x69: {  	_ =	shalt  }
0x6a: {  	_ =	shalt  }
0x6b: {  	_ =	shalt  }
0x6c: {  	_ =	shalt  }
0x6d: {  	_ =	shalt  }
0x6e: {  	_ =	shalt  }
0x6f: {  	_ =	shalt  }
0x70: {  	_ =	shalt  }
0x71: {  	_ =	shalt  }
0x72: {  	_ =	shalt  }
0x73: {  	_ =	shalt  }
0x74: {  	_ =	shalt  }
0x75: {  	_ =	shalt  }
0x76: {  	_ =	shalt  }
0x77: {  	_ =	shalt  }
0x78: {  	_ =	shalt  }
0x79: {  	_ =	shalt  }
0x7a: {  	_ =	shalt  }
0x7b: {  	_ =	shalt  }
0x7c: {  	_ =	shalt  }
0x7d: {  	_ =	shalt  }
0x7e: {  	_ =	shalt  }
0x7f: {  	_ =	shalt  }
0x80: {  	_ =	shalt  }
0x81: {  	_ =	shalt  }
0x82: {  	_ =	shalt  }
0x83: {  	_ =	shalt  }
0x84: {  	_ =	shalt  }
0x85: {  	_ =	shalt  }
0x86: {  	_ =	shalt  }
0x87: {  	_ =	shalt  }
.Lfunc_end0:
.L_simem_size_0:
called_computation.1_lowered:
.L_overlay_start_0:
0x88: {  	s2 =	sld [smem:$0x3FD9]  }
0x89: {  	s3 =	sld [smem:$0x3FFE];
	_ =	sdelay $0x1  }
0x8a: {  	s1 =	srdreg.scid  }
0x8b: {  	s0 =	sand.u32 $0x1, s1  }
0x8c: {  	s17 =	sshll.u32 s0, $0xA;
	s2 =	sadd.s32 s3, s2  }
0x8d: {  	s2 =	sadd.s32 s2, s17  }
0x8e: {  	[smem:$0x3FB6] =	sst s2  }
0x8f: {  	_ = 	snop  }
0x90: {  	s2 =	sld [smem:$0x3FBD];
	(tm) =	ssettm $0x1  }
0x91: {  	s18 =	sld [smem:$0x3FFB];
	_ =	sdelay $0x3  }
0x92: {  	_ =	strace s18  }
0x93: {  	s3 =	sld [smem:$0x3FFC];
	_ =	sdelay $0x3  }
0x94: {  	_ =	strace s3  }
0x95: {  	s3 =	sld [smem:$0x3FFD];
	_ =	sdelay $0x3  }
0x96: {  	_ =	strace s3  }
0x97: {  	_ =	strace $0x8FFFFFFF  }
0x98: {  	s19 =	sld [smem:$0x3FDB];
	_ =	sdelay $0x1  }
0x99: {  	s4 =	simm.s32 $_scs_section_size  }
0x9a: {  	s5 =	simm.s32 $_size__tile_overlayer_lowered;
	s6 =	simm.s32 $_tile_overlayer_lowered  }
0x9b: {  	s22 =	simm.s32 $0x1BFF;
	s21 =	sshll.u32 s6, $0x1;
	s3 =	sadd.s32 s4, s19  }
0x9c: {  	s7 =	simm.s32 $0x0;
	s20 =	sshll.u32 s5, $0x1;
	s5 =	sadd.s32 s21, s3  }
0x9d: {  	[timem:s7], [sflag:s22] =	dma.local [hbm:s5], s20  }
0x9e: {  	_ =	swait.ge [sflag:s22], s20  }
0x9f: {  	s4 =	ssub.s32 $0x0, s20;
	[sflag:s22] =	ssyncset.done $0x0  }
0xa0: {  	[sflag:s22] =	ssyncadd.s32 s4;
	_ =	sdelay $0x1  }
0xa1: {  	s23 =	simm.s32 $0x1B8B  }
0xa2: {  	_ =	swait.ge [sflag:s23], $0x1  }
0xa3: {  	[sflag:s23] =	ssyncset.done $0x0  }
0xa4: {  	s25 =	simm.s32 $0x1B8E;
	s24 =	sld [smem:$0x3FFE];
	[sflag:s23] =	ssyncadd.s32 $0xFFFFFFFF  }
0xa5: {  	s26 =	simm.s32 $execute0_lowered;
	[smem:$0x3FD2] =	sst s25  }
0xa6: {  	s5 =	sshll.u32 s26, $0x1;
	_ =	strace $0x80000049;
	[dreg:$0x1] =	wrdreg $0xFFFFFFFF  }
0xa7: {  	s28 =	simm.s32 $_size_execute0_lowered;
	s3 =	sadd.s32 s3, s5;
	[dreg:$0x0] =	wrdreg $0x0  }
0xa8: {  	s5 =	sshll.u32 s28, $0x1;
	[dreg:$0x2] =	wrdreg s3  }
0xa9: {  	[dreg:$0x3] =	wrdreg s5  }
0xaa: {  	[dreg:$0x4] =	wrdreg $0xC0  }
0xab: {  	_ =	task [dreg:s7], $0x5FFFF  }
0xac: {  	[dreg:$0x1] =	wrdreg $0xFFFFFFFF  }
0xad: {  	[dreg:$0x0] =	wrdreg $0x60  }
0xae: {  	[dreg:$0x2] =	wrdreg s24  }
0xaf: {  	[dreg:$0x3] =	wrdreg s2  }
0xb0: {  	[dreg:$0x4] =	wrdreg $0xC2000  }
0xb1: {  	[dreg:$0x5] =	wrdreg $0x9  }
0xb2: {  	_ =	task.clear_ibuf [dreg:s7], $0x6FFFF;
	_ =	strace $0x90000049  }
0xb3: {  	s29 =	simm.s32 $0x9;
	_ =	strace $0x8000004B  }
0xb4: {  	_ =	swait.ge [sflag:s29], $0x1  }
0xb5: {  	[sflag:s29] =	ssyncadd.s32 $0xFFFFFFFF  }
0xb6: {  	_ =	strace $0x9000004B  }
0xb7: {  	_ =	sfence  }
0xb8: {  	s30 =	sld [smem:$0x0];
	_ =	sdelay $0x2  }
0xb9: {  	s31 =	sshll.u32 s1, $0xD;
	s1 =	sshrl.u32 s1, $0x2  }
0xba: {  	s3 =	sand.u32 $0x4000, s31;
	s1 =	sadd.s32 s1, s30  }
0xbb: {  	s0 =	sor.u32 s3, s0;
	s1 =	sshll.u32 s1, $0x11  }
0xbc: {  	s0 =	sor.u32 s1, s0  }
0xbd: {  	s0 =	sadd.s32 $0x8F2B, s0  }
0xbe: {  	[sflag:s0] =	ssyncadd.remote.s32 $0x1  }
0xbf: {  	_ =	sfence.sel $0xFFFF  }
0xc0: {  	[dreg:$0x0] =	wrdreg $0xFFFFFFFF;
	(pc) =	sbr.abs _section_cstart, $3  }
0xc1: {  	[dreg:$0x1] =	wrdreg $0xFFFFFFFF  }
0xc2: {  	_ =	task.clear_ibuf [dreg:s7], $0x2FFFF;
	_ =	strace $0x9FFFFFFF  }
0xc3: {  	(tm) =	ssettm $0x7FFFFFFF  }
tec
execute0_lowered:
.L_overlay_start_1:
0x0: {  	(tag) =	ssettag $0x1  }
0x1: {  	s0 =	rddreg [dreg:$0x0]  }
0x2: {  	s3 =	rddreg [dreg:$0x2]  }
0x3: {  	s1 =	srdreg.scid;
	s11 =	stileid.u32  }
0x4: {  	s4 =	simm.s32 $0x0;
	s28 =	simm.s32 $0x4180;
	s29 =	simm.s32 $0x1  }
0x5: {  	s1 =	sand.u32 $0x1, s1;
	s2 =	smul.u32 $0x140, s11;
	[smem:$0x7FF] =	sst s4  }
0x6: {  	s5 =	sadd.s32 $0x2B800, s0;
	s6 =	sadd.s32 $0x21A00, s0;
	s9 =	smul.u32 $0x2800, s1  }
0x7: {  	s7 =	sadd.s32 $0x17C00, s0;
	s8 =	sadd.s32 $0xDE00, s0;
	s10 =	smul.u32 $0x28000, s11  }
0x8: {  	s11 =	sshll.u32 s11, $0x1;
	s20 =	ssub.s32 $0x2, s1;
	s2 =	sadd.s32 s2, s9  }
0x9: {  	s1 =	sor.u32 s1, s11;
	s21 =	sshrl.u32 s10, $0x2;
	s2 =	sshll.u32 s2, $0x4  }
0xa: {  	s9 =	sadd.s32 $0x4000, s0;
	s11 =	sadd.s32 s21, s3;
	s0 =	sadd.s32 s2, s0  }
0xb: {  	_ =	strace $0x8000004A;
	[dreg:$0x4] =	wrdreg s11;
	s22 =	sadd.s32 $0x53800, s0  }
0xc: {  	s30 =	simm.s32 $0x2;
	s23 =	sadd.s32 $0x54000, s0;
	[dreg:$0x5] =	wrdreg s22  }
0xd: {  	s12 =	sshrl.u32 s20, $0x1;
	s24 =	sadd.s32 $0x54800, s0;
	[dreg:$0x6] =	wrdreg s23  }
0xe: {  	s10 =	smul.u32 $0x2780, s1;
	s25 =	sadd.s32 $0x67800, s0;
	[dreg:$0x7] =	wrdreg s24  }
0xf: {  	s2 =	ssub.s32 s20, s12;
	s26 =	sadd.s32 $0x68000, s0;
	[dreg:$0x8] =	wrdreg s25  }
0x10: {  	s12 =	sadd.s32 $0x4000, s11;
	s0 =	sadd.s32 $0x68800, s0;
	[dreg:$0x9] =	wrdreg s26  }
0x11: {  	s20 =	sadd.s32 $0x8000, s11;
	s31 =	smax.u32 s2, $0x1;
	[dreg:$0xa] =	wrdreg s0  }
0x12: {  	[dreg:$0xb] =	wrdreg s31;
	s22 =	simm.s32 $0x3;
	s23 =	simm.s32 $0x8180  }
0x13: {  	v0 =	vimm.f32 $0.0e+00;
	vm0 =	vmmov $0x1;
	s24 =	simm.s32 $0x80;
	s25 =	simm.s32 $0x100;
	s26 =	simm.s32 $0x180  }
.LBB2_1:
0x14: {  	s0 =	simm.s32 $0x0;
	s1 =	simm.s32 $0x200  }
.LBB2_2:
0x15: {  	p0 =	sne.s32 s1, $0xFE00;
	[tilespmem:s0+$0x81F0] =	vst v0  }
0x16: {  	[tilespmem:s0+$0x8180] =	vst v0  }
0x17: {  	[tilespmem:s0+$0x8190] =	vst v0  }
.Ltmp0:
0x18: {  	[tilespmem:s0+$0x81A0] =	vst v0;
	(pc) =	sbr.rel @p0 .LBB2_2-.Ltmp0, $4  }
0x19: {  	[tilespmem:s0+$0x81B0] =	vst v0  }
0x1a: {  	[tilespmem:s0+$0x81C0] =	vst v0  }
0x1b: {  	[tilespmem:s0+$0x81D0] =	vst v0  }
0x1c: {  	[tilespmem:s0+$0x81E0] =	vst v0;
	s0 =	sshra.s32 s1, $0x2;
	s1 =	sadd.s32 $0x200, s1  }
0x1d: {  	[tilespmem:s0+$0x81F0] =	vst v0  }
0x1e: {  	[tilespmem:s0+$0x8180] =	vst v0  }
0x1f: {  	[tilespmem:s0+$0x8190] =	vst v0  }
0x20: {  	[tilespmem:s0+$0x81A0] =	vst v0  }
0x21: {  	[tilespmem:s0+$0x81B0] =	vst v0  }
0x22: {  	[tilespmem:s0+$0x81C0] =	vst v0  }
0x23: {  	[tilespmem:s0+$0x81D0] =	vst v0  }
0x24: {  	[tilespmem:s0+$0x81E0] =	vst v0;
	s0 =	simm.s32 $0x0;
	s1 =	rddreg [dreg:$0x1];
	s2 =	simm.s32 $0xC180  }
0x25: {  	[tilespmem:s2], [sflag:$0x3] =	stream.linear.gather [hbm4b:s1+s0], $0x80, $0x38;
	[tilespmem:$0x16240] =	vst v63  }
0x26: {  	_ =	swait.ge [sflag:s22], $0x80  }
0x27: {  	[sflag:s22] =	ssyncset.done $0x0  }
0x28: {  	[sflag:s22] =	ssyncadd.s32 $0xFFFFFF80  }
0x29: {  	v1 =	vld [tilespmem:$0xC180]  }
0x2a: {  	v2 =	vld [tilespmem:$0xC190]  }
0x2b: {  	v3 =	vld [tilespmem:$0xC1A0]  }
0x2c: {  	v4 =	vld [tilespmem:$0xC1B0];
	[spmem:s11] =	stream.linear.scatter [tilespmem:s23], [sflag:$0x3], $0x4000, $0x38  }
0x2d: {  	_ =	swait.ge [sflag:s22], $0x4000  }
0x2e: {  	[sflag:s22] =	ssyncset.done $0x0  }
0x2f: {  	[sflag:s22] =	ssyncadd.s32 $0xFFFFC000  }
0x30: {  	[spmem:s12] =	stream.linear.scatter [tilespmem:s23], [sflag:$0x3], $0x4000, $0x38;
	[tilespmem:$0x16240] =	vst v63  }
0x31: {  	_ =	swait.ge [sflag:s22], $0x4000  }
0x32: {  	[sflag:s22] =	ssyncset.done $0x0  }
0x33: {  	[sflag:s22] =	ssyncadd.s32 $0xFFFFC000  }
0x34: {  	[spmem:s20] =	stream.linear.scatter [tilespmem:s23], [sflag:$0x3], $0x2000, $0x38;
	[tilespmem:$0x16240] =	vst v63  }
0x35: {  	_ =	swait.ge [sflag:s22], $0x2000  }
0x36: {  	[sflag:s22] =	ssyncset.done $0x0  }
0x37: {  	[sflag:s22] =	ssyncadd.s32 $0xFFFFE000  }
0x38: {  	s1 =	simm.s32 $0x0;
	[bflag:$0x0] =	sbarrier.arrive $0xFFFF  }
.LBB2_4:
0x39: {  	s2 =	sshll.u32 s1, $0x7  }
0x3a: {  	s2 =	sadd.s32 s10, s2  }
0x3b: {  	s2 =	sshrl.u32 s2, $0x3  }
0x3c: {  	s14 =	sadd.s32 s6, s2  }
0x3d: {  	[tilespmem:s0], [sflag:$0x3] =	stream.linear.gather [hbm4b:s14+s0], $0x80, $0x38;
	[tilespmem:$0x16240] =	vst v63  }
0x3e: {  	_ =	swait.ge [sflag:s22], $0x80  }
0x3f: {  	[sflag:s22] =	ssyncset.done $0x0  }
0x40: {  	s31 =	sadd.s32 s7, s2;
	[sflag:s22] =	ssyncadd.s32 $0xFFFFFF80  }
0x41: {  	[tilespmem:s24], [sflag:$0x3] =	stream.linear.gather [hbm4b:s31+s0], $0x80, $0x38;
	[tilespmem:$0x16240] =	vst v63  }
0x42: {  	_ =	swait.ge [sflag:s22], $0x80  }
0x43: {  	[sflag:s22] =	ssyncset.done $0x0  }
0x44: {  	s2 =	sadd.s32 s8, s2;
	[sflag:s22] =	ssyncadd.s32 $0xFFFFFF80  }
0x45: {  	[tilespmem:s25], [sflag:$0x3] =	stream.linear.gather [hbm4b:s2+s0], $0x80, $0x38;
	[tilespmem:$0x16240] =	vst v63  }
0x46: {  	_ =	swait.ge [sflag:s22], $0x80  }
0x47: {  	[sflag:s22] =	ssyncset.done $0x0  }
0x48: {  	[sflag:s22] =	ssyncadd.s32 $0xFFFFFF80  }
0x49: {  	[tilespmem:s26], [sflag:$0x1] =	stream.indirect.gather [hbm4b:s5+s24], $0x80, s0, s24, $0xb8;
	[tilespmem:$0x16240] =	vst v63  }
0x4a: {  	_ = 	snop  }
0x4b: {  	[tilespmem:s28], [sflag:$0x2] =	stream.indirect.gather [hbm4b:s5+s24], $0x80, s24, s24, $0xb8;
	[tilespmem:$0x16240] =	vst v63  }
0x4c: {  	_ =	swait.ge [sflag:s29], $0x4000  }
0x4d: {  	[sflag:s29] =	ssyncset.done $0x0  }
0x4e: {  	[sflag:s29] =	ssyncadd.s32 $0xFFFFC000  }
0x4f: {  	_ =	swait.ge [sflag:s30], $0x4000  }
0x50: {  	[sflag:s30] =	ssyncset.done $0x0  }
0x51: {  	s14 =	simm.s32 $0x0;
	[sflag:s30] =	ssyncadd.s32 $0xFFFFC000  }
0x52: {  	v7 =	vld [tilespmem:s14+$0x180]  }
0x53: {  	v10 =	vld [tilespmem:s14+$0x190]  }
0x54: {  	v11 =	vld [tilespmem:s14+$0x1A0]  }
0x55: {  	v27 =	vld [tilespmem:s14+$0x1B0]  }
0x56: {  	v5 =	vld [tilespmem:s14+$0x41C0]  }
0x57: {  	v6 =	vld [tilespmem:s14+$0x41D0]  }
0x58: {  	v8 =	vld [tilespmem:s14+$0x41E0]  }
0x59: {  	v9 =	vld [tilespmem:s14+$0x41F0];
	_ =	sdelay $0x2  }
0x5a: {  	s2 =	simm.s32 $0x80;
	v12 =	vadd.f32 v5, v7  }
0x5b: {  	v5 =	vld [tilespmem:s2+$0x180];
	v13 =	vadd.f32 v6, v10;
	v15 =	vadd.f32 v8, v11  }
0x5c: {  	v6 =	vld [tilespmem:s2+$0x190];
	v16 =	vadd.f32 v9, v27;
	v14 =	vmul.f32 $2.000000030e-01, v12  }
0x5d: {  	v9 =	vld [tilespmem:s2+$0x1A0];
	v17 =	vmul.f32 $2.000000030e-01, v13;
	v18 =	vmul.f32 $2.000000030e-01, v15  }
0x5e: {  	v8 =	vld [tilespmem:s2+$0x1B0];
	v19 =	vmul.f32 $2.000000030e-01, v16  }
0x5f: {  	v12 =	vmax.f32 v12, v14;
	v14 =	vld [tilespmem:s2+$0x41C0];
	v13 =	vmax.f32 v13, v17;
	v15 =	vmax.f32 v15, v18  }
0x60: {  	v17 =	vld [tilespmem:s2+$0x41D0];
	v16 =	vmax.f32 v16, v19;
	v12 =	vmul.f32 v12, v1;
	v13 =	vmul.f32 v13, v2  }
0x61: {  	v18 =	vld [tilespmem:s2+$0x41E0];
	v15 =	vmul.f32 v15, v3;
	v16 =	vmul.f32 v16, v4  }
0x62: {  	v19 =	vld [tilespmem:s2+$0x41F0]  }
0x63: {  	v12 =	vadd.f32 v13, v12;
	v13 =	vadd.f32 v16, v15;
	_ =	sdelay $0x1  }
0x64: {  	s15 =	simm.s32 $0x100;
	v15 =	vadd.f32 v14, v5;
	v12 =	vadd.f32 v13, v12  }
0x65: {  	v22 =	vld [tilespmem:s15+$0x41E0];
	v16 =	vadd.f32 v17, v6;
	v17 =	vadd.f32 v18, v9  }
0x66: {  	v23 =	vld [tilespmem:s15+$0x41F0];
	v19 =	vadd.f32 v19, v8;
	v13 =	vmul.f32 $2.000000030e-01, v15;
	(xrf2) =	vadd.scan.msk.f32 $0xffff, v12  }
0x67: {  	v14 =	vld [tilespmem:s15+$0x180];
	v18 =	vmul.f32 $2.000000030e-01, v16;
	v20 =	vmul.f32 $2.000000030e-01, v17  }
0x68: {  	v12 =	vld [tilespmem:s15+$0x190];
	v21 =	vmul.f32 $2.000000030e-01, v19  }
0x69: {  	v15 =	vmax.f32 v15, v13;
	v13 =	vld [tilespmem:s15+$0x1A0];
	v16 =	vmax.f32 v16, v18;
	v17 =	vmax.f32 v17, v20  }
0x6a: {  	v19 =	vmax.f32 v19, v21;
	v20 =	vld [tilespmem:s15+$0x41C0];
	v15 =	vmul.f32 v15, v1;
	v16 =	vmul.f32 v16, v2  }
0x6b: {  	v21 =	vld [tilespmem:s15+$0x41D0];
	v17 =	vmul.f32 v17, v3;
	v19 =	vmul.f32 v19, v4  }
0x6c: {  	v18 =	vld [tilespmem:s15+$0x1B0]  }
0x6d: {  	v16 =	vadd.f32 v16, v15;
	v17 =	vadd.f32 v19, v17  }
0x6e: {  	s16 =	simm.s32 $0x180  }
0x6f: {  	v26 =	vld [tilespmem:s16+$0x41C0];
	v19 =	vadd.f32 v17, v16;
	v20 =	vadd.f32 v20, v14  }
0x70: {  	v30 =	vld [tilespmem:s16+$0x41D0];
	v21 =	vadd.f32 v21, v12;
	v22 =	vadd.f32 v22, v13;
	v24, _, _ =	vpop (xrf2)  }
0x71: {  	v15 =	vld [tilespmem:s16+$0x180];
	v23 =	vadd.f32 v23, v18;
	v25 =	vmul.f32 $2.000000030e-01, v20;
	(xrf2) =	vadd.scan.msk.f32 $0xffff, v19;
	v24 =	vmul.f32 $1.442695020e+00, v24  }
0x72: {  	v16 =	vld [tilespmem:s16+$0x190];
	v28 =	vmul.f32 $2.000000030e-01, v21;
	v29 =	vmul.f32 $2.000000030e-01, v22  }
0x73: {  	v17 =	vld [tilespmem:s16+$0x1A0];
	v31 =	vmul.f32 $2.000000030e-01, v23;
	v20 =	vmax.f32 v20, v25;
	v24 =	vbroadcast v24, $0xF  }
0x74: {  	v19 =	vld [tilespmem:s16+$0x1B0];
	v21 =	vmax.f32 v21, v28;
	v22 =	vmax.f32 v22, v29;
	v20 =	vmul.f32 v20, v1  }
0x75: {  	v23 =	vmax.f32 v23, v31;
	v21 =	vmul.f32 v21, v2;
	(erf) = vpow2.f32 v24;
	v24 =	vld [tilespmem:s16+$0x41F0]  }
0x76: {  	v25 =	vld [tilespmem:s16+$0x41E0];
	v22 =	vmul.f32 v22, v3;
	v23 =	vmul.f32 v23, v4  }
0x77: {  	v30 =	vadd.f32 v30, v16  }
0x78: {  	v28 =	vadd.f32 v21, v20;
	v29 =	vadd.f32 v23, v22  }
0x79: {  	s17 =	simm.s32 $0x200;
	v26 =	vadd.f32 v26, v15  }
0x7a: {  	v20 =	vld [tilespmem:s17+$0x180];
	v28 =	vadd.f32 v29, v28;
	v33 =	vadd.f32 v24, v19;
	v24 =	vmul.f32 $2.000000030e-01, v30  }
0x7b: {  	v31 =	vmul.f32 $2.000000030e-01, v26;
	v21 =	vld [tilespmem:s17+$0x190];
	v32 =	vadd.f32 v25, v17;
	v22, _, _ =	vpop (xrf2)  }
0x7c: {  	v23 =	vld [tilespmem:s17+$0x1A0];
	(xrf2) =	vadd.scan.msk.f32 $0xffff, v28;
	v34 =	vmul.f32 $1.442695020e+00, v22  }
0x7d: {  	v25 =	vld [tilespmem:s17+$0x41C0];
	v29 =	vmax.f32 v26, v31;
	v35 =	vmul.f32 $2.000000030e-01, v32  }
0x7e: {  	v26 =	vld [tilespmem:s17+$0x41D0];
	v36 =	vmul.f32 $2.000000030e-01, v33;
	v30 =	vmax.f32 v30, v24;
	v34 =	vbroadcast v34, $0xF;
	v24 =	vpop (erf)  }
0x7f: {  	v29 =	vmul.f32 v29, v1;
	v32 =	vmax.f32 v32, v35;
	v28 =	vld [tilespmem:s17+$0x41F0];
	v63 =	vmul.f32 v24, v27  }
0x80: {  	v22 =	vld [tilespmem:s17+$0x1B0];
	v31 =	vmul.f32 v30, v2;
	v30 =	vmax.f32 v33, v36;
	(erf) = vpow2.f32 v34  }
0x81: {  	s18 =	simm.s32 $0xA00;
	v32 =	vmul.f32 v32, v3;
	v27 =	vld [tilespmem:s17+$0x41E0];
	v33 =	vmul.f32 v30, v4;
	v30 =	vnsel vm0, $0x0, v24;
	[tilespmem:s14+$0x81B0] =	vst v63  }
.LBB2_5:
0x82: {  	p0 =	sne.s32 s18, $0xFE00;
	v34 =	vmul.f32 v24, v7;
	v35 =	vmul.f32 v24, v10;
	[tilespmem:s14+$0x81C0] =	vst v30;
	v7 =	vmovc v5;
	v5 =	vmov v14  }
0x83: {  	v29 =	vadd.f32 v31, v29;
	v24 =	vmul.f32 v24, v11;
	v14 =	vmovc v15;
	v30 =	vadd.f32 v33, v32  }
0x84: {  	s19 =	sshra.s32 s18, $0x2;
	v15 =	vmovc v20;
	v10 =	vmovc v6;
	v6 =	vmov v12;
	v12 =	vmov v16;
	v31 =	vadd.f32 v25, v20;
	[tilespmem:s14+$0x8180] =	vst v34  }
0x85: {  	v16 =	vmovc v21;
	v11 =	vmov v9;
	v26 =	vadd.f32 v26, v21;
	v20 =	vld [tilespmem:s19+$0x180];
	v25 =	vadd.f32 v30, v29;
	[tilespmem:s14+$0x8190] =	vst v35  }
0x86: {  	v29 =	vmul.f32 $2.000000030e-01, v31;
	v27 =	vadd.f32 v27, v23;
	v21 =	vld [tilespmem:s19+$0x190];
	v28 =	vadd.f32 v28, v22;
	v9, _, _ =	vpop (xrf2);
	[tilespmem:s14+$0x81A0] =	vst v24;
	s14 =	smov.u32 s2;
	s2 =	smov.u32 s15;
	s15 =	smov.u32 s16  }
0x87: {  	v35 =	vmul.f32 $2.000000030e-01, v26;
	s16 =	smov.u32 s17;
	s17 =	smov.u32 s19;
	v34 =	vld [tilespmem:s19+$0x1A0];
	(xrf2) =	vadd.scan.msk.f32 $0xffff, v25;
	v30 =	vmul.f32 $1.442695020e+00, v9;
	v9 =	vmovc v13;
	v13 =	vmov v17  }
.Ltmp1:
0x88: {  	v32 =	vmul.f32 $2.000000030e-01, v27;
	v17 =	vmovc v23;
	v23 =	vmov v22;
	v33 =	vmul.f32 $2.000000030e-01, v28;
	v22 =	vld [tilespmem:s17+$0x1B0];
	(pc) =	sbr.rel @p0 .LBB2_5-.Ltmp1, $4  }
0x89: {  	v29 =	vmax.f32 v31, v29;
	v31 =	vmax.f32 v26, v35;
	v25 =	vld [tilespmem:s17+$0x41C0];
	v30 =	vbroadcast v30, $0xF;
	v24 =	vpop (erf)  }
0x8a: {  	v29 =	vmul.f32 v29, v1;
	v32 =	vmax.f32 v27, v32;
	v26 =	vld [tilespmem:s17+$0x41D0];
	v35 =	vmul.f32 v24, v8;
	v8 =	vmovc v18  }
0x8b: {  	v31 =	vmul.f32 v31, v2;
	v33 =	vmax.f32 v28, v33;
	v18 =	vmovc v19;
	v19 =	vmovc v23;
	v27 =	vld [tilespmem:s17+$0x41E0];
	(erf) = vpow2.f32 v30  }
0x8c: {  	s18 =	sadd.s32 $0x200, s18;
	v32 =	vmul.f32 v32, v3;
	v33 =	vmul.f32 v33, v4;
	v30 =	vnsel vm0, $0x0, v24;
	v28 =	vld [tilespmem:s17+$0x41F0];
	[tilespmem:s14+$0x81B0] =	vst v35;
	v23 =	vmovc v34  }
0x8d: {  	_ =	sdelay $0x1  }
0x8e: {  	v25 =	vadd.f32 v25, v20  }
0x8f: {  	v26 =	vadd.f32 v26, v21  }
0x90: {  	v34 =	vmul.f32 $2.000000030e-01, v25;
	v27 =	vadd.f32 v27, v23;
	v28 =	vadd.f32 v28, v22  }
0x91: {  	v29 =	vadd.f32 v31, v29;
	v49 =	vadd.f32 v33, v32;
	v50 =	vmul.f32 $2.000000030e-01, v26  }
0x92: {  	v51 =	vmul.f32 $2.000000030e-01, v27;
	v25 =	vmax.f32 v25, v34;
	v52 =	vmul.f32 $2.000000030e-01, v28  }
0x93: {  	v29 =	vadd.f32 v49, v29;
	v26 =	vmax.f32 v26, v50;
	v25 =	vmul.f32 v25, v1  }
0x94: {  	v27 =	vmax.f32 v27, v51;
	v26 =	vmul.f32 v26, v2;
	v28 =	vmax.f32 v28, v52  }
0x95: {  	v27 =	vmul.f32 v27, v3;
	v28 =	vmul.f32 v28, v4  }
0x96: {  	(xrf2) =	vadd.scan.msk.f32 $0xffff, v29  }
0x97: {  	v25 =	vadd.f32 v26, v25;
	v53 =	vadd.f32 v28, v27;
	_ =	sdelay $0x1  }
0x98: {  	v25 =	vadd.f32 v53, v25  }
0x99: {  	v54, _, _ =	vpop (xrf2)  }
0x9a: {  	v55 =	vmul.f32 $1.442695020e+00, v54;
	(xrf2) =	vadd.scan.msk.f32 $0xffff, v25;
	_ =	sdelay $0x1  }
0x9b: {  	v25 =	vbroadcast v55, $0xF;
	_ =	sdelay $0x1  }
0x9c: {  	v7 =	vmul.f32 v24, v7;
	(erf) = vpow2.f32 v25  }
0x9d: {  	v56, _, _ =	vpop (xrf2)  }
0x9e: {  	v57 =	vmul.f32 $1.442695020e+00, v56  }
0x9f: {  	v10 =	vmul.f32 v24, v10;
	[tilespmem:s14+$0x81C0] =	vst v30  }
0xa0: {  	v11 =	vmul.f32 v24, v11;
	[tilespmem:s14+$0x8180] =	vst v7;
	v7 =	vpop (erf);
	v25 =	vbroadcast v57, $0xF  }
0xa1: {  	[tilespmem:s14+$0x8190] =	vst v10;
	v5 =	vmul.f32 v7, v5  }
0xa2: {  	[tilespmem:s14+$0x81A0] =	vst v11;
	v8 =	vmul.f32 v7, v8;
	v59 =	vnsel vm0, $0x0, v7;
	(erf) = vpow2.f32 v25;
	v58, _, _ =	vpop (xrf2)  }
0xa3: {  	[tilespmem:s2+$0x81C0] =	vst v59;
	v10 =	vmul.f32 $1.442695020e+00, v58  }
0xa4: {  	v6 =	vmul.f32 v7, v6;
	[tilespmem:s2+$0x81B0] =	vst v8  }
0xa5: {  	v7 =	vmul.f32 v7, v9;
	[tilespmem:s2+$0x8180] =	vst v5;
	v5 =	vpop (erf);
	v60 =	vbroadcast v10, $0xF  }
0xa6: {  	[tilespmem:s2+$0x8190] =	vst v6;
	v6 =	vmul.f32 v5, v18  }
0xa7: {  	[tilespmem:s2+$0x81A0] =	vst v7;
	v7 =	vmul.f32 v5, v14;
	(erf) = vpow2.f32 v60  }
0xa8: {  	v61 =	vmul.f32 v5, v12;
	[tilespmem:s15+$0x81B0] =	vst v6;
	v6 =	vnsel vm0, $0x0, v5  }
0xa9: {  	[tilespmem:s15+$0x8180] =	vst v7  }
0xaa: {  	v5 =	vmul.f32 v5, v13;
	[tilespmem:s15+$0x8190] =	vst v61  }
0xab: {  	[tilespmem:s15+$0x81C0] =	vst v6;
	v6 =	vpop (erf)  }
0xac: {  	[tilespmem:s15+$0x81A0] =	vst v5;
	v7 =	vmul.f32 v6, v19;
	v5 =	vnsel vm0, $0x0, v6  }
0xad: {  	v62 =	vmul.f32 v6, v16;
	[tilespmem:s16+$0x81C0] =	vst v5  }
0xae: {  	v5 =	vmul.f32 v6, v17;
	[tilespmem:s16+$0x81B0] =	vst v7  }
0xaf: {  	v7 =	vmul.f32 v6, v15;
	[tilespmem:s16+$0x8190] =	vst v62  }
0xb0: {  	[tilespmem:s16+$0x81A0] =	vst v5;
	v6 =	vpop (erf)  }
0xb1: {  	[tilespmem:s16+$0x8180] =	vst v7;
	v7 =	vmul.f32 v6, v22;
	v5 =	vnsel vm0, $0x0, v6  }
0xb2: {  	v63 =	vmul.f32 v6, v21;
	[tilespmem:s17+$0x81C0] =	vst v5  }
0xb3: {  	v5 =	vmul.f32 v6, v23;
	[tilespmem:s17+$0x81B0] =	vst v7  }
0xb4: {  	s1 =	sadd.s32 $0x1, s1;
	v7 =	vmul.f32 v6, v20;
	[tilespmem:s17+$0x8190] =	vst v63  }
0xb5: {  	p0 =	sne.s32 s1, $0x4F;
	[tilespmem:s17+$0x81A0] =	vst v5  }
.Ltmp2:
0xb6: {  	[tilespmem:s17+$0x8180] =	vst v7;
	(pc) =	sbr.rel @p0 .LBB2_4-.Ltmp2, $4  }
0xb7: {  	[spmem:s3] =	stream.indirect.scatter.add.f32 [tilespmem:s23], [sflag:$0x3], $0x80, s25, s24, $0xb8;
	[tilespmem:$0x16240] =	vst v63  }
0xb8: {  	_ =	swait.ge [sflag:s22], $0x4000  }
0xb9: {  	[sflag:s22] =	ssyncset.done $0x0  }
0xba: {  	[sflag:s22] =	ssyncadd.s32 $0xFFFFC000  }
0xbb: {  	s0 =	stileid.u32  }
0xbc: {  	[bflag:$0x0] =	sbarrier.arrive $0xFFFF;
	s0 =	sshll.u32 s0, $0x6  }
0xbd: {  	s1 =	rddreg [dreg:$0x5];
	s31 =	sor.u32 $0x1C03, s0;
	s0 =	sshrl.u32 s11, $0x3  }
0xbe: {  	[hbm:s1], [sflag:s31] =	dma.local [spmem:s0], $0x800  }
0xbf: {  	_ =	swait.ge [sflag:s22], $0x800  }
0xc0: {  	[sflag:s22] =	ssyncset.done $0x0  }
0xc1: {  	s2 =	sshrl.u32 s12, $0x3;
	s18 =	rddreg [dreg:$0x6];
	[sflag:s22] =	ssyncadd.s32 $0xFFFFF800  }
0xc2: {  	[hbm:s18], [sflag:s31] =	dma.local [spmem:s2], $0x800  }
0xc3: {  	_ =	swait.ge [sflag:s22], $0x800  }
0xc4: {  	[sflag:s22] =	ssyncset.done $0x0  }
0xc5: {  	s21 =	sshrl.u32 s20, $0x3;
	s19 =	rddreg [dreg:$0x7];
	[sflag:s22] =	ssyncadd.s32 $0xFFFFF800  }
0xc6: {  	[hbm:s19], [sflag:s31] =	dma.local [spmem:s21], $0x400  }
0xc7: {  	_ =	swait.ge [sflag:s22], $0x400  }
0xc8: {  	[sflag:s22] =	ssyncset.done $0x0  }
0xc9: {  	s14 =	simm.s32 $0x200;
	s1 =	simm.s32 $0x0;
	[sflag:s22] =	ssyncadd.s32 $0xFFFFFC00  }
.LBB2_8:
0xca: {  	p0 =	sne.s32 s14, $0xFE00;
	[tilespmem:s1+$0x81F0] =	vst v0  }
0xcb: {  	[tilespmem:s1+$0x8180] =	vst v0  }
0xcc: {  	[tilespmem:s1+$0x8190] =	vst v0  }
.Ltmp3:
0xcd: {  	[tilespmem:s1+$0x81A0] =	vst v0;
	(pc) =	sbr.rel @p0 .LBB2_8-.Ltmp3, $4  }
0xce: {  	[tilespmem:s1+$0x81B0] =	vst v0  }
0xcf: {  	[tilespmem:s1+$0x81C0] =	vst v0  }
0xd0: {  	[tilespmem:s1+$0x81D0] =	vst v0  }
0xd1: {  	[tilespmem:s1+$0x81E0] =	vst v0;
	s1 =	sshra.s32 s14, $0x2;
	s14 =	sadd.s32 $0x200, s14  }
0xd2: {  	[tilespmem:s1+$0x81F0] =	vst v0  }
0xd3: {  	[tilespmem:s1+$0x8180] =	vst v0  }
0xd4: {  	[tilespmem:s1+$0x8190] =	vst v0  }
0xd5: {  	[tilespmem:s1+$0x81A0] =	vst v0  }
0xd6: {  	[tilespmem:s1+$0x81B0] =	vst v0  }
0xd7: {  	[tilespmem:s1+$0x81C0] =	vst v0  }
0xd8: {  	[tilespmem:s1+$0x81D0] =	vst v0  }
0xd9: {  	[tilespmem:s1+$0x81E0] =	vst v0  }
0xda: {  	[spmem:s11] =	stream.linear.scatter [tilespmem:s23], [sflag:$0x3], $0x4000, $0x38;
	[tilespmem:$0x16240] =	vst v63  }
0xdb: {  	_ =	swait.ge [sflag:s22], $0x4000  }
0xdc: {  	[sflag:s22] =	ssyncset.done $0x0  }
0xdd: {  	[sflag:s22] =	ssyncadd.s32 $0xFFFFC000  }
0xde: {  	[spmem:s12] =	stream.linear.scatter [tilespmem:s23], [sflag:$0x3], $0x4000, $0x38;
	[tilespmem:$0x16240] =	vst v63  }
0xdf: {  	_ =	swait.ge [sflag:s22], $0x4000  }
0xe0: {  	[sflag:s22] =	ssyncset.done $0x0  }
0xe1: {  	[sflag:s22] =	ssyncadd.s32 $0xFFFFC000  }
0xe2: {  	[spmem:s20] =	stream.linear.scatter [tilespmem:s23], [sflag:$0x3], $0x2000, $0x38;
	[tilespmem:$0x16240] =	vst v63  }
0xe3: {  	_ =	swait.ge [sflag:s22], $0x2000  }
0xe4: {  	[sflag:s22] =	ssyncset.done $0x0  }
0xe5: {  	s13 =	smov.u32 s12;
	s1 =	simm.s32 $0x0;
	[sflag:s22] =	ssyncadd.s32 $0xFFFFE000  }
0xe6: {  	s14 =	simm.s32 $0x0;
	s11 =	smov.u32 s20;
	[bflag:$0x0] =	sbarrier.arrive $0xFFFF  }
.LBB2_10:
0xe7: {  	s15 =	sshll.u32 s14, $0x7  }
0xe8: {  	s15 =	sadd.s32 s10, s15  }
0xe9: {  	s15 =	sshrl.u32 s15, $0x3  }
0xea: {  	s16 =	sadd.s32 s6, s15  }
0xeb: {  	[tilespmem:s1], [sflag:$0x3] =	stream.linear.gather [hbm4b:s16+s1], $0x80, $0x38;
	[tilespmem:$0x16240] =	vst v63  }
0xec: {  	_ =	swait.ge [sflag:s22], $0x80  }
0xed: {  	[sflag:s22] =	ssyncset.done $0x0  }
0xee: {  	s20 =	sadd.s32 s7, s15;
	[sflag:s22] =	ssyncadd.s32 $0xFFFFFF80  }
0xef: {  	[tilespmem:s24], [sflag:$0x3] =	stream.linear.gather [hbm4b:s20+s1], $0x80, $0x38;
	[tilespmem:$0x16240] =	vst v63  }
0xf0: {  	_ =	swait.ge [sflag:s22], $0x80  }
0xf1: {  	[sflag:s22] =	ssyncset.done $0x0  }
0xf2: {  	s15 =	sadd.s32 s9, s15;
	[sflag:s22] =	ssyncadd.s32 $0xFFFFFF80  }
0xf3: {  	[tilespmem:s25], [sflag:$0x3] =	stream.linear.gather [hbm4b:s15+s1], $0x80, $0x38;
	[tilespmem:$0x16240] =	vst v63  }
0xf4: {  	_ =	swait.ge [sflag:s22], $0x80  }
0xf5: {  	[sflag:s22] =	ssyncset.done $0x0  }
0xf6: {  	[sflag:s22] =	ssyncadd.s32 $0xFFFFFF80  }
0xf7: {  	[tilespmem:s26], [sflag:$0x1] =	stream.indirect.gather [hbm4b:s5+s24], $0x80, s1, s24, $0xb8;
	[tilespmem:$0x16240] =	vst v63  }
0xf8: {  	_ = 	snop  }
0xf9: {  	[tilespmem:s28], [sflag:$0x2] =	stream.indirect.gather [hbm4b:s5+s24], $0x80, s24, s24, $0xb8;
	[tilespmem:$0x16240] =	vst v63  }
0xfa: {  	_ =	swait.ge [sflag:s29], $0x4000  }
0xfb: {  	[sflag:s29] =	ssyncset.done $0x0  }
0xfc: {  	[sflag:s29] =	ssyncadd.s32 $0xFFFFC000  }
0xfd: {  	_ =	swait.ge [sflag:s30], $0x4000  }
0xfe: {  	[sflag:s30] =	ssyncset.done $0x0  }
0xff: {  	s16 =	simm.s32 $0x0;
	[sflag:s30] =	ssyncadd.s32 $0xFFFFC000  }
0x100: {  	v7 =	vld [tilespmem:s16+$0x180]  }
0x101: {  	v10 =	vld [tilespmem:s16+$0x190]  }
0x102: {  	v11 =	vld [tilespmem:s16+$0x1A0]  }
0x103: {  	v27 =	vld [tilespmem:s16+$0x1B0]  }
0x104: {  	v5 =	vld [tilespmem:s16+$0x41C0]  }
0x105: {  	v6 =	vld [tilespmem:s16+$0x41D0]  }
0x106: {  	v8 =	vld [tilespmem:s16+$0x41E0]  }
0x107: {  	v9 =	vld [tilespmem:s16+$0x41F0];
	_ =	sdelay $0x2  }
0x108: {  	s15 =	simm.s32 $0x80;
	v12 =	vadd.f32 v5, v7  }
0x109: {  	v5 =	vld [tilespmem:s15+$0x180];
	v13 =	vadd.f32 v6, v10;
	v15 =	vadd.f32 v8, v11  }
0x10a: {  	v6 =	vld [tilespmem:s15+$0x190];
	v16 =	vadd.f32 v9, v27;
	v14 =	vmul.f32 $2.000000030e-01, v12  }
0x10b: {  	v9 =	vld [tilespmem:s15+$0x1A0];
	v17 =	vmul.f32 $2.000000030e-01, v13;
	v18 =	vmul.f32 $2.000000030e-01, v15  }
0x10c: {  	v8 =	vld [tilespmem:s15+$0x1B0];
	v19 =	vmul.f32 $2.000000030e-01, v16  }
0x10d: {  	v12 =	vmax.f32 v12, v14;
	v14 =	vld [tilespmem:s15+$0x41C0];
	v13 =	vmax.f32 v13, v17;
	v15 =	vmax.f32 v15, v18  }
0x10e: {  	v17 =	vld [tilespmem:s15+$0x41D0];
	v16 =	vmax.f32 v16, v19;
	v12 =	vmul.f32 v12, v1;
	v13 =	vmul.f32 v13, v2  }
0x10f: {  	v18 =	vld [tilespmem:s15+$0x41E0];
	v15 =	vmul.f32 v15, v3;
	v16 =	vmul.f32 v16, v4  }
0x110: {  	v19 =	vld [tilespmem:s15+$0x41F0]  }
0x111: {  	v12 =	vadd.f32 v13, v12;
	v13 =	vadd.f32 v16, v15;
	_ =	sdelay $0x1  }
0x112: {  	s17 =	simm.s32 $0x100;
	v15 =	vadd.f32 v14, v5;
	v12 =	vadd.f32 v13, v12  }
0x113: {  	v22 =	vld [tilespmem:s17+$0x41E0];
	v16 =	vadd.f32 v17, v6;
	v17 =	vadd.f32 v18, v9  }
0x114: {  	v23 =	vld [tilespmem:s17+$0x41F0];
	v19 =	vadd.f32 v19, v8;
	v13 =	vmul.f32 $2.000000030e-01, v15;
	(xrf2) =	vadd.scan.msk.f32 $0xffff, v12  }
0x115: {  	v14 =	vld [tilespmem:s17+$0x180];
	v18 =	vmul.f32 $2.000000030e-01, v16;
	v20 =	vmul.f32 $2.000000030e-01, v17  }
0x116: {  	v12 =	vld [tilespmem:s17+$0x190];
	v21 =	vmul.f32 $2.000000030e-01, v19  }
0x117: {  	v15 =	vmax.f32 v15, v13;
	v13 =	vld [tilespmem:s17+$0x1A0];
	v16 =	vmax.f32 v16, v18;
	v17 =	vmax.f32 v17, v20  }
0x118: {  	v19 =	vmax.f32 v19, v21;
	v20 =	vld [tilespmem:s17+$0x41C0];
	v15 =	vmul.f32 v15, v1;
	v16 =	vmul.f32 v16, v2  }
0x119: {  	v21 =	vld [tilespmem:s17+$0x41D0];
	v17 =	vmul.f32 v17, v3;
	v19 =	vmul.f32 v19, v4  }
0x11a: {  	v18 =	vld [tilespmem:s17+$0x1B0]  }
0x11b: {  	v16 =	vadd.f32 v16, v15;
	v17 =	vadd.f32 v19, v17  }
0x11c: {  	s18 =	simm.s32 $0x180  }
0x11d: {  	v26 =	vld [tilespmem:s18+$0x41C0];
	v19 =	vadd.f32 v17, v16;
	v20 =	vadd.f32 v20, v14  }
0x11e: {  	v30 =	vld [tilespmem:s18+$0x41D0];
	v21 =	vadd.f32 v21, v12;
	v22 =	vadd.f32 v22, v13;
	v24, _, _ =	vpop (xrf2)  }
0x11f: {  	v15 =	vld [tilespmem:s18+$0x180];
	v23 =	vadd.f32 v23, v18;
	v25 =	vmul.f32 $2.000000030e-01, v20;
	(xrf2) =	vadd.scan.msk.f32 $0xffff, v19;
	v24 =	vmul.f32 $1.442695020e+00, v24  }
0x120: {  	v16 =	vld [tilespmem:s18+$0x190];
	v28 =	vmul.f32 $2.000000030e-01, v21;
	v29 =	vmul.f32 $2.000000030e-01, v22  }
0x121: {  	v17 =	vld [tilespmem:s18+$0x1A0];
	v31 =	vmul.f32 $2.000000030e-01, v23;
	v20 =	vmax.f32 v20, v25;
	v24 =	vbroadcast v24, $0xF  }
0x122: {  	v19 =	vld [tilespmem:s18+$0x1B0];
	v21 =	vmax.f32 v21, v28;
	v22 =	vmax.f32 v22, v29;
	v20 =	vmul.f32 v20, v1  }
0x123: {  	v23 =	vmax.f32 v23, v31;
	v21 =	vmul.f32 v21, v2;
	(erf) = vpow2.f32 v24;
	v24 =	vld [tilespmem:s18+$0x41F0]  }
0x124: {  	v25 =	vld [tilespmem:s18+$0x41E0];
	v22 =	vmul.f32 v22, v3;
	v23 =	vmul.f32 v23, v4  }
0x125: {  	v30 =	vadd.f32 v30, v16  }
0x126: {  	v28 =	vadd.f32 v21, v20;
	v29 =	vadd.f32 v23, v22  }
0x127: {  	s19 =	simm.s32 $0x200;
	v26 =	vadd.f32 v26, v15  }
0x128: {  	v20 =	vld [tilespmem:s19+$0x180];
	v28 =	vadd.f32 v29, v28;
	v33 =	vadd.f32 v24, v19;
	v24 =	vmul.f32 $2.000000030e-01, v30  }
0x129: {  	v31 =	vmul.f32 $2.000000030e-01, v26;
	v21 =	vld [tilespmem:s19+$0x190];
	v32 =	vadd.f32 v25, v17;
	v22, _, _ =	vpop (xrf2)  }
0x12a: {  	v23 =	vld [tilespmem:s19+$0x1A0];
	(xrf2) =	vadd.scan.msk.f32 $0xffff, v28;
	v34 =	vmul.f32 $1.442695020e+00, v22  }
0x12b: {  	v25 =	vld [tilespmem:s19+$0x41C0];
	v29 =	vmax.f32 v26, v31;
	v35 =	vmul.f32 $2.000000030e-01, v32  }
0x12c: {  	v26 =	vld [tilespmem:s19+$0x41D0];
	v36 =	vmul.f32 $2.000000030e-01, v33;
	v30 =	vmax.f32 v30, v24;
	v34 =	vbroadcast v34, $0xF;
	v24 =	vpop (erf)  }
0x12d: {  	v29 =	vmul.f32 v29, v1;
	v32 =	vmax.f32 v32, v35;
	v28 =	vld [tilespmem:s19+$0x41F0];
	v63 =	vmul.f32 v24, v27  }
0x12e: {  	v22 =	vld [tilespmem:s19+$0x1B0];
	v31 =	vmul.f32 v30, v2;
	v30 =	vmax.f32 v33, v36;
	(erf) = vpow2.f32 v34  }
0x12f: {  	s20 =	simm.s32 $0xA00;
	v32 =	vmul.f32 v32, v3;
	v27 =	vld [tilespmem:s19+$0x41E0];
	v33 =	vmul.f32 v30, v4;
	v30 =	vnsel vm0, $0x0, v24;
	[tilespmem:s16+$0x81B0] =	vst v63  }
.LBB2_11:
0x130: {  	p0 =	sne.s32 s20, $0xFE00;
	v34 =	vmul.f32 v24, v7;
	v35 =	vmul.f32 v24, v10;
	[tilespmem:s16+$0x81C0] =	vst v30;
	v7 =	vmovc v5;
	v5 =	vmov v14  }
0x131: {  	v29 =	vadd.f32 v31, v29;
	v24 =	vmul.f32 v24, v11;
	v14 =	vmovc v15;
	v30 =	vadd.f32 v33, v32  }
0x132: {  	s12 =	sshra.s32 s20, $0x2;
	v15 =	vmovc v20;
	v10 =	vmovc v6;
	v6 =	vmov v12;
	v12 =	vmov v16;
	v31 =	vadd.f32 v25, v20;
	[tilespmem:s16+$0x8180] =	vst v34  }
0x133: {  	v16 =	vmovc v21;
	v11 =	vmov v9;
	v26 =	vadd.f32 v26, v21;
	v20 =	vld [tilespmem:s12+$0x180];
	v25 =	vadd.f32 v30, v29;
	[tilespmem:s16+$0x8190] =	vst v35  }
0x134: {  	v29 =	vmul.f32 $2.000000030e-01, v31;
	v27 =	vadd.f32 v27, v23;
	v21 =	vld [tilespmem:s12+$0x190];
	v28 =	vadd.f32 v28, v22;
	v9, _, _ =	vpop (xrf2);
	[tilespmem:s16+$0x81A0] =	vst v24;
	s16 =	smov.u32 s15;
	s15 =	smov.u32 s17;
	s17 =	smov.u32 s18  }
0x135: {  	v35 =	vmul.f32 $2.000000030e-01, v26;
	s18 =	smov.u32 s19;
	s19 =	smov.u32 s12;
	v34 =	vld [tilespmem:s12+$0x1A0];
	(xrf2) =	vadd.scan.msk.f32 $0xffff, v25;
	v30 =	vmul.f32 $1.442695020e+00, v9;
	v9 =	vmovc v13;
	v13 =	vmov v17  }
.Ltmp4:
0x136: {  	v32 =	vmul.f32 $2.000000030e-01, v27;
	v17 =	vmovc v23;
	v23 =	vmov v22;
	v33 =	vmul.f32 $2.000000030e-01, v28;
	v22 =	vld [tilespmem:s19+$0x1B0];
	(pc) =	sbr.rel @p0 .LBB2_11-.Ltmp4, $4  }
0x137: {  	v29 =	vmax.f32 v31, v29;
	v31 =	vmax.f32 v26, v35;
	v25 =	vld [tilespmem:s19+$0x41C0];
	v30 =	vbroadcast v30, $0xF;
	v24 =	vpop (erf)  }
0x138: {  	v29 =	vmul.f32 v29, v1;
	v32 =	vmax.f32 v27, v32;
	v26 =	vld [tilespmem:s19+$0x41D0];
	v35 =	vmul.f32 v24, v8;
	v8 =	vmovc v18  }
0x139: {  	v31 =	vmul.f32 v31, v2;
	v33 =	vmax.f32 v28, v33;
	v18 =	vmovc v19;
	v19 =	vmovc v23;
	v27 =	vld [tilespmem:s19+$0x41E0];
	(erf) = vpow2.f32 v30  }
0x13a: {  	s20 =	sadd.s32 $0x200, s20;
	v32 =	vmul.f32 v32, v3;
	v33 =	vmul.f32 v33, v4;
	v30 =	vnsel vm0, $0x0, v24;
	v28 =	vld [tilespmem:s19+$0x41F0];
	[tilespmem:s16+$0x81B0] =	vst v35;
	v23 =	vmovc v34  }
0x13b: {  	_ =	sdelay $0x1  }
0x13c: {  	v25 =	vadd.f32 v25, v20  }
0x13d: {  	v26 =	vadd.f32 v26, v21  }
0x13e: {  	v34 =	vmul.f32 $2.000000030e-01, v25;
	v27 =	vadd.f32 v27, v23;
	v28 =	vadd.f32 v28, v22  }
0x13f: {  	v29 =	vadd.f32 v31, v29;
	v49 =	vadd.f32 v33, v32;
	v50 =	vmul.f32 $2.000000030e-01, v26  }
0x140: {  	v51 =	vmul.f32 $2.000000030e-01, v27;
	v25 =	vmax.f32 v25, v34;
	v52 =	vmul.f32 $2.000000030e-01, v28  }
0x141: {  	v29 =	vadd.f32 v49, v29;
	v26 =	vmax.f32 v26, v50;
	v25 =	vmul.f32 v25, v1  }
0x142: {  	v27 =	vmax.f32 v27, v51;
	v26 =	vmul.f32 v26, v2;
	v28 =	vmax.f32 v28, v52  }
0x143: {  	v27 =	vmul.f32 v27, v3;
	v28 =	vmul.f32 v28, v4  }
0x144: {  	(xrf2) =	vadd.scan.msk.f32 $0xffff, v29  }
0x145: {  	v25 =	vadd.f32 v26, v25;
	v53 =	vadd.f32 v28, v27;
	_ =	sdelay $0x1  }
0x146: {  	v25 =	vadd.f32 v53, v25  }
0x147: {  	v54, _, _ =	vpop (xrf2)  }
0x148: {  	v55 =	vmul.f32 $1.442695020e+00, v54;
	(xrf2) =	vadd.scan.msk.f32 $0xffff, v25;
	_ =	sdelay $0x1  }
0x149: {  	v25 =	vbroadcast v55, $0xF;
	_ =	sdelay $0x1  }
0x14a: {  	v7 =	vmul.f32 v24, v7;
	(erf) = vpow2.f32 v25  }
0x14b: {  	v56, _, _ =	vpop (xrf2)  }
0x14c: {  	v57 =	vmul.f32 $1.442695020e+00, v56  }
0x14d: {  	v10 =	vmul.f32 v24, v10;
	[tilespmem:s16+$0x81C0] =	vst v30  }
0x14e: {  	v11 =	vmul.f32 v24, v11;
	[tilespmem:s16+$0x8180] =	vst v7;
	v7 =	vpop (erf);
	v25 =	vbroadcast v57, $0xF  }
0x14f: {  	[tilespmem:s16+$0x8190] =	vst v10;
	v5 =	vmul.f32 v7, v5  }
0x150: {  	[tilespmem:s16+$0x81A0] =	vst v11;
	v8 =	vmul.f32 v7, v8;
	v59 =	vnsel vm0, $0x0, v7;
	(erf) = vpow2.f32 v25;
	v58, _, _ =	vpop (xrf2)  }
0x151: {  	[tilespmem:s15+$0x81C0] =	vst v59;
	v10 =	vmul.f32 $1.442695020e+00, v58  }
0x152: {  	v6 =	vmul.f32 v7, v6;
	[tilespmem:s15+$0x81B0] =	vst v8  }
0x153: {  	v7 =	vmul.f32 v7, v9;
	[tilespmem:s15+$0x8180] =	vst v5;
	v5 =	vpop (erf);
	v60 =	vbroadcast v10, $0xF  }
0x154: {  	[tilespmem:s15+$0x8190] =	vst v6;
	v6 =	vmul.f32 v5, v18  }
0x155: {  	[tilespmem:s15+$0x81A0] =	vst v7;
	v7 =	vmul.f32 v5, v14;
	(erf) = vpow2.f32 v60  }
0x156: {  	v61 =	vmul.f32 v5, v12;
	[tilespmem:s17+$0x81B0] =	vst v6;
	v6 =	vnsel vm0, $0x0, v5  }
0x157: {  	[tilespmem:s17+$0x8180] =	vst v7  }
0x158: {  	v5 =	vmul.f32 v5, v13;
	[tilespmem:s17+$0x8190] =	vst v61  }
0x159: {  	[tilespmem:s17+$0x81C0] =	vst v6;
	v6 =	vpop (erf)  }
0x15a: {  	[tilespmem:s17+$0x81A0] =	vst v5;
	v7 =	vmul.f32 v6, v19;
	v5 =	vnsel vm0, $0x0, v6  }
0x15b: {  	v62 =	vmul.f32 v6, v16;
	[tilespmem:s18+$0x81C0] =	vst v5  }
0x15c: {  	v5 =	vmul.f32 v6, v17;
	[tilespmem:s18+$0x81B0] =	vst v7  }
0x15d: {  	v7 =	vmul.f32 v6, v15;
	[tilespmem:s18+$0x8190] =	vst v62  }
0x15e: {  	[tilespmem:s18+$0x81A0] =	vst v5;
	v6 =	vpop (erf)  }
0x15f: {  	[tilespmem:s18+$0x8180] =	vst v7;
	v7 =	vmul.f32 v6, v22;
	v5 =	vnsel vm0, $0x0, v6  }
0x160: {  	v63 =	vmul.f32 v6, v21;
	[tilespmem:s19+$0x81C0] =	vst v5  }
0x161: {  	v5 =	vmul.f32 v6, v23;
	[tilespmem:s19+$0x81B0] =	vst v7  }
0x162: {  	s14 =	sadd.s32 $0x1, s14;
	v7 =	vmul.f32 v6, v20;
	[tilespmem:s19+$0x8190] =	vst v63  }
0x163: {  	p0 =	sne.s32 s14, $0x4F;
	[tilespmem:s19+$0x81A0] =	vst v5  }
.Ltmp5:
0x164: {  	[tilespmem:s19+$0x8180] =	vst v7;
	(pc) =	sbr.rel @p0 .LBB2_10-.Ltmp5, $4  }
0x165: {  	[spmem:s3] =	stream.indirect.scatter.add.f32 [tilespmem:s23], [sflag:$0x3], $0x80, s25, s24, $0xb8;
	[tilespmem:$0x16240] =	vst v63  }
0x166: {  	_ =	swait.ge [sflag:s22], $0x4000  }
0x167: {  	[sflag:s22] =	ssyncset.done $0x0  }
0x168: {  	[sflag:s22] =	ssyncadd.s32 $0xFFFFC000  }
0x169: {  	[bflag:$0x0] =	sbarrier.arrive $0xFFFF  }
0x16a: {  	s1 =	rddreg [dreg:$0x8]  }
0x16b: {  	[hbm:s1], [sflag:s31] =	dma.local [spmem:s0], $0x800  }
0x16c: {  	_ =	swait.ge [sflag:s22], $0x800  }
0x16d: {  	[sflag:s22] =	ssyncset.done $0x0  }
0x16e: {  	s19 =	rddreg [dreg:$0x9];
	[sflag:s22] =	ssyncadd.s32 $0xFFFFF800  }
0x16f: {  	[hbm:s19], [sflag:s31] =	dma.local [spmem:s2], $0x800  }
0x170: {  	_ =	swait.ge [sflag:s22], $0x800  }
0x171: {  	[sflag:s22] =	ssyncset.done $0x0  }
0x172: {  	s20 =	rddreg [dreg:$0xa];
	[sflag:s22] =	ssyncadd.s32 $0xFFFFF800  }
0x173: {  	[hbm:s20], [sflag:s31] =	dma.local [spmem:s21], $0x400  }
0x174: {  	_ =	swait.ge [sflag:s22], $0x400  }
0x175: {  	s4 =	sadd.s32 $0x1, s4;
	s31 =	rddreg [dreg:$0xb]  }
0x176: {  	p0 =	sne.s32 s4, s31  }
.Ltmp6:
0x177: {  	_ = 	snop;
	(pc) =	sbr.rel @p0 .LBB2_1-.Ltmp6, $3  }
0x178: {  	_ =	sdelay $0x1  }
0x179: {  	s12 =	smov.u32 s13;
	[sflag:s22] =	ssyncset.done $0x0  }
0x17a: {  	s20 =	smov.u32 s11;
	s11 =	rddreg [dreg:$0x4];
	[sflag:s22] =	ssyncadd.s32 $0xFFFFFC00  }
0x17b: {  	_ =	sfence.sel $0x180000  }
0x17c: {  	[bflag:$0x0] =	sbarrier.arrive $0xFFFF  }
0x17d: {  	_ =	strace $0x9000004A  }
0x17e: {  	s0 =	stileid.u32;
	[bflag:$0x2] =	sbarrier.arrive $0xFFFF  }
0x17f: {  	p0 =	sne.s32 s0, $0x0;
	s0 =	rddreg [dreg:$0x3]  }
0x180: {  	s0 =	sadd.s32 @!p0 $0x100000, s0  }
0x181: {  	[sflag:s0] =	ssyncadd.tile.s32 @!p0 $0x1;
	_ =	shalt  }
.Lfunc_end2:
_tile_overlayer_lowered:
.L_overlay_start_2:
0x182: {  	(tag) =	ssettag $0x2  }
0x183: {  	s0 =	rddreg [dreg:$0x0];
	s2 =	stileid.u32  }
0x184: {  	s1 =	rddreg [dreg:$0x1];
	p0 =	sne.s32 s2, $0x0  }
0x185: {  	s3 =	rddreg [dreg:$0x2];
	[bflag:$0x3] =	sbarrier.arrive $0xFFFF;
	s2 =	simm.s32 @!p0 $0x1C03  }
0x186: {  	[timem:s3], [sflag:s2] =	dma.local @!p0 [hbm:s0], s1  }
0x187: {  	s0 =	simm.s32 @!p0 $0x3  }
0x188: {  	_ =	swait.ge @!p0 [sflag:s0], s1  }
0x189: {  	s1 =	ssub.s32 @!p0 $0x0, s1;
	[sflag:s0] =	ssyncset.done @!p0 $0x0  }
0x18a: {  	[sflag:s0] =	ssyncadd.s32 @!p0 s1  }
0x18b: {  	[bflag:$0x3] =	sbarrier.arrive $0xFFFF  }
0x18c: {  	_ =	shalt  }

// kernel: kernel.9.cloned.1.call-start
scs
__scs_entry_jumppad:
0x0: {  	(pc) =	sbr.rel $0x88, $3  }
0x1: {  	(tag) =	ssettag $0x0;
	lr =	simm.s32 $0x1  }
0x2: {  	[smem:$0x3F8F] =	sst lr;
	_ =	strace $0xD0000000  }
0x3: {  	_ = 	snop  }
0x4: {  	_ = 	snop  }
0x5: {  	_ = 	snop  }
0x6: {  	_ = 	snop  }
0x7: {  	_ = 	snop  }
__scs_overlays_trampoline_lowered:
0x8: {  	[smem:$0x3F9E] =	sst s0  }
0x9: {  	[smem:$0x3F9F] =	sst s1  }
0xa: {  	[smem:$0x3FA0] =	sst s2  }
0xb: {  	[smem:$0x3FA1] =	sst s3  }
0xc: {  	[smem:$0x3FA2] =	sst s4  }
0xd: {  	[smem:$0x3FA3] =	sst s5  }
0xe: {  	[smem:$0x3FA4] =	sst s6  }
0xf: {  	[smem:$0x3FA5] =	sst s7  }
0x10: {  	[smem:$0x3FA6] =	sst s8  }
0x11: {  	[smem:$0x3FA7] =	sst s9;
	s0 =	simm.s32 @!p0 $0x0  }
0x12: {  	s1 =	sld [smem:$0x3F8D];
	s0 =	simm.s32 @p0 $0x1  }
0x13: {  	[smem:$0x3FA8] =	sst s0;
	s0 =	simm.s32 @!p1 $0x0  }
0x14: {  	s2 =	sld [smem:$0x3F8C];
	s0 =	simm.s32 @p1 $0x1  }
0x15: {  	[smem:$0x3FA9] =	sst s0;
	s0 =	simm.s32 @!p2 $0x0  }
0x16: {  	s3 =	sld [smem:$0x3FDB];
	s0 =	simm.s32 @p2 $0x1  }
0x17: {  	s4 =	simm.s32 $0x1BF5;
	[smem:$0x3FAB] =	sst s0  }
0x18: {  	s0 =	sld [smem:$0x3F8E];
	_ =	swait.ge [sflag:s4], $0x0  }
0x19: {  	s7 =	sld [smem:$0x3F8F]  }
0x1a: {  	s8 =	sadd.s32 $0xFFFFE003, lr  }
0x1b: {  	s9 =	sadd.s32 $0xFFFFFEF7, lr;
	s5 =	simm.s32 $0xFFFFFFFF;
	p2 =	slt.u32 s8, $0xFFFFF086  }
0x1c: {  	p1 =	slt.u32 s9, $0xF7A;
	s5 =	simm.s32 @!p2 $0x0  }
0x1d: {  	s5 =	simm.s32 @p1 $0x1;
	p0 =	seq.s32 s7, s2  }
0x1e: {  	s7 =	smul.u32 @!p0 $0xF7A, s2;
	p2 =	seq.s32 @!p0 s5, $0x0  }
0x1f: {  	s9 =	smul.u32 $0xF7A, s1;
	s8 =	simm.s32 @!p0 $0x1BF5;
	p2 =	por !p2, p0  }
0x20: {  	[sflag:s8] =	ssyncset.s32 @!p0 $0xFFFFF086;
	s6 =	sadd.s32 @!p0 s3, s7;
	s7 =	simm.s32 @!p0 $0x108  }
0x21: {  	s3 =	sadd.s32 s3, s9;
	s6 =	sadd.s32 @!p0 $0x88, s6;
	s7 =	simm.s32 @p2 $0x1082  }
0x22: {  	[simem:s7], [sflag:s8] =	dma.local @!p0 [hbm:s6], $0xF7A  }
0x23: {  	s9 =	sor.u32 $0xD0000000, s2;
	s6 =	simm.s32 $0x108;
	_ =	swait.ge @!p0 [sflag:s8], $0x0  }
0x24: {  	s3 =	sadd.s32 $0x88, s3;
	s6 =	simm.s32 @!p1 $0x1082;
	[sflag:s4] =	ssyncset.s32 $0xFFFFF086  }
0x25: {  	[simem:s6], [sflag:s4] =	dma.local [hbm:s3], $0xF7A  }
0x26: {  	[smem:$0x3F8F] =	sst s1;
	(tag) =	ssettag s2;
	_ =	strace s9  }
0x27: {  	s1 =	sld [smem:$0x3F9F]  }
0x28: {  	s2 =	sld [smem:$0x3FA0]  }
0x29: {  	s4 =	sld [smem:$0x3FA2]  }
0x2a: {  	p0 =	seq.s32 s5, $0x0;
	s5 =	sld [smem:$0x3FA3]  }
0x2b: {  	s6 =	sld [smem:$0x3FA4]  }
0x2c: {  	s7 =	sld [smem:$0x3FA5]  }
0x2d: {  	s3 =	simm.s32 $0x108;
	s8 =	sld [smem:$0x3FA6]  }
0x2e: {  	s3 =	simm.s32 @!p0 $0x1082;
	s9 =	sld [smem:$0x3FA7]  }
0x2f: {  	lr =	sadd.s32 s0, s3;
	s0 =	sld [smem:$0x3F9E]  }
0x30: {  	s3 =	sld [smem:$0x3FA1]  }
0x31: {  	[smem:$0x3FAA] =	sst s10  }
0x32: {  	s10 =	sld [smem:$0x3FA8];
	_ =	sdelay $0x3  }
0x33: {  	p0 =	seq.s32 s10, $0x1;
	s10 =	sld [smem:$0x3FAA];
	_ =	sdelay $0x3  }
0x34: {  	[smem:$0x3FAA] =	sst s10  }
0x35: {  	s10 =	sld [smem:$0x3FA9];
	_ =	sdelay $0x3  }
0x36: {  	p1 =	seq.s32 s10, $0x1;
	s10 =	sld [smem:$0x3FAA];
	_ =	sdelay $0x3  }
0x37: {  	[smem:$0x3FAA] =	sst s10  }
0x38: {  	s10 =	sld [smem:$0x3FAB]  }
0x39: {  	_ = 	snop;
	(pc) =	sbr.ind lr, $3  }
0x3a: {  	_ = 	snop  }
0x3b: {  	_ = 	snop  }
0x3c: {  	p2 =	seq.s32 s10, $0x1;
	s10 =	sld [smem:$0x3FAA]  }
0x3d: {  	_ =	shalt  }
0x3e: {  	_ =	shalt  }
0x3f: {  	_ =	shalt  }
0x40: {  	_ =	shalt  }
0x41: {  	_ =	shalt  }
0x42: {  	_ =	shalt  }
0x43: {  	_ =	shalt  }
0x44: {  	_ =	shalt  }
0x45: {  	_ =	shalt  }
0x46: {  	_ =	shalt  }
0x47: {  	_ =	shalt  }
0x48: {  	_ =	shalt  }
0x49: {  	_ =	shalt  }
0x4a: {  	_ =	shalt  }
0x4b: {  	_ =	shalt  }
0x4c: {  	_ =	shalt  }
0x4d: {  	_ =	shalt  }
0x4e: {  	_ =	shalt  }
0x4f: {  	_ =	shalt  }
0x50: {  	_ =	shalt  }
0x51: {  	_ =	shalt  }
0x52: {  	_ =	shalt  }
0x53: {  	_ =	shalt  }
0x54: {  	_ =	shalt  }
0x55: {  	_ =	shalt  }
0x56: {  	_ =	shalt  }
0x57: {  	_ =	shalt  }
0x58: {  	_ =	shalt  }
0x59: {  	_ =	shalt  }
0x5a: {  	_ =	shalt  }
0x5b: {  	_ =	shalt  }
0x5c: {  	_ =	shalt  }
0x5d: {  	_ =	shalt  }
0x5e: {  	_ =	shalt  }
0x5f: {  	_ =	shalt  }
0x60: {  	_ =	shalt  }
0x61: {  	_ =	shalt  }
0x62: {  	_ =	shalt  }
0x63: {  	_ =	shalt  }
0x64: {  	_ =	shalt  }
0x65: {  	_ =	shalt  }
0x66: {  	_ =	shalt  }
0x67: {  	_ =	shalt  }
0x68: {  	_ =	shalt  }
0x69: {  	_ =	shalt  }
0x6a: {  	_ =	shalt  }
0x6b: {  	_ =	shalt  }
0x6c: {  	_ =	shalt  }
0x6d: {  	_ =	shalt  }
0x6e: {  	_ =	shalt  }
0x6f: {  	_ =	shalt  }
0x70: {  	_ =	shalt  }
0x71: {  	_ =	shalt  }
0x72: {  	_ =	shalt  }
0x73: {  	_ =	shalt  }
0x74: {  	_ =	shalt  }
0x75: {  	_ =	shalt  }
0x76: {  	_ =	shalt  }
0x77: {  	_ =	shalt  }
0x78: {  	_ =	shalt  }
0x79: {  	_ =	shalt  }
0x7a: {  	_ =	shalt  }
0x7b: {  	_ =	shalt  }
0x7c: {  	_ =	shalt  }
0x7d: {  	_ =	shalt  }
0x7e: {  	_ =	shalt  }
0x7f: {  	_ =	shalt  }
0x80: {  	_ =	shalt  }
0x81: {  	_ =	shalt  }
0x82: {  	_ =	shalt  }
0x83: {  	_ =	shalt  }
0x84: {  	_ =	shalt  }
0x85: {  	_ =	shalt  }
0x86: {  	_ =	shalt  }
0x87: {  	_ =	shalt  }
.Lfunc_end0:
.L_simem_size_0:
called_computation_lowered:
.L_overlay_start_0:
0x88: {  	s2 =	sld [smem:$0x3FD9]  }
0x89: {  	s3 =	sld [smem:$0x3FFE];
	_ =	sdelay $0x1  }
0x8a: {  	s1 =	srdreg.scid  }
0x8b: {  	s0 =	sand.u32 $0x1, s1  }
0x8c: {  	s17 =	sshll.u32 s0, $0xA;
	s2 =	sadd.s32 s3, s2  }
0x8d: {  	s2 =	sadd.s32 s2, s17  }
0x8e: {  	[smem:$0x3FB6] =	sst s2  }
0x8f: {  	_ = 	snop  }
0x90: {  	s2 =	sld [smem:$0x3FD0];
	(tm) =	ssettm $0x1  }
0x91: {  	s18 =	sld [smem:$0x3FFB];
	_ =	sdelay $0x3  }
0x92: {  	_ =	strace s18  }
0x93: {  	s3 =	sld [smem:$0x3FFC];
	_ =	sdelay $0x3  }
0x94: {  	_ =	strace s3  }
0x95: {  	s3 =	sld [smem:$0x3FFD];
	_ =	sdelay $0x3  }
0x96: {  	_ =	strace s3  }
0x97: {  	_ =	strace $0x8FFFFFFF  }
0x98: {  	s19 =	sld [smem:$0x3FDB];
	_ =	sdelay $0x1  }
0x99: {  	s4 =	simm.s32 $_scs_section_size  }
0x9a: {  	s5 =	simm.s32 $_size__tile_overlayer_lowered;
	s6 =	simm.s32 $_tile_overlayer_lowered  }
0x9b: {  	s22 =	simm.s32 $0x1BFF;
	s21 =	sshll.u32 s6, $0x1;
	s3 =	sadd.s32 s4, s19  }
0x9c: {  	s7 =	simm.s32 $0x0;
	s20 =	sshll.u32 s5, $0x1;
	s5 =	sadd.s32 s21, s3  }
0x9d: {  	[timem:s7], [sflag:s22] =	dma.local [hbm:s5], s20  }
0x9e: {  	_ =	swait.ge [sflag:s22], s20  }
0x9f: {  	s4 =	ssub.s32 $0x0, s20;
	[sflag:s22] =	ssyncset.done $0x0  }
0xa0: {  	[sflag:s22] =	ssyncadd.s32 s4;
	_ =	sdelay $0x1  }
0xa1: {  	s23 =	simm.s32 $0x1B8B  }
0xa2: {  	_ =	swait.ge [sflag:s23], $0x1  }
0xa3: {  	[sflag:s23] =	ssyncset.done $0x0  }
0xa4: {  	s25 =	simm.s32 $0x1B8E;
	s24 =	sld [smem:$0x3FFE];
	[sflag:s23] =	ssyncadd.s32 $0xFFFFFFFF  }
0xa5: {  	s26 =	simm.s32 $execute0_lowered;
	[smem:$0x3FD2] =	sst s25  }
0xa6: {  	s5 =	sshll.u32 s26, $0x1;
	_ =	strace $0x80000046;
	[dreg:$0x1] =	wrdreg $0xFFFFFFFF  }
0xa7: {  	s28 =	simm.s32 $_size_execute0_lowered;
	s3 =	sadd.s32 s3, s5;
	[dreg:$0x0] =	wrdreg $0x0  }
0xa8: {  	s5 =	sshll.u32 s28, $0x1;
	[dreg:$0x2] =	wrdreg s3  }
0xa9: {  	[dreg:$0x3] =	wrdreg s5  }
0xaa: {  	[dreg:$0x4] =	wrdreg $0xC0  }
0xab: {  	_ =	task [dreg:s7], $0x5FFFF  }
0xac: {  	[dreg:$0x1] =	wrdreg $0xFFFFFFFF  }
0xad: {  	[dreg:$0x0] =	wrdreg $0x60  }
0xae: {  	[dreg:$0x2] =	wrdreg s24  }
0xaf: {  	[dreg:$0x3] =	wrdreg s2  }
0xb0: {  	[dreg:$0x4] =	wrdreg $0x112800  }
0xb1: {  	[dreg:$0x5] =	wrdreg $0x9  }
0xb2: {  	_ =	task.clear_ibuf [dreg:s7], $0x6FFFF;
	_ =	strace $0x90000046  }
0xb3: {  	s29 =	simm.s32 $0x9;
	_ =	strace $0x80000048  }
0xb4: {  	_ =	swait.ge [sflag:s29], $0x1  }
0xb5: {  	[sflag:s29] =	ssyncadd.s32 $0xFFFFFFFF  }
0xb6: {  	_ =	strace $0x90000048  }
0xb7: {  	_ =	sfence  }
0xb8: {  	s30 =	sld [smem:$0x0];
	_ =	sdelay $0x2  }
0xb9: {  	s31 =	sshll.u32 s1, $0xD;
	s1 =	sshrl.u32 s1, $0x2  }
0xba: {  	s3 =	sand.u32 $0x4000, s31;
	s1 =	sadd.s32 s1, s30  }
0xbb: {  	s0 =	sor.u32 s3, s0;
	s1 =	sshll.u32 s1, $0x11  }
0xbc: {  	s0 =	sor.u32 s1, s0  }
0xbd: {  	s0 =	sadd.s32 $0x8F2B, s0  }
0xbe: {  	[sflag:s0] =	ssyncadd.remote.s32 $0x1  }
0xbf: {  	_ =	sfence.sel $0xFFFF  }
0xc0: {  	[dreg:$0x0] =	wrdreg $0xFFFFFFFF;
	(pc) =	sbr.abs _section_cstart, $3  }
0xc1: {  	[dreg:$0x1] =	wrdreg $0xFFFFFFFF  }
0xc2: {  	_ =	task.clear_ibuf [dreg:s7], $0x2FFFF;
	_ =	strace $0x9FFFFFFF  }
0xc3: {  	(tm) =	ssettm $0x7FFFFFFF  }
tec
execute0_lowered:
.L_overlay_start_1:
0x0: {  	(tag) =	ssettag $0x1  }
0x1: {  	s0 =	rddreg [dreg:$0x0]  }
0x2: {  	s3 =	rddreg [dreg:$0x1]  }
0x3: {  	s1 =	rddreg [dreg:$0x2]  }
0x4: {  	s2 =	simm.s32 $0x0;
	s6 =	srdreg.scid;
	s19 =	stileid.u32  }
0x5: {  	s28 =	simm.s32 $0x8200;
	s29 =	simm.s32 $0x80;
	s30 =	simm.s32 $0x100  }
0x6: {  	s31 =	simm.s32 $0x180;
	[smem:$0x7FF] =	sst s2;
	s4 =	sadd.s32 $0xF3000, s0  }
0x7: {  	s5 =	sadd.s32 $0x53000, s0;
	s11 =	sand.u32 $0x1, s6;
	s6 =	sadd.s32 $0x3F400, s0  }
0x8: {  	s10 =	smul.u32 $0x140, s19;
	s7 =	sadd.s32 $0x2B800, s0;
	s8 =	sadd.s32 $0x17C00, s0  }
0x9: {  	s9 =	sadd.s32 $0xDE00, s0;
	s15 =	sshll.u32 s19, $0x7;
	s26 =	smul.u32 $0x28000, s19  }
0xa: {  	_ =	strace $0x80000047;
	s12 =	sshll.u32 s11, $0x4;
	s13 =	smul.u32 $0x2800, s11  }
0xb: {  	s15 =	sand.u32 $0x380, s15;
	s16 =	ssub.s32 $0x2, s11;
	s17 =	smul.u32 $0x4F000, s11  }
0xc: {  	s11 =	smul.u32 $0x4F00, s19;
	s14 =	sor.u32 s19, s12;
	s13 =	sadd.s32 s10, s13  }
0xd: {  	s18 =	sshrl.u32 s16, $0x1;
	s3 =	sadd.s32 s3, s12;
	s13 =	sshll.u32 s13, $0x4  }
0xe: {  	s14 =	sshrl.u32 s14, $0x3;
	s10 =	sadd.s32 $0x4000, s0;
	s13 =	sadd.s32 s13, s0  }
0xf: {  	s16 =	ssub.s32 s16, s18;
	[dreg:$0x6] =	wrdreg s3;
	s20 =	sadd.s32 $0x17F000, s13  }
0x10: {  	s14 =	smul.u32 $0x28000, s14;
	s21 =	sadd.s32 $0x17F800, s13;
	[dreg:$0x9] =	wrdreg s20  }
0x11: {  	s3 =	simm.s32 $0x1;
	s22 =	sadd.s32 $0x180000, s13;
	[dreg:$0xa] =	wrdreg s21  }
0x12: {  	s14 =	sor.u32 s15, s14;
	s23 =	sadd.s32 $0x193000, s13;
	[dreg:$0xb] =	wrdreg s22  }
0x13: {  	s15 =	sshrl.u32 s26, $0x2;
	s24 =	sadd.s32 $0x193800, s13;
	[dreg:$0xc] =	wrdreg s23  }
0x14: {  	s25 =	sadd.s32 $0x194000, s13;
	s26 =	smax.u32 s16, $0x1;
	[dreg:$0xd] =	wrdreg s24  }
0x15: {  	s13 =	simm.s32 $0x2;
	s14 =	sshrl.u32 s14, $0x3;
	[dreg:$0xe] =	wrdreg s25  }
0x16: {  	s15 =	sadd.s32 s15, s1;
	[dreg:$0x10] =	wrdreg s26;
	s26 =	simm.s32 $0x3  }
0x17: {  	s25 =	simm.s32 $0x4200;
	s18 =	sadd.s32 $0x4000, s15;
	[dreg:$0x5] =	wrdreg s15  }
0x18: {  	s0 =	sadd.s32 s14, s0;
	s19 =	sadd.s32 $0x8000, s15;
	[dreg:$0x7] =	wrdreg s18  }
0x19: {  	s14 =	sadd.s32 s11, s17;
	[dreg:$0x8] =	wrdreg s19;
	s0 =	sadd.s32 $0x16B000, s0  }
0x1a: {  	v0 =	vimm.f32 $0.0e+00;
	v1 =	vlaneseq.u32;
	s17 =	simm.s32 $0xC280;
	[dreg:$0xf] =	wrdreg s0;
	s0 =	simm.s32 $0x200  }
.LBB2_1:
0x1b: {  	s12 =	simm.s32 $0x0;
	s15 =	simm.s32 $0x200  }
.LBB2_2:
0x1c: {  	p0 =	sne.s32 s15, $0xFE00;
	[tilespmem:s12+$0x8270] =	vst v0  }
0x1d: {  	[tilespmem:s12+$0x8200] =	vst v0  }
0x1e: {  	[tilespmem:s12+$0x8210] =	vst v0  }
.Ltmp0:
0x1f: {  	[tilespmem:s12+$0x8220] =	vst v0;
	(pc) =	sbr.rel @p0 .LBB2_2-.Ltmp0, $4  }
0x20: {  	[tilespmem:s12+$0x8230] =	vst v0  }
0x21: {  	[tilespmem:s12+$0x8240] =	vst v0  }
0x22: {  	[tilespmem:s12+$0x8250] =	vst v0  }
0x23: {  	[tilespmem:s12+$0x8260] =	vst v0;
	s12 =	sshra.s32 s15, $0x2;
	s15 =	sadd.s32 $0x200, s15  }
0x24: {  	[tilespmem:s12+$0x8270] =	vst v0  }
0x25: {  	[tilespmem:s12+$0x8200] =	vst v0  }
0x26: {  	[tilespmem:s12+$0x8210] =	vst v0  }
0x27: {  	[tilespmem:s12+$0x8220] =	vst v0  }
0x28: {  	[tilespmem:s12+$0x8230] =	vst v0  }
0x29: {  	[tilespmem:s12+$0x8240] =	vst v0  }
0x2a: {  	[tilespmem:s12+$0x8250] =	vst v0  }
0x2b: {  	[tilespmem:s12+$0x8260] =	vst v0;
	s12 =	simm.s32 $0x40;
	s15 =	simm.s32 $0x0  }
.LBB2_4:
0x2c: {  	p0 =	sne.s32 s12, $0x13FC0;
	[tilespmem:s15+$0xC280] =	vst v0;
	s15 =	smov.u32 s12;
	s12 =	sadd.s32 $0x40, s12  }
.Ltmp1:
0x2d: {  	(pc) =	sbr.rel @p0 .LBB2_4-.Ltmp1, $2  }
0x2e: {  	_ =	sdelay $0x2  }
0x2f: {  	s15 =	sshra.s32 s15, $0x2  }
0x30: {  	[dreg:$0x4] =	wrdreg s2  }
0x31: {  	[tilespmem:s15+$0xC280] =	vst v0;
	s15 =	simm.s32 $0x0;
	s21 =	rddreg [dreg:$0x6];
	s12 =	simm.s32 $0xC200  }
0x32: {  	[tilespmem:s12], [sflag:$0x3] =	stream.linear.gather [hbm4b:s21+s15], $0x80, $0x38;
	[tilespmem:$0x1B2C0] =	vst v63  }
0x33: {  	_ =	swait.ge [sflag:s26], $0x80  }
0x34: {  	[sflag:s26] =	ssyncset.done $0x0  }
0x35: {  	[sflag:s26] =	ssyncadd.s32 $0xFFFFFF80  }
0x36: {  	v2 =	vld [tilespmem:$0xC200]  }
0x37: {  	v3 =	vld [tilespmem:$0xC210]  }
0x38: {  	v4 =	vld [tilespmem:$0xC220]  }
0x39: {  	v5 =	vld [tilespmem:$0xC230]  }
0x3a: {  	v6 =	vld [tilespmem:$0xC240]  }
0x3b: {  	v7 =	vld [tilespmem:$0xC250]  }
0x3c: {  	s22 =	rddreg [dreg:$0x5];
	v8 =	vld [tilespmem:$0xC260]  }
0x3d: {  	v9 =	vld [tilespmem:$0xC270];
	[spmem:s22] =	stream.linear.scatter [tilespmem:s28], [sflag:$0x3], $0x4000, $0x38  }
0x3e: {  	_ =	swait.ge [sflag:s26], $0x4000  }
0x3f: {  	[sflag:s26] =	ssyncset.done $0x0  }
0x40: {  	s23 =	rddreg [dreg:$0x7];
	[sflag:s26] =	ssyncadd.s32 $0xFFFFC000  }
0x41: {  	[spmem:s23] =	stream.linear.scatter [tilespmem:s28], [sflag:$0x3], $0x4000, $0x38;
	[tilespmem:$0x1B2C0] =	vst v63  }
0x42: {  	_ =	swait.ge [sflag:s26], $0x4000  }
0x43: {  	[sflag:s26] =	ssyncset.done $0x0  }
0x44: {  	s24 =	rddreg [dreg:$0x8];
	[sflag:s26] =	ssyncadd.s32 $0xFFFFC000  }
0x45: {  	[spmem:s24] =	stream.linear.scatter [tilespmem:s28], [sflag:$0x3], $0x2000, $0x38;
	[tilespmem:$0x1B2C0] =	vst v63  }
0x46: {  	_ =	swait.ge [sflag:s26], $0x2000  }
0x47: {  	[sflag:s26] =	ssyncset.done $0x0  }
0x48: {  	[sflag:s26] =	ssyncadd.s32 $0xFFFFE000  }
0x49: {  	s16 =	simm.s32 $0x0;
	[bflag:$0x0] =	sbarrier.arrive $0xFFFF  }
.LBB2_6:
0x4a: {  	s12 =	sshll.u32 s16, $0x7  }
0x4b: {  	s18 =	sadd.s32 s14, s12  }
0x4c: {  	s18 =	sshrl.u32 s18, $0x3  }
0x4d: {  	s19 =	sadd.s32 s6, s18  }
0x4e: {  	[tilespmem:s15], [sflag:$0x3] =	stream.linear.gather [hbm4b:s19+s15], $0x80, $0x38;
	[tilespmem:$0x1B2C0] =	vst v63  }
0x4f: {  	_ =	swait.ge [sflag:s26], $0x80  }
0x50: {  	[sflag:s26] =	ssyncset.done $0x0  }
0x51: {  	s18 =	sadd.s32 s7, s18;
	[sflag:s26] =	ssyncadd.s32 $0xFFFFFF80  }
0x52: {  	[tilespmem:s29], [sflag:$0x3] =	stream.linear.gather [hbm4b:s18+s15], $0x80, $0x38;
	[tilespmem:$0x1B2C0] =	vst v63  }
0x53: {  	s12 =	sadd.s32 s11, s12;
	_ =	swait.ge [sflag:s26], $0x80  }
0x54: {  	s12 =	sshrl.u32 s12, $0x3;
	[sflag:s26] =	ssyncset.done $0x0  }
0x55: {  	s24 =	sadd.s32 s8, s12;
	[sflag:s26] =	ssyncadd.s32 $0xFFFFFF80  }
0x56: {  	[tilespmem:s30], [sflag:$0x3] =	stream.linear.gather [hbm4b:s24+s15], $0x80, $0x38;
	[tilespmem:$0x1B2C0] =	vst v63  }
0x57: {  	_ =	swait.ge [sflag:s26], $0x80  }
0x58: {  	[sflag:s26] =	ssyncset.done $0x0  }
0x59: {  	s12 =	sadd.s32 s9, s12;
	[sflag:s26] =	ssyncadd.s32 $0xFFFFFF80  }
0x5a: {  	[tilespmem:s31], [sflag:$0x3] =	stream.linear.gather [hbm4b:s12+s15], $0x80, $0x38;
	[tilespmem:$0x1B2C0] =	vst v63  }
0x5b: {  	_ =	swait.ge [sflag:s26], $0x80  }
0x5c: {  	[sflag:s26] =	ssyncset.done $0x0  }
0x5d: {  	[sflag:s26] =	ssyncadd.s32 $0xFFFFFF80  }
0x5e: {  	[tilespmem:s0], [sflag:$0x1] =	stream.indirect.gather [hbm4b:s4+s29], $0x80, s15, s29, $0xb8;
	[tilespmem:$0x1B2C0] =	vst v63  }
0x5f: {  	_ = 	snop  }
0x60: {  	[tilespmem:s25], [sflag:$0x2] =	stream.indirect.gather [hbm4b:s5+s29], $0x80, s29, s29, $0xb8;
	[tilespmem:$0x1B2C0] =	vst v63  }
0x61: {  	_ =	swait.ge [sflag:s3], $0x4000  }
0x62: {  	[sflag:s3] =	ssyncset.done $0x0  }
0x63: {  	[sflag:s3] =	ssyncadd.s32 $0xFFFFC000  }
0x64: {  	_ =	swait.ge [sflag:s13], $0x4000  }
0x65: {  	[sflag:s13] =	ssyncset.done $0x0  }
0x66: {  	s12 =	simm.s32 $0x240;
	[sflag:s13] =	ssyncadd.s32 $0xFFFFC000  }
0x67: {  	s18 =	simm.s32 $0x4240;
	v16 =	vld [tilespmem:s12+$0xFFFFFFD0]  }
0x68: {  	v10 =	vld [tilespmem:s18+$0xFFFFFFE0]  }
0x69: {  	v11 =	vld [tilespmem:s18+$0xFFFFFFD0]  }
0x6a: {  	v17 =	vld [tilespmem:s12+$0xFFFFFFE0]  }
0x6b: {  	v12 =	vld [tilespmem:s18+$0xFFFFFFC0]  }
0x6c: {  	v15 =	vld [tilespmem:s12+$0xFFFFFFC0]  }
0x6d: {  	v19 =	vld [tilespmem:s12+$0xFFFFFFF0]  }
0x6e: {  	v13 =	vld [tilespmem:s18+$0xFFFFFFF0]  }
0x6f: {  	v14 =	vld [tilespmem:s18+$0x30]  }
0x70: {  	v18 =	vld [tilespmem:s18+$0x20]  }
0x71: {  	v21 =	vld [tilespmem:s18+$0x0];
	v12 =	vadd.f32 v12, v15  }
0x72: {  	v25 =	vld [tilespmem:s18+$0x10];
	v20 =	vadd.f32 v10, v17;
	v22 =	vadd.f32 v11, v16  }
0x73: {  	v10 =	vld [tilespmem:s12+$0x30];
	v24 =	vadd.f32 v13, v19;
	v23 =	vmul.f32 $2.000000030e-01, v12  }
0x74: {  	v11 =	vld [tilespmem:s12+$0x20];
	v13 =	vmul.f32 $2.000000030e-01, v20;
	v26 =	vmul.f32 $2.000000030e-01, v22  }
0x75: {  	v27 =	vmul.f32 $2.000000030e-01, v24;
	v23 =	vmax.f32 v12, v23;
	v12 =	vld [tilespmem:s12+$0x10]  }
0x76: {  	v20 =	vmax.f32 v20, v13;
	v13 =	vld [tilespmem:s12+$0x0];
	v22 =	vmax.f32 v22, v26  }
0x77: {  	v24 =	vmax.f32 v24, v27;
	v23 =	vmul.f32 v23, v2;
	v20 =	vmul.f32 v20, v4  }
0x78: {  	v22 =	vmul.f32 v22, v3;
	v24 =	vmul.f32 v24, v5  }
0x79: {  	v14 =	vadd.f32 v14, v10;
	v18 =	vadd.f32 v18, v11  }
0x7a: {  	v22 =	vadd.f32 v22, v23;
	v20 =	vadd.f32 v24, v20  }
0x7b: {  	v60 =	vmul.f32 $2.000000030e-01, v14;
	v59 =	vadd.f32 v25, v12;
	v21 =	vadd.f32 v21, v13  }
0x7c: {  	v61 =	vmul.f32 $2.000000030e-01, v18;
	v20 =	vadd.f32 v20, v22  }
0x7d: {  	v14 =	vmax.f32 v14, v60;
	v62 =	vmul.f32 $2.000000030e-01, v59;
	v63 =	vmul.f32 $2.000000030e-01, v21  }
0x7e: {  	v18 =	vmax.f32 v18, v61;
	v14 =	vmul.f32 v14, v9;
	(xrf2) =	vadd.scan.msk.f32 $0xffff, v20  }
0x7f: {  	v18 =	vmul.f32 v18, v8;
	v20 =	vmax.f32 v59, v62;
	v21 =	vmax.f32 v21, v63  }
0x80: {  	v21 =	vmul.f32 v21, v6;
	v20 =	vmul.f32 v20, v7;
	_ =	sdelay $0x1  }
0x81: {  	v14 =	vadd.f32 v14, v18;
	v20 =	vadd.f32 v20, v21;
	_ =	sdelay $0x1  }
0x82: {  	v14 =	vadd.f32 v14, v20;
	_ =	sdelay $0x2  }
0x83: {  	(xrf2) =	vadd.scan.msk.f32 $0xffff, v14  }
0x84: {  	v14, _, _ =	vpop (xrf2)  }
0x85: {  	v14 =	vmul.f32 $1.442695020e+00, v14;
	_ =	sdelay $0x1  }
0x86: {  	v14 =	vbroadcast v14, $0xF;
	_ =	sdelay $0x1  }
0x87: {  	(erf) = vpow2.f32 v14;
	_ =	sdelay $0x3  }
0x88: {  	v14, _, _ =	vpop (xrf2)  }
0x89: {  	v14 =	vmul.f32 $1.442695020e+00, v14;
	_ =	sdelay $0x1  }
0x8a: {  	v18 =	vbroadcast v14, $0xF;
	_ =	sdelay $0x1  }
0x8b: {  	v14 =	vpop (erf);
	(erf) = vpow2.f32 v18  }
0x8c: {  	s21 =	simm.s32 $0x8240;
	v15 =	vmul.f32 v14, v15;
	v16 =	vmul.f32 v14, v16  }
0x8d: {  	s22 =	simm.s32 $0x1;
	s20 =	simm.s32 $0x8240;
	s19 =	simm.s32 $0x0;
	v18 =	vmul.f32 v14, v17;
	v17 =	vmul.f32 v14, v19  }
.LBB2_7:
0x8e: {  	s12 =	sadd.s32 $0x80, s12;
	s18 =	sadd.s32 $0x80, s18;
	s21 =	sadd.s32 $0x80, s21  }
0x8f: {  	p0 =	sne.s32 s22, $0x7F;
	s23 =	smov.u32 s22;
	s22 =	sadd.s32 $0x1, s22;
	[tilespmem:s20+$0xFFFFFFE0] =	vst v18  }
0x90: {  	[tilespmem:s20+$0xFFFFFFF0] =	vst v17;
	_ =	sdelay $0x3  }
0x91: {  	v17 =	vpop (erf)  }
0x92: {  	[tilespmem:s20+$0xFFFFFFD0] =	vst v16;
	v13 =	vmul.f32 v17, v13;
	v12 =	vmul.f32 v17, v12  }
0x93: {  	v11 =	vmul.f32 v17, v11;
	v10 =	vmul.f32 v17, v10;
	[tilespmem:s20+$0xFFFFFFC0] =	vst v15  }
0x94: {  	[tilespmem:s20+$0x0] =	vst v13  }
0x95: {  	[tilespmem:s20+$0x10] =	vst v12  }
0x96: {  	[tilespmem:s20+$0x30] =	vst v10  }
0x97: {  	s24 =	sand.u32 $0x70, s19;
	[tilespmem:s20+$0x20] =	vst v11;
	s20 =	smov.u32 s21  }
0x98: {  	s2 =	sand.u32 $0xF, s19;
	s19 =	smov.u32 s23;
	v10 =	vld [tilespmem:s24+$0x100]  }
0x99: {  	v11 =	vmov s2  }
0x9a: {  	vm0 =	veq.s32 v11, v1;
	_ =	sdelay $0x2  }
0x9b: {  	v11 =	vadd.s32 $0x2800, v10;
	_ =	sdelay $0x2  }
0x9c: {  	[tilespmem:v10+s17+$0x0] =	vst.idx.add.f32.msk vm0, v14;
	_ =	sdelay $0x1  }
0x9d: {  	[tilespmem:v11+s17+$0x0] =	vst.idx.add.f32.msk vm0, v17  }
0x9e: {  	v16 =	vld [tilespmem:s12+$0xFFFFFFD0]  }
0x9f: {  	v10 =	vld [tilespmem:s18+$0xFFFFFFE0]  }
0xa0: {  	v11 =	vld [tilespmem:s18+$0xFFFFFFD0]  }
0xa1: {  	v17 =	vld [tilespmem:s12+$0xFFFFFFE0]  }
0xa2: {  	v12 =	vld [tilespmem:s18+$0xFFFFFFC0]  }
0xa3: {  	v15 =	vld [tilespmem:s12+$0xFFFFFFC0]  }
0xa4: {  	v19 =	vld [tilespmem:s12+$0xFFFFFFF0]  }
0xa5: {  	v13 =	vld [tilespmem:s18+$0xFFFFFFF0]  }
0xa6: {  	v14 =	vadd.f32 v10, v17  }
0xa7: {  	v18 =	vld [tilespmem:s18+$0x30]  }
0xa8: {  	v20 =	vld [tilespmem:s18+$0x20];
	v12 =	vadd.f32 v12, v15;
	v21 =	vmul.f32 $2.000000030e-01, v14  }
0xa9: {  	v23 =	vadd.f32 v11, v16;
	v22 =	vld [tilespmem:s18+$0x0]  }
0xaa: {  	v10 =	vld [tilespmem:s12+$0x30];
	v24 =	vmul.f32 $2.000000030e-01, v12;
	v14 =	vmax.f32 v14, v21;
	v21 =	vadd.f32 v13, v19  }
0xab: {  	v11 =	vld [tilespmem:s12+$0x20]  }
0xac: {  	v25 =	vld [tilespmem:s18+$0x10];
	v13 =	vmax.f32 v12, v24;
	v24 =	vmul.f32 $2.000000030e-01, v23;
	v26 =	vmul.f32 $2.000000030e-01, v21  }
0xad: {  	v12 =	vld [tilespmem:s12+$0x10];
	v27 =	vmul.f32 v13, v2  }
0xae: {  	v14 =	vmul.f32 v14, v4;
	v13 =	vld [tilespmem:s12+$0x0];
	v23 =	vmax.f32 v23, v24;
	v21 =	vmax.f32 v21, v26  }
0xaf: {  	v23 =	vmul.f32 v23, v3;
	v21 =	vmul.f32 v21, v5;
	v18 =	vadd.f32 v18, v10  }
0xb0: {  	v20 =	vadd.f32 v20, v11  }
0xb1: {  	v24 =	vmul.f32 $2.000000030e-01, v18;
	v23 =	vadd.f32 v23, v27;
	v14 =	vadd.f32 v21, v14  }
0xb2: {  	v21 =	vadd.f32 v25, v12;
	v25 =	vmul.f32 $2.000000030e-01, v20  }
0xb3: {  	v22 =	vadd.f32 v22, v13;
	v18 =	vmax.f32 v18, v24;
	v14 =	vadd.f32 v14, v23  }
0xb4: {  	v23 =	vmul.f32 $2.000000030e-01, v21;
	v20 =	vmax.f32 v20, v25;
	v18 =	vmul.f32 v18, v9  }
0xb5: {  	v24 =	vmul.f32 $2.000000030e-01, v22;
	(xrf2) =	vadd.scan.msk.f32 $0xffff, v14  }
0xb6: {  	v14 =	vmax.f32 v21, v23  }
0xb7: {  	v20 =	vmul.f32 v20, v8;
	v21 =	vmax.f32 v22, v24  }
0xb8: {  	v14 =	vmul.f32 v14, v7;
	v21 =	vmul.f32 v21, v6;
	_ =	sdelay $0x1  }
0xb9: {  	v18 =	vadd.f32 v18, v20;
	v14 =	vadd.f32 v14, v21;
	_ =	sdelay $0x1  }
0xba: {  	v18 =	vadd.f32 v18, v14;
	_ =	sdelay $0x1  }
0xbb: {  	(xrf2) =	vadd.scan.msk.f32 $0xffff, v18  }
0xbc: {  	v14, _, _ =	vpop (xrf2)  }
0xbd: {  	v14 =	vmul.f32 $1.442695020e+00, v14;
	_ =	sdelay $0x1  }
0xbe: {  	v14 =	vbroadcast v14, $0xF;
	_ =	sdelay $0x1  }
0xbf: {  	(erf) = vpow2.f32 v14;
	_ =	sdelay $0x3  }
0xc0: {  	v14, _, _ =	vpop (xrf2)  }
0xc1: {  	v14 =	vmul.f32 $1.442695020e+00, v14;
	_ =	sdelay $0x1  }
.Ltmp2:
0xc2: {  	v18 =	vbroadcast v14, $0xF;
	(pc) =	sbr.rel @p0 .LBB2_7-.Ltmp2, $4  }
0xc3: {  	_ = 	snop  }
0xc4: {  	v14 =	vpop (erf);
	(erf) = vpow2.f32 v18  }
0xc5: {  	v15 =	vmul.f32 v14, v15;
	v16 =	vmul.f32 v14, v16  }
0xc6: {  	v18 =	vmul.f32 v14, v17;
	v17 =	vmul.f32 v14, v19  }
0xc7: {  	_ =	sdelay $0x4  }
0xc8: {  	[tilespmem:s20+$0xFFFFFFD0] =	vst v16  }
0xc9: {  	[tilespmem:s20+$0xFFFFFFC0] =	vst v15;
	v63 =	vpop (erf)  }
0xca: {  	[tilespmem:s20+$0xFFFFFFE0] =	vst v18;
	v13 =	vmul.f32 v63, v13  }
0xcb: {  	[tilespmem:s20+$0xFFFFFFF0] =	vst v17;
	v12 =	vmul.f32 v63, v12  }
0xcc: {  	v10 =	vmul.f32 v63, v10;
	[tilespmem:s20+$0x0] =	vst v13  }
0xcd: {  	v11 =	vmul.f32 v63, v11;
	[tilespmem:s20+$0x10] =	vst v12  }
0xce: {  	[tilespmem:s20+$0x30] =	vst v10  }
0xcf: {  	s2 =	sand.u32 $0x70, s19;
	[tilespmem:s20+$0x20] =	vst v11  }
0xd0: {  	v10 =	vld [tilespmem:s2+$0x100]  }
0xd1: {  	s24 =	sand.u32 $0xF, s19  }
0xd2: {  	v11 =	vmov s24  }
0xd3: {  	vm0 =	veq.s32 v11, v1;
	_ =	sdelay $0x1  }
0xd4: {  	v11 =	vadd.s32 $0x2800, v10;
	_ =	sdelay $0x2  }
0xd5: {  	s16 =	sadd.s32 $0x1, s16  }
0xd6: {  	p0 =	sne.s32 s16, $0x9E;
	[tilespmem:v10+s17+$0x0] =	vst.idx.add.f32.msk vm0, v14  }
.Ltmp3:
0xd7: {  	[tilespmem:v11+s17+$0x0] =	vst.idx.add.f32.msk vm0, v63;
	(pc) =	sbr.rel @p0 .LBB2_6-.Ltmp3, $4  }
0xd8: {  	[spmem:s1] =	stream.indirect.scatter.add.f32 [tilespmem:s28], [sflag:$0x3], $0x80, s31, s29, $0xb8;
	[tilespmem:$0x1B2C0] =	vst v63  }
0xd9: {  	_ =	swait.ge [sflag:s26], $0x4000  }
0xda: {  	[sflag:s26] =	ssyncset.done $0x0  }
0xdb: {  	[sflag:s26] =	ssyncadd.s32 $0xFFFFC000  }
0xdc: {  	[bflag:$0x0] =	sbarrier.arrive $0xFFFF  }
0xdd: {  	s2 =	stileid.u32;
	s19 =	rddreg [dreg:$0x5]  }
0xde: {  	s2 =	sshll.u32 s2, $0x6;
	s20 =	rddreg [dreg:$0x9];
	s12 =	sshrl.u32 s19, $0x3  }
0xdf: {  	s18 =	sor.u32 $0x1C03, s2;
	[dreg:$0x11] =	wrdreg s12  }
0xe0: {  	[hbm:s20], [sflag:s18] =	dma.local [spmem:s12], $0x800  }
0xe1: {  	_ =	swait.ge [sflag:s26], $0x800  }
0xe2: {  	[sflag:s26] =	ssyncset.done $0x0;
	s21 =	rddreg [dreg:$0x7]  }
0xe3: {  	s22 =	rddreg [dreg:$0xa];
	[sflag:s26] =	ssyncadd.s32 $0xFFFFF800;
	s20 =	sshrl.u32 s21, $0x3  }
0xe4: {  	[hbm:s22], [sflag:s18] =	dma.local [spmem:s20], $0x800  }
0xe5: {  	_ =	swait.ge [sflag:s26], $0x800  }
0xe6: {  	[sflag:s26] =	ssyncset.done $0x0;
	s23 =	rddreg [dreg:$0x8]  }
0xe7: {  	s24 =	rddreg [dreg:$0xb];
	[sflag:s26] =	ssyncadd.s32 $0xFFFFF800;
	s21 =	sshrl.u32 s23, $0x3  }
0xe8: {  	[hbm:s24], [sflag:s18] =	dma.local [spmem:s21], $0x400  }
0xe9: {  	_ =	swait.ge [sflag:s26], $0x400  }
0xea: {  	[sflag:s26] =	ssyncset.done $0x0  }
0xeb: {  	s15 =	simm.s32 $0x200;
	s12 =	simm.s32 $0x0;
	[sflag:s26] =	ssyncadd.s32 $0xFFFFFC00  }
.LBB2_10:
0xec: {  	p0 =	sne.s32 s15, $0xFE00;
	[tilespmem:s12+$0x8270] =	vst v0  }
0xed: {  	[tilespmem:s12+$0x8200] =	vst v0  }
0xee: {  	[tilespmem:s12+$0x8210] =	vst v0  }
.Ltmp4:
0xef: {  	[tilespmem:s12+$0x8220] =	vst v0;
	(pc) =	sbr.rel @p0 .LBB2_10-.Ltmp4, $4  }
0xf0: {  	[tilespmem:s12+$0x8230] =	vst v0  }
0xf1: {  	[tilespmem:s12+$0x8240] =	vst v0  }
0xf2: {  	[tilespmem:s12+$0x8250] =	vst v0  }
0xf3: {  	[tilespmem:s12+$0x8260] =	vst v0;
	s12 =	sshra.s32 s15, $0x2;
	s15 =	sadd.s32 $0x200, s15  }
0xf4: {  	[tilespmem:s12+$0x8270] =	vst v0  }
0xf5: {  	[tilespmem:s12+$0x8200] =	vst v0  }
0xf6: {  	[tilespmem:s12+$0x8210] =	vst v0  }
0xf7: {  	[tilespmem:s12+$0x8220] =	vst v0  }
0xf8: {  	[tilespmem:s12+$0x8230] =	vst v0  }
0xf9: {  	[tilespmem:s12+$0x8240] =	vst v0  }
0xfa: {  	[tilespmem:s12+$0x8250] =	vst v0  }
0xfb: {  	[tilespmem:s12+$0x8260] =	vst v0;
	s2 =	rddreg [dreg:$0x5]  }
0xfc: {  	[spmem:s2] =	stream.linear.scatter [tilespmem:s28], [sflag:$0x3], $0x4000, $0x38;
	[tilespmem:$0x1B2C0] =	vst v63  }
0xfd: {  	_ =	swait.ge [sflag:s26], $0x4000  }
0xfe: {  	[sflag:s26] =	ssyncset.done $0x0  }
0xff: {  	s23 =	rddreg [dreg:$0x7];
	[sflag:s26] =	ssyncadd.s32 $0xFFFFC000  }
0x100: {  	[spmem:s23] =	stream.linear.scatter [tilespmem:s28], [sflag:$0x3], $0x4000, $0x38;
	[tilespmem:$0x1B2C0] =	vst v63  }
0x101: {  	_ =	swait.ge [sflag:s26], $0x4000  }
0x102: {  	[sflag:s26] =	ssyncset.done $0x0  }
0x103: {  	s24 =	rddreg [dreg:$0x8];
	[sflag:s26] =	ssyncadd.s32 $0xFFFFC000  }
0x104: {  	[spmem:s24] =	stream.linear.scatter [tilespmem:s28], [sflag:$0x3], $0x2000, $0x38;
	[tilespmem:$0x1B2C0] =	vst v63  }
0x105: {  	_ =	swait.ge [sflag:s26], $0x2000  }
0x106: {  	[sflag:s26] =	ssyncset.done $0x0  }
0x107: {  	[sflag:s26] =	ssyncadd.s32 $0xFFFFE000  }
0x108: {  	s22 =	simm.s32 $0x0;
	s23 =	simm.s32 $0x0;
	[bflag:$0x0] =	sbarrier.arrive $0xFFFF  }
.LBB2_12:
0x109: {  	s2 =	sshll.u32 s23, $0x7  }
0x10a: {  	s12 =	sadd.s32 s14, s2  }
0x10b: {  	s12 =	sshrl.u32 s12, $0x3  }
0x10c: {  	s15 =	sadd.s32 s6, s12  }
0x10d: {  	[tilespmem:s22], [sflag:$0x3] =	stream.linear.gather [hbm4b:s15+s22], $0x80, $0x38;
	[tilespmem:$0x1B2C0] =	vst v63  }
0x10e: {  	_ =	swait.ge [sflag:s26], $0x80  }
0x10f: {  	[sflag:s26] =	ssyncset.done $0x0  }
0x110: {  	s12 =	sadd.s32 s7, s12;
	[sflag:s26] =	ssyncadd.s32 $0xFFFFFF80  }
0x111: {  	[tilespmem:s29], [sflag:$0x3] =	stream.linear.gather [hbm4b:s12+s22], $0x80, $0x38;
	[tilespmem:$0x1B2C0] =	vst v63  }
0x112: {  	s2 =	sadd.s32 s11, s2;
	_ =	swait.ge [sflag:s26], $0x80  }
0x113: {  	s2 =	sshrl.u32 s2, $0x3;
	[sflag:s26] =	ssyncset.done $0x0  }
0x114: {  	s24 =	sadd.s32 s8, s2;
	[sflag:s26] =	ssyncadd.s32 $0xFFFFFF80  }
0x115: {  	[tilespmem:s30], [sflag:$0x3] =	stream.linear.gather [hbm4b:s24+s22], $0x80, $0x38;
	[tilespmem:$0x1B2C0] =	vst v63  }
0x116: {  	_ =	swait.ge [sflag:s26], $0x80  }
0x117: {  	[sflag:s26] =	ssyncset.done $0x0  }
0x118: {  	s2 =	sadd.s32 s10, s2;
	[sflag:s26] =	ssyncadd.s32 $0xFFFFFF80  }
0x119: {  	[tilespmem:s31], [sflag:$0x3] =	stream.linear.gather [hbm4b:s2+s22], $0x80, $0x38;
	[tilespmem:$0x1B2C0] =	vst v63  }
0x11a: {  	_ =	swait.ge [sflag:s26], $0x80  }
0x11b: {  	[sflag:s26] =	ssyncset.done $0x0  }
0x11c: {  	[sflag:s26] =	ssyncadd.s32 $0xFFFFFF80  }
0x11d: {  	[tilespmem:s0], [sflag:$0x1] =	stream.indirect.gather [hbm4b:s4+s29], $0x80, s22, s29, $0xb8;
	[tilespmem:$0x1B2C0] =	vst v63  }
0x11e: {  	_ = 	snop  }
0x11f: {  	[tilespmem:s25], [sflag:$0x2] =	stream.indirect.gather [hbm4b:s5+s29], $0x80, s29, s29, $0xb8;
	[tilespmem:$0x1B2C0] =	vst v63  }
0x120: {  	_ =	swait.ge [sflag:s3], $0x4000  }
0x121: {  	[sflag:s3] =	ssyncset.done $0x0  }
0x122: {  	[sflag:s3] =	ssyncadd.s32 $0xFFFFC000  }
0x123: {  	_ =	swait.ge [sflag:s13], $0x4000  }
0x124: {  	[sflag:s13] =	ssyncset.done $0x0  }
0x125: {  	s24 =	simm.s32 $0x0;
	[sflag:s13] =	ssyncadd.s32 $0xFFFFC000  }
0x126: {  	v27 =	vld [tilespmem:s24+$0x240]  }
0x127: {  	v36 =	vld [tilespmem:s24+$0x250]  }
0x128: {  	v17 =	vld [tilespmem:s24+$0x260]  }
0x129: {  	v30 =	vld [tilespmem:s24+$0x270]  }
0x12a: {  	v10 =	vld [tilespmem:s24+$0x4240]  }
0x12b: {  	v11 =	vld [tilespmem:s24+$0x4250]  }
0x12c: {  	v12 =	vld [tilespmem:s24+$0x4260]  }
0x12d: {  	v13 =	vld [tilespmem:s24+$0x4270];
	_ =	sdelay $0x2  }
0x12e: {  	v22 =	vld [tilespmem:s24+$0x200];
	v10 =	vadd.f32 v10, v27  }
0x12f: {  	v23 =	vld [tilespmem:s24+$0x210];
	v11 =	vadd.f32 v11, v36;
	v12 =	vadd.f32 v12, v17  }
0x130: {  	v25 =	vld [tilespmem:s24+$0x220];
	v13 =	vadd.f32 v13, v30;
	v14 =	vmul.f32 $2.000000030e-01, v10  }
0x131: {  	v19 =	vld [tilespmem:s24+$0x4210];
	v15 =	vmul.f32 $2.000000030e-01, v11;
	v18 =	vmul.f32 $2.000000030e-01, v12  }
0x132: {  	v26 =	vld [tilespmem:s24+$0x230];
	v10 =	vmax.f32 v10, v14;
	v14 =	vmul.f32 $2.000000030e-01, v13  }
0x133: {  	s15 =	simm.s32 $0x80;
	v16 =	vld [tilespmem:s24+$0x4200];
	v11 =	vmax.f32 v11, v15;
	v12 =	vmax.f32 v12, v18  }
0x134: {  	v34 =	vld [tilespmem:s15+$0x270];
	v10 =	vmul.f32 v10, v6;
	v18 =	vmul.f32 v11, v7;
	v11 =	vmax.f32 v13, v14  }
0x135: {  	v15 =	vld [tilespmem:s24+$0x4220];
	v14 =	vmul.f32 v12, v8;
	v20 =	vmul.f32 v11, v9  }
0x136: {  	v19 =	vadd.f32 v19, v23;
	v13 =	vld [tilespmem:s24+$0x4230]  }
0x137: {  	v24 =	vld [tilespmem:s15+$0x4250];
	v18 =	vadd.f32 v18, v10;
	v14 =	vadd.f32 v20, v14  }
0x138: {  	v28 =	vld [tilespmem:s15+$0x4260];
	v21 =	vmul.f32 $2.000000030e-01, v19  }
0x139: {  	v16 =	vadd.f32 v16, v22;
	v12 =	vld [tilespmem:s15+$0x250];
	v14 =	vadd.f32 v14, v18  }
0x13a: {  	v19 =	vmax.f32 v19, v21;
	v21 =	vld [tilespmem:s15+$0x4270]  }
0x13b: {  	v11 =	vld [tilespmem:s15+$0x240];
	v15 =	vadd.f32 v15, v25;
	v20 =	vmul.f32 $2.000000030e-01, v16;
	v13 =	vadd.f32 v13, v26;
	(xrf2) =	vadd.scan.msk.f32 $0xffff, v14  }
0x13c: {  	v10 =	vld [tilespmem:s15+$0x260]  }
0x13d: {  	v18 =	vld [tilespmem:s15+$0x4240];
	v16 =	vmax.f32 v16, v20;
	v14 =	vmul.f32 $2.000000030e-01, v15;
	v20 =	vmul.f32 $2.000000030e-01, v13  }
0x13e: {  	v31 =	vld [tilespmem:s15+$0x4200];
	v19 =	vmul.f32 v19, v3;
	v24 =	vadd.f32 v24, v12  }
0x13f: {  	v35 =	vld [tilespmem:s15+$0x4210];
	v16 =	vmul.f32 v16, v2;
	v14 =	vmax.f32 v15, v14;
	v15 =	vmax.f32 v13, v20  }
0x140: {  	s16 =	simm.s32 $0x100;
	v54 =	vld [tilespmem:s15+$0x4230];
	v21 =	vadd.f32 v21, v34;
	v20 =	vmul.f32 v14, v4;
	v29 =	vmul.f32 v15, v5  }
0x141: {  	v37 =	vld [tilespmem:s16+$0x4240];
	v28 =	vadd.f32 v28, v10;
	v32 =	vmul.f32 $2.000000030e-01, v24;
	v19 =	vadd.f32 v19, v16  }
0x142: {  	v13 =	vld [tilespmem:s15+$0x200];
	v18 =	vadd.f32 v18, v11;
	v20 =	vadd.f32 v29, v20  }
0x143: {  	v38 =	vld [tilespmem:s16+$0x4250];
	v33 =	vmul.f32 $2.000000030e-01, v28;
	v24 =	vmax.f32 v24, v32  }
0x144: {  	v16 =	vld [tilespmem:s15+$0x230];
	v29 =	vmul.f32 $2.000000030e-01, v18;
	v19 =	vadd.f32 v20, v19;
	v20 =	vmul.f32 $2.000000030e-01, v21  }
0x145: {  	v15 =	vld [tilespmem:s15+$0x220];
	v28 =	vmax.f32 v28, v33;
	v24 =	vmul.f32 v24, v7;
	v53, _, _ =	vpop (xrf2)  }
0x146: {  	v18 =	vmax.f32 v18, v29;
	v29 =	vld [tilespmem:s15+$0x4220];
	(xrf2) =	vadd.scan.msk.f32 $0xffff, v19;
	v19 =	vmax.f32 v21, v20;
	v21 =	vmul.f32 $1.442695020e+00, v53  }
0x147: {  	v14 =	vld [tilespmem:s15+$0x210];
	v28 =	vmul.f32 v28, v8;
	v31 =	vadd.f32 v31, v13;
	v18 =	vmul.f32 v18, v6  }
0x148: {  	v40 =	vld [tilespmem:s16+$0x4260];
	v55 =	vmul.f32 v19, v9;
	v21 =	vbroadcast v21, $0xF  }
0x149: {  	v33 =	vadd.f32 v54, v16;
	v57 =	vmul.f32 $2.000000030e-01, v31;
	v20 =	vld [tilespmem:s16+$0x240]  }
0x14a: {  	v24 =	vadd.f32 v24, v18;
	v18 =	vld [tilespmem:s16+$0x260];
	v28 =	vadd.f32 v55, v28;
	(erf) = vpow2.f32 v21  }
0x14b: {  	v39 =	vmul.f32 $2.000000030e-01, v33;
	v19 =	vld [tilespmem:s16+$0x250];
	v29 =	vadd.f32 v29, v15  }
0x14c: {  	v56 =	vadd.f32 v35, v14;
	v31 =	vmax.f32 v31, v57;
	v24 =	vadd.f32 v28, v24  }
0x14d: {  	v59 =	vld [tilespmem:s16+$0x4270];
	v41 =	vmul.f32 v31, v2;
	v31 =	vmax.f32 v33, v39;
	v58 =	vmul.f32 $2.000000030e-01, v29  }
0x14e: {  	v33 =	vmul.f32 v31, v5;
	v21 =	vld [tilespmem:s16+$0x270];
	v28 =	vmul.f32 $2.000000030e-01, v56;
	(xrf2) =	vadd.scan.msk.f32 $0xffff, v24  }
0x14f: {  	v37 =	vadd.f32 v37, v20;
	v40 =	vadd.f32 v40, v18;
	v29 =	vmax.f32 v29, v58  }
0x150: {  	v42 =	vld [tilespmem:s16+$0x4200];
	v38 =	vadd.f32 v38, v19;
	v29 =	vmul.f32 v29, v4  }
0x151: {  	v44 =	vld [tilespmem:s16+$0x4210];
	v24 =	vmax.f32 v56, v28;
	v43 =	vmul.f32 $2.000000030e-01, v37;
	v46 =	vmul.f32 $2.000000030e-01, v40  }
0x152: {  	v63 =	vld [tilespmem:s16+$0x4220];
	v28 =	vmul.f32 v24, v3;
	v45 =	vmul.f32 $2.000000030e-01, v38;
	v60, _, _ =	vpop (xrf2)  }
0x153: {  	v31 =	vld [tilespmem:s16+$0x210];
	v62 =	vadd.f32 v33, v29;
	v32 =	vadd.f32 v59, v21;
	v35 =	vmul.f32 $1.442695020e+00, v60;
	v33 =	vpop (erf)  }
0x154: {  	v24 =	vld [tilespmem:s16+$0x200];
	v37 =	vmax.f32 v37, v43;
	v61 =	vadd.f32 v28, v41;
	v30 =	vmul.f32 v33, v30  }
0x155: {  	v29 =	vld [tilespmem:s16+$0x230];
	v49 =	vmax.f32 v40, v46;
	v48 =	vmul.f32 $2.000000030e-01, v32;
	v35 =	vbroadcast v35, $0xF  }
0x156: {  	v28 =	vld [tilespmem:s16+$0x220];
	v37 =	vmul.f32 v37, v6;
	v39 =	vadd.f32 v62, v61;
	[tilespmem:s24+$0x8270] =	vst v30;
	v30 =	vmax.f32 v38, v45  }
0x157: {  	(erf) = vpow2.f32 v35;
	v47 =	vld [tilespmem:s16+$0x4230];
	v51 =	vmul.f32 v30, v7;
	v30 =	vmax.f32 v32, v48  }
0x158: {  	v54 =	vmul.f32 v49, v8;
	v50, _, _ =	vpop (xrf2);
	(xrf2) =	vadd.scan.msk.f32 $0xffff, v39;
	v43 =	vmul.f32 v30, v9  }
0x159: {  	s12 =	simm.s32 $0x180;
	v44 =	vadd.f32 v44, v31;
	v53 =	vadd.f32 v42, v24;
	v52 =	vmul.f32 $1.442695020e+00, v50  }
0x15a: {  	v55 =	vmul.f32 v33, v27;
	v35 =	vld [tilespmem:s12+$0x250];
	v37 =	vadd.f32 v51, v37;
	v57 =	vadd.f32 v43, v54  }
0x15b: {  	v60 =	vmul.f32 $2.000000030e-01, v44;
	v58 =	vadd.f32 v63, v28;
	v27 =	vld [tilespmem:s12+$0x260];
	v32 =	vbroadcast v52, $0xF  }
0x15c: {  	v56 =	vmul.f32 $2.000000030e-01, v53;
	v30 =	vld [tilespmem:s12+$0x240];
	[tilespmem:s24+$0x8240] =	vst v55;
	v47 =	vadd.f32 v47, v29;
	v40 =	vadd.f32 v57, v37  }
0x15d: {  	v61 =	vmul.f32 $2.000000030e-01, v58;
	v38 =	vld [tilespmem:s12+$0x4240];
	(erf) = vpow2.f32 v32  }
0x15e: {  	v63 =	vmax.f32 v44, v60;
	v43 =	vmul.f32 v33, v36;
	v36 =	vld [tilespmem:s12+$0x4260];
	v62 =	vmul.f32 $2.000000030e-01, v47  }
0x15f: {  	v41 =	vmul.f32 v63, v3;
	v59 =	vmax.f32 v53, v56;
	v32 =	vld [tilespmem:s12+$0x270]  }
0x160: {  	s19 =	simm.s32 $0x800;
	v39 =	vmul.f32 v59, v2;
	v44 =	vmax.f32 v58, v61;
	v37 =	vld [tilespmem:s12+$0x4250];
	(xrf2) =	vadd.scan.msk.f32 $0xffff, v40;
	v40 =	vpop (erf);
	v42 =	vmax.f32 v47, v62  }
.LBB2_13:
0x161: {  	v44 =	vmul.f32 v44, v4  }
0x162: {  	p0 =	sne.s32 s19, $0xFE00;
	v45 =	vld [tilespmem:s12+$0x4270];
	v42 =	vmul.f32 v42, v5;
	v46, _, _ =	vpop (xrf2);
	[tilespmem:s24+$0x8250] =	vst v43;
	v47 =	vmov v19;
	v19 =	vmov v35  }
0x163: {  	v35 =	vadd.f32 v41, v39;
	v39 =	vmul.f32 $1.442695020e+00, v46;
	v41 =	vmul.f32 v40, v22;
	v22 =	vmovc v13;
	v13 =	vmovc v24;
	v24 =	vld [tilespmem:s12+$0x200]  }
0x164: {  	v48 =	vmul.f32 v40, v25;
	v43 =	vld [tilespmem:s12+$0x210];
	v42 =	vadd.f32 v42, v44;
	v44 =	vmul.f32 v40, v23;
	v23 =	vmovc v14  }
0x165: {  	v50 =	vmul.f32 v40, v26;
	v38 =	vadd.f32 v38, v30;
	v14 =	vmovc v31;
	v46 =	vld [tilespmem:s12+$0x220];
	v39 =	vbroadcast v39, $0xF;
	[tilespmem:s24+$0x8200] =	vst v41  }
0x166: {  	v17 =	vmul.f32 v33, v17;
	v37 =	vadd.f32 v37, v19;
	v40 =	vld [tilespmem:s12+$0x230];
	v36 =	vadd.f32 v36, v27;
	[tilespmem:s24+$0x8210] =	vst v44;
	v33 =	vpop (erf)  }
0x167: {  	v25 =	vmovc v15;
	v51 =	vmul.f32 $2.000000030e-01, v38;
	v41 =	vld [tilespmem:s12+$0x4200];
	v44 =	vadd.f32 v45, v32;
	v34 =	vmul.f32 v33, v34;
	[tilespmem:s24+$0x8220] =	vst v48  }
0x168: {  	v15 =	vmovc v28;
	v26 =	vmovc v16;
	v52 =	vadd.f32 v42, v35;
	v48 =	vmul.f32 $2.000000030e-01, v37;
	v45 =	vld [tilespmem:s12+$0x4210];
	v49 =	vmul.f32 $2.000000030e-01, v36;
	[tilespmem:s24+$0x8230] =	vst v50  }
0x169: {  	v16 =	vmovc v29;
	v50 =	vmax.f32 v38, v51;
	v42 =	vld [tilespmem:s12+$0x4220];
	v38 =	vmul.f32 $2.000000030e-01, v44;
	[tilespmem:s15+$0x8270] =	vst v34;
	(erf) = vpow2.f32 v39;
	v31 =	vmovc v43  }
0x16a: {  	v39 =	vmul.f32 v50, v6;
	v43 =	vmax.f32 v37, v48;
	v34 =	vld [tilespmem:s12+$0x4230];
	v48 =	vmax.f32 v36, v49;
	(xrf2) =	vadd.scan.msk.f32 $0xffff, v52;
	v35, _, _ =	vpop (xrf2)  }
0x16b: {  	v36 =	vmul.f32 v43, v7;
	v28 =	vmovc v46;
	v37 =	vmax.f32 v44, v38;
	v35 =	vmul.f32 $1.442695020e+00, v35;
	[tilespmem:s24+$0x8260] =	vst v17;
	s24 =	smov.u32 s15;
	s15 =	smov.u32 s16;
	s16 =	smov.u32 s12  }
0x16c: {  	s12 =	sshra.s32 s19, $0x2;
	v46 =	vmul.f32 v48, v8;
	v29 =	vmovc v40;
	v38 =	vadd.f32 v41, v24;
	v37 =	vmul.f32 v37, v9  }
0x16d: {  	v43 =	vmul.f32 v33, v11;
	v11 =	vmovc v20;
	v20 =	vmovc v30;
	v40 =	vadd.f32 v45, v31;
	v41 =	vbroadcast v35, $0xF;
	v30 =	vld [tilespmem:s12+$0x240]  }
0x16e: {  	v17 =	vmovc v10;
	v10 =	vmovc v18;
	v36 =	vadd.f32 v36, v39;
	v35 =	vld [tilespmem:s12+$0x250];
	v44 =	vmul.f32 $2.000000030e-01, v38;
	v37 =	vadd.f32 v37, v46  }
.Ltmp5:
0x16f: {  	v18 =	vmovc v27;
	v42 =	vadd.f32 v42, v28;
	v45 =	vadd.f32 v34, v29;
	(erf) = vpow2.f32 v41;
	[tilespmem:s24+$0x8240] =	vst v43;
	v27 =	vld [tilespmem:s12+$0x260];
	(pc) =	sbr.rel @p0 .LBB2_13-.Ltmp5, $4  }
0x170: {  	v41 =	vmul.f32 $2.000000030e-01, v40;
	v34 =	vmovc v21;
	v21 =	vmovc v32;
	v39 =	vmax.f32 v38, v44;
	v36 =	vadd.f32 v37, v36;
	v32 =	vld [tilespmem:s12+$0x270]  }
0x171: {  	v44 =	vmul.f32 $2.000000030e-01, v42;
	v38 =	vld [tilespmem:s12+$0x4240];
	v46 =	vmul.f32 $2.000000030e-01, v45  }
0x172: {  	v43 =	vmul.f32 v33, v12;
	v39 =	vmul.f32 v39, v2;
	v41 =	vmax.f32 v40, v41;
	v37 =	vld [tilespmem:s12+$0x4250];
	(xrf2) =	vadd.scan.msk.f32 $0xffff, v36;
	v40 =	vpop (erf)  }
0x173: {  	s19 =	sadd.s32 $0x200, s19;
	v12 =	vmovc v47;
	v41 =	vmul.f32 v41, v3;
	v44 =	vmax.f32 v42, v44;
	v36 =	vld [tilespmem:s12+$0x4260];
	v42 =	vmax.f32 v45, v46  }
0x174: {  	v45 =	vld [tilespmem:s12+$0x4270];
	[tilespmem:s24+$0x8250] =	vst v43  }
0x175: {  	v22 =	vmul.f32 v40, v22;
	v43 =	vld [tilespmem:s12+$0x200]  }
0x176: {  	v23 =	vmul.f32 v40, v23;
	v46 =	vld [tilespmem:s12+$0x210]  }
0x177: {  	v25 =	vmul.f32 v40, v25;
	v47 =	vld [tilespmem:s12+$0x220];
	[tilespmem:s24+$0x8200] =	vst v22  }
0x178: {  	v26 =	vmul.f32 v40, v26;
	v56 =	vmul.f32 v44, v4;
	v22 =	vld [tilespmem:s12+$0x230];
	[tilespmem:s24+$0x8210] =	vst v23;
	v40 =	vpop (erf)  }
0x179: {  	v42 =	vmul.f32 v42, v5;
	v38 =	vadd.f32 v38, v30;
	v23 =	vld [tilespmem:s12+$0x4200];
	[tilespmem:s24+$0x8220] =	vst v25;
	v34 =	vmul.f32 v40, v34  }
0x17a: {  	v58 =	vadd.f32 v41, v39;
	v37 =	vadd.f32 v37, v35;
	v57 =	vld [tilespmem:s12+$0x4210];
	[tilespmem:s24+$0x8230] =	vst v26  }
0x17b: {  	v25 =	vadd.f32 v42, v56;
	v36 =	vadd.f32 v36, v27;
	v60 =	vmul.f32 $2.000000030e-01, v38;
	v59 =	vld [tilespmem:s12+$0x4220];
	[tilespmem:s15+$0x8270] =	vst v34  }
0x17c: {  	v61 =	vadd.f32 v45, v32;
	v62 =	vmul.f32 $2.000000030e-01, v37;
	v63 =	vld [tilespmem:s12+$0x4230]  }
0x17d: {  	v48 =	vmul.f32 $2.000000030e-01, v36;
	v25 =	vadd.f32 v25, v58;
	v41 =	vmax.f32 v38, v60  }
0x17e: {  	v49 =	vmul.f32 $2.000000030e-01, v61;
	v26 =	vmul.f32 v41, v6;
	v37 =	vmax.f32 v37, v62  }
0x17f: {  	v36 =	vmax.f32 v36, v48;
	v37 =	vmul.f32 v37, v7;
	v23 =	vadd.f32 v23, v43  }
0x180: {  	v34 =	vmax.f32 v61, v49;
	v36 =	vmul.f32 v36, v8;
	v50 =	vadd.f32 v57, v46  }
0x181: {  	v51 =	vmul.f32 $2.000000030e-01, v23;
	v39 =	vadd.f32 v59, v47;
	v52 =	vadd.f32 v63, v22  }
0x182: {  	v34 =	vmul.f32 v34, v9;
	v26 =	vadd.f32 v37, v26;
	v53 =	vmul.f32 $2.000000030e-01, v50  }
0x183: {  	v23 =	vmax.f32 v23, v51;
	v54 =	vmul.f32 $2.000000030e-01, v39;
	v55 =	vmul.f32 $2.000000030e-01, v52  }
0x184: {  	v56 =	vadd.f32 v34, v36;
	v23 =	vmul.f32 v23, v2;
	v57 =	vmax.f32 v50, v53  }
0x185: {  	(xrf2) =	vadd.scan.msk.f32 $0xffff, v25;
	v34 =	vmul.f32 v57, v3;
	v58 =	vmax.f32 v39, v54;
	v59 =	vmax.f32 v52, v55  }
0x186: {  	v60, _, _ =	vpop (xrf2);
	v61 =	vmul.f32 v58, v4;
	v62 =	vmul.f32 v59, v5  }
0x187: {  	v63 =	vmul.f32 $1.442695020e+00, v60;
	v25 =	vadd.f32 v56, v26  }
0x188: {  	v23 =	vadd.f32 v34, v23;
	v36 =	vadd.f32 v62, v61  }
0x189: {  	v37 =	vbroadcast v63, $0xF;
	(xrf2) =	vadd.scan.msk.f32 $0xffff, v25  }
0x18a: {  	v23 =	vadd.f32 v36, v23  }
0x18b: {  	v38, _, _ =	vpop (xrf2);
	(erf) = vpow2.f32 v37  }
0x18c: {  	v39 =	vmul.f32 $1.442695020e+00, v38;
	(xrf2) =	vadd.scan.msk.f32 $0xffff, v23;
	_ =	sdelay $0x1  }
0x18d: {  	v41 =	vbroadcast v39, $0xF  }
0x18e: {  	v42, _, _ =	vpop (xrf2)  }
0x18f: {  	(erf) = vpow2.f32 v41;
	v44 =	vmul.f32 $1.442695020e+00, v42;
	_ =	sdelay $0x1  }
0x190: {  	v17 =	vmul.f32 v33, v17;
	v23 =	vbroadcast v44, $0xF  }
0x191: {  	v11 =	vmul.f32 v40, v11;
	v45, _, _ =	vpop (xrf2)  }
0x192: {  	[tilespmem:s24+$0x8260] =	vst v17;
	(erf) = vpow2.f32 v23;
	v49 =	vpop (erf);
	v48 =	vmul.f32 $1.442695020e+00, v45  }
0x193: {  	[tilespmem:s15+$0x8240] =	vst v11;
	v11 =	vmul.f32 v49, v13  }
0x194: {  	v12 =	vmul.f32 v40, v12;
	v50 =	vbroadcast v48, $0xF;
	v53, _, _ =	vpop (xrf2)  }
0x195: {  	v51 =	vmul.f32 v49, v14;
	[tilespmem:s15+$0x8200] =	vst v11;
	v11 =	vmul.f32 $1.442695020e+00, v53  }
0x196: {  	[tilespmem:s15+$0x8250] =	vst v12;
	v52 =	vmul.f32 v49, v15;
	(erf) = vpow2.f32 v50  }
0x197: {  	v54 =	vmul.f32 v49, v16;
	v55 =	vpop (erf);
	[tilespmem:s15+$0x8210] =	vst v51;
	v11 =	vbroadcast v11, $0xF  }
0x198: {  	v56 =	vmul.f32 v55, v21;
	[tilespmem:s15+$0x8220] =	vst v52  }
0x199: {  	v10 =	vmul.f32 v40, v10;
	[tilespmem:s15+$0x8230] =	vst v54  }
0x19a: {  	v57 =	vmul.f32 v55, v20;
	[tilespmem:s16+$0x8270] =	vst v56;
	(erf) = vpow2.f32 v11  }
0x19b: {  	[tilespmem:s15+$0x8260] =	vst v10;
	v10 =	vmul.f32 v55, v19;
	v11 =	vpop (erf)  }
0x19c: {  	[tilespmem:s16+$0x8240] =	vst v57;
	v58 =	vmul.f32 v11, v24  }
0x19d: {  	[tilespmem:s16+$0x8250] =	vst v10;
	v10 =	vmul.f32 v11, v31  }
0x19e: {  	v59 =	vmul.f32 v11, v28;
	[tilespmem:s16+$0x8200] =	vst v58  }
0x19f: {  	v11 =	vmul.f32 v11, v29;
	v60 =	vpop (erf);
	[tilespmem:s16+$0x8210] =	vst v10  }
0x1a0: {  	v10 =	vmul.f32 v60, v32;
	[tilespmem:s16+$0x8220] =	vst v59  }
0x1a1: {  	v61 =	vmul.f32 v55, v18;
	[tilespmem:s16+$0x8230] =	vst v11  }
0x1a2: {  	[tilespmem:s12+$0x8270] =	vst v10;
	v10 =	vmul.f32 v60, v30  }
0x1a3: {  	v11 =	vmul.f32 v60, v35;
	[tilespmem:s16+$0x8260] =	vst v61;
	v62 =	vpop (erf)  }
0x1a4: {  	[tilespmem:s12+$0x8240] =	vst v10;
	v10 =	vmul.f32 v62, v43  }
0x1a5: {  	[tilespmem:s12+$0x8250] =	vst v11;
	v11 =	vmul.f32 v62, v46  }
0x1a6: {  	v63 =	vmul.f32 v62, v47;
	[tilespmem:s12+$0x8200] =	vst v10  }
0x1a7: {  	v10 =	vmul.f32 v62, v22;
	[tilespmem:s12+$0x8210] =	vst v11  }
0x1a8: {  	s23 =	sadd.s32 $0x1, s23;
	v11 =	vmul.f32 v60, v27;
	[tilespmem:s12+$0x8220] =	vst v63  }
0x1a9: {  	p0 =	sne.s32 s23, $0x9E;
	[tilespmem:s12+$0x8230] =	vst v10  }
.Ltmp6:
0x1aa: {  	[tilespmem:s12+$0x8260] =	vst v11;
	(pc) =	sbr.rel @p0 .LBB2_12-.Ltmp6, $4  }
0x1ab: {  	[spmem:s1] =	stream.indirect.scatter.add.f32 [tilespmem:s28], [sflag:$0x3], $0x80, s31, s29, $0xb8;
	[tilespmem:$0x1B2C0] =	vst v63  }
0x1ac: {  	_ =	swait.ge [sflag:s26], $0x4000  }
0x1ad: {  	[sflag:s26] =	ssyncset.done $0x0  }
0x1ae: {  	[sflag:s26] =	ssyncadd.s32 $0xFFFFC000  }
0x1af: {  	[bflag:$0x0] =	sbarrier.arrive $0xFFFF  }
0x1b0: {  	s2 =	rddreg [dreg:$0xc]  }
0x1b1: {  	s12 =	rddreg [dreg:$0x11]  }
0x1b2: {  	[hbm:s2], [sflag:s18] =	dma.local [spmem:s12], $0x800  }
0x1b3: {  	_ =	swait.ge [sflag:s26], $0x800  }
0x1b4: {  	[sflag:s26] =	ssyncset.done $0x0  }
0x1b5: {  	s19 =	rddreg [dreg:$0xd];
	[sflag:s26] =	ssyncadd.s32 $0xFFFFF800  }
0x1b6: {  	[hbm:s19], [sflag:s18] =	dma.local [spmem:s20], $0x800  }
0x1b7: {  	_ =	swait.ge [sflag:s26], $0x800  }
0x1b8: {  	[sflag:s26] =	ssyncset.done $0x0  }
0x1b9: {  	s20 =	rddreg [dreg:$0xe];
	[sflag:s26] =	ssyncadd.s32 $0xFFFFF800  }
0x1ba: {  	[hbm:s20], [sflag:s18] =	dma.local [spmem:s21], $0x400  }
0x1bb: {  	_ =	swait.ge [sflag:s26], $0x400  }
0x1bc: {  	[sflag:s26] =	ssyncset.done $0x0  }
0x1bd: {  	s22 =	simm.s32 $0x400;
	s21 =	rddreg [dreg:$0xf];
	[sflag:s26] =	ssyncadd.s32 $0xFFFFFC00  }
0x1be: {  	[hbm4b:s21+s29] =	stream.strided.scatter [tilespmem:s17], [sflag:$0x3], $0x5000, s22, s29, $0x38;
	[tilespmem:$0x1B2C0] =	vst v63  }
0x1bf: {  	_ =	swait.ge [sflag:s26], $0x5000  }
0x1c0: {  	s23 =	rddreg [dreg:$0x4]  }
0x1c1: {  	s24 =	rddreg [dreg:$0x10];
	s2 =	sadd.s32 $0x1, s23  }
0x1c2: {  	p0 =	sne.s32 s2, s24  }
.Ltmp7:
0x1c3: {  	_ = 	snop;
	(pc) =	sbr.rel @p0 .LBB2_1-.Ltmp7, $3  }
0x1c4: {  	_ =	sdelay $0x1  }
0x1c5: {  	[sflag:s26] =	ssyncset.done $0x0  }
0x1c6: {  	[sflag:s26] =	ssyncadd.s32 $0xFFFFB000  }
0x1c7: {  	_ =	sfence.sel $0x180000  }
0x1c8: {  	[bflag:$0x0] =	sbarrier.arrive $0xFFFF  }
0x1c9: {  	_ =	strace $0x90000047  }
0x1ca: {  	s0 =	stileid.u32;
	[bflag:$0x2] =	sbarrier.arrive $0xFFFF  }
0x1cb: {  	p0 =	sne.s32 s0, $0x0;
	s0 =	rddreg [dreg:$0x3]  }
0x1cc: {  	s0 =	sadd.s32 @!p0 $0x100000, s0  }
0x1cd: {  	[sflag:s0] =	ssyncadd.tile.s32 @!p0 $0x1;
	_ =	shalt  }
.Lfunc_end2:
_tile_overlayer_lowered:
.L_overlay_start_2:
0x1ce: {  	(tag) =	ssettag $0x2  }
0x1cf: {  	s0 =	rddreg [dreg:$0x0];
	s2 =	stileid.u32  }
0x1d0: {  	s1 =	rddreg [dreg:$0x1];
	p0 =	sne.s32 s2, $0x0  }
0x1d1: {  	s3 =	rddreg [dreg:$0x2];
	[bflag:$0x3] =	sbarrier.arrive $0xFFFF;
	s2 =	simm.s32 @!p0 $0x1C03  }
0x1d2: {  	[timem:s3], [sflag:s2] =	dma.local @!p0 [hbm:s0], s1  }
0x1d3: {  	s0 =	simm.s32 @!p0 $0x3  }
0x1d4: {  	_ =	swait.ge @!p0 [sflag:s0], s1  }
0x1d5: {  	s1 =	ssub.s32 @!p0 $0x0, s1;
	[sflag:s0] =	ssyncset.done @!p0 $0x0  }
0x1d6: {  	[sflag:s0] =	ssyncadd.s32 @!p0 s1  }
0x1d7: {  	[bflag:$0x3] =	sbarrier.arrive $0xFFFF  }
0x1d8: {  	_ =	shalt  }

</sc_bundles>
